<compile_context>
chip_gen: v7x
topology: tpu7x:2x2x1
jax: 0.10.2.dev20260603
libtpu: 0.0.44.dev20260713+nightly
codegen_flags: <defaults>
</compile_context>

<pallas_src>
import functools

import jax
import jax.numpy as jnp
from jax import lax
from jax.experimental import pallas as pl
from jax.experimental.pallas import tpu as pltpu
from jax.experimental.pallas import tpu_sc as plsc

N = 10000
E = 320000
D = 128

NC = 2
NS = 16
NW = NC * NS
EPW = E // NW
CHS = 128
NFC = EPW // CHS
TL = EPW - NFC * CHS
NP = 10240
RPS = NP // NS
ZR = 128
DW = 16
SCH = 80
SNC = EPW // SCH


DBL = 2000


def _deg_body(dst_hbm, out_hbm, idx_v, hist_v, tmp_v, sum_v, exp_v, hists_sh):
    c = lax.axis_index("c")
    s = lax.axis_index("s")
    wid = c * NS + s

    zero16 = jnp.zeros((16,), jnp.float32)
    ones16 = jnp.ones((16,), jnp.float32)

    @pl.loop(0, NP // 16)
    def _zh(i):
        hist_v[pl.ds(i * 16, 16)] = zero16

    for b in range(EPW // DBL):
        pltpu.sync_copy(dst_hbm.at[pl.ds(wid * EPW + b * DBL, DBL)], idx_v)

        @pl.loop(0, DBL // (16 * 5))
        def _hist(j):
            for u in range(5):
                iv = idx_v[pl.ds((j * 5 + u) * 16, 16)]
                plsc.addupdate_scatter(hist_v, [iv], ones16)

    pltpu.sync_copy(hist_v, hists_sh.at[s])
    plsc.subcore_barrier()

    pltpu.sync_copy(hists_sh.at[:, pl.ds(s * RPS, RPS)], tmp_v)

    @pl.loop(0, RPS // 16)
    def _sum(g):
        acc = tmp_v[0, pl.ds(g * 16, 16)]
        for t in range(1, NS):
            acc = acc + tmp_v[t, pl.ds(g * 16, 16)]
        sum_v[pl.ds(g * 16, 16)] = acc

    @pl.loop(0, RPS // 16)
    def _exp(g):
        base = g * 16
        for r in range(16):
            iv = base + r + jnp.zeros((16,), jnp.int32)
            exp_v[base + r] = plsc.load_gather(sum_v, [iv])

    pltpu.sync_copy(exp_v, out_hbm.at[c, pl.ds(s * RPS, RPS)])


@functools.cache
def _deg_call():
    return pl.kernel(
        _deg_body,
        out_type=jax.ShapeDtypeStruct((NC, NP, DW), jnp.float32),
        mesh=plsc.VectorSubcoreMesh(
            core_axis_name="c", subcore_axis_name="s",
            num_cores=NC, num_subcores=NS,
        ),
        compiler_params=pltpu.CompilerParams(needs_layout_passes=False),
        scratch_types=[
            pltpu.VMEM((DBL,), jnp.int32),
            pltpu.VMEM((NP,), jnp.float32),
            pltpu.VMEM((NS, RPS), jnp.float32),
            pltpu.VMEM((RPS,), jnp.float32),
            pltpu.VMEM((RPS, DW), jnp.float32),
            pltpu.VMEM_SHARED((NS, NP), jnp.float32),
        ],
    )


def _scat_body(hp_hbm, src_hbm, dst_hbm, out_hbm,
               idxs0_v, idxd0_v, idxs1_v, idxd1_v, idxs2_v, idxd2_v,
               rows0_v, rows1_v, rows2_v, acc_sh, sem0, sem1, sem2):
    c = lax.axis_index("c")
    s = lax.axis_index("s")
    wid = c * NS + s

    idxs = (idxs0_v, idxs1_v, idxs2_v)
    idxd = (idxd0_v, idxd1_v, idxd2_v)
    rows = (rows0_v, rows1_v, rows2_v)
    sems = (sem0, sem1, sem2)

    @pl.loop(0, SCH)
    def _zfill(i):
        for j in range(D // 16):
            rows0_v[i, pl.ds(j * 16, 16)] = jnp.zeros((16,), jnp.float32)

    @pl.loop(0, RPS // SCH)
    def _zero(k):
        pltpu.sync_copy(rows0_v, acc_sh.at[pl.ds(s * RPS + k * SCH, SCH)])

    plsc.subcore_barrier()

    def _issue(i, k):
        e0 = wid * EPW + i * SCH
        pltpu.sync_copy(src_hbm.at[pl.ds(e0, SCH)], idxs[k])
        pltpu.sync_copy(dst_hbm.at[pl.ds(e0, SCH)], idxd[k])
        pltpu.async_copy(hp_hbm.at[idxs[k]], rows[k], sems[k])

    def _drain(k):
        pltpu.make_async_copy(hp_hbm.at[idxs[k]], rows[k], sems[k]).wait()
        pltpu.sync_copy(rows[k], acc_sh.at[idxd[k]], add=True)

    for k in range(3):
        _issue(k, k)

    @pl.loop(0, SNC - 5, step=3)
    def _edges(i):
        for k in range(3):
            _drain(k)
            _issue(i + 3 + k, k)

    _drain(0)
    _issue(SNC - 2, 0)
    _drain(1)
    _issue(SNC - 1, 1)
    _drain(2)
    _drain(0)
    _drain(1)

    plsc.subcore_barrier()
    pltpu.sync_copy(
        acc_sh.at[pl.ds(s * RPS, RPS)], out_hbm.at[c, pl.ds(s * RPS, RPS)]
    )


@functools.cache
def _scat_call():
    return pl.kernel(
        _scat_body,
        out_type=jax.ShapeDtypeStruct((NC, NP, D), jnp.float32),
        mesh=plsc.VectorSubcoreMesh(
            core_axis_name="c", subcore_axis_name="s",
            num_cores=NC, num_subcores=NS,
        ),
        scratch_types=[
            pltpu.VMEM((SCH,), jnp.int32),
            pltpu.VMEM((SCH,), jnp.int32),
            pltpu.VMEM((SCH,), jnp.int32),
            pltpu.VMEM((SCH,), jnp.int32),
            pltpu.VMEM((SCH,), jnp.int32),
            pltpu.VMEM((SCH,), jnp.int32),
            pltpu.VMEM((SCH, D), jnp.float32),
            pltpu.VMEM((SCH, D), jnp.float32),
            pltpu.VMEM((SCH, D), jnp.float32),
            pltpu.VMEM_SHARED((NP, D), jnp.float32),
            pltpu.SemaphoreType.DMA,
            pltpu.SemaphoreType.DMA,
            pltpu.SemaphoreType.DMA,
        ],
    )



BR = 1000
NB = N // BR


def _k1_body(dp_ref, x_ref, w_ref, hp_ref, dinv_ref):
    deg = 1.0 + dp_ref[0, :, 0:1] + dp_ref[1, :, 0:1]
    dinv = lax.rsqrt(deg)
    h = jnp.dot(x_ref[...], w_ref[...], preferred_element_type=jnp.float32)
    hp_ref[...] = h * dinv
    dinv_ref[...] = dinv


_k1_call = pl.pallas_call(
    _k1_body,
    grid=(NB,),
    in_specs=[
        pl.BlockSpec((NC, BR, DW), lambda i: (0, i, 0)),
        pl.BlockSpec((BR, D), lambda i: (i, 0)),
        pl.BlockSpec((D, D), lambda i: (0, 0)),
    ],
    out_specs=[
        pl.BlockSpec((BR, D), lambda i: (i, 0)),
        pl.BlockSpec((BR, 1), lambda i: (i, 0)),
    ],
    out_shape=[
        jax.ShapeDtypeStruct((N, D), jnp.float32),
        jax.ShapeDtypeStruct((N, 1), jnp.float32),
    ],
)


def _acc_body(p_ref, hp_ref, dinv_ref, b_ref, y_ref, st_ref, acc):
    i = pl.program_id(0)

    @pl.when(i == 0)
    def _():
        acc[...] = jnp.zeros_like(acc)

    y = dinv_ref[...] * (p_ref[0] + p_ref[1] + hp_ref[...]) + b_ref[...]
    y_ref[...] = y
    acc[0:1, :] = acc[0:1, :] + jnp.sum(y, axis=0, keepdims=True)
    acc[1:2, :] = acc[1:2, :] + jnp.sum(y * y, axis=0, keepdims=True)
    st_ref[...] = acc[...]


_acc_call = pl.pallas_call(
    _acc_body,
    grid=(NB,),
    in_specs=[
        pl.BlockSpec((NC, BR, D), lambda i: (0, i, 0)),
        pl.BlockSpec((BR, D), lambda i: (i, 0)),
        pl.BlockSpec((BR, 1), lambda i: (i, 0)),
        pl.BlockSpec((1, D), lambda i: (0, 0)),
    ],
    out_specs=[
        pl.BlockSpec((BR, D), lambda i: (i, 0)),
        pl.BlockSpec((2, D), lambda i: (0, 0)),
    ],
    out_shape=[
        jax.ShapeDtypeStruct((N, D), jnp.float32),
        jax.ShapeDtypeStruct((2, D), jnp.float32),
    ],
    scratch_shapes=[pltpu.VMEM((2, D), jnp.float32)],
)


def _bn_prelu(y, st, g_ref, be_ref, a_ref):
    mu = st[0:1, :] * (1.0 / N)
    var = st[1:2, :] * (1.0 / N) - mu * mu
    z = (y - mu) * lax.rsqrt(var + 1e-5) * g_ref[...] + be_ref[...]
    return jnp.where(z > 0, z, a_ref[0, 0] * z)


def _mid_body(y_ref, st_ref, g_ref, be_ref, a_ref, dinv_ref, w_ref, out_ref):
    p = _bn_prelu(y_ref[...], st_ref[...], g_ref, be_ref, a_ref)
    h = jnp.dot(p, w_ref[...], preferred_element_type=jnp.float32)
    out_ref[...] = h * dinv_ref[...]


_mid_call = pl.pallas_call(
    _mid_body,
    grid=(NB,),
    in_specs=[
        pl.BlockSpec((BR, D), lambda i: (i, 0)),
        pl.BlockSpec((2, D), lambda i: (0, 0)),
        pl.BlockSpec((1, D), lambda i: (0, 0)),
        pl.BlockSpec((1, D), lambda i: (0, 0)),
        pl.BlockSpec((1, 1), lambda i: (0, 0)),
        pl.BlockSpec((BR, 1), lambda i: (i, 0)),
        pl.BlockSpec((D, D), lambda i: (0, 0)),
    ],
    out_specs=pl.BlockSpec((BR, D), lambda i: (i, 0)),
    out_shape=jax.ShapeDtypeStruct((N, D), jnp.float32),
)


def _fin_body(y_ref, st_ref, g_ref, be_ref, a_ref, out_ref):
    out_ref[...] = _bn_prelu(y_ref[...], st_ref[...], g_ref, be_ref, a_ref)


_fin_call = pl.pallas_call(
    _fin_body,
    grid=(NB,),
    in_specs=[
        pl.BlockSpec((BR, D), lambda i: (i, 0)),
        pl.BlockSpec((2, D), lambda i: (0, 0)),
        pl.BlockSpec((1, D), lambda i: (0, 0)),
        pl.BlockSpec((1, D), lambda i: (0, 0)),
        pl.BlockSpec((1, 1), lambda i: (0, 0)),
    ],
    out_specs=pl.BlockSpec((BR, D), lambda i: (i, 0)),
    out_shape=jax.ShapeDtypeStruct((N, D), jnp.float32),
)



def kernel(x, edge_index, W1, b1, g1, be1, a1, W2, b2, g2, be2, a2):
    src = edge_index[0]
    dst = edge_index[1]
    b1r, b2r = b1.reshape(1, D), b2.reshape(1, D)
    g1r, g2r = g1.reshape(1, D), g2.reshape(1, D)
    be1r, be2r = be1.reshape(1, D), be2.reshape(1, D)
    a1r, a2r = a1.reshape(1, 1), a2.reshape(1, 1)

    degp = _deg_call()(dst)
    hp1, dinv = _k1_call(degp, x, W1)
    p1 = _scat_call()(hp1, src, dst)
    y1, st1 = _acc_call(p1, hp1, dinv, b1r)
    hp2 = _mid_call(y1, st1, g1r, be1r, a1r, dinv, W2)
    p2 = _scat_call()(hp2, src, dst)
    y2, st2 = _acc_call(p2, hp2, dinv, b2r)
    return _fin_call(y2, st2, g2r, be2r, a2r)

# --- scband reference (transcript-rebuilt; emitter-appended) ---
"""Pipeline reference for scband-gnn-89034672046756 (READ-ONLY COPY).

The authoritative reference and input builder live on the scoring server;
editing this copy changes nothing except your own understanding.
"""

import jax, jax.numpy as jnp
import numpy as np

N = 10000
E = 320000
D = 128


def setup_inputs(seed: int = 0) -> dict:
    key = jax.random.key(seed)
    ks = jax.random.split(key, 12)
    x = jax.random.normal(ks[0], (N, D), dtype=jnp.float32)
    edge_index = jax.random.randint(ks[1], (2, E), 0, N, dtype=jnp.int32)
    # GCNConv layer 1 params (glorot-like init)
    W1 = jax.random.normal(ks[2], (D, D), dtype=jnp.float32) * (1.0 / np.sqrt(D))
    b1 = jnp.zeros((D,), jnp.float32)
    g1 = jnp.ones((D,), jnp.float32)
    be1 = jnp.zeros((D,), jnp.float32)
    a1 = jnp.full((1,), 0.25, jnp.float32)
    # GCNConv layer 2 params
    W2 = jax.random.normal(ks[3], (D, D), dtype=jnp.float32) * (1.0 / np.sqrt(D))
    b2 = jnp.zeros((D,), jnp.float32)
    g2 = jnp.ones((D,), jnp.float32)
    be2 = jnp.zeros((D,), jnp.float32)
    a2 = jnp.full((1,), 0.25, jnp.float32)
    return {"x": x, "edge_index": edge_index, "W1": W1, "b1": b1, "g1": g1, "be1": be1, "a1": a1, "W2": W2, "b2": b2, "g2": g2, "be2": be2, "a2": a2}


def _gcn_layer(x, edge_index, W, b):
    src = edge_index[0]
    dst = edge_index[1]
    loop = jnp.arange(N, dtype=src.dtype)
    src = jnp.concatenate([src, loop])
    dst = jnp.concatenate([dst, loop])
    deg = jnp.zeros((N,), jnp.float32).at[dst].add(1.0)
    dinv = jax.lax.rsqrt(deg)
    norm = dinv[src] * dinv[dst]
    h = x @ W
    msg = h[src] * norm[:, None]
    out = jax.ops.segment_sum(msg, dst, num_segments=N)
    return out + b


def _batchnorm(x, g, be):
    mu = jnp.mean(x, axis=0)
    var = jnp.var(x, axis=0)
    return (x - mu) * jax.lax.rsqrt(var + 1e-5) * g + be


def _prelu(x, a):
    return jnp.where(x > 0, x, a * x)


def reference(x, edge_index, W1, b1, g1, be1, a1, W2, b2, g2, be2, a2):
    h = _gcn_layer(x, edge_index, W1, b1)
    h = _batchnorm(h, g1, be1)
    h = _prelu(h, a1)
    h = _gcn_layer(h, edge_index, W2, b2)
    h = _batchnorm(h, g2, be2)
    h = _prelu(h, a2)
    return h

if __name__ == "__main__":
    import jax
    _d = setup_inputs()
    print(jax.jit(kernel)(*tuple(_d.values())))

</pallas_src>

<mosaic_0001>
#map = affine_map<(d0, d1) -> (0, 0)>
#map1 = affine_map<(d0, d1) -> (0)>
#map2 = affine_map<(d0, d1) -> (0, 0, 0)>
module attributes {stable_mosaic.version = 14 : i64} {
  func.func @_scat_body(%arg0: i32, %arg1: i32, %arg2: memref<10000x128xf32, #tpu.memory_space<hbm>>, %arg3: memref<320000xi32, #tpu.memory_space<hbm>>, %arg4: memref<320000xi32, #tpu.memory_space<hbm>>, %arg5: memref<2x10240x128xf32, #tpu.memory_space<hbm>>, %arg6: memref<80xi32, #tpu.memory_space<vmem>>, %arg7: memref<80xi32, #tpu.memory_space<vmem>>, %arg8: memref<80xi32, #tpu.memory_space<vmem>>, %arg9: memref<80xi32, #tpu.memory_space<vmem>>, %arg10: memref<80xi32, #tpu.memory_space<vmem>>, %arg11: memref<80xi32, #tpu.memory_space<vmem>>, %arg12: memref<80x128xf32, #tpu.memory_space<vmem>>, %arg13: memref<80x128xf32, #tpu.memory_space<vmem>>, %arg14: memref<80x128xf32, #tpu.memory_space<vmem>>, %arg15: memref<10240x128xf32, #tpu.memory_space<vmem_shared>>, %arg16: memref<!tpu.dma_semaphore, #tpu.memory_space<semaphore_mem>>, %arg17: memref<!tpu.dma_semaphore, #tpu.memory_space<semaphore_mem>>, %arg18: memref<!tpu.dma_semaphore, #tpu.memory_space<semaphore_mem>>) attributes {dimension_semantics = [#tpu.dimension_semantics<core_parallel>, #tpu.dimension_semantics<subcore_parallel>], iteration_bounds = array<i64: 2, 16>, scalar_prefetch = 0 : i64, scratch_operands = 13 : i64, tpu.core_type = #tpu.core_type<sc_vector_subcore>, window_params = [{transform_indices = #map}, {transform_indices = #map1}, {transform_indices = #map1}, {transform_indices = #map2}]} {
    %mul3A = arith.constant 16 : i32
    %mul3A_0 = arith.muli %arg0, %mul3A : i32
    %add3A = arith.addi %mul3A_0, %arg1 : i32
    %scan3A = arith.constant 0 : i32
    %scan3A_1 = arith.constant 80 : i32
    %scan3A_2 = arith.addi %scan3A, %scan3A_1 : i32
    %scan3A_3 = arith.constant 1 : i32
    scf.for %scan3A_68 = %scan3A to %scan3A_2 step %scan3A_3  : i32 {
      %mul3A_69 = arith.constant 1 : i32
      %mul3A_70 = arith.muli %scan3A_68, %mul3A_69 : i32
      %add3A_71 = arith.constant 0 : i32
      %add3A_72 = arith.addi %add3A_71, %mul3A_70 : i32
      %broadcast_in_dim3A = arith.constant 0.000000e+00 : f32
      %broadcast_in_dim3A_73 = vector.broadcast %broadcast_in_dim3A : f32 to vector<16xf32>
      %swap3A = arith.index_cast %add3A_72 : i32 to index
      %swap3A_74 = arith.constant 0 : index
      %swap3A_75 = tpu.vector_load %arg12[%swap3A, %swap3A_74] {strides = array<i32>} : memref<80x128xf32, #tpu.memory_space<vmem>>, vector<1x16xf32>,
      %swap3A_76 = vector.shape_cast %swap3A_75 : vector<1x16xf32> to vector<16xf32>
      %swap3A_77 = vector.shape_cast %broadcast_in_dim3A_73 : vector<16xf32> to vector<1x16xf32>
      tpu.vector_store %arg12[%swap3A, %swap3A_74], %swap3A_77 {strides = array<i32>} : memref<80x128xf32, #tpu.memory_space<vmem>>, vector<1x16xf32>,
      %broadcast_in_dim3A_78 = arith.constant 0.000000e+00 : f32
      %broadcast_in_dim3A_79 = vector.broadcast %broadcast_in_dim3A_78 : f32 to vector<16xf32>
      %swap3A_80 = arith.index_cast %add3A_72 : i32 to index
      %swap3A_81 = arith.constant 16 : index
      %swap3A_82 = tpu.vector_load %arg12[%swap3A_80, %swap3A_81] {strides = array<i32>} : memref<80x128xf32, #tpu.memory_space<vmem>>, vector<1x16xf32>,
      %swap3A_83 = vector.shape_cast %swap3A_82 : vector<1x16xf32> to vector<16xf32>
      %swap3A_84 = vector.shape_cast %broadcast_in_dim3A_79 : vector<16xf32> to vector<1x16xf32>
      tpu.vector_store %arg12[%swap3A_80, %swap3A_81], %swap3A_84 {strides = array<i32>} : memref<80x128xf32, #tpu.memory_space<vmem>>, vector<1x16xf32>,
      %broadcast_in_dim3A_85 = arith.constant 0.000000e+00 : f32
      %broadcast_in_dim3A_86 = vector.broadcast %broadcast_in_dim3A_85 : f32 to vector<16xf32>
      %swap3A_87 = arith.index_cast %add3A_72 : i32 to index
      %swap3A_88 = arith.constant 32 : index
      %swap3A_89 = tpu.vector_load %arg12[%swap3A_87, %swap3A_88] {strides = array<i32>} : memref<80x128xf32, #tpu.memory_space<vmem>>, vector<1x16xf32>,
      %swap3A_90 = vector.shape_cast %swap3A_89 : vector<1x16xf32> to vector<16xf32>
      %swap3A_91 = vector.shape_cast %broadcast_in_dim3A_86 : vector<16xf32> to vector<1x16xf32>
      tpu.vector_store %arg12[%swap3A_87, %swap3A_88], %swap3A_91 {strides = array<i32>} : memref<80x128xf32, #tpu.memory_space<vmem>>, vector<1x16xf32>,
      %broadcast_in_dim3A_92 = arith.constant 0.000000e+00 : f32
      %broadcast_in_dim3A_93 = vector.broadcast %broadcast_in_dim3A_92 : f32 to vector<16xf32>
      %swap3A_94 = arith.index_cast %add3A_72 : i32 to index
      %swap3A_95 = arith.constant 48 : index
      %swap3A_96 = tpu.vector_load %arg12[%swap3A_94, %swap3A_95] {strides = array<i32>} : memref<80x128xf32, #tpu.memory_space<vmem>>, vector<1x16xf32>,
      %swap3A_97 = vector.shape_cast %swap3A_96 : vector<1x16xf32> to vector<16xf32>
      %swap3A_98 = vector.shape_cast %broadcast_in_dim3A_93 : vector<16xf32> to vector<1x16xf32>
      tpu.vector_store %arg12[%swap3A_94, %swap3A_95], %swap3A_98 {strides = array<i32>} : memref<80x128xf32, #tpu.memory_space<vmem>>, vector<1x16xf32>,
      %broadcast_in_dim3A_99 = arith.constant 0.000000e+00 : f32
      %broadcast_in_dim3A_100 = vector.broadcast %broadcast_in_dim3A_99 : f32 to vector<16xf32>
      %swap3A_101 = arith.index_cast %add3A_72 : i32 to index
      %swap3A_102 = arith.constant 64 : index
      %swap3A_103 = tpu.vector_load %arg12[%swap3A_101, %swap3A_102] {strides = array<i32>} : memref<80x128xf32, #tpu.memory_space<vmem>>, vector<1x16xf32>,
      %swap3A_104 = vector.shape_cast %swap3A_103 : vector<1x16xf32> to vector<16xf32>
      %swap3A_105 = vector.shape_cast %broadcast_in_dim3A_100 : vector<16xf32> to vector<1x16xf32>
      tpu.vector_store %arg12[%swap3A_101, %swap3A_102], %swap3A_105 {strides = array<i32>} : memref<80x128xf32, #tpu.memory_space<vmem>>, vector<1x16xf32>,
      %broadcast_in_dim3A_106 = arith.constant 0.000000e+00 : f32
      %broadcast_in_dim3A_107 = vector.broadcast %broadcast_in_dim3A_106 : f32 to vector<16xf32>
      %swap3A_108 = arith.index_cast %add3A_72 : i32 to index
      %swap3A_109 = arith.constant 80 : index
      %swap3A_110 = tpu.vector_load %arg12[%swap3A_108, %swap3A_109] {strides = array<i32>} : memref<80x128xf32, #tpu.memory_space<vmem>>, vector<1x16xf32>,
      %swap3A_111 = vector.shape_cast %swap3A_110 : vector<1x16xf32> to vector<16xf32>
      %swap3A_112 = vector.shape_cast %broadcast_in_dim3A_107 : vector<16xf32> to vector<1x16xf32>
      tpu.vector_store %arg12[%swap3A_108, %swap3A_109], %swap3A_112 {strides = array<i32>} : memref<80x128xf32, #tpu.memory_space<vmem>>, vector<1x16xf32>,
      %broadcast_in_dim3A_113 = arith.constant 0.000000e+00 : f32
      %broadcast_in_dim3A_114 = vector.broadcast %broadcast_in_dim3A_113 : f32 to vector<16xf32>
      %swap3A_115 = arith.index_cast %add3A_72 : i32 to index
      %swap3A_116 = arith.constant 96 : index
      %swap3A_117 = tpu.vector_load %arg12[%swap3A_115, %swap3A_116] {strides = array<i32>} : memref<80x128xf32, #tpu.memory_space<vmem>>, vector<1x16xf32>,
      %swap3A_118 = vector.shape_cast %swap3A_117 : vector<1x16xf32> to vector<16xf32>
      %swap3A_119 = vector.shape_cast %broadcast_in_dim3A_114 : vector<16xf32> to vector<1x16xf32>
      tpu.vector_store %arg12[%swap3A_115, %swap3A_116], %swap3A_119 {strides = array<i32>} : memref<80x128xf32, #tpu.memory_space<vmem>>, vector<1x16xf32>,
      %broadcast_in_dim3A_120 = arith.constant 0.000000e+00 : f32
      %broadcast_in_dim3A_121 = vector.broadcast %broadcast_in_dim3A_120 : f32 to vector<16xf32>
      %swap3A_122 = arith.index_cast %add3A_72 : i32 to index
      %swap3A_123 = arith.constant 112 : index
      %swap3A_124 = tpu.vector_load %arg12[%swap3A_122, %swap3A_123] {strides = array<i32>} : memref<80x128xf32, #tpu.memory_space<vmem>>, vector<1x16xf32>,
      %swap3A_125 = vector.shape_cast %swap3A_124 : vector<1x16xf32> to vector<16xf32>
      %swap3A_126 = vector.shape_cast %broadcast_in_dim3A_121 : vector<16xf32> to vector<1x16xf32>
      tpu.vector_store %arg12[%swap3A_122, %swap3A_123], %swap3A_126 {strides = array<i32>} : memref<80x128xf32, #tpu.memory_space<vmem>>, vector<1x16xf32>,
    }
    %scan3A_4 = arith.constant 80 : i32
    %scan3A_5 = arith.constant 0 : i32
    %scan3A_6 = arith.constant 8 : i32
    %scan3A_7 = arith.addi %scan3A_5, %scan3A_6 : i32
    %scan3A_8 = arith.constant 1 : i32
    scf.for %scan3A_68 = %scan3A_5 to %scan3A_7 step %scan3A_8  : i32 {
      %mul3A_69 = arith.constant 1 : i32
      %mul3A_70 = arith.muli %scan3A_68, %mul3A_69 : i32
      %add3A_71 = arith.constant 0 : i32
      %add3A_72 = arith.addi %add3A_71, %mul3A_70 : i32
      %mul3A_73 = arith.constant 640 : i32
      %mul3A_74 = arith.muli %arg1, %mul3A_73 : i32
      %mul3A_75 = arith.constant 80 : i32
      %mul3A_76 = arith.muli %add3A_72, %mul3A_75 : i32
      %add3A_77 = arith.addi %mul3A_74, %mul3A_76 : i32
      "tpu.region"() ({
        %run_scoped3A = tpu.sem_alloc : memref<!tpu.dma_semaphore, #tpu.memory_space<semaphore_mem>>
        %dma_start3A_78 = arith.constant 0 : i32
        %dma_start3A_79 = tpu.memref_slice %arg15[%add3A_77, %dma_start3A_78] : memref<10240x128xf32, #tpu.memory_space<vmem_shared>> -> memref<80x128xf32, #tpu.memory_space<vmem_shared>>
        %dma_start3A_80 = arith.constant 0 : i32
        %dma_start3A_81 = tpu.memref_slice %arg15[%add3A_77, %dma_start3A_80] : memref<10240x128xf32, #tpu.memory_space<vmem_shared>> -> memref<80x128xf32, #tpu.memory_space<vmem_shared>>
        tpu.enqueue_dma source(%arg12 : memref<80x128xf32, #tpu.memory_space<vmem>>) target(%dma_start3A_81 : memref<80x128xf32, #tpu.memory_space<vmem_shared>>) target_semaphore(%run_scoped3A : memref<!tpu.dma_semaphore, #tpu.memory_space<semaphore_mem>>)
        %dma_wait3A_82 = arith.constant 0 : i32
        %dma_wait3A_83 = tpu.memref_slice %arg15[%add3A_77, %dma_wait3A_82] : memref<10240x128xf32, #tpu.memory_space<vmem_shared>> -> memref<80x128xf32, #tpu.memory_space<vmem_shared>>
        %dma_wait3A_84 = arith.constant 0 : i32
        %dma_wait3A_85 = tpu.memref_slice %arg15[%add3A_77, %dma_wait3A_84] : memref<10240x128xf32, #tpu.memory_space<vmem_shared>> -> memref<80x128xf32, #tpu.memory_space<vmem_shared>>
        tpu.wait_dma2 semaphore(%run_scoped3A : memref<!tpu.dma_semaphore, #tpu.memory_space<semaphore_mem>>) src(%arg12 : memref<80x128xf32, #tpu.memory_space<vmem>>) dst(%dma_wait3A_85 : memref<80x128xf32, #tpu.memory_space<vmem_shared>>)
        tpu.yield
      }) : () -> ()
    }
    %scan3A_9 = arith.constant 8 : i32
    %barrier3A = arith.constant 0 : index
    tpu.barrier barrier_id(%barrier3A)
    %mul3A_10 = arith.constant 10000 : i32
    %mul3A_11 = arith.muli %add3A, %mul3A_10 : i32
    %add3A_12 = arith.constant 0 : i32
    %add3A_13 = arith.addi %mul3A_11, %add3A_12 : i32
    "tpu.region"() ({
      %run_scoped3A = tpu.sem_alloc : memref<!tpu.dma_semaphore, #tpu.memory_space<semaphore_mem>>
      %dma_start3A_68 = tpu.memref_slice %arg3[%add3A_13] : memref<320000xi32, #tpu.memory_space<hbm>> -> memref<80xi32, #tpu.memory_space<hbm>>
      %dma_start3A_69 = tpu.memref_slice %arg3[%add3A_13] : memref<320000xi32, #tpu.memory_space<hbm>> -> memref<80xi32, #tpu.memory_space<hbm>>
      tpu.enqueue_dma source(%dma_start3A_69 : memref<80xi32, #tpu.memory_space<hbm>>) target(%arg6 : memref<80xi32, #tpu.memory_space<vmem>>) target_semaphore(%run_scoped3A : memref<!tpu.dma_semaphore, #tpu.memory_space<semaphore_mem>>)
      %dma_wait3A_70 = tpu.memref_slice %arg3[%add3A_13] : memref<320000xi32, #tpu.memory_space<hbm>> -> memref<80xi32, #tpu.memory_space<hbm>>
      %dma_wait3A_71 = tpu.memref_slice %arg3[%add3A_13] : memref<320000xi32, #tpu.memory_space<hbm>> -> memref<80xi32, #tpu.memory_space<hbm>>
      tpu.wait_dma2 semaphore(%run_scoped3A : memref<!tpu.dma_semaphore, #tpu.memory_space<semaphore_mem>>) src(%dma_wait3A_71 : memref<80xi32, #tpu.memory_space<hbm>>) dst(%arg6 : memref<80xi32, #tpu.memory_space<vmem>>)
      tpu.yield
    }) : () -> ()
    "tpu.region"() ({
      %run_scoped3A = tpu.sem_alloc : memref<!tpu.dma_semaphore, #tpu.memory_space<semaphore_mem>>
      %dma_start3A_68 = tpu.memref_slice %arg4[%add3A_13] : memref<320000xi32, #tpu.memory_space<hbm>> -> memref<80xi32, #tpu.memory_space<hbm>>
      %dma_start3A_69 = tpu.memref_slice %arg4[%add3A_13] : memref<320000xi32, #tpu.memory_space<hbm>> -> memref<80xi32, #tpu.memory_space<hbm>>
      tpu.enqueue_dma source(%dma_start3A_69 : memref<80xi32, #tpu.memory_space<hbm>>) target(%arg7 : memref<80xi32, #tpu.memory_space<vmem>>) target_semaphore(%run_scoped3A : memref<!tpu.dma_semaphore, #tpu.memory_space<semaphore_mem>>)
      %dma_wait3A_70 = tpu.memref_slice %arg4[%add3A_13] : memref<320000xi32, #tpu.memory_space<hbm>> -> memref<80xi32, #tpu.memory_space<hbm>>
      %dma_wait3A_71 = tpu.memref_slice %arg4[%add3A_13] : memref<320000xi32, #tpu.memory_space<hbm>> -> memref<80xi32, #tpu.memory_space<hbm>>
      tpu.wait_dma2 semaphore(%run_scoped3A : memref<!tpu.dma_semaphore, #tpu.memory_space<semaphore_mem>>) src(%dma_wait3A_71 : memref<80xi32, #tpu.memory_space<hbm>>) dst(%arg7 : memref<80xi32, #tpu.memory_space<vmem>>)
      tpu.yield
    }) : () -> ()
    %dma_start3A = arith.constant 0 : i32
    %dma_start3A_14 = arith.constant 0 : i32
    %dma_start3A_15 = tpu.memref_slice %arg2[%dma_start3A, %dma_start3A_14] : memref<10000x128xf32, #tpu.memory_space<hbm>> -> memref<10000x128xf32, #tpu.memory_space<hbm>>
    tpu.enqueue_indirect_dma source(%dma_start3A_15 : memref<10000x128xf32, #tpu.memory_space<hbm>>) target(%arg12 : memref<80x128xf32, #tpu.memory_space<vmem>>) offsets(%arg6 : memref<80xi32, #tpu.memory_space<vmem>>) semaphore(%arg16 : memref<!tpu.dma_semaphore, #tpu.memory_space<semaphore_mem>>)
    %mul3A_16 = arith.constant 10000 : i32
    %mul3A_17 = arith.muli %add3A, %mul3A_16 : i32
    %add3A_18 = arith.constant 80 : i32
    %add3A_19 = arith.addi %mul3A_17, %add3A_18 : i32
    "tpu.region"() ({
      %run_scoped3A = tpu.sem_alloc : memref<!tpu.dma_semaphore, #tpu.memory_space<semaphore_mem>>
      %dma_start3A_68 = tpu.memref_slice %arg3[%add3A_19] : memref<320000xi32, #tpu.memory_space<hbm>> -> memref<80xi32, #tpu.memory_space<hbm>>
      %dma_start3A_69 = tpu.memref_slice %arg3[%add3A_19] : memref<320000xi32, #tpu.memory_space<hbm>> -> memref<80xi32, #tpu.memory_space<hbm>>
      tpu.enqueue_dma source(%dma_start3A_69 : memref<80xi32, #tpu.memory_space<hbm>>) target(%arg8 : memref<80xi32, #tpu.memory_space<vmem>>) target_semaphore(%run_scoped3A : memref<!tpu.dma_semaphore, #tpu.memory_space<semaphore_mem>>)
      %dma_wait3A_70 = tpu.memref_slice %arg3[%add3A_19] : memref<320000xi32, #tpu.memory_space<hbm>> -> memref<80xi32, #tpu.memory_space<hbm>>
      %dma_wait3A_71 = tpu.memref_slice %arg3[%add3A_19] : memref<320000xi32, #tpu.memory_space<hbm>> -> memref<80xi32, #tpu.memory_space<hbm>>
      tpu.wait_dma2 semaphore(%run_scoped3A : memref<!tpu.dma_semaphore, #tpu.memory_space<semaphore_mem>>) src(%dma_wait3A_71 : memref<80xi32, #tpu.memory_space<hbm>>) dst(%arg8 : memref<80xi32, #tpu.memory_space<vmem>>)
      tpu.yield
    }) : () -> ()
    "tpu.region"() ({
      %run_scoped3A = tpu.sem_alloc : memref<!tpu.dma_semaphore, #tpu.memory_space<semaphore_mem>>
      %dma_start3A_68 = tpu.memref_slice %arg4[%add3A_19] : memref<320000xi32, #tpu.memory_space<hbm>> -> memref<80xi32, #tpu.memory_space<hbm>>
      %dma_start3A_69 = tpu.memref_slice %arg4[%add3A_19] : memref<320000xi32, #tpu.memory_space<hbm>> -> memref<80xi32, #tpu.memory_space<hbm>>
      tpu.enqueue_dma source(%dma_start3A_69 : memref<80xi32, #tpu.memory_space<hbm>>) target(%arg9 : memref<80xi32, #tpu.memory_space<vmem>>) target_semaphore(%run_scoped3A : memref<!tpu.dma_semaphore, #tpu.memory_space<semaphore_mem>>)
      %dma_wait3A_70 = tpu.memref_slice %arg4[%add3A_19] : memref<320000xi32, #tpu.memory_space<hbm>> -> memref<80xi32, #tpu.memory_space<hbm>>
      %dma_wait3A_71 = tpu.memref_slice %arg4[%add3A_19] : memref<320000xi32, #tpu.memory_space<hbm>> -> memref<80xi32, #tpu.memory_space<hbm>>
      tpu.wait_dma2 semaphore(%run_scoped3A : memref<!tpu.dma_semaphore, #tpu.memory_space<semaphore_mem>>) src(%dma_wait3A_71 : memref<80xi32, #tpu.memory_space<hbm>>) dst(%arg9 : memref<80xi32, #tpu.memory_space<vmem>>)
      tpu.yield
    }) : () -> ()
    %dma_start3A_20 = arith.constant 0 : i32
    %dma_start3A_21 = arith.constant 0 : i32
    %dma_start3A_22 = tpu.memref_slice %arg2[%dma_start3A_20, %dma_start3A_21] : memref<10000x128xf32, #tpu.memory_space<hbm>> -> memref<10000x128xf32, #tpu.memory_space<hbm>>
    tpu.enqueue_indirect_dma source(%dma_start3A_22 : memref<10000x128xf32, #tpu.memory_space<hbm>>) target(%arg13 : memref<80x128xf32, #tpu.memory_space<vmem>>) offsets(%arg8 : memref<80xi32, #tpu.memory_space<vmem>>) semaphore(%arg17 : memref<!tpu.dma_semaphore, #tpu.memory_space<semaphore_mem>>)
    %mul3A_23 = arith.constant 10000 : i32
    %mul3A_24 = arith.muli %add3A, %mul3A_23 : i32
    %add3A_25 = arith.constant 160 : i32
    %add3A_26 = arith.addi %mul3A_24, %add3A_25 : i32
    "tpu.region"() ({
      %run_scoped3A = tpu.sem_alloc : memref<!tpu.dma_semaphore, #tpu.memory_space<semaphore_mem>>
      %dma_start3A_68 = tpu.memref_slice %arg3[%add3A_26] : memref<320000xi32, #tpu.memory_space<hbm>> -> memref<80xi32, #tpu.memory_space<hbm>>
      %dma_start3A_69 = tpu.memref_slice %arg3[%add3A_26] : memref<320000xi32, #tpu.memory_space<hbm>> -> memref<80xi32, #tpu.memory_space<hbm>>
      tpu.enqueue_dma source(%dma_start3A_69 : memref<80xi32, #tpu.memory_space<hbm>>) target(%arg10 : memref<80xi32, #tpu.memory_space<vmem>>) target_semaphore(%run_scoped3A : memref<!tpu.dma_semaphore, #tpu.memory_space<semaphore_mem>>)
      %dma_wait3A_70 = tpu.memref_slice %arg3[%add3A_26] : memref<320000xi32, #tpu.memory_space<hbm>> -> memref<80xi32, #tpu.memory_space<hbm>>
      %dma_wait3A_71 = tpu.memref_slice %arg3[%add3A_26] : memref<320000xi32, #tpu.memory_space<hbm>> -> memref<80xi32, #tpu.memory_space<hbm>>
      tpu.wait_dma2 semaphore(%run_scoped3A : memref<!tpu.dma_semaphore, #tpu.memory_space<semaphore_mem>>) src(%dma_wait3A_71 : memref<80xi32, #tpu.memory_space<hbm>>) dst(%arg10 : memref<80xi32, #tpu.memory_space<vmem>>)
      tpu.yield
    }) : () -> ()
    "tpu.region"() ({
      %run_scoped3A = tpu.sem_alloc : memref<!tpu.dma_semaphore, #tpu.memory_space<semaphore_mem>>
      %dma_start3A_68 = tpu.memref_slice %arg4[%add3A_26] : memref<320000xi32, #tpu.memory_space<hbm>> -> memref<80xi32, #tpu.memory_space<hbm>>
      %dma_start3A_69 = tpu.memref_slice %arg4[%add3A_26] : memref<320000xi32, #tpu.memory_space<hbm>> -> memref<80xi32, #tpu.memory_space<hbm>>
      tpu.enqueue_dma source(%dma_start3A_69 : memref<80xi32, #tpu.memory_space<hbm>>) target(%arg11 : memref<80xi32, #tpu.memory_space<vmem>>) target_semaphore(%run_scoped3A : memref<!tpu.dma_semaphore, #tpu.memory_space<semaphore_mem>>)
      %dma_wait3A_70 = tpu.memref_slice %arg4[%add3A_26] : memref<320000xi32, #tpu.memory_space<hbm>> -> memref<80xi32, #tpu.memory_space<hbm>>
      %dma_wait3A_71 = tpu.memref_slice %arg4[%add3A_26] : memref<320000xi32, #tpu.memory_space<hbm>> -> memref<80xi32, #tpu.memory_space<hbm>>
      tpu.wait_dma2 semaphore(%run_scoped3A : memref<!tpu.dma_semaphore, #tpu.memory_space<semaphore_mem>>) src(%dma_wait3A_71 : memref<80xi32, #tpu.memory_space<hbm>>) dst(%arg11 : memref<80xi32, #tpu.memory_space<vmem>>)
      tpu.yield
    }) : () -> ()
    %dma_start3A_27 = arith.constant 0 : i32
    %dma_start3A_28 = arith.constant 0 : i32
    %dma_start3A_29 = tpu.memref_slice %arg2[%dma_start3A_27, %dma_start3A_28] : memref<10000x128xf32, #tpu.memory_space<hbm>> -> memref<10000x128xf32, #tpu.memory_space<hbm>>
    tpu.enqueue_indirect_dma source(%dma_start3A_29 : memref<10000x128xf32, #tpu.memory_space<hbm>>) target(%arg14 : memref<80x128xf32, #tpu.memory_space<vmem>>) offsets(%arg10 : memref<80xi32, #tpu.memory_space<vmem>>) semaphore(%arg18 : memref<!tpu.dma_semaphore, #tpu.memory_space<semaphore_mem>>)
    %scan3A_30 = arith.constant 0 : i32
    %scan3A_31 = arith.constant 40 : i32
    %scan3A_32 = arith.addi %scan3A_30, %scan3A_31 : i32
    %scan3A_33 = arith.constant 1 : i32
    scf.for %scan3A_68 = %scan3A_30 to %scan3A_32 step %scan3A_33  : i32 {
      %mul3A_69 = arith.constant 3 : i32
      %mul3A_70 = arith.muli %scan3A_68, %mul3A_69 : i32
      %add3A_71 = arith.constant 0 : i32
      %add3A_72 = arith.addi %add3A_71, %mul3A_70 : i32
      %dma_wait3A_73 = arith.constant 0 : i32
      %dma_wait3A_74 = arith.constant 0 : i32
      %dma_wait3A_75 = tpu.memref_slice %arg2[%dma_wait3A_73, %dma_wait3A_74] : memref<10000x128xf32, #tpu.memory_space<hbm>> -> memref<10000x128xf32, #tpu.memory_space<hbm>>
      tpu.wait_indirect_dma semaphore(%arg16 : memref<!tpu.dma_semaphore, #tpu.memory_space<semaphore_mem>>) src(%dma_wait3A_75 : memref<10000x128xf32, #tpu.memory_space<hbm>>) dst(%arg12 : memref<80x128xf32, #tpu.memory_space<vmem>>)
      "tpu.region"() ({
        %run_scoped3A = tpu.sem_alloc : memref<!tpu.dma_semaphore, #tpu.memory_space<semaphore_mem>>
        %dma_start3A_118 = arith.constant 0 : i32
        %dma_start3A_119 = arith.constant 0 : i32
        %dma_start3A_120 = tpu.memref_slice %arg15[%dma_start3A_118, %dma_start3A_119] : memref<10240x128xf32, #tpu.memory_space<vmem_shared>> -> memref<10240x128xf32, #tpu.memory_space<vmem_shared>>
        tpu.enqueue_indirect_dma source(%arg12 : memref<80x128xf32, #tpu.memory_space<vmem>>) target(%dma_start3A_120 : memref<10240x128xf32, #tpu.memory_space<vmem_shared>>) offsets(%arg7 : memref<80xi32, #tpu.memory_space<vmem>>) semaphore(%run_scoped3A : memref<!tpu.dma_semaphore, #tpu.memory_space<semaphore_mem>>) {add = true}
        %dma_wait3A_121 = arith.constant 0 : i32
        %dma_wait3A_122 = arith.constant 0 : i32
        %dma_wait3A_123 = tpu.memref_slice %arg15[%dma_wait3A_121, %dma_wait3A_122] : memref<10240x128xf32, #tpu.memory_space<vmem_shared>> -> memref<10240x128xf32, #tpu.memory_space<vmem_shared>>
        tpu.wait_indirect_dma semaphore(%run_scoped3A : memref<!tpu.dma_semaphore, #tpu.memory_space<semaphore_mem>>) src(%arg12 : memref<80x128xf32, #tpu.memory_space<vmem>>) dst(%dma_wait3A_123 : memref<10240x128xf32, #tpu.memory_space<vmem_shared>>)
        tpu.yield
      }) : () -> ()
      %add3A_76 = arith.constant 3 : i32
      %add3A_77 = arith.addi %add3A_72, %add3A_76 : i32
      %add3A_78 = arith.constant 0 : i32
      %add3A_79 = arith.addi %add3A_77, %add3A_78 : i32
      %mul3A_80 = arith.constant 10000 : i32
      %mul3A_81 = arith.muli %add3A, %mul3A_80 : i32
      %mul3A_82 = arith.constant 80 : i32
      %mul3A_83 = arith.muli %add3A_79, %mul3A_82 : i32
      %add3A_84 = arith.addi %mul3A_81, %mul3A_83 : i32
      "tpu.region"() ({
        %run_scoped3A = tpu.sem_alloc : memref<!tpu.dma_semaphore, #tpu.memory_space<semaphore_mem>>
        %dma_start3A_118 = tpu.memref_slice %arg3[%add3A_84] : memref<320000xi32, #tpu.memory_space<hbm>> -> memref<80xi32, #tpu.memory_space<hbm>>
        %dma_start3A_119 = tpu.memref_slice %arg3[%add3A_84] : memref<320000xi32, #tpu.memory_space<hbm>> -> memref<80xi32, #tpu.memory_space<hbm>>
        tpu.enqueue_dma source(%dma_start3A_119 : memref<80xi32, #tpu.memory_space<hbm>>) target(%arg6 : memref<80xi32, #tpu.memory_space<vmem>>) target_semaphore(%run_scoped3A : memref<!tpu.dma_semaphore, #tpu.memory_space<semaphore_mem>>)
        %dma_wait3A_120 = tpu.memref_slice %arg3[%add3A_84] : memref<320000xi32, #tpu.memory_space<hbm>> -> memref<80xi32, #tpu.memory_space<hbm>>
        %dma_wait3A_121 = tpu.memref_slice %arg3[%add3A_84] : memref<320000xi32, #tpu.memory_space<hbm>> -> memref<80xi32, #tpu.memory_space<hbm>>
        tpu.wait_dma2 semaphore(%run_scoped3A : memref<!tpu.dma_semaphore, #tpu.memory_space<semaphore_mem>>) src(%dma_wait3A_121 : memref<80xi32, #tpu.memory_space<hbm>>) dst(%arg6 : memref<80xi32, #tpu.memory_space<vmem>>)
        tpu.yield
      }) : () -> ()
      "tpu.region"() ({
        %run_scoped3A = tpu.sem_alloc : memref<!tpu.dma_semaphore, #tpu.memory_space<semaphore_mem>>
        %dma_start3A_118 = tpu.memref_slice %arg4[%add3A_84] : memref<320000xi32, #tpu.memory_space<hbm>> -> memref<80xi32, #tpu.memory_space<hbm>>
        %dma_start3A_119 = tpu.memref_slice %arg4[%add3A_84] : memref<320000xi32, #tpu.memory_space<hbm>> -> memref<80xi32, #tpu.memory_space<hbm>>
        tpu.enqueue_dma source(%dma_start3A_119 : memref<80xi32, #tpu.memory_space<hbm>>) target(%arg7 : memref<80xi32, #tpu.memory_space<vmem>>) target_semaphore(%run_scoped3A : memref<!tpu.dma_semaphore, #tpu.memory_space<semaphore_mem>>)
        %dma_wait3A_120 = tpu.memref_slice %arg4[%add3A_84] : memref<320000xi32, #tpu.memory_space<hbm>> -> memref<80xi32, #tpu.memory_space<hbm>>
        %dma_wait3A_121 = tpu.memref_slice %arg4[%add3A_84] : memref<320000xi32, #tpu.memory_space<hbm>> -> memref<80xi32, #tpu.memory_space<hbm>>
        tpu.wait_dma2 semaphore(%run_scoped3A : memref<!tpu.dma_semaphore, #tpu.memory_space<semaphore_mem>>) src(%dma_wait3A_121 : memref<80xi32, #tpu.memory_space<hbm>>) dst(%arg7 : memref<80xi32, #tpu.memory_space<vmem>>)
        tpu.yield
      }) : () -> ()
      %dma_start3A_85 = arith.constant 0 : i32
      %dma_start3A_86 = arith.constant 0 : i32
      %dma_start3A_87 = tpu.memref_slice %arg2[%dma_start3A_85, %dma_start3A_86] : memref<10000x128xf32, #tpu.memory_space<hbm>> -> memref<10000x128xf32, #tpu.memory_space<hbm>>
      tpu.enqueue_indirect_dma source(%dma_start3A_87 : memref<10000x128xf32, #tpu.memory_space<hbm>>) target(%arg12 : memref<80x128xf32, #tpu.memory_space<vmem>>) offsets(%arg6 : memref<80xi32, #tpu.memory_space<vmem>>) semaphore(%arg16 : memref<!tpu.dma_semaphore, #tpu.memory_space<semaphore_mem>>)
      %dma_wait3A_88 = arith.constant 0 : i32
      %dma_wait3A_89 = arith.constant 0 : i32
      %dma_wait3A_90 = tpu.memref_slice %arg2[%dma_wait3A_88, %dma_wait3A_89] : memref<10000x128xf32, #tpu.memory_space<hbm>> -> memref<10000x128xf32, #tpu.memory_space<hbm>>
      tpu.wait_indirect_dma semaphore(%arg17 : memref<!tpu.dma_semaphore, #tpu.memory_space<semaphore_mem>>) src(%dma_wait3A_90 : memref<10000x128xf32, #tpu.memory_space<hbm>>) dst(%arg13 : memref<80x128xf32, #tpu.memory_space<vmem>>)
      "tpu.region"() ({
        %run_scoped3A = tpu.sem_alloc : memref<!tpu.dma_semaphore, #tpu.memory_space<semaphore_mem>>
        %dma_start3A_118 = arith.constant 0 : i32
        %dma_start3A_119 = arith.constant 0 : i32
        %dma_start3A_120 = tpu.memref_slice %arg15[%dma_start3A_118, %dma_start3A_119] : memref<10240x128xf32, #tpu.memory_space<vmem_shared>> -> memref<10240x128xf32, #tpu.memory_space<vmem_shared>>
        tpu.enqueue_indirect_dma source(%arg13 : memref<80x128xf32, #tpu.memory_space<vmem>>) target(%dma_start3A_120 : memref<10240x128xf32, #tpu.memory_space<vmem_shared>>) offsets(%arg9 : memref<80xi32, #tpu.memory_space<vmem>>) semaphore(%run_scoped3A : memref<!tpu.dma_semaphore, #tpu.memory_space<semaphore_mem>>) {add = true}
        %dma_wait3A_121 = arith.constant 0 : i32
        %dma_wait3A_122 = arith.constant 0 : i32
        %dma_wait3A_123 = tpu.memref_slice %arg15[%dma_wait3A_121, %dma_wait3A_122] : memref<10240x128xf32, #tpu.memory_space<vmem_shared>> -> memref<10240x128xf32, #tpu.memory_space<vmem_shared>>
        tpu.wait_indirect_dma semaphore(%run_scoped3A : memref<!tpu.dma_semaphore, #tpu.memory_space<semaphore_mem>>) src(%arg13 : memref<80x128xf32, #tpu.memory_space<vmem>>) dst(%dma_wait3A_123 : memref<10240x128xf32, #tpu.memory_space<vmem_shared>>)
        tpu.yield
      }) : () -> ()
      %add3A_91 = arith.constant 3 : i32
      %add3A_92 = arith.addi %add3A_72, %add3A_91 : i32
      %add3A_93 = arith.constant 1 : i32
      %add3A_94 = arith.addi %add3A_92, %add3A_93 : i32
      %mul3A_95 = arith.constant 10000 : i32
      %mul3A_96 = arith.muli %add3A, %mul3A_95 : i32
      %mul3A_97 = arith.constant 80 : i32
      %mul3A_98 = arith.muli %add3A_94, %mul3A_97 : i32
      %add3A_99 = arith.addi %mul3A_96, %mul3A_98 : i32
      "tpu.region"() ({
        %run_scoped3A = tpu.sem_alloc : memref<!tpu.dma_semaphore, #tpu.memory_space<semaphore_mem>>
        %dma_start3A_118 = tpu.memref_slice %arg3[%add3A_99] : memref<320000xi32, #tpu.memory_space<hbm>> -> memref<80xi32, #tpu.memory_space<hbm>>
        %dma_start3A_119 = tpu.memref_slice %arg3[%add3A_99] : memref<320000xi32, #tpu.memory_space<hbm>> -> memref<80xi32, #tpu.memory_space<hbm>>
        tpu.enqueue_dma source(%dma_start3A_119 : memref<80xi32, #tpu.memory_space<hbm>>) target(%arg8 : memref<80xi32, #tpu.memory_space<vmem>>) target_semaphore(%run_scoped3A : memref<!tpu.dma_semaphore, #tpu.memory_space<semaphore_mem>>)
        %dma_wait3A_120 = tpu.memref_slice %arg3[%add3A_99] : memref<320000xi32, #tpu.memory_space<hbm>> -> memref<80xi32, #tpu.memory_space<hbm>>
        %dma_wait3A_121 = tpu.memref_slice %arg3[%add3A_99] : memref<320000xi32, #tpu.memory_space<hbm>> -> memref<80xi32, #tpu.memory_space<hbm>>
        tpu.wait_dma2 semaphore(%run_scoped3A : memref<!tpu.dma_semaphore, #tpu.memory_space<semaphore_mem>>) src(%dma_wait3A_121 : memref<80xi32, #tpu.memory_space<hbm>>) dst(%arg8 : memref<80xi32, #tpu.memory_space<vmem>>)
        tpu.yield
      }) : () -> ()
      "tpu.region"() ({
        %run_scoped3A = tpu.sem_alloc : memref<!tpu.dma_semaphore, #tpu.memory_space<semaphore_mem>>
        %dma_start3A_118 = tpu.memref_slice %arg4[%add3A_99] : memref<320000xi32, #tpu.memory_space<hbm>> -> memref<80xi32, #tpu.memory_space<hbm>>
        %dma_start3A_119 = tpu.memref_slice %arg4[%add3A_99] : memref<320000xi32, #tpu.memory_space<hbm>> -> memref<80xi32, #tpu.memory_space<hbm>>
        tpu.enqueue_dma source(%dma_start3A_119 : memref<80xi32, #tpu.memory_space<hbm>>) target(%arg9 : memref<80xi32, #tpu.memory_space<vmem>>) target_semaphore(%run_scoped3A : memref<!tpu.dma_semaphore, #tpu.memory_space<semaphore_mem>>)
        %dma_wait3A_120 = tpu.memref_slice %arg4[%add3A_99] : memref<320000xi32, #tpu.memory_space<hbm>> -> memref<80xi32, #tpu.memory_space<hbm>>
        %dma_wait3A_121 = tpu.memref_slice %arg4[%add3A_99] : memref<320000xi32, #tpu.memory_space<hbm>> -> memref<80xi32, #tpu.memory_space<hbm>>
        tpu.wait_dma2 semaphore(%run_scoped3A : memref<!tpu.dma_semaphore, #tpu.memory_space<semaphore_mem>>) src(%dma_wait3A_121 : memref<80xi32, #tpu.memory_space<hbm>>) dst(%arg9 : memref<80xi32, #tpu.memory_space<vmem>>)
        tpu.yield
      }) : () -> ()
      %dma_start3A_100 = arith.constant 0 : i32
      %dma_start3A_101 = arith.constant 0 : i32
      %dma_start3A_102 = tpu.memref_slice %arg2[%dma_start3A_100, %dma_start3A_101] : memref<10000x128xf32, #tpu.memory_space<hbm>> -> memref<10000x128xf32, #tpu.memory_space<hbm>>
      tpu.enqueue_indirect_dma source(%dma_start3A_102 : memref<10000x128xf32, #tpu.memory_space<hbm>>) target(%arg13 : memref<80x128xf32, #tpu.memory_space<vmem>>) offsets(%arg8 : memref<80xi32, #tpu.memory_space<vmem>>) semaphore(%arg17 : memref<!tpu.dma_semaphore, #tpu.memory_space<semaphore_mem>>)
      %dma_wait3A_103 = arith.constant 0 : i32
      %dma_wait3A_104 = arith.constant 0 : i32
      %dma_wait3A_105 = tpu.memref_slice %arg2[%dma_wait3A_103, %dma_wait3A_104] : memref<10000x128xf32, #tpu.memory_space<hbm>> -> memref<10000x128xf32, #tpu.memory_space<hbm>>
      tpu.wait_indirect_dma semaphore(%arg18 : memref<!tpu.dma_semaphore, #tpu.memory_space<semaphore_mem>>) src(%dma_wait3A_105 : memref<10000x128xf32, #tpu.memory_space<hbm>>) dst(%arg14 : memref<80x128xf32, #tpu.memory_space<vmem>>)
      "tpu.region"() ({
        %run_scoped3A = tpu.sem_alloc : memref<!tpu.dma_semaphore, #tpu.memory_space<semaphore_mem>>
        %dma_start3A_118 = arith.constant 0 : i32
        %dma_start3A_119 = arith.constant 0 : i32
        %dma_start3A_120 = tpu.memref_slice %arg15[%dma_start3A_118, %dma_start3A_119] : memref<10240x128xf32, #tpu.memory_space<vmem_shared>> -> memref<10240x128xf32, #tpu.memory_space<vmem_shared>>
        tpu.enqueue_indirect_dma source(%arg14 : memref<80x128xf32, #tpu.memory_space<vmem>>) target(%dma_start3A_120 : memref<10240x128xf32, #tpu.memory_space<vmem_shared>>) offsets(%arg11 : memref<80xi32, #tpu.memory_space<vmem>>) semaphore(%run_scoped3A : memref<!tpu.dma_semaphore, #tpu.memory_space<semaphore_mem>>) {add = true}
        %dma_wait3A_121 = arith.constant 0 : i32
        %dma_wait3A_122 = arith.constant 0 : i32
        %dma_wait3A_123 = tpu.memref_slice %arg15[%dma_wait3A_121, %dma_wait3A_122] : memref<10240x128xf32, #tpu.memory_space<vmem_shared>> -> memref<10240x128xf32, #tpu.memory_space<vmem_shared>>
        tpu.wait_indirect_dma semaphore(%run_scoped3A : memref<!tpu.dma_semaphore, #tpu.memory_space<semaphore_mem>>) src(%arg14 : memref<80x128xf32, #tpu.memory_space<vmem>>) dst(%dma_wait3A_123 : memref<10240x128xf32, #tpu.memory_space<vmem_shared>>)
        tpu.yield
      }) : () -> ()
      %add3A_106 = arith.constant 3 : i32
      %add3A_107 = arith.addi %add3A_72, %add3A_106 : i32
      %add3A_108 = arith.constant 2 : i32
      %add3A_109 = arith.addi %add3A_107, %add3A_108 : i32
      %mul3A_110 = arith.constant 10000 : i32
      %mul3A_111 = arith.muli %add3A, %mul3A_110 : i32
      %mul3A_112 = arith.constant 80 : i32
      %mul3A_113 = arith.muli %add3A_109, %mul3A_112 : i32
      %add3A_114 = arith.addi %mul3A_111, %mul3A_113 : i32
      "tpu.region"() ({
        %run_scoped3A = tpu.sem_alloc : memref<!tpu.dma_semaphore, #tpu.memory_space<semaphore_mem>>
        %dma_start3A_118 = tpu.memref_slice %arg3[%add3A_114] : memref<320000xi32, #tpu.memory_space<hbm>> -> memref<80xi32, #tpu.memory_space<hbm>>
        %dma_start3A_119 = tpu.memref_slice %arg3[%add3A_114] : memref<320000xi32, #tpu.memory_space<hbm>> -> memref<80xi32, #tpu.memory_space<hbm>>
        tpu.enqueue_dma source(%dma_start3A_119 : memref<80xi32, #tpu.memory_space<hbm>>) target(%arg10 : memref<80xi32, #tpu.memory_space<vmem>>) target_semaphore(%run_scoped3A : memref<!tpu.dma_semaphore, #tpu.memory_space<semaphore_mem>>)
        %dma_wait3A_120 = tpu.memref_slice %arg3[%add3A_114] : memref<320000xi32, #tpu.memory_space<hbm>> -> memref<80xi32, #tpu.memory_space<hbm>>
        %dma_wait3A_121 = tpu.memref_slice %arg3[%add3A_114] : memref<320000xi32, #tpu.memory_space<hbm>> -> memref<80xi32, #tpu.memory_space<hbm>>
        tpu.wait_dma2 semaphore(%run_scoped3A : memref<!tpu.dma_semaphore, #tpu.memory_space<semaphore_mem>>) src(%dma_wait3A_121 : memref<80xi32, #tpu.memory_space<hbm>>) dst(%arg10 : memref<80xi32, #tpu.memory_space<vmem>>)
        tpu.yield
      }) : () -> ()
      "tpu.region"() ({
        %run_scoped3A = tpu.sem_alloc : memref<!tpu.dma_semaphore, #tpu.memory_space<semaphore_mem>>
        %dma_start3A_118 = tpu.memref_slice %arg4[%add3A_114] : memref<320000xi32, #tpu.memory_space<hbm>> -> memref<80xi32, #tpu.memory_space<hbm>>
        %dma_start3A_119 = tpu.memref_slice %arg4[%add3A_114] : memref<320000xi32, #tpu.memory_space<hbm>> -> memref<80xi32, #tpu.memory_space<hbm>>
        tpu.enqueue_dma source(%dma_start3A_119 : memref<80xi32, #tpu.memory_space<hbm>>) target(%arg11 : memref<80xi32, #tpu.memory_space<vmem>>) target_semaphore(%run_scoped3A : memref<!tpu.dma_semaphore, #tpu.memory_space<semaphore_mem>>)
        %dma_wait3A_120 = tpu.memref_slice %arg4[%add3A_114] : memref<320000xi32, #tpu.memory_space<hbm>> -> memref<80xi32, #tpu.memory_space<hbm>>
        %dma_wait3A_121 = tpu.memref_slice %arg4[%add3A_114] : memref<320000xi32, #tpu.memory_space<hbm>> -> memref<80xi32, #tpu.memory_space<hbm>>
        tpu.wait_dma2 semaphore(%run_scoped3A : memref<!tpu.dma_semaphore, #tpu.memory_space<semaphore_mem>>) src(%dma_wait3A_121 : memref<80xi32, #tpu.memory_space<hbm>>) dst(%arg11 : memref<80xi32, #tpu.memory_space<vmem>>)
        tpu.yield
      }) : () -> ()
      %dma_start3A_115 = arith.constant 0 : i32
      %dma_start3A_116 = arith.constant 0 : i32
      %dma_start3A_117 = tpu.memref_slice %arg2[%dma_start3A_115, %dma_start3A_116] : memref<10000x128xf32, #tpu.memory_space<hbm>> -> memref<10000x128xf32, #tpu.memory_space<hbm>>
      tpu.enqueue_indirect_dma source(%dma_start3A_117 : memref<10000x128xf32, #tpu.memory_space<hbm>>) target(%arg14 : memref<80x128xf32, #tpu.memory_space<vmem>>) offsets(%arg10 : memref<80xi32, #tpu.memory_space<vmem>>) semaphore(%arg18 : memref<!tpu.dma_semaphore, #tpu.memory_space<semaphore_mem>>)
    }
    %scan3A_34 = arith.constant 40 : i32
    %dma_wait3A = arith.constant 0 : i32
    %dma_wait3A_35 = arith.constant 0 : i32
    %dma_wait3A_36 = tpu.memref_slice %arg2[%dma_wait3A, %dma_wait3A_35] : memref<10000x128xf32, #tpu.memory_space<hbm>> -> memref<10000x128xf32, #tpu.memory_space<hbm>>
    tpu.wait_indirect_dma semaphore(%arg16 : memref<!tpu.dma_semaphore, #tpu.memory_space<semaphore_mem>>) src(%dma_wait3A_36 : memref<10000x128xf32, #tpu.memory_space<hbm>>) dst(%arg12 : memref<80x128xf32, #tpu.memory_space<vmem>>)
    "tpu.region"() ({
      %run_scoped3A = tpu.sem_alloc : memref<!tpu.dma_semaphore, #tpu.memory_space<semaphore_mem>>
      %dma_start3A_68 = arith.constant 0 : i32
      %dma_start3A_69 = arith.constant 0 : i32
      %dma_start3A_70 = tpu.memref_slice %arg15[%dma_start3A_68, %dma_start3A_69] : memref<10240x128xf32, #tpu.memory_space<vmem_shared>> -> memref<10240x128xf32, #tpu.memory_space<vmem_shared>>
      tpu.enqueue_indirect_dma source(%arg12 : memref<80x128xf32, #tpu.memory_space<vmem>>) target(%dma_start3A_70 : memref<10240x128xf32, #tpu.memory_space<vmem_shared>>) offsets(%arg7 : memref<80xi32, #tpu.memory_space<vmem>>) semaphore(%run_scoped3A : memref<!tpu.dma_semaphore, #tpu.memory_space<semaphore_mem>>) {add = true}
      %dma_wait3A_71 = arith.constant 0 : i32
      %dma_wait3A_72 = arith.constant 0 : i32
      %dma_wait3A_73 = tpu.memref_slice %arg15[%dma_wait3A_71, %dma_wait3A_72] : memref<10240x128xf32, #tpu.memory_space<vmem_shared>> -> memref<10240x128xf32, #tpu.memory_space<vmem_shared>>
      tpu.wait_indirect_dma semaphore(%run_scoped3A : memref<!tpu.dma_semaphore, #tpu.memory_space<semaphore_mem>>) src(%arg12 : memref<80x128xf32, #tpu.memory_space<vmem>>) dst(%dma_wait3A_73 : memref<10240x128xf32, #tpu.memory_space<vmem_shared>>)
      tpu.yield
    }) : () -> ()
    %mul3A_37 = arith.constant 10000 : i32
    %mul3A_38 = arith.muli %add3A, %mul3A_37 : i32
    %add3A_39 = arith.constant 9840 : i32
    %add3A_40 = arith.addi %mul3A_38, %add3A_39 : i32
    "tpu.region"() ({
      %run_scoped3A = tpu.sem_alloc : memref<!tpu.dma_semaphore, #tpu.memory_space<semaphore_mem>>
      %dma_start3A_68 = tpu.memref_slice %arg3[%add3A_40] : memref<320000xi32, #tpu.memory_space<hbm>> -> memref<80xi32, #tpu.memory_space<hbm>>
      %dma_start3A_69 = tpu.memref_slice %arg3[%add3A_40] : memref<320000xi32, #tpu.memory_space<hbm>> -> memref<80xi32, #tpu.memory_space<hbm>>
      tpu.enqueue_dma source(%dma_start3A_69 : memref<80xi32, #tpu.memory_space<hbm>>) target(%arg6 : memref<80xi32, #tpu.memory_space<vmem>>) target_semaphore(%run_scoped3A : memref<!tpu.dma_semaphore, #tpu.memory_space<semaphore_mem>>)
      %dma_wait3A_70 = tpu.memref_slice %arg3[%add3A_40] : memref<320000xi32, #tpu.memory_space<hbm>> -> memref<80xi32, #tpu.memory_space<hbm>>
      %dma_wait3A_71 = tpu.memref_slice %arg3[%add3A_40] : memref<320000xi32, #tpu.memory_space<hbm>> -> memref<80xi32, #tpu.memory_space<hbm>>
      tpu.wait_dma2 semaphore(%run_scoped3A : memref<!tpu.dma_semaphore, #tpu.memory_space<semaphore_mem>>) src(%dma_wait3A_71 : memref<80xi32, #tpu.memory_space<hbm>>) dst(%arg6 : memref<80xi32, #tpu.memory_space<vmem>>)
      tpu.yield
    }) : () -> ()
    "tpu.region"() ({
      %run_scoped3A = tpu.sem_alloc : memref<!tpu.dma_semaphore, #tpu.memory_space<semaphore_mem>>
      %dma_start3A_68 = tpu.memref_slice %arg4[%add3A_40] : memref<320000xi32, #tpu.memory_space<hbm>> -> memref<80xi32, #tpu.memory_space<hbm>>
      %dma_start3A_69 = tpu.memref_slice %arg4[%add3A_40] : memref<320000xi32, #tpu.memory_space<hbm>> -> memref<80xi32, #tpu.memory_space<hbm>>
      tpu.enqueue_dma source(%dma_start3A_69 : memref<80xi32, #tpu.memory_space<hbm>>) target(%arg7 : memref<80xi32, #tpu.memory_space<vmem>>) target_semaphore(%run_scoped3A : memref<!tpu.dma_semaphore, #tpu.memory_space<semaphore_mem>>)
      %dma_wait3A_70 = tpu.memref_slice %arg4[%add3A_40] : memref<320000xi32, #tpu.memory_space<hbm>> -> memref<80xi32, #tpu.memory_space<hbm>>
      %dma_wait3A_71 = tpu.memref_slice %arg4[%add3A_40] : memref<320000xi32, #tpu.memory_space<hbm>> -> memref<80xi32, #tpu.memory_space<hbm>>
      tpu.wait_dma2 semaphore(%run_scoped3A : memref<!tpu.dma_semaphore, #tpu.memory_space<semaphore_mem>>) src(%dma_wait3A_71 : memref<80xi32, #tpu.memory_space<hbm>>) dst(%arg7 : memref<80xi32, #tpu.memory_space<vmem>>)
      tpu.yield
    }) : () -> ()
    %dma_start3A_41 = arith.constant 0 : i32
    %dma_start3A_42 = arith.constant 0 : i32
    %dma_start3A_43 = tpu.memref_slice %arg2[%dma_start3A_41, %dma_start3A_42] : memref<10000x128xf32, #tpu.memory_space<hbm>> -> memref<10000x128xf32, #tpu.memory_space<hbm>>
    tpu.enqueue_indirect_dma source(%dma_start3A_43 : memref<10000x128xf32, #tpu.memory_space<hbm>>) target(%arg12 : memref<80x128xf32, #tpu.memory_space<vmem>>) offsets(%arg6 : memref<80xi32, #tpu.memory_space<vmem>>) semaphore(%arg16 : memref<!tpu.dma_semaphore, #tpu.memory_space<semaphore_mem>>)
    %dma_wait3A_44 = arith.constant 0 : i32
    %dma_wait3A_45 = arith.constant 0 : i32
    %dma_wait3A_46 = tpu.memref_slice %arg2[%dma_wait3A_44, %dma_wait3A_45] : memref<10000x128xf32, #tpu.memory_space<hbm>> -> memref<10000x128xf32, #tpu.memory_space<hbm>>
    tpu.wait_indirect_dma semaphore(%arg17 : memref<!tpu.dma_semaphore, #tpu.memory_space<semaphore_mem>>) src(%dma_wait3A_46 : memref<10000x128xf32, #tpu.memory_space<hbm>>) dst(%arg13 : memref<80x128xf32, #tpu.memory_space<vmem>>)
    "tpu.region"() ({
      %run_scoped3A = tpu.sem_alloc : memref<!tpu.dma_semaphore, #tpu.memory_space<semaphore_mem>>
      %dma_start3A_68 = arith.constant 0 : i32
      %dma_start3A_69 = arith.constant 0 : i32
      %dma_start3A_70 = tpu.memref_slice %arg15[%dma_start3A_68, %dma_start3A_69] : memref<10240x128xf32, #tpu.memory_space<vmem_shared>> -> memref<10240x128xf32, #tpu.memory_space<vmem_shared>>
      tpu.enqueue_indirect_dma source(%arg13 : memref<80x128xf32, #tpu.memory_space<vmem>>) target(%dma_start3A_70 : memref<10240x128xf32, #tpu.memory_space<vmem_shared>>) offsets(%arg9 : memref<80xi32, #tpu.memory_space<vmem>>) semaphore(%run_scoped3A : memref<!tpu.dma_semaphore, #tpu.memory_space<semaphore_mem>>) {add = true}
      %dma_wait3A_71 = arith.constant 0 : i32
      %dma_wait3A_72 = arith.constant 0 : i32
      %dma_wait3A_73 = tpu.memref_slice %arg15[%dma_wait3A_71, %dma_wait3A_72] : memref<10240x128xf32, #tpu.memory_space<vmem_shared>> -> memref<10240x128xf32, #tpu.memory_space<vmem_shared>>
      tpu.wait_indirect_dma semaphore(%run_scoped3A : memref<!tpu.dma_semaphore, #tpu.memory_space<semaphore_mem>>) src(%arg13 : memref<80x128xf32, #tpu.memory_space<vmem>>) dst(%dma_wait3A_73 : memref<10240x128xf32, #tpu.memory_space<vmem_shared>>)
      tpu.yield
    }) : () -> ()
    %mul3A_47 = arith.constant 10000 : i32
    %mul3A_48 = arith.muli %add3A, %mul3A_47 : i32
    %add3A_49 = arith.constant 9920 : i32
    %add3A_50 = arith.addi %mul3A_48, %add3A_49 : i32
    "tpu.region"() ({
      %run_scoped3A = tpu.sem_alloc : memref<!tpu.dma_semaphore, #tpu.memory_space<semaphore_mem>>
      %dma_start3A_68 = tpu.memref_slice %arg3[%add3A_50] : memref<320000xi32, #tpu.memory_space<hbm>> -> memref<80xi32, #tpu.memory_space<hbm>>
      %dma_start3A_69 = tpu.memref_slice %arg3[%add3A_50] : memref<320000xi32, #tpu.memory_space<hbm>> -> memref<80xi32, #tpu.memory_space<hbm>>
      tpu.enqueue_dma source(%dma_start3A_69 : memref<80xi32, #tpu.memory_space<hbm>>) target(%arg8 : memref<80xi32, #tpu.memory_space<vmem>>) target_semaphore(%run_scoped3A : memref<!tpu.dma_semaphore, #tpu.memory_space<semaphore_mem>>)
      %dma_wait3A_70 = tpu.memref_slice %arg3[%add3A_50] : memref<320000xi32, #tpu.memory_space<hbm>> -> memref<80xi32, #tpu.memory_space<hbm>>
      %dma_wait3A_71 = tpu.memref_slice %arg3[%add3A_50] : memref<320000xi32, #tpu.memory_space<hbm>> -> memref<80xi32, #tpu.memory_space<hbm>>
      tpu.wait_dma2 semaphore(%run_scoped3A : memref<!tpu.dma_semaphore, #tpu.memory_space<semaphore_mem>>) src(%dma_wait3A_71 : memref<80xi32, #tpu.memory_space<hbm>>) dst(%arg8 : memref<80xi32, #tpu.memory_space<vmem>>)
      tpu.yield
    }) : () -> ()
    "tpu.region"() ({
      %run_scoped3A = tpu.sem_alloc : memref<!tpu.dma_semaphore, #tpu.memory_space<semaphore_mem>>
      %dma_start3A_68 = tpu.memref_slice %arg4[%add3A_50] : memref<320000xi32, #tpu.memory_space<hbm>> -> memref<80xi32, #tpu.memory_space<hbm>>
      %dma_start3A_69 = tpu.memref_slice %arg4[%add3A_50] : memref<320000xi32, #tpu.memory_space<hbm>> -> memref<80xi32, #tpu.memory_space<hbm>>
      tpu.enqueue_dma source(%dma_start3A_69 : memref<80xi32, #tpu.memory_space<hbm>>) target(%arg9 : memref<80xi32, #tpu.memory_space<vmem>>) target_semaphore(%run_scoped3A : memref<!tpu.dma_semaphore, #tpu.memory_space<semaphore_mem>>)
      %dma_wait3A_70 = tpu.memref_slice %arg4[%add3A_50] : memref<320000xi32, #tpu.memory_space<hbm>> -> memref<80xi32, #tpu.memory_space<hbm>>
      %dma_wait3A_71 = tpu.memref_slice %arg4[%add3A_50] : memref<320000xi32, #tpu.memory_space<hbm>> -> memref<80xi32, #tpu.memory_space<hbm>>
      tpu.wait_dma2 semaphore(%run_scoped3A : memref<!tpu.dma_semaphore, #tpu.memory_space<semaphore_mem>>) src(%dma_wait3A_71 : memref<80xi32, #tpu.memory_space<hbm>>) dst(%arg9 : memref<80xi32, #tpu.memory_space<vmem>>)
      tpu.yield
    }) : () -> ()
    %dma_start3A_51 = arith.constant 0 : i32
    %dma_start3A_52 = arith.constant 0 : i32
    %dma_start3A_53 = tpu.memref_slice %arg2[%dma_start3A_51, %dma_start3A_52] : memref<10000x128xf32, #tpu.memory_space<hbm>> -> memref<10000x128xf32, #tpu.memory_space<hbm>>
    tpu.enqueue_indirect_dma source(%dma_start3A_53 : memref<10000x128xf32, #tpu.memory_space<hbm>>) target(%arg13 : memref<80x128xf32, #tpu.memory_space<vmem>>) offsets(%arg8 : memref<80xi32, #tpu.memory_space<vmem>>) semaphore(%arg17 : memref<!tpu.dma_semaphore, #tpu.memory_space<semaphore_mem>>)
    %dma_wait3A_54 = arith.constant 0 : i32
    %dma_wait3A_55 = arith.constant 0 : i32
    %dma_wait3A_56 = tpu.memref_slice %arg2[%dma_wait3A_54, %dma_wait3A_55] : memref<10000x128xf32, #tpu.memory_space<hbm>> -> memref<10000x128xf32, #tpu.memory_space<hbm>>
    tpu.wait_indirect_dma semaphore(%arg18 : memref<!tpu.dma_semaphore, #tpu.memory_space<semaphore_mem>>) src(%dma_wait3A_56 : memref<10000x128xf32, #tpu.memory_space<hbm>>) dst(%arg14 : memref<80x128xf32, #tpu.memory_space<vmem>>)
    "tpu.region"() ({
      %run_scoped3A = tpu.sem_alloc : memref<!tpu.dma_semaphore, #tpu.memory_space<semaphore_mem>>
      %dma_start3A_68 = arith.constant 0 : i32
      %dma_start3A_69 = arith.constant 0 : i32
      %dma_start3A_70 = tpu.memref_slice %arg15[%dma_start3A_68, %dma_start3A_69] : memref<10240x128xf32, #tpu.memory_space<vmem_shared>> -> memref<10240x128xf32, #tpu.memory_space<vmem_shared>>
      tpu.enqueue_indirect_dma source(%arg14 : memref<80x128xf32, #tpu.memory_space<vmem>>) target(%dma_start3A_70 : memref<10240x128xf32, #tpu.memory_space<vmem_shared>>) offsets(%arg11 : memref<80xi32, #tpu.memory_space<vmem>>) semaphore(%run_scoped3A : memref<!tpu.dma_semaphore, #tpu.memory_space<semaphore_mem>>) {add = true}
      %dma_wait3A_71 = arith.constant 0 : i32
      %dma_wait3A_72 = arith.constant 0 : i32
      %dma_wait3A_73 = tpu.memref_slice %arg15[%dma_wait3A_71, %dma_wait3A_72] : memref<10240x128xf32, #tpu.memory_space<vmem_shared>> -> memref<10240x128xf32, #tpu.memory_space<vmem_shared>>
      tpu.wait_indirect_dma semaphore(%run_scoped3A : memref<!tpu.dma_semaphore, #tpu.memory_space<semaphore_mem>>) src(%arg14 : memref<80x128xf32, #tpu.memory_space<vmem>>) dst(%dma_wait3A_73 : memref<10240x128xf32, #tpu.memory_space<vmem_shared>>)
      tpu.yield
    }) : () -> ()
    %dma_wait3A_57 = arith.constant 0 : i32
    %dma_wait3A_58 = arith.constant 0 : i32
    %dma_wait3A_59 = tpu.memref_slice %arg2[%dma_wait3A_57, %dma_wait3A_58] : memref<10000x128xf32, #tpu.memory_space<hbm>> -> memref<10000x128xf32, #tpu.memory_space<hbm>>
    tpu.wait_indirect_dma semaphore(%arg16 : memref<!tpu.dma_semaphore, #tpu.memory_space<semaphore_mem>>) src(%dma_wait3A_59 : memref<10000x128xf32, #tpu.memory_space<hbm>>) dst(%arg12 : memref<80x128xf32, #tpu.memory_space<vmem>>)
    "tpu.region"() ({
      %run_scoped3A = tpu.sem_alloc : memref<!tpu.dma_semaphore, #tpu.memory_space<semaphore_mem>>
      %dma_start3A_68 = arith.constant 0 : i32
      %dma_start3A_69 = arith.constant 0 : i32
      %dma_start3A_70 = tpu.memref_slice %arg15[%dma_start3A_68, %dma_start3A_69] : memref<10240x128xf32, #tpu.memory_space<vmem_shared>> -> memref<10240x128xf32, #tpu.memory_space<vmem_shared>>
      tpu.enqueue_indirect_dma source(%arg12 : memref<80x128xf32, #tpu.memory_space<vmem>>) target(%dma_start3A_70 : memref<10240x128xf32, #tpu.memory_space<vmem_shared>>) offsets(%arg7 : memref<80xi32, #tpu.memory_space<vmem>>) semaphore(%run_scoped3A : memref<!tpu.dma_semaphore, #tpu.memory_space<semaphore_mem>>) {add = true}
      %dma_wait3A_71 = arith.constant 0 : i32
      %dma_wait3A_72 = arith.constant 0 : i32
      %dma_wait3A_73 = tpu.memref_slice %arg15[%dma_wait3A_71, %dma_wait3A_72] : memref<10240x128xf32, #tpu.memory_space<vmem_shared>> -> memref<10240x128xf32, #tpu.memory_space<vmem_shared>>
      tpu.wait_indirect_dma semaphore(%run_scoped3A : memref<!tpu.dma_semaphore, #tpu.memory_space<semaphore_mem>>) src(%arg12 : memref<80x128xf32, #tpu.memory_space<vmem>>) dst(%dma_wait3A_73 : memref<10240x128xf32, #tpu.memory_space<vmem_shared>>)
      tpu.yield
    }) : () -> ()
    %dma_wait3A_60 = arith.constant 0 : i32
    %dma_wait3A_61 = arith.constant 0 : i32
    %dma_wait3A_62 = tpu.memref_slice %arg2[%dma_wait3A_60, %dma_wait3A_61] : memref<10000x128xf32, #tpu.memory_space<hbm>> -> memref<10000x128xf32, #tpu.memory_space<hbm>>
    tpu.wait_indirect_dma semaphore(%arg17 : memref<!tpu.dma_semaphore, #tpu.memory_space<semaphore_mem>>) src(%dma_wait3A_62 : memref<10000x128xf32, #tpu.memory_space<hbm>>) dst(%arg13 : memref<80x128xf32, #tpu.memory_space<vmem>>)
    "tpu.region"() ({
      %run_scoped3A = tpu.sem_alloc : memref<!tpu.dma_semaphore, #tpu.memory_space<semaphore_mem>>
      %dma_start3A_68 = arith.constant 0 : i32
      %dma_start3A_69 = arith.constant 0 : i32
      %dma_start3A_70 = tpu.memref_slice %arg15[%dma_start3A_68, %dma_start3A_69] : memref<10240x128xf32, #tpu.memory_space<vmem_shared>> -> memref<10240x128xf32, #tpu.memory_space<vmem_shared>>
      tpu.enqueue_indirect_dma source(%arg13 : memref<80x128xf32, #tpu.memory_space<vmem>>) target(%dma_start3A_70 : memref<10240x128xf32, #tpu.memory_space<vmem_shared>>) offsets(%arg9 : memref<80xi32, #tpu.memory_space<vmem>>) semaphore(%run_scoped3A : memref<!tpu.dma_semaphore, #tpu.memory_space<semaphore_mem>>) {add = true}
      %dma_wait3A_71 = arith.constant 0 : i32
      %dma_wait3A_72 = arith.constant 0 : i32
      %dma_wait3A_73 = tpu.memref_slice %arg15[%dma_wait3A_71, %dma_wait3A_72] : memref<10240x128xf32, #tpu.memory_space<vmem_shared>> -> memref<10240x128xf32, #tpu.memory_space<vmem_shared>>
      tpu.wait_indirect_dma semaphore(%run_scoped3A : memref<!tpu.dma_semaphore, #tpu.memory_space<semaphore_mem>>) src(%arg13 : memref<80x128xf32, #tpu.memory_space<vmem>>) dst(%dma_wait3A_73 : memref<10240x128xf32, #tpu.memory_space<vmem_shared>>)
      tpu.yield
    }) : () -> ()
    %barrier3A_63 = arith.constant 0 : index
    tpu.barrier barrier_id(%barrier3A_63)
    %mul3A_64 = arith.constant 640 : i32
    %mul3A_65 = arith.muli %arg1, %mul3A_64 : i32
    %mul3A_66 = arith.constant 640 : i32
    %mul3A_67 = arith.muli %arg1, %mul3A_66 : i32
    "tpu.region"() ({
      %run_scoped3A = tpu.sem_alloc : memref<!tpu.dma_semaphore, #tpu.memory_space<semaphore_mem>>
      %dma_start3A_68 = arith.constant 0 : i32
      %dma_start3A_69 = tpu.memref_slice %arg5[%arg0, %mul3A_67, %dma_start3A_68] : memref<2x10240x128xf32, #tpu.memory_space<hbm>> -> memref<1x640x128xf32, #tpu.memory_space<hbm>>
      %dma_start3A_70 = tpu.memref_squeeze %dma_start3A_69 : memref<1x640x128xf32, #tpu.memory_space<hbm>> -> memref<640x128xf32, #tpu.memory_space<hbm>>
      %dma_start3A_71 = arith.constant 0 : i32
      %dma_start3A_72 = tpu.memref_slice %arg15[%mul3A_65, %dma_start3A_71] : memref<10240x128xf32, #tpu.memory_space<vmem_shared>> -> memref<640x128xf32, #tpu.memory_space<vmem_shared>>
      tpu.enqueue_dma source(%dma_start3A_72 : memref<640x128xf32, #tpu.memory_space<vmem_shared>>) target(%dma_start3A_70 : memref<640x128xf32, #tpu.memory_space<hbm>>) target_semaphore(%run_scoped3A : memref<!tpu.dma_semaphore, #tpu.memory_space<semaphore_mem>>)
      %dma_wait3A_73 = arith.constant 0 : i32
      %dma_wait3A_74 = tpu.memref_slice %arg5[%arg0, %mul3A_67, %dma_wait3A_73] : memref<2x10240x128xf32, #tpu.memory_space<hbm>> -> memref<1x640x128xf32, #tpu.memory_space<hbm>>
      %dma_wait3A_75 = tpu.memref_squeeze %dma_wait3A_74 : memref<1x640x128xf32, #tpu.memory_space<hbm>> -> memref<640x128xf32, #tpu.memory_space<hbm>>
      %dma_wait3A_76 = arith.constant 0 : i32
      %dma_wait3A_77 = tpu.memref_slice %arg15[%mul3A_65, %dma_wait3A_76] : memref<10240x128xf32, #tpu.memory_space<vmem_shared>> -> memref<640x128xf32, #tpu.memory_space<vmem_shared>>
      tpu.wait_dma2 semaphore(%run_scoped3A : memref<!tpu.dma_semaphore, #tpu.memory_space<semaphore_mem>>) src(%dma_wait3A_77 : memref<640x128xf32, #tpu.memory_space<vmem_shared>>) dst(%dma_wait3A_75 : memref<640x128xf32, #tpu.memory_space<hbm>>)
      tpu.yield
    }) : () -> ()
    return
  }
}

#map = affine_map<(d0, d1) -> (0)>
#map1 = affine_map<(d0, d1) -> (0, 0, 0)>
module attributes {stable_mosaic.version = 14 : i64} {
  func.func @_deg_body(%arg0: i32, %arg1: i32, %arg2: memref<320000xi32, #tpu.memory_space<hbm>>, %arg3: memref<2x10240x16xf32, #tpu.memory_space<hbm>>, %arg4: memref<2000xi32, #tpu.memory_space<vmem>>, %arg5: memref<10240xf32, #tpu.memory_space<vmem>>, %arg6: memref<16x640xf32, #tpu.memory_space<vmem>>, %arg7: memref<640xf32, #tpu.memory_space<vmem>>, %arg8: memref<640x16xf32, #tpu.memory_space<vmem>>, %arg9: memref<16x10240xf32, #tpu.memory_space<vmem_shared>>) attributes {dimension_semantics = [#tpu.dimension_semantics<core_parallel>, #tpu.dimension_semantics<subcore_parallel>], iteration_bounds = array<i64: 2, 16>, scalar_prefetch = 0 : i64, scratch_operands = 6 : i64, tpu.core_type = #tpu.core_type<sc_vector_subcore>, window_params = [{transform_indices = #map}, {transform_indices = #map1}]} {
    %mul3A = arith.constant 16 : i32
    %mul3A_0 = arith.muli %arg0, %mul3A : i32
    %add3A = arith.addi %mul3A_0, %arg1 : i32
    %broadcast_in_dim3A = arith.constant 0.000000e+00 : f32
    %broadcast_in_dim3A_1 = vector.broadcast %broadcast_in_dim3A : f32 to vector<16xf32>
    %broadcast_in_dim3A_2 = arith.constant 1.000000e+00 : f32
    %broadcast_in_dim3A_3 = vector.broadcast %broadcast_in_dim3A_2 : f32 to vector<16xf32>
    %scan3A = arith.constant 0 : i32
    %scan3A_4 = arith.constant 640 : i32
    %scan3A_5 = arith.addi %scan3A, %scan3A_4 : i32
    %scan3A_6 = arith.constant 1 : i32
    scf.for %scan3A_67 = %scan3A to %scan3A_5 step %scan3A_6  : i32 {
      %mul3A_68 = arith.constant 1 : i32
      %mul3A_69 = arith.muli %scan3A_67, %mul3A_68 : i32
      %add3A_70 = arith.constant 0 : i32
      %add3A_71 = arith.addi %add3A_70, %mul3A_69 : i32
      %mul3A_72 = arith.constant 16 : i32
      %mul3A_73 = arith.muli %add3A_71, %mul3A_72 : i32
      %swap3A = arith.index_cast %mul3A_73 : i32 to index
      %swap3A_74 = tpu.vector_load %arg5[%swap3A] {strides = array<i32>} : memref<10240xf32, #tpu.memory_space<vmem>>, vector<16xf32>,
      tpu.vector_store %arg5[%swap3A], %broadcast_in_dim3A_1 {strides = array<i32>} : memref<10240xf32, #tpu.memory_space<vmem>>, vector<16xf32>,
    }
    %scan3A_7 = arith.constant 640 : i32
    %mul3A_8 = arith.constant 10000 : i32
    %mul3A_9 = arith.muli %add3A, %mul3A_8 : i32
    %add3A_10 = arith.constant 0 : i32
    %add3A_11 = arith.addi %mul3A_9, %add3A_10 : i32
    "tpu.region"() ({
      %run_scoped3A = tpu.sem_alloc : memref<!tpu.dma_semaphore, #tpu.memory_space<semaphore_mem>>
      %dma_start3A = tpu.memref_slice %arg2[%add3A_11] : memref<320000xi32, #tpu.memory_space<hbm>> -> memref<2000xi32, #tpu.memory_space<hbm>>
      %dma_start3A_67 = tpu.memref_slice %arg2[%add3A_11] : memref<320000xi32, #tpu.memory_space<hbm>> -> memref<2000xi32, #tpu.memory_space<hbm>>
      tpu.enqueue_dma source(%dma_start3A_67 : memref<2000xi32, #tpu.memory_space<hbm>>) target(%arg4 : memref<2000xi32, #tpu.memory_space<vmem>>) target_semaphore(%run_scoped3A : memref<!tpu.dma_semaphore, #tpu.memory_space<semaphore_mem>>)
      %dma_wait3A = tpu.memref_slice %arg2[%add3A_11] : memref<320000xi32, #tpu.memory_space<hbm>> -> memref<2000xi32, #tpu.memory_space<hbm>>
      %dma_wait3A_68 = tpu.memref_slice %arg2[%add3A_11] : memref<320000xi32, #tpu.memory_space<hbm>> -> memref<2000xi32, #tpu.memory_space<hbm>>
      tpu.wait_dma2 semaphore(%run_scoped3A : memref<!tpu.dma_semaphore, #tpu.memory_space<semaphore_mem>>) src(%dma_wait3A_68 : memref<2000xi32, #tpu.memory_space<hbm>>) dst(%arg4 : memref<2000xi32, #tpu.memory_space<vmem>>)
      tpu.yield
    }) : () -> ()
    %scan3A_12 = arith.constant 0 : i32
    %scan3A_13 = arith.constant 25 : i32
    %scan3A_14 = arith.addi %scan3A_12, %scan3A_13 : i32
    %scan3A_15 = arith.constant 1 : i32
    scf.for %scan3A_67 = %scan3A_12 to %scan3A_14 step %scan3A_15  : i32 {
      %mul3A_68 = arith.constant 1 : i32
      %mul3A_69 = arith.muli %scan3A_67, %mul3A_68 : i32
      %add3A_70 = arith.constant 0 : i32
      %add3A_71 = arith.addi %add3A_70, %mul3A_69 : i32
      %mul3A_72 = arith.constant 5 : i32
      %mul3A_73 = arith.muli %add3A_71, %mul3A_72 : i32
      %add3A_74 = arith.constant 0 : i32
      %add3A_75 = arith.addi %mul3A_73, %add3A_74 : i32
      %mul3A_76 = arith.constant 16 : i32
      %mul3A_77 = arith.muli %add3A_75, %mul3A_76 : i32
      %get3A = arith.index_cast %mul3A_77 : i32 to index
      %get3A_78 = tpu.vector_load %arg4[%get3A] {strides = array<i32>} : memref<2000xi32, #tpu.memory_space<vmem>>, vector<16xi32>,
      tpu.vector_store_idx %arg5[%get3A_78], %broadcast_in_dim3A_3 {add = true} : memref<10240xf32, #tpu.memory_space<vmem>>[vector<16xi32>], vector<16xf32>,
      %mul3A_79 = arith.constant 5 : i32
      %mul3A_80 = arith.muli %add3A_71, %mul3A_79 : i32
      %add3A_81 = arith.constant 1 : i32
      %add3A_82 = arith.addi %mul3A_80, %add3A_81 : i32
      %mul3A_83 = arith.constant 16 : i32
      %mul3A_84 = arith.muli %add3A_82, %mul3A_83 : i32
      %get3A_85 = arith.index_cast %mul3A_84 : i32 to index
      %get3A_86 = tpu.vector_load %arg4[%get3A_85] {strides = array<i32>} : memref<2000xi32, #tpu.memory_space<vmem>>, vector<16xi32>,
      tpu.vector_store_idx %arg5[%get3A_86], %broadcast_in_dim3A_3 {add = true} : memref<10240xf32, #tpu.memory_space<vmem>>[vector<16xi32>], vector<16xf32>,
      %mul3A_87 = arith.constant 5 : i32
      %mul3A_88 = arith.muli %add3A_71, %mul3A_87 : i32
      %add3A_89 = arith.constant 2 : i32
      %add3A_90 = arith.addi %mul3A_88, %add3A_89 : i32
      %mul3A_91 = arith.constant 16 : i32
      %mul3A_92 = arith.muli %add3A_90, %mul3A_91 : i32
      %get3A_93 = arith.index_cast %mul3A_92 : i32 to index
      %get3A_94 = tpu.vector_load %arg4[%get3A_93] {strides = array<i32>} : memref<2000xi32, #tpu.memory_space<vmem>>, vector<16xi32>,
      tpu.vector_store_idx %arg5[%get3A_94], %broadcast_in_dim3A_3 {add = true} : memref<10240xf32, #tpu.memory_space<vmem>>[vector<16xi32>], vector<16xf32>,
      %mul3A_95 = arith.constant 5 : i32
      %mul3A_96 = arith.muli %add3A_71, %mul3A_95 : i32
      %add3A_97 = arith.constant 3 : i32
      %add3A_98 = arith.addi %mul3A_96, %add3A_97 : i32
      %mul3A_99 = arith.constant 16 : i32
      %mul3A_100 = arith.muli %add3A_98, %mul3A_99 : i32
      %get3A_101 = arith.index_cast %mul3A_100 : i32 to index
      %get3A_102 = tpu.vector_load %arg4[%get3A_101] {strides = array<i32>} : memref<2000xi32, #tpu.memory_space<vmem>>, vector<16xi32>,
      tpu.vector_store_idx %arg5[%get3A_102], %broadcast_in_dim3A_3 {add = true} : memref<10240xf32, #tpu.memory_space<vmem>>[vector<16xi32>], vector<16xf32>,
      %mul3A_103 = arith.constant 5 : i32
      %mul3A_104 = arith.muli %add3A_71, %mul3A_103 : i32
      %add3A_105 = arith.constant 4 : i32
      %add3A_106 = arith.addi %mul3A_104, %add3A_105 : i32
      %mul3A_107 = arith.constant 16 : i32
      %mul3A_108 = arith.muli %add3A_106, %mul3A_107 : i32
      %get3A_109 = arith.index_cast %mul3A_108 : i32 to index
      %get3A_110 = tpu.vector_load %arg4[%get3A_109] {strides = array<i32>} : memref<2000xi32, #tpu.memory_space<vmem>>, vector<16xi32>,
      tpu.vector_store_idx %arg5[%get3A_110], %broadcast_in_dim3A_3 {add = true} : memref<10240xf32, #tpu.memory_space<vmem>>[vector<16xi32>], vector<16xf32>,
    }
    %scan3A_16 = arith.constant 25 : i32
    %mul3A_17 = arith.constant 10000 : i32
    %mul3A_18 = arith.muli %add3A, %mul3A_17 : i32
    %add3A_19 = arith.constant 2000 : i32
    %add3A_20 = arith.addi %mul3A_18, %add3A_19 : i32
    "tpu.region"() ({
      %run_scoped3A = tpu.sem_alloc : memref<!tpu.dma_semaphore, #tpu.memory_space<semaphore_mem>>
      %dma_start3A = tpu.memref_slice %arg2[%add3A_20] : memref<320000xi32, #tpu.memory_space<hbm>> -> memref<2000xi32, #tpu.memory_space<hbm>>
      %dma_start3A_67 = tpu.memref_slice %arg2[%add3A_20] : memref<320000xi32, #tpu.memory_space<hbm>> -> memref<2000xi32, #tpu.memory_space<hbm>>
      tpu.enqueue_dma source(%dma_start3A_67 : memref<2000xi32, #tpu.memory_space<hbm>>) target(%arg4 : memref<2000xi32, #tpu.memory_space<vmem>>) target_semaphore(%run_scoped3A : memref<!tpu.dma_semaphore, #tpu.memory_space<semaphore_mem>>)
      %dma_wait3A = tpu.memref_slice %arg2[%add3A_20] : memref<320000xi32, #tpu.memory_space<hbm>> -> memref<2000xi32, #tpu.memory_space<hbm>>
      %dma_wait3A_68 = tpu.memref_slice %arg2[%add3A_20] : memref<320000xi32, #tpu.memory_space<hbm>> -> memref<2000xi32, #tpu.memory_space<hbm>>
      tpu.wait_dma2 semaphore(%run_scoped3A : memref<!tpu.dma_semaphore, #tpu.memory_space<semaphore_mem>>) src(%dma_wait3A_68 : memref<2000xi32, #tpu.memory_space<hbm>>) dst(%arg4 : memref<2000xi32, #tpu.memory_space<vmem>>)
      tpu.yield
    }) : () -> ()
    %scan3A_21 = arith.constant 0 : i32
    %scan3A_22 = arith.constant 25 : i32
    %scan3A_23 = arith.addi %scan3A_21, %scan3A_22 : i32
    %scan3A_24 = arith.constant 1 : i32
    scf.for %scan3A_67 = %scan3A_21 to %scan3A_23 step %scan3A_24  : i32 {
      %mul3A_68 = arith.constant 1 : i32
      %mul3A_69 = arith.muli %scan3A_67, %mul3A_68 : i32
      %add3A_70 = arith.constant 0 : i32
      %add3A_71 = arith.addi %add3A_70, %mul3A_69 : i32
      %mul3A_72 = arith.constant 5 : i32
      %mul3A_73 = arith.muli %add3A_71, %mul3A_72 : i32
      %add3A_74 = arith.constant 0 : i32
      %add3A_75 = arith.addi %mul3A_73, %add3A_74 : i32
      %mul3A_76 = arith.constant 16 : i32
      %mul3A_77 = arith.muli %add3A_75, %mul3A_76 : i32
      %get3A = arith.index_cast %mul3A_77 : i32 to index
      %get3A_78 = tpu.vector_load %arg4[%get3A] {strides = array<i32>} : memref<2000xi32, #tpu.memory_space<vmem>>, vector<16xi32>,
      tpu.vector_store_idx %arg5[%get3A_78], %broadcast_in_dim3A_3 {add = true} : memref<10240xf32, #tpu.memory_space<vmem>>[vector<16xi32>], vector<16xf32>,
      %mul3A_79 = arith.constant 5 : i32
      %mul3A_80 = arith.muli %add3A_71, %mul3A_79 : i32
      %add3A_81 = arith.constant 1 : i32
      %add3A_82 = arith.addi %mul3A_80, %add3A_81 : i32
      %mul3A_83 = arith.constant 16 : i32
      %mul3A_84 = arith.muli %add3A_82, %mul3A_83 : i32
      %get3A_85 = arith.index_cast %mul3A_84 : i32 to index
      %get3A_86 = tpu.vector_load %arg4[%get3A_85] {strides = array<i32>} : memref<2000xi32, #tpu.memory_space<vmem>>, vector<16xi32>,
      tpu.vector_store_idx %arg5[%get3A_86], %broadcast_in_dim3A_3 {add = true} : memref<10240xf32, #tpu.memory_space<vmem>>[vector<16xi32>], vector<16xf32>,
      %mul3A_87 = arith.constant 5 : i32
      %mul3A_88 = arith.muli %add3A_71, %mul3A_87 : i32
      %add3A_89 = arith.constant 2 : i32
      %add3A_90 = arith.addi %mul3A_88, %add3A_89 : i32
      %mul3A_91 = arith.constant 16 : i32
      %mul3A_92 = arith.muli %add3A_90, %mul3A_91 : i32
      %get3A_93 = arith.index_cast %mul3A_92 : i32 to index
      %get3A_94 = tpu.vector_load %arg4[%get3A_93] {strides = array<i32>} : memref<2000xi32, #tpu.memory_space<vmem>>, vector<16xi32>,
      tpu.vector_store_idx %arg5[%get3A_94], %broadcast_in_dim3A_3 {add = true} : memref<10240xf32, #tpu.memory_space<vmem>>[vector<16xi32>], vector<16xf32>,
      %mul3A_95 = arith.constant 5 : i32
      %mul3A_96 = arith.muli %add3A_71, %mul3A_95 : i32
      %add3A_97 = arith.constant 3 : i32
      %add3A_98 = arith.addi %mul3A_96, %add3A_97 : i32
      %mul3A_99 = arith.constant 16 : i32
      %mul3A_100 = arith.muli %add3A_98, %mul3A_99 : i32
      %get3A_101 = arith.index_cast %mul3A_100 : i32 to index
      %get3A_102 = tpu.vector_load %arg4[%get3A_101] {strides = array<i32>} : memref<2000xi32, #tpu.memory_space<vmem>>, vector<16xi32>,
      tpu.vector_store_idx %arg5[%get3A_102], %broadcast_in_dim3A_3 {add = true} : memref<10240xf32, #tpu.memory_space<vmem>>[vector<16xi32>], vector<16xf32>,
      %mul3A_103 = arith.constant 5 : i32
      %mul3A_104 = arith.muli %add3A_71, %mul3A_103 : i32
      %add3A_105 = arith.constant 4 : i32
      %add3A_106 = arith.addi %mul3A_104, %add3A_105 : i32
      %mul3A_107 = arith.constant 16 : i32
      %mul3A_108 = arith.muli %add3A_106, %mul3A_107 : i32
      %get3A_109 = arith.index_cast %mul3A_108 : i32 to index
      %get3A_110 = tpu.vector_load %arg4[%get3A_109] {strides = array<i32>} : memref<2000xi32, #tpu.memory_space<vmem>>, vector<16xi32>,
      tpu.vector_store_idx %arg5[%get3A_110], %broadcast_in_dim3A_3 {add = true} : memref<10240xf32, #tpu.memory_space<vmem>>[vector<16xi32>], vector<16xf32>,
    }
    %scan3A_25 = arith.constant 25 : i32
    %mul3A_26 = arith.constant 10000 : i32
    %mul3A_27 = arith.muli %add3A, %mul3A_26 : i32
    %add3A_28 = arith.constant 4000 : i32
    %add3A_29 = arith.addi %mul3A_27, %add3A_28 : i32
    "tpu.region"() ({
      %run_scoped3A = tpu.sem_alloc : memref<!tpu.dma_semaphore, #tpu.memory_space<semaphore_mem>>
      %dma_start3A = tpu.memref_slice %arg2[%add3A_29] : memref<320000xi32, #tpu.memory_space<hbm>> -> memref<2000xi32, #tpu.memory_space<hbm>>
      %dma_start3A_67 = tpu.memref_slice %arg2[%add3A_29] : memref<320000xi32, #tpu.memory_space<hbm>> -> memref<2000xi32, #tpu.memory_space<hbm>>
      tpu.enqueue_dma source(%dma_start3A_67 : memref<2000xi32, #tpu.memory_space<hbm>>) target(%arg4 : memref<2000xi32, #tpu.memory_space<vmem>>) target_semaphore(%run_scoped3A : memref<!tpu.dma_semaphore, #tpu.memory_space<semaphore_mem>>)
      %dma_wait3A = tpu.memref_slice %arg2[%add3A_29] : memref<320000xi32, #tpu.memory_space<hbm>> -> memref<2000xi32, #tpu.memory_space<hbm>>
      %dma_wait3A_68 = tpu.memref_slice %arg2[%add3A_29] : memref<320000xi32, #tpu.memory_space<hbm>> -> memref<2000xi32, #tpu.memory_space<hbm>>
      tpu.wait_dma2 semaphore(%run_scoped3A : memref<!tpu.dma_semaphore, #tpu.memory_space<semaphore_mem>>) src(%dma_wait3A_68 : memref<2000xi32, #tpu.memory_space<hbm>>) dst(%arg4 : memref<2000xi32, #tpu.memory_space<vmem>>)
      tpu.yield
    }) : () -> ()
    %scan3A_30 = arith.constant 0 : i32
    %scan3A_31 = arith.constant 25 : i32
    %scan3A_32 = arith.addi %scan3A_30, %scan3A_31 : i32
    %scan3A_33 = arith.constant 1 : i32
    scf.for %scan3A_67 = %scan3A_30 to %scan3A_32 step %scan3A_33  : i32 {
      %mul3A_68 = arith.constant 1 : i32
      %mul3A_69 = arith.muli %scan3A_67, %mul3A_68 : i32
      %add3A_70 = arith.constant 0 : i32
      %add3A_71 = arith.addi %add3A_70, %mul3A_69 : i32
      %mul3A_72 = arith.constant 5 : i32
      %mul3A_73 = arith.muli %add3A_71, %mul3A_72 : i32
      %add3A_74 = arith.constant 0 : i32
      %add3A_75 = arith.addi %mul3A_73, %add3A_74 : i32
      %mul3A_76 = arith.constant 16 : i32
      %mul3A_77 = arith.muli %add3A_75, %mul3A_76 : i32
      %get3A = arith.index_cast %mul3A_77 : i32 to index
      %get3A_78 = tpu.vector_load %arg4[%get3A] {strides = array<i32>} : memref<2000xi32, #tpu.memory_space<vmem>>, vector<16xi32>,
      tpu.vector_store_idx %arg5[%get3A_78], %broadcast_in_dim3A_3 {add = true} : memref<10240xf32, #tpu.memory_space<vmem>>[vector<16xi32>], vector<16xf32>,
      %mul3A_79 = arith.constant 5 : i32
      %mul3A_80 = arith.muli %add3A_71, %mul3A_79 : i32
      %add3A_81 = arith.constant 1 : i32
      %add3A_82 = arith.addi %mul3A_80, %add3A_81 : i32
      %mul3A_83 = arith.constant 16 : i32
      %mul3A_84 = arith.muli %add3A_82, %mul3A_83 : i32
      %get3A_85 = arith.index_cast %mul3A_84 : i32 to index
      %get3A_86 = tpu.vector_load %arg4[%get3A_85] {strides = array<i32>} : memref<2000xi32, #tpu.memory_space<vmem>>, vector<16xi32>,
      tpu.vector_store_idx %arg5[%get3A_86], %broadcast_in_dim3A_3 {add = true} : memref<10240xf32, #tpu.memory_space<vmem>>[vector<16xi32>], vector<16xf32>,
      %mul3A_87 = arith.constant 5 : i32
      %mul3A_88 = arith.muli %add3A_71, %mul3A_87 : i32
      %add3A_89 = arith.constant 2 : i32
      %add3A_90 = arith.addi %mul3A_88, %add3A_89 : i32
      %mul3A_91 = arith.constant 16 : i32
      %mul3A_92 = arith.muli %add3A_90, %mul3A_91 : i32
      %get3A_93 = arith.index_cast %mul3A_92 : i32 to index
      %get3A_94 = tpu.vector_load %arg4[%get3A_93] {strides = array<i32>} : memref<2000xi32, #tpu.memory_space<vmem>>, vector<16xi32>,
      tpu.vector_store_idx %arg5[%get3A_94], %broadcast_in_dim3A_3 {add = true} : memref<10240xf32, #tpu.memory_space<vmem>>[vector<16xi32>], vector<16xf32>,
      %mul3A_95 = arith.constant 5 : i32
      %mul3A_96 = arith.muli %add3A_71, %mul3A_95 : i32
      %add3A_97 = arith.constant 3 : i32
      %add3A_98 = arith.addi %mul3A_96, %add3A_97 : i32
      %mul3A_99 = arith.constant 16 : i32
      %mul3A_100 = arith.muli %add3A_98, %mul3A_99 : i32
      %get3A_101 = arith.index_cast %mul3A_100 : i32 to index
      %get3A_102 = tpu.vector_load %arg4[%get3A_101] {strides = array<i32>} : memref<2000xi32, #tpu.memory_space<vmem>>, vector<16xi32>,
      tpu.vector_store_idx %arg5[%get3A_102], %broadcast_in_dim3A_3 {add = true} : memref<10240xf32, #tpu.memory_space<vmem>>[vector<16xi32>], vector<16xf32>,
      %mul3A_103 = arith.constant 5 : i32
      %mul3A_104 = arith.muli %add3A_71, %mul3A_103 : i32
      %add3A_105 = arith.constant 4 : i32
      %add3A_106 = arith.addi %mul3A_104, %add3A_105 : i32
      %mul3A_107 = arith.constant 16 : i32
      %mul3A_108 = arith.muli %add3A_106, %mul3A_107 : i32
      %get3A_109 = arith.index_cast %mul3A_108 : i32 to index
      %get3A_110 = tpu.vector_load %arg4[%get3A_109] {strides = array<i32>} : memref<2000xi32, #tpu.memory_space<vmem>>, vector<16xi32>,
      tpu.vector_store_idx %arg5[%get3A_110], %broadcast_in_dim3A_3 {add = true} : memref<10240xf32, #tpu.memory_space<vmem>>[vector<16xi32>], vector<16xf32>,
    }
    %scan3A_34 = arith.constant 25 : i32
    %mul3A_35 = arith.constant 10000 : i32
    %mul3A_36 = arith.muli %add3A, %mul3A_35 : i32
    %add3A_37 = arith.constant 6000 : i32
    %add3A_38 = arith.addi %mul3A_36, %add3A_37 : i32
    "tpu.region"() ({
      %run_scoped3A = tpu.sem_alloc : memref<!tpu.dma_semaphore, #tpu.memory_space<semaphore_mem>>
      %dma_start3A = tpu.memref_slice %arg2[%add3A_38] : memref<320000xi32, #tpu.memory_space<hbm>> -> memref<2000xi32, #tpu.memory_space<hbm>>
      %dma_start3A_67 = tpu.memref_slice %arg2[%add3A_38] : memref<320000xi32, #tpu.memory_space<hbm>> -> memref<2000xi32, #tpu.memory_space<hbm>>
      tpu.enqueue_dma source(%dma_start3A_67 : memref<2000xi32, #tpu.memory_space<hbm>>) target(%arg4 : memref<2000xi32, #tpu.memory_space<vmem>>) target_semaphore(%run_scoped3A : memref<!tpu.dma_semaphore, #tpu.memory_space<semaphore_mem>>)
      %dma_wait3A = tpu.memref_slice %arg2[%add3A_38] : memref<320000xi32, #tpu.memory_space<hbm>> -> memref<2000xi32, #tpu.memory_space<hbm>>
      %dma_wait3A_68 = tpu.memref_slice %arg2[%add3A_38] : memref<320000xi32, #tpu.memory_space<hbm>> -> memref<2000xi32, #tpu.memory_space<hbm>>
      tpu.wait_dma2 semaphore(%run_scoped3A : memref<!tpu.dma_semaphore, #tpu.memory_space<semaphore_mem>>) src(%dma_wait3A_68 : memref<2000xi32, #tpu.memory_space<hbm>>) dst(%arg4 : memref<2000xi32, #tpu.memory_space<vmem>>)
      tpu.yield
    }) : () -> ()
    %scan3A_39 = arith.constant 0 : i32
    %scan3A_40 = arith.constant 25 : i32
    %scan3A_41 = arith.addi %scan3A_39, %scan3A_40 : i32
    %scan3A_42 = arith.constant 1 : i32
    scf.for %scan3A_67 = %scan3A_39 to %scan3A_41 step %scan3A_42  : i32 {
      %mul3A_68 = arith.constant 1 : i32
      %mul3A_69 = arith.muli %scan3A_67, %mul3A_68 : i32
      %add3A_70 = arith.constant 0 : i32
      %add3A_71 = arith.addi %add3A_70, %mul3A_69 : i32
      %mul3A_72 = arith.constant 5 : i32
      %mul3A_73 = arith.muli %add3A_71, %mul3A_72 : i32
      %add3A_74 = arith.constant 0 : i32
      %add3A_75 = arith.addi %mul3A_73, %add3A_74 : i32
      %mul3A_76 = arith.constant 16 : i32
      %mul3A_77 = arith.muli %add3A_75, %mul3A_76 : i32
      %get3A = arith.index_cast %mul3A_77 : i32 to index
      %get3A_78 = tpu.vector_load %arg4[%get3A] {strides = array<i32>} : memref<2000xi32, #tpu.memory_space<vmem>>, vector<16xi32>,
      tpu.vector_store_idx %arg5[%get3A_78], %broadcast_in_dim3A_3 {add = true} : memref<10240xf32, #tpu.memory_space<vmem>>[vector<16xi32>], vector<16xf32>,
      %mul3A_79 = arith.constant 5 : i32
      %mul3A_80 = arith.muli %add3A_71, %mul3A_79 : i32
      %add3A_81 = arith.constant 1 : i32
      %add3A_82 = arith.addi %mul3A_80, %add3A_81 : i32
      %mul3A_83 = arith.constant 16 : i32
      %mul3A_84 = arith.muli %add3A_82, %mul3A_83 : i32
      %get3A_85 = arith.index_cast %mul3A_84 : i32 to index
      %get3A_86 = tpu.vector_load %arg4[%get3A_85] {strides = array<i32>} : memref<2000xi32, #tpu.memory_space<vmem>>, vector<16xi32>,
      tpu.vector_store_idx %arg5[%get3A_86], %broadcast_in_dim3A_3 {add = true} : memref<10240xf32, #tpu.memory_space<vmem>>[vector<16xi32>], vector<16xf32>,
      %mul3A_87 = arith.constant 5 : i32
      %mul3A_88 = arith.muli %add3A_71, %mul3A_87 : i32
      %add3A_89 = arith.constant 2 : i32
      %add3A_90 = arith.addi %mul3A_88, %add3A_89 : i32
      %mul3A_91 = arith.constant 16 : i32
      %mul3A_92 = arith.muli %add3A_90, %mul3A_91 : i32
      %get3A_93 = arith.index_cast %mul3A_92 : i32 to index
      %get3A_94 = tpu.vector_load %arg4[%get3A_93] {strides = array<i32>} : memref<2000xi32, #tpu.memory_space<vmem>>, vector<16xi32>,
      tpu.vector_store_idx %arg5[%get3A_94], %broadcast_in_dim3A_3 {add = true} : memref<10240xf32, #tpu.memory_space<vmem>>[vector<16xi32>], vector<16xf32>,
      %mul3A_95 = arith.constant 5 : i32
      %mul3A_96 = arith.muli %add3A_71, %mul3A_95 : i32
      %add3A_97 = arith.constant 3 : i32
      %add3A_98 = arith.addi %mul3A_96, %add3A_97 : i32
      %mul3A_99 = arith.constant 16 : i32
      %mul3A_100 = arith.muli %add3A_98, %mul3A_99 : i32
      %get3A_101 = arith.index_cast %mul3A_100 : i32 to index
      %get3A_102 = tpu.vector_load %arg4[%get3A_101] {strides = array<i32>} : memref<2000xi32, #tpu.memory_space<vmem>>, vector<16xi32>,
      tpu.vector_store_idx %arg5[%get3A_102], %broadcast_in_dim3A_3 {add = true} : memref<10240xf32, #tpu.memory_space<vmem>>[vector<16xi32>], vector<16xf32>,
      %mul3A_103 = arith.constant 5 : i32
      %mul3A_104 = arith.muli %add3A_71, %mul3A_103 : i32
      %add3A_105 = arith.constant 4 : i32
      %add3A_106 = arith.addi %mul3A_104, %add3A_105 : i32
      %mul3A_107 = arith.constant 16 : i32
      %mul3A_108 = arith.muli %add3A_106, %mul3A_107 : i32
      %get3A_109 = arith.index_cast %mul3A_108 : i32 to index
      %get3A_110 = tpu.vector_load %arg4[%get3A_109] {strides = array<i32>} : memref<2000xi32, #tpu.memory_space<vmem>>, vector<16xi32>,
      tpu.vector_store_idx %arg5[%get3A_110], %broadcast_in_dim3A_3 {add = true} : memref<10240xf32, #tpu.memory_space<vmem>>[vector<16xi32>], vector<16xf32>,
    }
    %scan3A_43 = arith.constant 25 : i32
    %mul3A_44 = arith.constant 10000 : i32
    %mul3A_45 = arith.muli %add3A, %mul3A_44 : i32
    %add3A_46 = arith.constant 8000 : i32
    %add3A_47 = arith.addi %mul3A_45, %add3A_46 : i32
    "tpu.region"() ({
      %run_scoped3A = tpu.sem_alloc : memref<!tpu.dma_semaphore, #tpu.memory_space<semaphore_mem>>
      %dma_start3A = tpu.memref_slice %arg2[%add3A_47] : memref<320000xi32, #tpu.memory_space<hbm>> -> memref<2000xi32, #tpu.memory_space<hbm>>
      %dma_start3A_67 = tpu.memref_slice %arg2[%add3A_47] : memref<320000xi32, #tpu.memory_space<hbm>> -> memref<2000xi32, #tpu.memory_space<hbm>>
      tpu.enqueue_dma source(%dma_start3A_67 : memref<2000xi32, #tpu.memory_space<hbm>>) target(%arg4 : memref<2000xi32, #tpu.memory_space<vmem>>) target_semaphore(%run_scoped3A : memref<!tpu.dma_semaphore, #tpu.memory_space<semaphore_mem>>)
      %dma_wait3A = tpu.memref_slice %arg2[%add3A_47] : memref<320000xi32, #tpu.memory_space<hbm>> -> memref<2000xi32, #tpu.memory_space<hbm>>
      %dma_wait3A_68 = tpu.memref_slice %arg2[%add3A_47] : memref<320000xi32, #tpu.memory_space<hbm>> -> memref<2000xi32, #tpu.memory_space<hbm>>
      tpu.wait_dma2 semaphore(%run_scoped3A : memref<!tpu.dma_semaphore, #tpu.memory_space<semaphore_mem>>) src(%dma_wait3A_68 : memref<2000xi32, #tpu.memory_space<hbm>>) dst(%arg4 : memref<2000xi32, #tpu.memory_space<vmem>>)
      tpu.yield
    }) : () -> ()
    %scan3A_48 = arith.constant 0 : i32
    %scan3A_49 = arith.constant 25 : i32
    %scan3A_50 = arith.addi %scan3A_48, %scan3A_49 : i32
    %scan3A_51 = arith.constant 1 : i32
    scf.for %scan3A_67 = %scan3A_48 to %scan3A_50 step %scan3A_51  : i32 {
      %mul3A_68 = arith.constant 1 : i32
      %mul3A_69 = arith.muli %scan3A_67, %mul3A_68 : i32
      %add3A_70 = arith.constant 0 : i32
      %add3A_71 = arith.addi %add3A_70, %mul3A_69 : i32
      %mul3A_72 = arith.constant 5 : i32
      %mul3A_73 = arith.muli %add3A_71, %mul3A_72 : i32
      %add3A_74 = arith.constant 0 : i32
      %add3A_75 = arith.addi %mul3A_73, %add3A_74 : i32
      %mul3A_76 = arith.constant 16 : i32
      %mul3A_77 = arith.muli %add3A_75, %mul3A_76 : i32
      %get3A = arith.index_cast %mul3A_77 : i32 to index
      %get3A_78 = tpu.vector_load %arg4[%get3A] {strides = array<i32>} : memref<2000xi32, #tpu.memory_space<vmem>>, vector<16xi32>,
      tpu.vector_store_idx %arg5[%get3A_78], %broadcast_in_dim3A_3 {add = true} : memref<10240xf32, #tpu.memory_space<vmem>>[vector<16xi32>], vector<16xf32>,
      %mul3A_79 = arith.constant 5 : i32
      %mul3A_80 = arith.muli %add3A_71, %mul3A_79 : i32
      %add3A_81 = arith.constant 1 : i32
      %add3A_82 = arith.addi %mul3A_80, %add3A_81 : i32
      %mul3A_83 = arith.constant 16 : i32
      %mul3A_84 = arith.muli %add3A_82, %mul3A_83 : i32
      %get3A_85 = arith.index_cast %mul3A_84 : i32 to index
      %get3A_86 = tpu.vector_load %arg4[%get3A_85] {strides = array<i32>} : memref<2000xi32, #tpu.memory_space<vmem>>, vector<16xi32>,
      tpu.vector_store_idx %arg5[%get3A_86], %broadcast_in_dim3A_3 {add = true} : memref<10240xf32, #tpu.memory_space<vmem>>[vector<16xi32>], vector<16xf32>,
      %mul3A_87 = arith.constant 5 : i32
      %mul3A_88 = arith.muli %add3A_71, %mul3A_87 : i32
      %add3A_89 = arith.constant 2 : i32
      %add3A_90 = arith.addi %mul3A_88, %add3A_89 : i32
      %mul3A_91 = arith.constant 16 : i32
      %mul3A_92 = arith.muli %add3A_90, %mul3A_91 : i32
      %get3A_93 = arith.index_cast %mul3A_92 : i32 to index
      %get3A_94 = tpu.vector_load %arg4[%get3A_93] {strides = array<i32>} : memref<2000xi32, #tpu.memory_space<vmem>>, vector<16xi32>,
      tpu.vector_store_idx %arg5[%get3A_94], %broadcast_in_dim3A_3 {add = true} : memref<10240xf32, #tpu.memory_space<vmem>>[vector<16xi32>], vector<16xf32>,
      %mul3A_95 = arith.constant 5 : i32
      %mul3A_96 = arith.muli %add3A_71, %mul3A_95 : i32
      %add3A_97 = arith.constant 3 : i32
      %add3A_98 = arith.addi %mul3A_96, %add3A_97 : i32
      %mul3A_99 = arith.constant 16 : i32
      %mul3A_100 = arith.muli %add3A_98, %mul3A_99 : i32
      %get3A_101 = arith.index_cast %mul3A_100 : i32 to index
      %get3A_102 = tpu.vector_load %arg4[%get3A_101] {strides = array<i32>} : memref<2000xi32, #tpu.memory_space<vmem>>, vector<16xi32>,
      tpu.vector_store_idx %arg5[%get3A_102], %broadcast_in_dim3A_3 {add = true} : memref<10240xf32, #tpu.memory_space<vmem>>[vector<16xi32>], vector<16xf32>,
      %mul3A_103 = arith.constant 5 : i32
      %mul3A_104 = arith.muli %add3A_71, %mul3A_103 : i32
      %add3A_105 = arith.constant 4 : i32
      %add3A_106 = arith.addi %mul3A_104, %add3A_105 : i32
      %mul3A_107 = arith.constant 16 : i32
      %mul3A_108 = arith.muli %add3A_106, %mul3A_107 : i32
      %get3A_109 = arith.index_cast %mul3A_108 : i32 to index
      %get3A_110 = tpu.vector_load %arg4[%get3A_109] {strides = array<i32>} : memref<2000xi32, #tpu.memory_space<vmem>>, vector<16xi32>,
      tpu.vector_store_idx %arg5[%get3A_110], %broadcast_in_dim3A_3 {add = true} : memref<10240xf32, #tpu.memory_space<vmem>>[vector<16xi32>], vector<16xf32>,
    }
    %scan3A_52 = arith.constant 25 : i32
    "tpu.region"() ({
      %run_scoped3A = tpu.sem_alloc : memref<!tpu.dma_semaphore, #tpu.memory_space<semaphore_mem>>
      %dma_start3A = arith.constant 0 : i32
      %dma_start3A_67 = tpu.memref_slice %arg9[%arg1, %dma_start3A] : memref<16x10240xf32, #tpu.memory_space<vmem_shared>> -> memref<1x10240xf32, #tpu.memory_space<vmem_shared>>
      %dma_start3A_68 = tpu.memref_squeeze %dma_start3A_67 : memref<1x10240xf32, #tpu.memory_space<vmem_shared>> -> memref<10240xf32, #tpu.memory_space<vmem_shared>>
      %dma_start3A_69 = arith.constant 0 : i32
      %dma_start3A_70 = tpu.memref_slice %arg9[%arg1, %dma_start3A_69] : memref<16x10240xf32, #tpu.memory_space<vmem_shared>> -> memref<1x10240xf32, #tpu.memory_space<vmem_shared>>
      %dma_start3A_71 = tpu.memref_squeeze %dma_start3A_70 : memref<1x10240xf32, #tpu.memory_space<vmem_shared>> -> memref<10240xf32, #tpu.memory_space<vmem_shared>>
      tpu.enqueue_dma source(%arg5 : memref<10240xf32, #tpu.memory_space<vmem>>) target(%dma_start3A_71 : memref<10240xf32, #tpu.memory_space<vmem_shared>>) target_semaphore(%run_scoped3A : memref<!tpu.dma_semaphore, #tpu.memory_space<semaphore_mem>>)
      %dma_wait3A = arith.constant 0 : i32
      %dma_wait3A_72 = tpu.memref_slice %arg9[%arg1, %dma_wait3A] : memref<16x10240xf32, #tpu.memory_space<vmem_shared>> -> memref<1x10240xf32, #tpu.memory_space<vmem_shared>>
      %dma_wait3A_73 = tpu.memref_squeeze %dma_wait3A_72 : memref<1x10240xf32, #tpu.memory_space<vmem_shared>> -> memref<10240xf32, #tpu.memory_space<vmem_shared>>
      %dma_wait3A_74 = arith.constant 0 : i32
      %dma_wait3A_75 = tpu.memref_slice %arg9[%arg1, %dma_wait3A_74] : memref<16x10240xf32, #tpu.memory_space<vmem_shared>> -> memref<1x10240xf32, #tpu.memory_space<vmem_shared>>
      %dma_wait3A_76 = tpu.memref_squeeze %dma_wait3A_75 : memref<1x10240xf32, #tpu.memory_space<vmem_shared>> -> memref<10240xf32, #tpu.memory_space<vmem_shared>>
      tpu.wait_dma2 semaphore(%run_scoped3A : memref<!tpu.dma_semaphore, #tpu.memory_space<semaphore_mem>>) src(%arg5 : memref<10240xf32, #tpu.memory_space<vmem>>) dst(%dma_wait3A_76 : memref<10240xf32, #tpu.memory_space<vmem_shared>>)
      tpu.yield
    }) : () -> ()
    %barrier3A = arith.constant 0 : index
    tpu.barrier barrier_id(%barrier3A)
    %mul3A_53 = arith.constant 640 : i32
    %mul3A_54 = arith.muli %arg1, %mul3A_53 : i32
    "tpu.region"() ({
      %run_scoped3A = tpu.sem_alloc : memref<!tpu.dma_semaphore, #tpu.memory_space<semaphore_mem>>
      %dma_start3A = arith.constant 0 : i32
      %dma_start3A_67 = tpu.memref_slice %arg9[%dma_start3A, %mul3A_54] : memref<16x10240xf32, #tpu.memory_space<vmem_shared>> -> memref<16x640xf32, #tpu.memory_space<vmem_shared>>
      %dma_start3A_68 = arith.constant 0 : i32
      %dma_start3A_69 = tpu.memref_slice %arg9[%dma_start3A_68, %mul3A_54] : memref<16x10240xf32, #tpu.memory_space<vmem_shared>> -> memref<16x640xf32, #tpu.memory_space<vmem_shared>>
      tpu.enqueue_dma source(%dma_start3A_69 : memref<16x640xf32, #tpu.memory_space<vmem_shared>>) target(%arg6 : memref<16x640xf32, #tpu.memory_space<vmem>>) target_semaphore(%run_scoped3A : memref<!tpu.dma_semaphore, #tpu.memory_space<semaphore_mem>>)
      %dma_wait3A = arith.constant 0 : i32
      %dma_wait3A_70 = tpu.memref_slice %arg9[%dma_wait3A, %mul3A_54] : memref<16x10240xf32, #tpu.memory_space<vmem_shared>> -> memref<16x640xf32, #tpu.memory_space<vmem_shared>>
      %dma_wait3A_71 = arith.constant 0 : i32
      %dma_wait3A_72 = tpu.memref_slice %arg9[%dma_wait3A_71, %mul3A_54] : memref<16x10240xf32, #tpu.memory_space<vmem_shared>> -> memref<16x640xf32, #tpu.memory_space<vmem_shared>>
      tpu.wait_dma2 semaphore(%run_scoped3A : memref<!tpu.dma_semaphore, #tpu.memory_space<semaphore_mem>>) src(%dma_wait3A_72 : memref<16x640xf32, #tpu.memory_space<vmem_shared>>) dst(%arg6 : memref<16x640xf32, #tpu.memory_space<vmem>>)
      tpu.yield
    }) : () -> ()
    %scan3A_55 = arith.constant 0 : i32
    %scan3A_56 = arith.constant 40 : i32
    %scan3A_57 = arith.addi %scan3A_55, %scan3A_56 : i32
    %scan3A_58 = arith.constant 1 : i32
    scf.for %scan3A_67 = %scan3A_55 to %scan3A_57 step %scan3A_58  : i32 {
      %mul3A_68 = arith.constant 1 : i32
      %mul3A_69 = arith.muli %scan3A_67, %mul3A_68 : i32
      %add3A_70 = arith.constant 0 : i32
      %add3A_71 = arith.addi %add3A_70, %mul3A_69 : i32
      %mul3A_72 = arith.constant 16 : i32
      %mul3A_73 = arith.muli %add3A_71, %mul3A_72 : i32
      %get3A = arith.constant 0 : i32
      %get3A_74 = arith.index_cast %get3A : i32 to index
      %get3A_75 = arith.index_cast %mul3A_73 : i32 to index
      %get3A_76 = tpu.vector_load %arg6[%get3A_74, %get3A_75] {strides = array<i32>} : memref<16x640xf32, #tpu.memory_space<vmem>>, vector<16xf32>,
      %mul3A_77 = arith.constant 16 : i32
      %mul3A_78 = arith.muli %add3A_71, %mul3A_77 : i32
      %get3A_79 = arith.constant 1 : i32
      %get3A_80 = arith.index_cast %get3A_79 : i32 to index
      %get3A_81 = arith.index_cast %mul3A_78 : i32 to index
      %get3A_82 = tpu.vector_load %arg6[%get3A_80, %get3A_81] {strides = array<i32>} : memref<16x640xf32, #tpu.memory_space<vmem>>, vector<16xf32>,
      %add3A_83 = arith.addf %get3A_76, %get3A_82 : vector<16xf32>
      %mul3A_84 = arith.constant 16 : i32
      %mul3A_85 = arith.muli %add3A_71, %mul3A_84 : i32
      %get3A_86 = arith.constant 2 : i32
      %get3A_87 = arith.index_cast %get3A_86 : i32 to index
      %get3A_88 = arith.index_cast %mul3A_85 : i32 to index
      %get3A_89 = tpu.vector_load %arg6[%get3A_87, %get3A_88] {strides = array<i32>} : memref<16x640xf32, #tpu.memory_space<vmem>>, vector<16xf32>,
      %add3A_90 = arith.addf %add3A_83, %get3A_89 : vector<16xf32>
      %mul3A_91 = arith.constant 16 : i32
      %mul3A_92 = arith.muli %add3A_71, %mul3A_91 : i32
      %get3A_93 = arith.constant 3 : i32
      %get3A_94 = arith.index_cast %get3A_93 : i32 to index
      %get3A_95 = arith.index_cast %mul3A_92 : i32 to index
      %get3A_96 = tpu.vector_load %arg6[%get3A_94, %get3A_95] {strides = array<i32>} : memref<16x640xf32, #tpu.memory_space<vmem>>, vector<16xf32>,
      %add3A_97 = arith.addf %add3A_90, %get3A_96 : vector<16xf32>
      %mul3A_98 = arith.constant 16 : i32
      %mul3A_99 = arith.muli %add3A_71, %mul3A_98 : i32
      %get3A_100 = arith.constant 4 : i32
      %get3A_101 = arith.index_cast %get3A_100 : i32 to index
      %get3A_102 = arith.index_cast %mul3A_99 : i32 to index
      %get3A_103 = tpu.vector_load %arg6[%get3A_101, %get3A_102] {strides = array<i32>} : memref<16x640xf32, #tpu.memory_space<vmem>>, vector<16xf32>,
      %add3A_104 = arith.addf %add3A_97, %get3A_103 : vector<16xf32>
      %mul3A_105 = arith.constant 16 : i32
      %mul3A_106 = arith.muli %add3A_71, %mul3A_105 : i32
      %get3A_107 = arith.constant 5 : i32
      %get3A_108 = arith.index_cast %get3A_107 : i32 to index
      %get3A_109 = arith.index_cast %mul3A_106 : i32 to index
      %get3A_110 = tpu.vector_load %arg6[%get3A_108, %get3A_109] {strides = array<i32>} : memref<16x640xf32, #tpu.memory_space<vmem>>, vector<16xf32>,
      %add3A_111 = arith.addf %add3A_104, %get3A_110 : vector<16xf32>
      %mul3A_112 = arith.constant 16 : i32
      %mul3A_113 = arith.muli %add3A_71, %mul3A_112 : i32
      %get3A_114 = arith.constant 6 : i32
      %get3A_115 = arith.index_cast %get3A_114 : i32 to index
      %get3A_116 = arith.index_cast %mul3A_113 : i32 to index
      %get3A_117 = tpu.vector_load %arg6[%get3A_115, %get3A_116] {strides = array<i32>} : memref<16x640xf32, #tpu.memory_space<vmem>>, vector<16xf32>,
      %add3A_118 = arith.addf %add3A_111, %get3A_117 : vector<16xf32>
      %mul3A_119 = arith.constant 16 : i32
      %mul3A_120 = arith.muli %add3A_71, %mul3A_119 : i32
      %get3A_121 = arith.constant 7 : i32
      %get3A_122 = arith.index_cast %get3A_121 : i32 to index
      %get3A_123 = arith.index_cast %mul3A_120 : i32 to index
      %get3A_124 = tpu.vector_load %arg6[%get3A_122, %get3A_123] {strides = array<i32>} : memref<16x640xf32, #tpu.memory_space<vmem>>, vector<16xf32>,
      %add3A_125 = arith.addf %add3A_118, %get3A_124 : vector<16xf32>
      %mul3A_126 = arith.constant 16 : i32
      %mul3A_127 = arith.muli %add3A_71, %mul3A_126 : i32
      %get3A_128 = arith.constant 8 : i32
      %get3A_129 = arith.index_cast %get3A_128 : i32 to index
      %get3A_130 = arith.index_cast %mul3A_127 : i32 to index
      %get3A_131 = tpu.vector_load %arg6[%get3A_129, %get3A_130] {strides = array<i32>} : memref<16x640xf32, #tpu.memory_space<vmem>>, vector<16xf32>,
      %add3A_132 = arith.addf %add3A_125, %get3A_131 : vector<16xf32>
      %mul3A_133 = arith.constant 16 : i32
      %mul3A_134 = arith.muli %add3A_71, %mul3A_133 : i32
      %get3A_135 = arith.constant 9 : i32
      %get3A_136 = arith.index_cast %get3A_135 : i32 to index
      %get3A_137 = arith.index_cast %mul3A_134 : i32 to index
      %get3A_138 = tpu.vector_load %arg6[%get3A_136, %get3A_137] {strides = array<i32>} : memref<16x640xf32, #tpu.memory_space<vmem>>, vector<16xf32>,
      %add3A_139 = arith.addf %add3A_132, %get3A_138 : vector<16xf32>
      %mul3A_140 = arith.constant 16 : i32
      %mul3A_141 = arith.muli %add3A_71, %mul3A_140 : i32
      %get3A_142 = arith.constant 10 : i32
      %get3A_143 = arith.index_cast %get3A_142 : i32 to index
      %get3A_144 = arith.index_cast %mul3A_141 : i32 to index
      %get3A_145 = tpu.vector_load %arg6[%get3A_143, %get3A_144] {strides = array<i32>} : memref<16x640xf32, #tpu.memory_space<vmem>>, vector<16xf32>,
      %add3A_146 = arith.addf %add3A_139, %get3A_145 : vector<16xf32>
      %mul3A_147 = arith.constant 16 : i32
      %mul3A_148 = arith.muli %add3A_71, %mul3A_147 : i32
      %get3A_149 = arith.constant 11 : i32
      %get3A_150 = arith.index_cast %get3A_149 : i32 to index
      %get3A_151 = arith.index_cast %mul3A_148 : i32 to index
      %get3A_152 = tpu.vector_load %arg6[%get3A_150, %get3A_151] {strides = array<i32>} : memref<16x640xf32, #tpu.memory_space<vmem>>, vector<16xf32>,
      %add3A_153 = arith.addf %add3A_146, %get3A_152 : vector<16xf32>
      %mul3A_154 = arith.constant 16 : i32
      %mul3A_155 = arith.muli %add3A_71, %mul3A_154 : i32
      %get3A_156 = arith.constant 12 : i32
      %get3A_157 = arith.index_cast %get3A_156 : i32 to index
      %get3A_158 = arith.index_cast %mul3A_155 : i32 to index
      %get3A_159 = tpu.vector_load %arg6[%get3A_157, %get3A_158] {strides = array<i32>} : memref<16x640xf32, #tpu.memory_space<vmem>>, vector<16xf32>,
      %add3A_160 = arith.addf %add3A_153, %get3A_159 : vector<16xf32>
      %mul3A_161 = arith.constant 16 : i32
      %mul3A_162 = arith.muli %add3A_71, %mul3A_161 : i32
      %get3A_163 = arith.constant 13 : i32
      %get3A_164 = arith.index_cast %get3A_163 : i32 to index
      %get3A_165 = arith.index_cast %mul3A_162 : i32 to index
      %get3A_166 = tpu.vector_load %arg6[%get3A_164, %get3A_165] {strides = array<i32>} : memref<16x640xf32, #tpu.memory_space<vmem>>, vector<16xf32>,
      %add3A_167 = arith.addf %add3A_160, %get3A_166 : vector<16xf32>
      %mul3A_168 = arith.constant 16 : i32
      %mul3A_169 = arith.muli %add3A_71, %mul3A_168 : i32
      %get3A_170 = arith.constant 14 : i32
      %get3A_171 = arith.index_cast %get3A_170 : i32 to index
      %get3A_172 = arith.index_cast %mul3A_169 : i32 to index
      %get3A_173 = tpu.vector_load %arg6[%get3A_171, %get3A_172] {strides = array<i32>} : memref<16x640xf32, #tpu.memory_space<vmem>>, vector<16xf32>,
      %add3A_174 = arith.addf %add3A_167, %get3A_173 : vector<16xf32>
      %mul3A_175 = arith.constant 16 : i32
      %mul3A_176 = arith.muli %add3A_71, %mul3A_175 : i32
      %get3A_177 = arith.constant 15 : i32
      %get3A_178 = arith.index_cast %get3A_177 : i32 to index
      %get3A_179 = arith.index_cast %mul3A_176 : i32 to index
      %get3A_180 = tpu.vector_load %arg6[%get3A_178, %get3A_179] {strides = array<i32>} : memref<16x640xf32, #tpu.memory_space<vmem>>, vector<16xf32>,
      %add3A_181 = arith.addf %add3A_174, %get3A_180 : vector<16xf32>
      %mul3A_182 = arith.constant 16 : i32
      %mul3A_183 = arith.muli %add3A_71, %mul3A_182 : i32
      %swap3A = arith.index_cast %mul3A_183 : i32 to index
      %swap3A_184 = tpu.vector_load %arg7[%swap3A] {strides = array<i32>} : memref<640xf32, #tpu.memory_space<vmem>>, vector<16xf32>,
      tpu.vector_store %arg7[%swap3A], %add3A_181 {strides = array<i32>} : memref<640xf32, #tpu.memory_space<vmem>>, vector<16xf32>,
    }
    %scan3A_59 = arith.constant 40 : i32
    %scan3A_60 = arith.constant 0 : i32
    %scan3A_61 = arith.constant 40 : i32
    %scan3A_62 = arith.addi %scan3A_60, %scan3A_61 : i32
    %scan3A_63 = arith.constant 1 : i32
    scf.for %scan3A_67 = %scan3A_60 to %scan3A_62 step %scan3A_63  : i32 {
      %mul3A_68 = arith.constant 1 : i32
      %mul3A_69 = arith.muli %scan3A_67, %mul3A_68 : i32
      %add3A_70 = arith.constant 0 : i32
      %add3A_71 = arith.addi %add3A_70, %mul3A_69 : i32
      %mul3A_72 = arith.constant 16 : i32
      %mul3A_73 = arith.muli %add3A_71, %mul3A_72 : i32
      %add3A_74 = arith.constant 0 : i32
      %add3A_75 = arith.addi %mul3A_73, %add3A_74 : i32
      %broadcast_in_dim3A_76 = arith.constant 0 : i32
      %broadcast_in_dim3A_77 = vector.broadcast %broadcast_in_dim3A_76 : i32 to vector<16xi32>
      %add3A_78 = vector.broadcast %add3A_75 : i32 to vector<16xi32>
      %add3A_79 = arith.addi %add3A_78, %broadcast_in_dim3A_77 : vector<16xi32>
      %gather3A = tpu.vector_load_idx %arg7[%add3A_79] : memref<640xf32, #tpu.memory_space<vmem>>[vector<16xi32>], vector<16xf32>,
      %add3A_80 = arith.constant 0 : i32
      %add3A_81 = arith.addi %mul3A_73, %add3A_80 : i32
      %swap3A = arith.index_cast %add3A_81 : i32 to index
      %swap3A_82 = arith.constant 0 : index
      %swap3A_83 = tpu.vector_load %arg8[%swap3A, %swap3A_82] {strides = array<i32>} : memref<640x16xf32, #tpu.memory_space<vmem>>, vector<16xf32>,
      tpu.vector_store %arg8[%swap3A, %swap3A_82], %gather3A {strides = array<i32>} : memref<640x16xf32, #tpu.memory_space<vmem>>, vector<16xf32>,
      %add3A_84 = arith.constant 1 : i32
      %add3A_85 = arith.addi %mul3A_73, %add3A_84 : i32
      %broadcast_in_dim3A_86 = arith.constant 0 : i32
      %broadcast_in_dim3A_87 = vector.broadcast %broadcast_in_dim3A_86 : i32 to vector<16xi32>
      %add3A_88 = vector.broadcast %add3A_85 : i32 to vector<16xi32>
      %add3A_89 = arith.addi %add3A_88, %broadcast_in_dim3A_87 : vector<16xi32>
      %gather3A_90 = tpu.vector_load_idx %arg7[%add3A_89] : memref<640xf32, #tpu.memory_space<vmem>>[vector<16xi32>], vector<16xf32>,
      %add3A_91 = arith.constant 1 : i32
      %add3A_92 = arith.addi %mul3A_73, %add3A_91 : i32
      %swap3A_93 = arith.index_cast %add3A_92 : i32 to index
      %swap3A_94 = arith.constant 0 : index
      %swap3A_95 = tpu.vector_load %arg8[%swap3A_93, %swap3A_94] {strides = array<i32>} : memref<640x16xf32, #tpu.memory_space<vmem>>, vector<16xf32>,
      tpu.vector_store %arg8[%swap3A_93, %swap3A_94], %gather3A_90 {strides = array<i32>} : memref<640x16xf32, #tpu.memory_space<vmem>>, vector<16xf32>,
      %add3A_96 = arith.constant 2 : i32
      %add3A_97 = arith.addi %mul3A_73, %add3A_96 : i32
      %broadcast_in_dim3A_98 = arith.constant 0 : i32
      %broadcast_in_dim3A_99 = vector.broadcast %broadcast_in_dim3A_98 : i32 to vector<16xi32>
      %add3A_100 = vector.broadcast %add3A_97 : i32 to vector<16xi32>
      %add3A_101 = arith.addi %add3A_100, %broadcast_in_dim3A_99 : vector<16xi32>
      %gather3A_102 = tpu.vector_load_idx %arg7[%add3A_101] : memref<640xf32, #tpu.memory_space<vmem>>[vector<16xi32>], vector<16xf32>,
      %add3A_103 = arith.constant 2 : i32
      %add3A_104 = arith.addi %mul3A_73, %add3A_103 : i32
      %swap3A_105 = arith.index_cast %add3A_104 : i32 to index
      %swap3A_106 = arith.constant 0 : index
      %swap3A_107 = tpu.vector_load %arg8[%swap3A_105, %swap3A_106] {strides = array<i32>} : memref<640x16xf32, #tpu.memory_space<vmem>>, vector<16xf32>,
      tpu.vector_store %arg8[%swap3A_105, %swap3A_106], %gather3A_102 {strides = array<i32>} : memref<640x16xf32, #tpu.memory_space<vmem>>, vector<16xf32>,
      %add3A_108 = arith.constant 3 : i32
      %add3A_109 = arith.addi %mul3A_73, %add3A_108 : i32
      %broadcast_in_dim3A_110 = arith.constant 0 : i32
      %broadcast_in_dim3A_111 = vector.broadcast %broadcast_in_dim3A_110 : i32 to vector<16xi32>
      %add3A_112 = vector.broadcast %add3A_109 : i32 to vector<16xi32>
      %add3A_113 = arith.addi %add3A_112, %broadcast_in_dim3A_111 : vector<16xi32>
      %gather3A_114 = tpu.vector_load_idx %arg7[%add3A_113] : memref<640xf32, #tpu.memory_space<vmem>>[vector<16xi32>], vector<16xf32>,
      %add3A_115 = arith.constant 3 : i32
      %add3A_116 = arith.addi %mul3A_73, %add3A_115 : i32
      %swap3A_117 = arith.index_cast %add3A_116 : i32 to index
      %swap3A_118 = arith.constant 0 : index
      %swap3A_119 = tpu.vector_load %arg8[%swap3A_117, %swap3A_118] {strides = array<i32>} : memref<640x16xf32, #tpu.memory_space<vmem>>, vector<16xf32>,
      tpu.vector_store %arg8[%swap3A_117, %swap3A_118], %gather3A_114 {strides = array<i32>} : memref<640x16xf32, #tpu.memory_space<vmem>>, vector<16xf32>,
      %add3A_120 = arith.constant 4 : i32
      %add3A_121 = arith.addi %mul3A_73, %add3A_120 : i32
      %broadcast_in_dim3A_122 = arith.constant 0 : i32
      %broadcast_in_dim3A_123 = vector.broadcast %broadcast_in_dim3A_122 : i32 to vector<16xi32>
      %add3A_124 = vector.broadcast %add3A_121 : i32 to vector<16xi32>
      %add3A_125 = arith.addi %add3A_124, %broadcast_in_dim3A_123 : vector<16xi32>
      %gather3A_126 = tpu.vector_load_idx %arg7[%add3A_125] : memref<640xf32, #tpu.memory_space<vmem>>[vector<16xi32>], vector<16xf32>,
      %add3A_127 = arith.constant 4 : i32
      %add3A_128 = arith.addi %mul3A_73, %add3A_127 : i32
      %swap3A_129 = arith.index_cast %add3A_128 : i32 to index
      %swap3A_130 = arith.constant 0 : index
      %swap3A_131 = tpu.vector_load %arg8[%swap3A_129, %swap3A_130] {strides = array<i32>} : memref<640x16xf32, #tpu.memory_space<vmem>>, vector<16xf32>,
      tpu.vector_store %arg8[%swap3A_129, %swap3A_130], %gather3A_126 {strides = array<i32>} : memref<640x16xf32, #tpu.memory_space<vmem>>, vector<16xf32>,
      %add3A_132 = arith.constant 5 : i32
      %add3A_133 = arith.addi %mul3A_73, %add3A_132 : i32
      %broadcast_in_dim3A_134 = arith.constant 0 : i32
      %broadcast_in_dim3A_135 = vector.broadcast %broadcast_in_dim3A_134 : i32 to vector<16xi32>
      %add3A_136 = vector.broadcast %add3A_133 : i32 to vector<16xi32>
      %add3A_137 = arith.addi %add3A_136, %broadcast_in_dim3A_135 : vector<16xi32>
      %gather3A_138 = tpu.vector_load_idx %arg7[%add3A_137] : memref<640xf32, #tpu.memory_space<vmem>>[vector<16xi32>], vector<16xf32>,
      %add3A_139 = arith.constant 5 : i32
      %add3A_140 = arith.addi %mul3A_73, %add3A_139 : i32
      %swap3A_141 = arith.index_cast %add3A_140 : i32 to index
      %swap3A_142 = arith.constant 0 : index
      %swap3A_143 = tpu.vector_load %arg8[%swap3A_141, %swap3A_142] {strides = array<i32>} : memref<640x16xf32, #tpu.memory_space<vmem>>, vector<16xf32>,
      tpu.vector_store %arg8[%swap3A_141, %swap3A_142], %gather3A_138 {strides = array<i32>} : memref<640x16xf32, #tpu.memory_space<vmem>>, vector<16xf32>,
      %add3A_144 = arith.constant 6 : i32
      %add3A_145 = arith.addi %mul3A_73, %add3A_144 : i32
      %broadcast_in_dim3A_146 = arith.constant 0 : i32
      %broadcast_in_dim3A_147 = vector.broadcast %broadcast_in_dim3A_146 : i32 to vector<16xi32>
      %add3A_148 = vector.broadcast %add3A_145 : i32 to vector<16xi32>
      %add3A_149 = arith.addi %add3A_148, %broadcast_in_dim3A_147 : vector<16xi32>
      %gather3A_150 = tpu.vector_load_idx %arg7[%add3A_149] : memref<640xf32, #tpu.memory_space<vmem>>[vector<16xi32>], vector<16xf32>,
      %add3A_151 = arith.constant 6 : i32
      %add3A_152 = arith.addi %mul3A_73, %add3A_151 : i32
      %swap3A_153 = arith.index_cast %add3A_152 : i32 to index
      %swap3A_154 = arith.constant 0 : index
      %swap3A_155 = tpu.vector_load %arg8[%swap3A_153, %swap3A_154] {strides = array<i32>} : memref<640x16xf32, #tpu.memory_space<vmem>>, vector<16xf32>,
      tpu.vector_store %arg8[%swap3A_153, %swap3A_154], %gather3A_150 {strides = array<i32>} : memref<640x16xf32, #tpu.memory_space<vmem>>, vector<16xf32>,
      %add3A_156 = arith.constant 7 : i32
      %add3A_157 = arith.addi %mul3A_73, %add3A_156 : i32
      %broadcast_in_dim3A_158 = arith.constant 0 : i32
      %broadcast_in_dim3A_159 = vector.broadcast %broadcast_in_dim3A_158 : i32 to vector<16xi32>
      %add3A_160 = vector.broadcast %add3A_157 : i32 to vector<16xi32>
      %add3A_161 = arith.addi %add3A_160, %broadcast_in_dim3A_159 : vector<16xi32>
      %gather3A_162 = tpu.vector_load_idx %arg7[%add3A_161] : memref<640xf32, #tpu.memory_space<vmem>>[vector<16xi32>], vector<16xf32>,
      %add3A_163 = arith.constant 7 : i32
      %add3A_164 = arith.addi %mul3A_73, %add3A_163 : i32
      %swap3A_165 = arith.index_cast %add3A_164 : i32 to index
      %swap3A_166 = arith.constant 0 : index
      %swap3A_167 = tpu.vector_load %arg8[%swap3A_165, %swap3A_166] {strides = array<i32>} : memref<640x16xf32, #tpu.memory_space<vmem>>, vector<16xf32>,
      tpu.vector_store %arg8[%swap3A_165, %swap3A_166], %gather3A_162 {strides = array<i32>} : memref<640x16xf32, #tpu.memory_space<vmem>>, vector<16xf32>,
      %add3A_168 = arith.constant 8 : i32
      %add3A_169 = arith.addi %mul3A_73, %add3A_168 : i32
      %broadcast_in_dim3A_170 = arith.constant 0 : i32
      %broadcast_in_dim3A_171 = vector.broadcast %broadcast_in_dim3A_170 : i32 to vector<16xi32>
      %add3A_172 = vector.broadcast %add3A_169 : i32 to vector<16xi32>
      %add3A_173 = arith.addi %add3A_172, %broadcast_in_dim3A_171 : vector<16xi32>
      %gather3A_174 = tpu.vector_load_idx %arg7[%add3A_173] : memref<640xf32, #tpu.memory_space<vmem>>[vector<16xi32>], vector<16xf32>,
      %add3A_175 = arith.constant 8 : i32
      %add3A_176 = arith.addi %mul3A_73, %add3A_175 : i32
      %swap3A_177 = arith.index_cast %add3A_176 : i32 to index
      %swap3A_178 = arith.constant 0 : index
      %swap3A_179 = tpu.vector_load %arg8[%swap3A_177, %swap3A_178] {strides = array<i32>} : memref<640x16xf32, #tpu.memory_space<vmem>>, vector<16xf32>,
      tpu.vector_store %arg8[%swap3A_177, %swap3A_178], %gather3A_174 {strides = array<i32>} : memref<640x16xf32, #tpu.memory_space<vmem>>, vector<16xf32>,
      %add3A_180 = arith.constant 9 : i32
      %add3A_181 = arith.addi %mul3A_73, %add3A_180 : i32
      %broadcast_in_dim3A_182 = arith.constant 0 : i32
      %broadcast_in_dim3A_183 = vector.broadcast %broadcast_in_dim3A_182 : i32 to vector<16xi32>
      %add3A_184 = vector.broadcast %add3A_181 : i32 to vector<16xi32>
      %add3A_185 = arith.addi %add3A_184, %broadcast_in_dim3A_183 : vector<16xi32>
      %gather3A_186 = tpu.vector_load_idx %arg7[%add3A_185] : memref<640xf32, #tpu.memory_space<vmem>>[vector<16xi32>], vector<16xf32>,
      %add3A_187 = arith.constant 9 : i32
      %add3A_188 = arith.addi %mul3A_73, %add3A_187 : i32
      %swap3A_189 = arith.index_cast %add3A_188 : i32 to index
      %swap3A_190 = arith.constant 0 : index
      %swap3A_191 = tpu.vector_load %arg8[%swap3A_189, %swap3A_190] {strides = array<i32>} : memref<640x16xf32, #tpu.memory_space<vmem>>, vector<16xf32>,
      tpu.vector_store %arg8[%swap3A_189, %swap3A_190], %gather3A_186 {strides = array<i32>} : memref<640x16xf32, #tpu.memory_space<vmem>>, vector<16xf32>,
      %add3A_192 = arith.constant 10 : i32
      %add3A_193 = arith.addi %mul3A_73, %add3A_192 : i32
      %broadcast_in_dim3A_194 = arith.constant 0 : i32
      %broadcast_in_dim3A_195 = vector.broadcast %broadcast_in_dim3A_194 : i32 to vector<16xi32>
      %add3A_196 = vector.broadcast %add3A_193 : i32 to vector<16xi32>
      %add3A_197 = arith.addi %add3A_196, %broadcast_in_dim3A_195 : vector<16xi32>
      %gather3A_198 = tpu.vector_load_idx %arg7[%add3A_197] : memref<640xf32, #tpu.memory_space<vmem>>[vector<16xi32>], vector<16xf32>,
      %add3A_199 = arith.constant 10 : i32
      %add3A_200 = arith.addi %mul3A_73, %add3A_199 : i32
      %swap3A_201 = arith.index_cast %add3A_200 : i32 to index
      %swap3A_202 = arith.constant 0 : index
      %swap3A_203 = tpu.vector_load %arg8[%swap3A_201, %swap3A_202] {strides = array<i32>} : memref<640x16xf32, #tpu.memory_space<vmem>>, vector<16xf32>,
      tpu.vector_store %arg8[%swap3A_201, %swap3A_202], %gather3A_198 {strides = array<i32>} : memref<640x16xf32, #tpu.memory_space<vmem>>, vector<16xf32>,
      %add3A_204 = arith.constant 11 : i32
      %add3A_205 = arith.addi %mul3A_73, %add3A_204 : i32
      %broadcast_in_dim3A_206 = arith.constant 0 : i32
      %broadcast_in_dim3A_207 = vector.broadcast %broadcast_in_dim3A_206 : i32 to vector<16xi32>
      %add3A_208 = vector.broadcast %add3A_205 : i32 to vector<16xi32>
      %add3A_209 = arith.addi %add3A_208, %broadcast_in_dim3A_207 : vector<16xi32>
      %gather3A_210 = tpu.vector_load_idx %arg7[%add3A_209] : memref<640xf32, #tpu.memory_space<vmem>>[vector<16xi32>], vector<16xf32>,
      %add3A_211 = arith.constant 11 : i32
      %add3A_212 = arith.addi %mul3A_73, %add3A_211 : i32
      %swap3A_213 = arith.index_cast %add3A_212 : i32 to index
      %swap3A_214 = arith.constant 0 : index
      %swap3A_215 = tpu.vector_load %arg8[%swap3A_213, %swap3A_214] {strides = array<i32>} : memref<640x16xf32, #tpu.memory_space<vmem>>, vector<16xf32>,
      tpu.vector_store %arg8[%swap3A_213, %swap3A_214], %gather3A_210 {strides = array<i32>} : memref<640x16xf32, #tpu.memory_space<vmem>>, vector<16xf32>,
      %add3A_216 = arith.constant 12 : i32
      %add3A_217 = arith.addi %mul3A_73, %add3A_216 : i32
      %broadcast_in_dim3A_218 = arith.constant 0 : i32
      %broadcast_in_dim3A_219 = vector.broadcast %broadcast_in_dim3A_218 : i32 to vector<16xi32>
      %add3A_220 = vector.broadcast %add3A_217 : i32 to vector<16xi32>
      %add3A_221 = arith.addi %add3A_220, %broadcast_in_dim3A_219 : vector<16xi32>
      %gather3A_222 = tpu.vector_load_idx %arg7[%add3A_221] : memref<640xf32, #tpu.memory_space<vmem>>[vector<16xi32>], vector<16xf32>,
      %add3A_223 = arith.constant 12 : i32
      %add3A_224 = arith.addi %mul3A_73, %add3A_223 : i32
      %swap3A_225 = arith.index_cast %add3A_224 : i32 to index
      %swap3A_226 = arith.constant 0 : index
      %swap3A_227 = tpu.vector_load %arg8[%swap3A_225, %swap3A_226] {strides = array<i32>} : memref<640x16xf32, #tpu.memory_space<vmem>>, vector<16xf32>,
      tpu.vector_store %arg8[%swap3A_225, %swap3A_226], %gather3A_222 {strides = array<i32>} : memref<640x16xf32, #tpu.memory_space<vmem>>, vector<16xf32>,
      %add3A_228 = arith.constant 13 : i32
      %add3A_229 = arith.addi %mul3A_73, %add3A_228 : i32
      %broadcast_in_dim3A_230 = arith.constant 0 : i32
      %broadcast_in_dim3A_231 = vector.broadcast %broadcast_in_dim3A_230 : i32 to vector<16xi32>
      %add3A_232 = vector.broadcast %add3A_229 : i32 to vector<16xi32>
      %add3A_233 = arith.addi %add3A_232, %broadcast_in_dim3A_231 : vector<16xi32>
      %gather3A_234 = tpu.vector_load_idx %arg7[%add3A_233] : memref<640xf32, #tpu.memory_space<vmem>>[vector<16xi32>], vector<16xf32>,
      %add3A_235 = arith.constant 13 : i32
      %add3A_236 = arith.addi %mul3A_73, %add3A_235 : i32
      %swap3A_237 = arith.index_cast %add3A_236 : i32 to index
      %swap3A_238 = arith.constant 0 : index
      %swap3A_239 = tpu.vector_load %arg8[%swap3A_237, %swap3A_238] {strides = array<i32>} : memref<640x16xf32, #tpu.memory_space<vmem>>, vector<16xf32>,
      tpu.vector_store %arg8[%swap3A_237, %swap3A_238], %gather3A_234 {strides = array<i32>} : memref<640x16xf32, #tpu.memory_space<vmem>>, vector<16xf32>,
      %add3A_240 = arith.constant 14 : i32
      %add3A_241 = arith.addi %mul3A_73, %add3A_240 : i32
      %broadcast_in_dim3A_242 = arith.constant 0 : i32
      %broadcast_in_dim3A_243 = vector.broadcast %broadcast_in_dim3A_242 : i32 to vector<16xi32>
      %add3A_244 = vector.broadcast %add3A_241 : i32 to vector<16xi32>
      %add3A_245 = arith.addi %add3A_244, %broadcast_in_dim3A_243 : vector<16xi32>
      %gather3A_246 = tpu.vector_load_idx %arg7[%add3A_245] : memref<640xf32, #tpu.memory_space<vmem>>[vector<16xi32>], vector<16xf32>,
      %add3A_247 = arith.constant 14 : i32
      %add3A_248 = arith.addi %mul3A_73, %add3A_247 : i32
      %swap3A_249 = arith.index_cast %add3A_248 : i32 to index
      %swap3A_250 = arith.constant 0 : index
      %swap3A_251 = tpu.vector_load %arg8[%swap3A_249, %swap3A_250] {strides = array<i32>} : memref<640x16xf32, #tpu.memory_space<vmem>>, vector<16xf32>,
      tpu.vector_store %arg8[%swap3A_249, %swap3A_250], %gather3A_246 {strides = array<i32>} : memref<640x16xf32, #tpu.memory_space<vmem>>, vector<16xf32>,
      %add3A_252 = arith.constant 15 : i32
      %add3A_253 = arith.addi %mul3A_73, %add3A_252 : i32
      %broadcast_in_dim3A_254 = arith.constant 0 : i32
      %broadcast_in_dim3A_255 = vector.broadcast %broadcast_in_dim3A_254 : i32 to vector<16xi32>
      %add3A_256 = vector.broadcast %add3A_253 : i32 to vector<16xi32>
      %add3A_257 = arith.addi %add3A_256, %broadcast_in_dim3A_255 : vector<16xi32>
      %gather3A_258 = tpu.vector_load_idx %arg7[%add3A_257] : memref<640xf32, #tpu.memory_space<vmem>>[vector<16xi32>], vector<16xf32>,
      %add3A_259 = arith.constant 15 : i32
      %add3A_260 = arith.addi %mul3A_73, %add3A_259 : i32
      %swap3A_261 = arith.index_cast %add3A_260 : i32 to index
      %swap3A_262 = arith.constant 0 : index
      %swap3A_263 = tpu.vector_load %arg8[%swap3A_261, %swap3A_262] {strides = array<i32>} : memref<640x16xf32, #tpu.memory_space<vmem>>, vector<16xf32>,
      tpu.vector_store %arg8[%swap3A_261, %swap3A_262], %gather3A_258 {strides = array<i32>} : memref<640x16xf32, #tpu.memory_space<vmem>>, vector<16xf32>,
    }
    %scan3A_64 = arith.constant 40 : i32
    %mul3A_65 = arith.constant 640 : i32
    %mul3A_66 = arith.muli %arg1, %mul3A_65 : i32
    "tpu.region"() ({
      %run_scoped3A = tpu.sem_alloc : memref<!tpu.dma_semaphore, #tpu.memory_space<semaphore_mem>>
      %dma_start3A = arith.constant 0 : i32
      %dma_start3A_67 = tpu.memref_slice %arg3[%arg0, %mul3A_66, %dma_start3A] : memref<2x10240x16xf32, #tpu.memory_space<hbm>> -> memref<1x640x16xf32, #tpu.memory_space<hbm>>
      %dma_start3A_68 = tpu.memref_squeeze %dma_start3A_67 : memref<1x640x16xf32, #tpu.memory_space<hbm>> -> memref<640x16xf32, #tpu.memory_space<hbm>>
      %dma_start3A_69 = arith.constant 0 : i32
      %dma_start3A_70 = tpu.memref_slice %arg3[%arg0, %mul3A_66, %dma_start3A_69] : memref<2x10240x16xf32, #tpu.memory_space<hbm>> -> memref<1x640x16xf32, #tpu.memory_space<hbm>>
      %dma_start3A_71 = tpu.memref_squeeze %dma_start3A_70 : memref<1x640x16xf32, #tpu.memory_space<hbm>> -> memref<640x16xf32, #tpu.memory_space<hbm>>
      tpu.enqueue_dma source(%arg8 : memref<640x16xf32, #tpu.memory_space<vmem>>) target(%dma_start3A_71 : memref<640x16xf32, #tpu.memory_space<hbm>>) target_semaphore(%run_scoped3A : memref<!tpu.dma_semaphore, #tpu.memory_space<semaphore_mem>>)
      %dma_wait3A = arith.constant 0 : i32
      %dma_wait3A_72 = tpu.memref_slice %arg3[%arg0, %mul3A_66, %dma_wait3A] : memref<2x10240x16xf32, #tpu.memory_space<hbm>> -> memref<1x640x16xf32, #tpu.memory_space<hbm>>
      %dma_wait3A_73 = tpu.memref_squeeze %dma_wait3A_72 : memref<1x640x16xf32, #tpu.memory_space<hbm>> -> memref<640x16xf32, #tpu.memory_space<hbm>>
      %dma_wait3A_74 = arith.constant 0 : i32
      %dma_wait3A_75 = tpu.memref_slice %arg3[%arg0, %mul3A_66, %dma_wait3A_74] : memref<2x10240x16xf32, #tpu.memory_space<hbm>> -> memref<1x640x16xf32, #tpu.memory_space<hbm>>
      %dma_wait3A_76 = tpu.memref_squeeze %dma_wait3A_75 : memref<1x640x16xf32, #tpu.memory_space<hbm>> -> memref<640x16xf32, #tpu.memory_space<hbm>>
      tpu.wait_dma2 semaphore(%run_scoped3A : memref<!tpu.dma_semaphore, #tpu.memory_space<semaphore_mem>>) src(%arg8 : memref<640x16xf32, #tpu.memory_space<vmem>>) dst(%dma_wait3A_76 : memref<640x16xf32, #tpu.memory_space<hbm>>)
      tpu.yield
    }) : () -> ()
    return
  }
}

#map = affine_map<(d0, d1) -> (0, 0)>
#map1 = affine_map<(d0, d1) -> (0)>
#map2 = affine_map<(d0, d1) -> (0, 0, 0)>
module attributes {stable_mosaic.version = 14 : i64} {
  func.func @_scat_body(%arg0: i32, %arg1: i32, %arg2: memref<10000x128xf32, #tpu.memory_space<hbm>>, %arg3: memref<320000xi32, #tpu.memory_space<hbm>>, %arg4: memref<320000xi32, #tpu.memory_space<hbm>>, %arg5: memref<2x10240x128xf32, #tpu.memory_space<hbm>>, %arg6: memref<80xi32, #tpu.memory_space<vmem>>, %arg7: memref<80xi32, #tpu.memory_space<vmem>>, %arg8: memref<80xi32, #tpu.memory_space<vmem>>, %arg9: memref<80xi32, #tpu.memory_space<vmem>>, %arg10: memref<80xi32, #tpu.memory_space<vmem>>, %arg11: memref<80xi32, #tpu.memory_space<vmem>>, %arg12: memref<80x128xf32, #tpu.memory_space<vmem>>, %arg13: memref<80x128xf32, #tpu.memory_space<vmem>>, %arg14: memref<80x128xf32, #tpu.memory_space<vmem>>, %arg15: memref<10240x128xf32, #tpu.memory_space<vmem_shared>>, %arg16: memref<!tpu.dma_semaphore, #tpu.memory_space<semaphore_mem>>, %arg17: memref<!tpu.dma_semaphore, #tpu.memory_space<semaphore_mem>>, %arg18: memref<!tpu.dma_semaphore, #tpu.memory_space<semaphore_mem>>) attributes {dimension_semantics = [#tpu.dimension_semantics<core_parallel>, #tpu.dimension_semantics<subcore_parallel>], iteration_bounds = array<i64: 2, 16>, scalar_prefetch = 0 : i64, scratch_operands = 13 : i64, tpu.core_type = #tpu.core_type<sc_vector_subcore>, window_params = [{transform_indices = #map}, {transform_indices = #map1}, {transform_indices = #map1}, {transform_indices = #map2}]} {
    %mul3A = arith.constant 16 : i32
    %mul3A_0 = arith.muli %arg0, %mul3A : i32
    %add3A = arith.addi %mul3A_0, %arg1 : i32
    %scan3A = arith.constant 0 : i32
    %scan3A_1 = arith.constant 80 : i32
    %scan3A_2 = arith.addi %scan3A, %scan3A_1 : i32
    %scan3A_3 = arith.constant 1 : i32
    scf.for %scan3A_68 = %scan3A to %scan3A_2 step %scan3A_3  : i32 {
      %mul3A_69 = arith.constant 1 : i32
      %mul3A_70 = arith.muli %scan3A_68, %mul3A_69 : i32
      %add3A_71 = arith.constant 0 : i32
      %add3A_72 = arith.addi %add3A_71, %mul3A_70 : i32
      %broadcast_in_dim3A = arith.constant 0.000000e+00 : f32
      %broadcast_in_dim3A_73 = vector.broadcast %broadcast_in_dim3A : f32 to vector<16xf32>
      %swap3A = arith.index_cast %add3A_72 : i32 to index
      %swap3A_74 = arith.constant 0 : index
      %swap3A_75 = tpu.vector_load %arg12[%swap3A, %swap3A_74] {strides = array<i32>} : memref<80x128xf32, #tpu.memory_space<vmem>>, vector<1x16xf32>,
      %swap3A_76 = vector.shape_cast %swap3A_75 : vector<1x16xf32> to vector<16xf32>
      %swap3A_77 = vector.shape_cast %broadcast_in_dim3A_73 : vector<16xf32> to vector<1x16xf32>
      tpu.vector_store %arg12[%swap3A, %swap3A_74], %swap3A_77 {strides = array<i32>} : memref<80x128xf32, #tpu.memory_space<vmem>>, vector<1x16xf32>,
      %broadcast_in_dim3A_78 = arith.constant 0.000000e+00 : f32
      %broadcast_in_dim3A_79 = vector.broadcast %broadcast_in_dim3A_78 : f32 to vector<16xf32>
      %swap3A_80 = arith.index_cast %add3A_72 : i32 to index
      %swap3A_81 = arith.constant 16 : index
      %swap3A_82 = tpu.vector_load %arg12[%swap3A_80, %swap3A_81] {strides = array<i32>} : memref<80x128xf32, #tpu.memory_space<vmem>>, vector<1x16xf32>,
      %swap3A_83 = vector.shape_cast %swap3A_82 : vector<1x16xf32> to vector<16xf32>
      %swap3A_84 = vector.shape_cast %broadcast_in_dim3A_79 : vector<16xf32> to vector<1x16xf32>
      tpu.vector_store %arg12[%swap3A_80, %swap3A_81], %swap3A_84 {strides = array<i32>} : memref<80x128xf32, #tpu.memory_space<vmem>>, vector<1x16xf32>,
      %broadcast_in_dim3A_85 = arith.constant 0.000000e+00 : f32
      %broadcast_in_dim3A_86 = vector.broadcast %broadcast_in_dim3A_85 : f32 to vector<16xf32>
      %swap3A_87 = arith.index_cast %add3A_72 : i32 to index
      %swap3A_88 = arith.constant 32 : index
      %swap3A_89 = tpu.vector_load %arg12[%swap3A_87, %swap3A_88] {strides = array<i32>} : memref<80x128xf32, #tpu.memory_space<vmem>>, vector<1x16xf32>,
      %swap3A_90 = vector.shape_cast %swap3A_89 : vector<1x16xf32> to vector<16xf32>
      %swap3A_91 = vector.shape_cast %broadcast_in_dim3A_86 : vector<16xf32> to vector<1x16xf32>
      tpu.vector_store %arg12[%swap3A_87, %swap3A_88], %swap3A_91 {strides = array<i32>} : memref<80x128xf32, #tpu.memory_space<vmem>>, vector<1x16xf32>,
      %broadcast_in_dim3A_92 = arith.constant 0.000000e+00 : f32
      %broadcast_in_dim3A_93 = vector.broadcast %broadcast_in_dim3A_92 : f32 to vector<16xf32>
      %swap3A_94 = arith.index_cast %add3A_72 : i32 to index
      %swap3A_95 = arith.constant 48 : index
      %swap3A_96 = tpu.vector_load %arg12[%swap3A_94, %swap3A_95] {strides = array<i32>} : memref<80x128xf32, #tpu.memory_space<vmem>>, vector<1x16xf32>,
      %swap3A_97 = vector.shape_cast %swap3A_96 : vector<1x16xf32> to vector<16xf32>
      %swap3A_98 = vector.shape_cast %broadcast_in_dim3A_93 : vector<16xf32> to vector<1x16xf32>
      tpu.vector_store %arg12[%swap3A_94, %swap3A_95], %swap3A_98 {strides = array<i32>} : memref<80x128xf32, #tpu.memory_space<vmem>>, vector<1x16xf32>,
      %broadcast_in_dim3A_99 = arith.constant 0.000000e+00 : f32
      %broadcast_in_dim3A_100 = vector.broadcast %broadcast_in_dim3A_99 : f32 to vector<16xf32>
      %swap3A_101 = arith.index_cast %add3A_72 : i32 to index
      %swap3A_102 = arith.constant 64 : index
      %swap3A_103 = tpu.vector_load %arg12[%swap3A_101, %swap3A_102] {strides = array<i32>} : memref<80x128xf32, #tpu.memory_space<vmem>>, vector<1x16xf32>,
      %swap3A_104 = vector.shape_cast %swap3A_103 : vector<1x16xf32> to vector<16xf32>
      %swap3A_105 = vector.shape_cast %broadcast_in_dim3A_100 : vector<16xf32> to vector<1x16xf32>
      tpu.vector_store %arg12[%swap3A_101, %swap3A_102], %swap3A_105 {strides = array<i32>} : memref<80x128xf32, #tpu.memory_space<vmem>>, vector<1x16xf32>,
      %broadcast_in_dim3A_106 = arith.constant 0.000000e+00 : f32
      %broadcast_in_dim3A_107 = vector.broadcast %broadcast_in_dim3A_106 : f32 to vector<16xf32>
      %swap3A_108 = arith.index_cast %add3A_72 : i32 to index
      %swap3A_109 = arith.constant 80 : index
      %swap3A_110 = tpu.vector_load %arg12[%swap3A_108, %swap3A_109] {strides = array<i32>} : memref<80x128xf32, #tpu.memory_space<vmem>>, vector<1x16xf32>,
      %swap3A_111 = vector.shape_cast %swap3A_110 : vector<1x16xf32> to vector<16xf32>
      %swap3A_112 = vector.shape_cast %broadcast_in_dim3A_107 : vector<16xf32> to vector<1x16xf32>
      tpu.vector_store %arg12[%swap3A_108, %swap3A_109], %swap3A_112 {strides = array<i32>} : memref<80x128xf32, #tpu.memory_space<vmem>>, vector<1x16xf32>,
      %broadcast_in_dim3A_113 = arith.constant 0.000000e+00 : f32
      %broadcast_in_dim3A_114 = vector.broadcast %broadcast_in_dim3A_113 : f32 to vector<16xf32>
      %swap3A_115 = arith.index_cast %add3A_72 : i32 to index
      %swap3A_116 = arith.constant 96 : index
      %swap3A_117 = tpu.vector_load %arg12[%swap3A_115, %swap3A_116] {strides = array<i32>} : memref<80x128xf32, #tpu.memory_space<vmem>>, vector<1x16xf32>,
      %swap3A_118 = vector.shape_cast %swap3A_117 : vector<1x16xf32> to vector<16xf32>
      %swap3A_119 = vector.shape_cast %broadcast_in_dim3A_114 : vector<16xf32> to vector<1x16xf32>
      tpu.vector_store %arg12[%swap3A_115, %swap3A_116], %swap3A_119 {strides = array<i32>} : memref<80x128xf32, #tpu.memory_space<vmem>>, vector<1x16xf32>,
      %broadcast_in_dim3A_120 = arith.constant 0.000000e+00 : f32
      %broadcast_in_dim3A_121 = vector.broadcast %broadcast_in_dim3A_120 : f32 to vector<16xf32>
      %swap3A_122 = arith.index_cast %add3A_72 : i32 to index
      %swap3A_123 = arith.constant 112 : index
      %swap3A_124 = tpu.vector_load %arg12[%swap3A_122, %swap3A_123] {strides = array<i32>} : memref<80x128xf32, #tpu.memory_space<vmem>>, vector<1x16xf32>,
      %swap3A_125 = vector.shape_cast %swap3A_124 : vector<1x16xf32> to vector<16xf32>
      %swap3A_126 = vector.shape_cast %broadcast_in_dim3A_121 : vector<16xf32> to vector<1x16xf32>
      tpu.vector_store %arg12[%swap3A_122, %swap3A_123], %swap3A_126 {strides = array<i32>} : memref<80x128xf32, #tpu.memory_space<vmem>>, vector<1x16xf32>,
    }
    %scan3A_4 = arith.constant 80 : i32
    %scan3A_5 = arith.constant 0 : i32
    %scan3A_6 = arith.constant 8 : i32
    %scan3A_7 = arith.addi %scan3A_5, %scan3A_6 : i32
    %scan3A_8 = arith.constant 1 : i32
    scf.for %scan3A_68 = %scan3A_5 to %scan3A_7 step %scan3A_8  : i32 {
      %mul3A_69 = arith.constant 1 : i32
      %mul3A_70 = arith.muli %scan3A_68, %mul3A_69 : i32
      %add3A_71 = arith.constant 0 : i32
      %add3A_72 = arith.addi %add3A_71, %mul3A_70 : i32
      %mul3A_73 = arith.constant 640 : i32
      %mul3A_74 = arith.muli %arg1, %mul3A_73 : i32
      %mul3A_75 = arith.constant 80 : i32
      %mul3A_76 = arith.muli %add3A_72, %mul3A_75 : i32
      %add3A_77 = arith.addi %mul3A_74, %mul3A_76 : i32
      "tpu.region"() ({
        %run_scoped3A = tpu.sem_alloc : memref<!tpu.dma_semaphore, #tpu.memory_space<semaphore_mem>>
        %dma_start3A_78 = arith.constant 0 : i32
        %dma_start3A_79 = tpu.memref_slice %arg15[%add3A_77, %dma_start3A_78] : memref<10240x128xf32, #tpu.memory_space<vmem_shared>> -> memref<80x128xf32, #tpu.memory_space<vmem_shared>>
        %dma_start3A_80 = arith.constant 0 : i32
        %dma_start3A_81 = tpu.memref_slice %arg15[%add3A_77, %dma_start3A_80] : memref<10240x128xf32, #tpu.memory_space<vmem_shared>> -> memref<80x128xf32, #tpu.memory_space<vmem_shared>>
        tpu.enqueue_dma source(%arg12 : memref<80x128xf32, #tpu.memory_space<vmem>>) target(%dma_start3A_81 : memref<80x128xf32, #tpu.memory_space<vmem_shared>>) target_semaphore(%run_scoped3A : memref<!tpu.dma_semaphore, #tpu.memory_space<semaphore_mem>>)
        %dma_wait3A_82 = arith.constant 0 : i32
        %dma_wait3A_83 = tpu.memref_slice %arg15[%add3A_77, %dma_wait3A_82] : memref<10240x128xf32, #tpu.memory_space<vmem_shared>> -> memref<80x128xf32, #tpu.memory_space<vmem_shared>>
        %dma_wait3A_84 = arith.constant 0 : i32
        %dma_wait3A_85 = tpu.memref_slice %arg15[%add3A_77, %dma_wait3A_84] : memref<10240x128xf32, #tpu.memory_space<vmem_shared>> -> memref<80x128xf32, #tpu.memory_space<vmem_shared>>
        tpu.wait_dma2 semaphore(%run_scoped3A : memref<!tpu.dma_semaphore, #tpu.memory_space<semaphore_mem>>) src(%arg12 : memref<80x128xf32, #tpu.memory_space<vmem>>) dst(%dma_wait3A_85 : memref<80x128xf32, #tpu.memory_space<vmem_shared>>)
        tpu.yield
      }) : () -> ()
    }
    %scan3A_9 = arith.constant 8 : i32
    %barrier3A = arith.constant 0 : index
    tpu.barrier barrier_id(%barrier3A)
    %mul3A_10 = arith.constant 10000 : i32
    %mul3A_11 = arith.muli %add3A, %mul3A_10 : i32
    %add3A_12 = arith.constant 0 : i32
    %add3A_13 = arith.addi %mul3A_11, %add3A_12 : i32
    "tpu.region"() ({
      %run_scoped3A = tpu.sem_alloc : memref<!tpu.dma_semaphore, #tpu.memory_space<semaphore_mem>>
      %dma_start3A_68 = tpu.memref_slice %arg3[%add3A_13] : memref<320000xi32, #tpu.memory_space<hbm>> -> memref<80xi32, #tpu.memory_space<hbm>>
      %dma_start3A_69 = tpu.memref_slice %arg3[%add3A_13] : memref<320000xi32, #tpu.memory_space<hbm>> -> memref<80xi32, #tpu.memory_space<hbm>>
      tpu.enqueue_dma source(%dma_start3A_69 : memref<80xi32, #tpu.memory_space<hbm>>) target(%arg6 : memref<80xi32, #tpu.memory_space<vmem>>) target_semaphore(%run_scoped3A : memref<!tpu.dma_semaphore, #tpu.memory_space<semaphore_mem>>)
      %dma_wait3A_70 = tpu.memref_slice %arg3[%add3A_13] : memref<320000xi32, #tpu.memory_space<hbm>> -> memref<80xi32, #tpu.memory_space<hbm>>
      %dma_wait3A_71 = tpu.memref_slice %arg3[%add3A_13] : memref<320000xi32, #tpu.memory_space<hbm>> -> memref<80xi32, #tpu.memory_space<hbm>>
      tpu.wait_dma2 semaphore(%run_scoped3A : memref<!tpu.dma_semaphore, #tpu.memory_space<semaphore_mem>>) src(%dma_wait3A_71 : memref<80xi32, #tpu.memory_space<hbm>>) dst(%arg6 : memref<80xi32, #tpu.memory_space<vmem>>)
      tpu.yield
    }) : () -> ()
    "tpu.region"() ({
      %run_scoped3A = tpu.sem_alloc : memref<!tpu.dma_semaphore, #tpu.memory_space<semaphore_mem>>
      %dma_start3A_68 = tpu.memref_slice %arg4[%add3A_13] : memref<320000xi32, #tpu.memory_space<hbm>> -> memref<80xi32, #tpu.memory_space<hbm>>
      %dma_start3A_69 = tpu.memref_slice %arg4[%add3A_13] : memref<320000xi32, #tpu.memory_space<hbm>> -> memref<80xi32, #tpu.memory_space<hbm>>
      tpu.enqueue_dma source(%dma_start3A_69 : memref<80xi32, #tpu.memory_space<hbm>>) target(%arg7 : memref<80xi32, #tpu.memory_space<vmem>>) target_semaphore(%run_scoped3A : memref<!tpu.dma_semaphore, #tpu.memory_space<semaphore_mem>>)
      %dma_wait3A_70 = tpu.memref_slice %arg4[%add3A_13] : memref<320000xi32, #tpu.memory_space<hbm>> -> memref<80xi32, #tpu.memory_space<hbm>>
      %dma_wait3A_71 = tpu.memref_slice %arg4[%add3A_13] : memref<320000xi32, #tpu.memory_space<hbm>> -> memref<80xi32, #tpu.memory_space<hbm>>
      tpu.wait_dma2 semaphore(%run_scoped3A : memref<!tpu.dma_semaphore, #tpu.memory_space<semaphore_mem>>) src(%dma_wait3A_71 : memref<80xi32, #tpu.memory_space<hbm>>) dst(%arg7 : memref<80xi32, #tpu.memory_space<vmem>>)
      tpu.yield
    }) : () -> ()
    %dma_start3A = arith.constant 0 : i32
    %dma_start3A_14 = arith.constant 0 : i32
    %dma_start3A_15 = tpu.memref_slice %arg2[%dma_start3A, %dma_start3A_14] : memref<10000x128xf32, #tpu.memory_space<hbm>> -> memref<10000x128xf32, #tpu.memory_space<hbm>>
    tpu.enqueue_indirect_dma source(%dma_start3A_15 : memref<10000x128xf32, #tpu.memory_space<hbm>>) target(%arg12 : memref<80x128xf32, #tpu.memory_space<vmem>>) offsets(%arg6 : memref<80xi32, #tpu.memory_space<vmem>>) semaphore(%arg16 : memref<!tpu.dma_semaphore, #tpu.memory_space<semaphore_mem>>)
    %mul3A_16 = arith.constant 10000 : i32
    %mul3A_17 = arith.muli %add3A, %mul3A_16 : i32
    %add3A_18 = arith.constant 80 : i32
    %add3A_19 = arith.addi %mul3A_17, %add3A_18 : i32
    "tpu.region"() ({
      %run_scoped3A = tpu.sem_alloc : memref<!tpu.dma_semaphore, #tpu.memory_space<semaphore_mem>>
      %dma_start3A_68 = tpu.memref_slice %arg3[%add3A_19] : memref<320000xi32, #tpu.memory_space<hbm>> -> memref<80xi32, #tpu.memory_space<hbm>>
      %dma_start3A_69 = tpu.memref_slice %arg3[%add3A_19] : memref<320000xi32, #tpu.memory_space<hbm>> -> memref<80xi32, #tpu.memory_space<hbm>>
      tpu.enqueue_dma source(%dma_start3A_69 : memref<80xi32, #tpu.memory_space<hbm>>) target(%arg8 : memref<80xi32, #tpu.memory_space<vmem>>) target_semaphore(%run_scoped3A : memref<!tpu.dma_semaphore, #tpu.memory_space<semaphore_mem>>)
      %dma_wait3A_70 = tpu.memref_slice %arg3[%add3A_19] : memref<320000xi32, #tpu.memory_space<hbm>> -> memref<80xi32, #tpu.memory_space<hbm>>
      %dma_wait3A_71 = tpu.memref_slice %arg3[%add3A_19] : memref<320000xi32, #tpu.memory_space<hbm>> -> memref<80xi32, #tpu.memory_space<hbm>>
      tpu.wait_dma2 semaphore(%run_scoped3A : memref<!tpu.dma_semaphore, #tpu.memory_space<semaphore_mem>>) src(%dma_wait3A_71 : memref<80xi32, #tpu.memory_space<hbm>>) dst(%arg8 : memref<80xi32, #tpu.memory_space<vmem>>)
      tpu.yield
    }) : () -> ()
    "tpu.region"() ({
      %run_scoped3A = tpu.sem_alloc : memref<!tpu.dma_semaphore, #tpu.memory_space<semaphore_mem>>
      %dma_start3A_68 = tpu.memref_slice %arg4[%add3A_19] : memref<320000xi32, #tpu.memory_space<hbm>> -> memref<80xi32, #tpu.memory_space<hbm>>
      %dma_start3A_69 = tpu.memref_slice %arg4[%add3A_19] : memref<320000xi32, #tpu.memory_space<hbm>> -> memref<80xi32, #tpu.memory_space<hbm>>
      tpu.enqueue_dma source(%dma_start3A_69 : memref<80xi32, #tpu.memory_space<hbm>>) target(%arg9 : memref<80xi32, #tpu.memory_space<vmem>>) target_semaphore(%run_scoped3A : memref<!tpu.dma_semaphore, #tpu.memory_space<semaphore_mem>>)
      %dma_wait3A_70 = tpu.memref_slice %arg4[%add3A_19] : memref<320000xi32, #tpu.memory_space<hbm>> -> memref<80xi32, #tpu.memory_space<hbm>>
      %dma_wait3A_71 = tpu.memref_slice %arg4[%add3A_19] : memref<320000xi32, #tpu.memory_space<hbm>> -> memref<80xi32, #tpu.memory_space<hbm>>
      tpu.wait_dma2 semaphore(%run_scoped3A : memref<!tpu.dma_semaphore, #tpu.memory_space<semaphore_mem>>) src(%dma_wait3A_71 : memref<80xi32, #tpu.memory_space<hbm>>) dst(%arg9 : memref<80xi32, #tpu.memory_space<vmem>>)
      tpu.yield
    }) : () -> ()
    %dma_start3A_20 = arith.constant 0 : i32
    %dma_start3A_21 = arith.constant 0 : i32
    %dma_start3A_22 = tpu.memref_slice %arg2[%dma_start3A_20, %dma_start3A_21] : memref<10000x128xf32, #tpu.memory_space<hbm>> -> memref<10000x128xf32, #tpu.memory_space<hbm>>
    tpu.enqueue_indirect_dma source(%dma_start3A_22 : memref<10000x128xf32, #tpu.memory_space<hbm>>) target(%arg13 : memref<80x128xf32, #tpu.memory_space<vmem>>) offsets(%arg8 : memref<80xi32, #tpu.memory_space<vmem>>) semaphore(%arg17 : memref<!tpu.dma_semaphore, #tpu.memory_space<semaphore_mem>>)
    %mul3A_23 = arith.constant 10000 : i32
    %mul3A_24 = arith.muli %add3A, %mul3A_23 : i32
    %add3A_25 = arith.constant 160 : i32
    %add3A_26 = arith.addi %mul3A_24, %add3A_25 : i32
    "tpu.region"() ({
      %run_scoped3A = tpu.sem_alloc : memref<!tpu.dma_semaphore, #tpu.memory_space<semaphore_mem>>
      %dma_start3A_68 = tpu.memref_slice %arg3[%add3A_26] : memref<320000xi32, #tpu.memory_space<hbm>> -> memref<80xi32, #tpu.memory_space<hbm>>
      %dma_start3A_69 = tpu.memref_slice %arg3[%add3A_26] : memref<320000xi32, #tpu.memory_space<hbm>> -> memref<80xi32, #tpu.memory_space<hbm>>
      tpu.enqueue_dma source(%dma_start3A_69 : memref<80xi32, #tpu.memory_space<hbm>>) target(%arg10 : memref<80xi32, #tpu.memory_space<vmem>>) target_semaphore(%run_scoped3A : memref<!tpu.dma_semaphore, #tpu.memory_space<semaphore_mem>>)
      %dma_wait3A_70 = tpu.memref_slice %arg3[%add3A_26] : memref<320000xi32, #tpu.memory_space<hbm>> -> memref<80xi32, #tpu.memory_space<hbm>>
      %dma_wait3A_71 = tpu.memref_slice %arg3[%add3A_26] : memref<320000xi32, #tpu.memory_space<hbm>> -> memref<80xi32, #tpu.memory_space<hbm>>
      tpu.wait_dma2 semaphore(%run_scoped3A : memref<!tpu.dma_semaphore, #tpu.memory_space<semaphore_mem>>) src(%dma_wait3A_71 : memref<80xi32, #tpu.memory_space<hbm>>) dst(%arg10 : memref<80xi32, #tpu.memory_space<vmem>>)
      tpu.yield
    }) : () -> ()
    "tpu.region"() ({
      %run_scoped3A = tpu.sem_alloc : memref<!tpu.dma_semaphore, #tpu.memory_space<semaphore_mem>>
      %dma_start3A_68 = tpu.memref_slice %arg4[%add3A_26] : memref<320000xi32, #tpu.memory_space<hbm>> -> memref<80xi32, #tpu.memory_space<hbm>>
      %dma_start3A_69 = tpu.memref_slice %arg4[%add3A_26] : memref<320000xi32, #tpu.memory_space<hbm>> -> memref<80xi32, #tpu.memory_space<hbm>>
      tpu.enqueue_dma source(%dma_start3A_69 : memref<80xi32, #tpu.memory_space<hbm>>) target(%arg11 : memref<80xi32, #tpu.memory_space<vmem>>) target_semaphore(%run_scoped3A : memref<!tpu.dma_semaphore, #tpu.memory_space<semaphore_mem>>)
      %dma_wait3A_70 = tpu.memref_slice %arg4[%add3A_26] : memref<320000xi32, #tpu.memory_space<hbm>> -> memref<80xi32, #tpu.memory_space<hbm>>
      %dma_wait3A_71 = tpu.memref_slice %arg4[%add3A_26] : memref<320000xi32, #tpu.memory_space<hbm>> -> memref<80xi32, #tpu.memory_space<hbm>>
      tpu.wait_dma2 semaphore(%run_scoped3A : memref<!tpu.dma_semaphore, #tpu.memory_space<semaphore_mem>>) src(%dma_wait3A_71 : memref<80xi32, #tpu.memory_space<hbm>>) dst(%arg11 : memref<80xi32, #tpu.memory_space<vmem>>)
      tpu.yield
    }) : () -> ()
    %dma_start3A_27 = arith.constant 0 : i32
    %dma_start3A_28 = arith.constant 0 : i32
    %dma_start3A_29 = tpu.memref_slice %arg2[%dma_start3A_27, %dma_start3A_28] : memref<10000x128xf32, #tpu.memory_space<hbm>> -> memref<10000x128xf32, #tpu.memory_space<hbm>>
    tpu.enqueue_indirect_dma source(%dma_start3A_29 : memref<10000x128xf32, #tpu.memory_space<hbm>>) target(%arg14 : memref<80x128xf32, #tpu.memory_space<vmem>>) offsets(%arg10 : memref<80xi32, #tpu.memory_space<vmem>>) semaphore(%arg18 : memref<!tpu.dma_semaphore, #tpu.memory_space<semaphore_mem>>)
    %scan3A_30 = arith.constant 0 : i32
    %scan3A_31 = arith.constant 40 : i32
    %scan3A_32 = arith.addi %scan3A_30, %scan3A_31 : i32
    %scan3A_33 = arith.constant 1 : i32
    scf.for %scan3A_68 = %scan3A_30 to %scan3A_32 step %scan3A_33  : i32 {
      %mul3A_69 = arith.constant 3 : i32
      %mul3A_70 = arith.muli %scan3A_68, %mul3A_69 : i32
      %add3A_71 = arith.constant 0 : i32
      %add3A_72 = arith.addi %add3A_71, %mul3A_70 : i32
      %dma_wait3A_73 = arith.constant 0 : i32
      %dma_wait3A_74 = arith.constant 0 : i32
      %dma_wait3A_75 = tpu.memref_slice %arg2[%dma_wait3A_73, %dma_wait3A_74] : memref<10000x128xf32, #tpu.memory_space<hbm>> -> memref<10000x128xf32, #tpu.memory_space<hbm>>
      tpu.wait_indirect_dma semaphore(%arg16 : memref<!tpu.dma_semaphore, #tpu.memory_space<semaphore_mem>>) src(%dma_wait3A_75 : memref<10000x128xf32, #tpu.memory_space<hbm>>) dst(%arg12 : memref<80x128xf32, #tpu.memory_space<vmem>>)
      "tpu.region"() ({
        %run_scoped3A = tpu.sem_alloc : memref<!tpu.dma_semaphore, #tpu.memory_space<semaphore_mem>>
        %dma_start3A_118 = arith.constant 0 : i32
        %dma_start3A_119 = arith.constant 0 : i32
        %dma_start3A_120 = tpu.memref_slice %arg15[%dma_start3A_118, %dma_start3A_119] : memref<10240x128xf32, #tpu.memory_space<vmem_shared>> -> memref<10240x128xf32, #tpu.memory_space<vmem_shared>>
        tpu.enqueue_indirect_dma source(%arg12 : memref<80x128xf32, #tpu.memory_space<vmem>>) target(%dma_start3A_120 : memref<10240x128xf32, #tpu.memory_space<vmem_shared>>) offsets(%arg7 : memref<80xi32, #tpu.memory_space<vmem>>) semaphore(%run_scoped3A : memref<!tpu.dma_semaphore, #tpu.memory_space<semaphore_mem>>) {add = true}
        %dma_wait3A_121 = arith.constant 0 : i32
        %dma_wait3A_122 = arith.constant 0 : i32
        %dma_wait3A_123 = tpu.memref_slice %arg15[%dma_wait3A_121, %dma_wait3A_122] : memref<10240x128xf32, #tpu.memory_space<vmem_shared>> -> memref<10240x128xf32, #tpu.memory_space<vmem_shared>>
        tpu.wait_indirect_dma semaphore(%run_scoped3A : memref<!tpu.dma_semaphore, #tpu.memory_space<semaphore_mem>>) src(%arg12 : memref<80x128xf32, #tpu.memory_space<vmem>>) dst(%dma_wait3A_123 : memref<10240x128xf32, #tpu.memory_space<vmem_shared>>)
        tpu.yield
      }) : () -> ()
      %add3A_76 = arith.constant 3 : i32
      %add3A_77 = arith.addi %add3A_72, %add3A_76 : i32
      %add3A_78 = arith.constant 0 : i32
      %add3A_79 = arith.addi %add3A_77, %add3A_78 : i32
      %mul3A_80 = arith.constant 10000 : i32
      %mul3A_81 = arith.muli %add3A, %mul3A_80 : i32
      %mul3A_82 = arith.constant 80 : i32
      %mul3A_83 = arith.muli %add3A_79, %mul3A_82 : i32
      %add3A_84 = arith.addi %mul3A_81, %mul3A_83 : i32
      "tpu.region"() ({
        %run_scoped3A = tpu.sem_alloc : memref<!tpu.dma_semaphore, #tpu.memory_space<semaphore_mem>>
        %dma_start3A_118 = tpu.memref_slice %arg3[%add3A_84] : memref<320000xi32, #tpu.memory_space<hbm>> -> memref<80xi32, #tpu.memory_space<hbm>>
        %dma_start3A_119 = tpu.memref_slice %arg3[%add3A_84] : memref<320000xi32, #tpu.memory_space<hbm>> -> memref<80xi32, #tpu.memory_space<hbm>>
        tpu.enqueue_dma source(%dma_start3A_119 : memref<80xi32, #tpu.memory_space<hbm>>) target(%arg6 : memref<80xi32, #tpu.memory_space<vmem>>) target_semaphore(%run_scoped3A : memref<!tpu.dma_semaphore, #tpu.memory_space<semaphore_mem>>)
        %dma_wait3A_120 = tpu.memref_slice %arg3[%add3A_84] : memref<320000xi32, #tpu.memory_space<hbm>> -> memref<80xi32, #tpu.memory_space<hbm>>
        %dma_wait3A_121 = tpu.memref_slice %arg3[%add3A_84] : memref<320000xi32, #tpu.memory_space<hbm>> -> memref<80xi32, #tpu.memory_space<hbm>>
        tpu.wait_dma2 semaphore(%run_scoped3A : memref<!tpu.dma_semaphore, #tpu.memory_space<semaphore_mem>>) src(%dma_wait3A_121 : memref<80xi32, #tpu.memory_space<hbm>>) dst(%arg6 : memref<80xi32, #tpu.memory_space<vmem>>)
        tpu.yield
      }) : () -> ()
      "tpu.region"() ({
        %run_scoped3A = tpu.sem_alloc : memref<!tpu.dma_semaphore, #tpu.memory_space<semaphore_mem>>
        %dma_start3A_118 = tpu.memref_slice %arg4[%add3A_84] : memref<320000xi32, #tpu.memory_space<hbm>> -> memref<80xi32, #tpu.memory_space<hbm>>
        %dma_start3A_119 = tpu.memref_slice %arg4[%add3A_84] : memref<320000xi32, #tpu.memory_space<hbm>> -> memref<80xi32, #tpu.memory_space<hbm>>
        tpu.enqueue_dma source(%dma_start3A_119 : memref<80xi32, #tpu.memory_space<hbm>>) target(%arg7 : memref<80xi32, #tpu.memory_space<vmem>>) target_semaphore(%run_scoped3A : memref<!tpu.dma_semaphore, #tpu.memory_space<semaphore_mem>>)
        %dma_wait3A_120 = tpu.memref_slice %arg4[%add3A_84] : memref<320000xi32, #tpu.memory_space<hbm>> -> memref<80xi32, #tpu.memory_space<hbm>>
        %dma_wait3A_121 = tpu.memref_slice %arg4[%add3A_84] : memref<320000xi32, #tpu.memory_space<hbm>> -> memref<80xi32, #tpu.memory_space<hbm>>
        tpu.wait_dma2 semaphore(%run_scoped3A : memref<!tpu.dma_semaphore, #tpu.memory_space<semaphore_mem>>) src(%dma_wait3A_121 : memref<80xi32, #tpu.memory_space<hbm>>) dst(%arg7 : memref<80xi32, #tpu.memory_space<vmem>>)
        tpu.yield
      }) : () -> ()
      %dma_start3A_85 = arith.constant 0 : i32
      %dma_start3A_86 = arith.constant 0 : i32
      %dma_start3A_87 = tpu.memref_slice %arg2[%dma_start3A_85, %dma_start3A_86] : memref<10000x128xf32, #tpu.memory_space<hbm>> -> memref<10000x128xf32, #tpu.memory_space<hbm>>
      tpu.enqueue_indirect_dma source(%dma_start3A_87 : memref<10000x128xf32, #tpu.memory_space<hbm>>) target(%arg12 : memref<80x128xf32, #tpu.memory_space<vmem>>) offsets(%arg6 : memref<80xi32, #tpu.memory_space<vmem>>) semaphore(%arg16 : memref<!tpu.dma_semaphore, #tpu.memory_space<semaphore_mem>>)
      %dma_wait3A_88 = arith.constant 0 : i32
      %dma_wait3A_89 = arith.constant 0 : i32
      %dma_wait3A_90 = tpu.memref_slice %arg2[%dma_wait3A_88, %dma_wait3A_89] : memref<10000x128xf32, #tpu.memory_space<hbm>> -> memref<10000x128xf32, #tpu.memory_space<hbm>>
      tpu.wait_indirect_dma semaphore(%arg17 : memref<!tpu.dma_semaphore, #tpu.memory_space<semaphore_mem>>) src(%dma_wait3A_90 : memref<10000x128xf32, #tpu.memory_space<hbm>>) dst(%arg13 : memref<80x128xf32, #tpu.memory_space<vmem>>)
      "tpu.region"() ({
        %run_scoped3A = tpu.sem_alloc : memref<!tpu.dma_semaphore, #tpu.memory_space<semaphore_mem>>
        %dma_start3A_118 = arith.constant 0 : i32
        %dma_start3A_119 = arith.constant 0 : i32
        %dma_start3A_120 = tpu.memref_slice %arg15[%dma_start3A_118, %dma_start3A_119] : memref<10240x128xf32, #tpu.memory_space<vmem_shared>> -> memref<10240x128xf32, #tpu.memory_space<vmem_shared>>
        tpu.enqueue_indirect_dma source(%arg13 : memref<80x128xf32, #tpu.memory_space<vmem>>) target(%dma_start3A_120 : memref<10240x128xf32, #tpu.memory_space<vmem_shared>>) offsets(%arg9 : memref<80xi32, #tpu.memory_space<vmem>>) semaphore(%run_scoped3A : memref<!tpu.dma_semaphore, #tpu.memory_space<semaphore_mem>>) {add = true}
        %dma_wait3A_121 = arith.constant 0 : i32
        %dma_wait3A_122 = arith.constant 0 : i32
        %dma_wait3A_123 = tpu.memref_slice %arg15[%dma_wait3A_121, %dma_wait3A_122] : memref<10240x128xf32, #tpu.memory_space<vmem_shared>> -> memref<10240x128xf32, #tpu.memory_space<vmem_shared>>
        tpu.wait_indirect_dma semaphore(%run_scoped3A : memref<!tpu.dma_semaphore, #tpu.memory_space<semaphore_mem>>) src(%arg13 : memref<80x128xf32, #tpu.memory_space<vmem>>) dst(%dma_wait3A_123 : memref<10240x128xf32, #tpu.memory_space<vmem_shared>>)
        tpu.yield
      }) : () -> ()
      %add3A_91 = arith.constant 3 : i32
      %add3A_92 = arith.addi %add3A_72, %add3A_91 : i32
      %add3A_93 = arith.constant 1 : i32
      %add3A_94 = arith.addi %add3A_92, %add3A_93 : i32
      %mul3A_95 = arith.constant 10000 : i32
      %mul3A_96 = arith.muli %add3A, %mul3A_95 : i32
      %mul3A_97 = arith.constant 80 : i32
      %mul3A_98 = arith.muli %add3A_94, %mul3A_97 : i32
      %add3A_99 = arith.addi %mul3A_96, %mul3A_98 : i32
      "tpu.region"() ({
        %run_scoped3A = tpu.sem_alloc : memref<!tpu.dma_semaphore, #tpu.memory_space<semaphore_mem>>
        %dma_start3A_118 = tpu.memref_slice %arg3[%add3A_99] : memref<320000xi32, #tpu.memory_space<hbm>> -> memref<80xi32, #tpu.memory_space<hbm>>
        %dma_start3A_119 = tpu.memref_slice %arg3[%add3A_99] : memref<320000xi32, #tpu.memory_space<hbm>> -> memref<80xi32, #tpu.memory_space<hbm>>
        tpu.enqueue_dma source(%dma_start3A_119 : memref<80xi32, #tpu.memory_space<hbm>>) target(%arg8 : memref<80xi32, #tpu.memory_space<vmem>>) target_semaphore(%run_scoped3A : memref<!tpu.dma_semaphore, #tpu.memory_space<semaphore_mem>>)
        %dma_wait3A_120 = tpu.memref_slice %arg3[%add3A_99] : memref<320000xi32, #tpu.memory_space<hbm>> -> memref<80xi32, #tpu.memory_space<hbm>>
        %dma_wait3A_121 = tpu.memref_slice %arg3[%add3A_99] : memref<320000xi32, #tpu.memory_space<hbm>> -> memref<80xi32, #tpu.memory_space<hbm>>
        tpu.wait_dma2 semaphore(%run_scoped3A : memref<!tpu.dma_semaphore, #tpu.memory_space<semaphore_mem>>) src(%dma_wait3A_121 : memref<80xi32, #tpu.memory_space<hbm>>) dst(%arg8 : memref<80xi32, #tpu.memory_space<vmem>>)
        tpu.yield
      }) : () -> ()
      "tpu.region"() ({
        %run_scoped3A = tpu.sem_alloc : memref<!tpu.dma_semaphore, #tpu.memory_space<semaphore_mem>>
        %dma_start3A_118 = tpu.memref_slice %arg4[%add3A_99] : memref<320000xi32, #tpu.memory_space<hbm>> -> memref<80xi32, #tpu.memory_space<hbm>>
        %dma_start3A_119 = tpu.memref_slice %arg4[%add3A_99] : memref<320000xi32, #tpu.memory_space<hbm>> -> memref<80xi32, #tpu.memory_space<hbm>>
        tpu.enqueue_dma source(%dma_start3A_119 : memref<80xi32, #tpu.memory_space<hbm>>) target(%arg9 : memref<80xi32, #tpu.memory_space<vmem>>) target_semaphore(%run_scoped3A : memref<!tpu.dma_semaphore, #tpu.memory_space<semaphore_mem>>)
        %dma_wait3A_120 = tpu.memref_slice %arg4[%add3A_99] : memref<320000xi32, #tpu.memory_space<hbm>> -> memref<80xi32, #tpu.memory_space<hbm>>
        %dma_wait3A_121 = tpu.memref_slice %arg4[%add3A_99] : memref<320000xi32, #tpu.memory_space<hbm>> -> memref<80xi32, #tpu.memory_space<hbm>>
        tpu.wait_dma2 semaphore(%run_scoped3A : memref<!tpu.dma_semaphore, #tpu.memory_space<semaphore_mem>>) src(%dma_wait3A_121 : memref<80xi32, #tpu.memory_space<hbm>>) dst(%arg9 : memref<80xi32, #tpu.memory_space<vmem>>)
        tpu.yield
      }) : () -> ()
      %dma_start3A_100 = arith.constant 0 : i32
      %dma_start3A_101 = arith.constant 0 : i32
      %dma_start3A_102 = tpu.memref_slice %arg2[%dma_start3A_100, %dma_start3A_101] : memref<10000x128xf32, #tpu.memory_space<hbm>> -> memref<10000x128xf32, #tpu.memory_space<hbm>>
      tpu.enqueue_indirect_dma source(%dma_start3A_102 : memref<10000x128xf32, #tpu.memory_space<hbm>>) target(%arg13 : memref<80x128xf32, #tpu.memory_space<vmem>>) offsets(%arg8 : memref<80xi32, #tpu.memory_space<vmem>>) semaphore(%arg17 : memref<!tpu.dma_semaphore, #tpu.memory_space<semaphore_mem>>)
      %dma_wait3A_103 = arith.constant 0 : i32
      %dma_wait3A_104 = arith.constant 0 : i32
      %dma_wait3A_105 = tpu.memref_slice %arg2[%dma_wait3A_103, %dma_wait3A_104] : memref<10000x128xf32, #tpu.memory_space<hbm>> -> memref<10000x128xf32, #tpu.memory_space<hbm>>
      tpu.wait_indirect_dma semaphore(%arg18 : memref<!tpu.dma_semaphore, #tpu.memory_space<semaphore_mem>>) src(%dma_wait3A_105 : memref<10000x128xf32, #tpu.memory_space<hbm>>) dst(%arg14 : memref<80x128xf32, #tpu.memory_space<vmem>>)
      "tpu.region"() ({
        %run_scoped3A = tpu.sem_alloc : memref<!tpu.dma_semaphore, #tpu.memory_space<semaphore_mem>>
        %dma_start3A_118 = arith.constant 0 : i32
        %dma_start3A_119 = arith.constant 0 : i32
        %dma_start3A_120 = tpu.memref_slice %arg15[%dma_start3A_118, %dma_start3A_119] : memref<10240x128xf32, #tpu.memory_space<vmem_shared>> -> memref<10240x128xf32, #tpu.memory_space<vmem_shared>>
        tpu.enqueue_indirect_dma source(%arg14 : memref<80x128xf32, #tpu.memory_space<vmem>>) target(%dma_start3A_120 : memref<10240x128xf32, #tpu.memory_space<vmem_shared>>) offsets(%arg11 : memref<80xi32, #tpu.memory_space<vmem>>) semaphore(%run_scoped3A : memref<!tpu.dma_semaphore, #tpu.memory_space<semaphore_mem>>) {add = true}
        %dma_wait3A_121 = arith.constant 0 : i32
        %dma_wait3A_122 = arith.constant 0 : i32
        %dma_wait3A_123 = tpu.memref_slice %arg15[%dma_wait3A_121, %dma_wait3A_122] : memref<10240x128xf32, #tpu.memory_space<vmem_shared>> -> memref<10240x128xf32, #tpu.memory_space<vmem_shared>>
        tpu.wait_indirect_dma semaphore(%run_scoped3A : memref<!tpu.dma_semaphore, #tpu.memory_space<semaphore_mem>>) src(%arg14 : memref<80x128xf32, #tpu.memory_space<vmem>>) dst(%dma_wait3A_123 : memref<10240x128xf32, #tpu.memory_space<vmem_shared>>)
        tpu.yield
      }) : () -> ()
      %add3A_106 = arith.constant 3 : i32
      %add3A_107 = arith.addi %add3A_72, %add3A_106 : i32
      %add3A_108 = arith.constant 2 : i32
      %add3A_109 = arith.addi %add3A_107, %add3A_108 : i32
      %mul3A_110 = arith.constant 10000 : i32
      %mul3A_111 = arith.muli %add3A, %mul3A_110 : i32
      %mul3A_112 = arith.constant 80 : i32
      %mul3A_113 = arith.muli %add3A_109, %mul3A_112 : i32
      %add3A_114 = arith.addi %mul3A_111, %mul3A_113 : i32
      "tpu.region"() ({
        %run_scoped3A = tpu.sem_alloc : memref<!tpu.dma_semaphore, #tpu.memory_space<semaphore_mem>>
        %dma_start3A_118 = tpu.memref_slice %arg3[%add3A_114] : memref<320000xi32, #tpu.memory_space<hbm>> -> memref<80xi32, #tpu.memory_space<hbm>>
        %dma_start3A_119 = tpu.memref_slice %arg3[%add3A_114] : memref<320000xi32, #tpu.memory_space<hbm>> -> memref<80xi32, #tpu.memory_space<hbm>>
        tpu.enqueue_dma source(%dma_start3A_119 : memref<80xi32, #tpu.memory_space<hbm>>) target(%arg10 : memref<80xi32, #tpu.memory_space<vmem>>) target_semaphore(%run_scoped3A : memref<!tpu.dma_semaphore, #tpu.memory_space<semaphore_mem>>)
        %dma_wait3A_120 = tpu.memref_slice %arg3[%add3A_114] : memref<320000xi32, #tpu.memory_space<hbm>> -> memref<80xi32, #tpu.memory_space<hbm>>
        %dma_wait3A_121 = tpu.memref_slice %arg3[%add3A_114] : memref<320000xi32, #tpu.memory_space<hbm>> -> memref<80xi32, #tpu.memory_space<hbm>>
        tpu.wait_dma2 semaphore(%run_scoped3A : memref<!tpu.dma_semaphore, #tpu.memory_space<semaphore_mem>>) src(%dma_wait3A_121 : memref<80xi32, #tpu.memory_space<hbm>>) dst(%arg10 : memref<80xi32, #tpu.memory_space<vmem>>)
        tpu.yield
      }) : () -> ()
      "tpu.region"() ({
        %run_scoped3A = tpu.sem_alloc : memref<!tpu.dma_semaphore, #tpu.memory_space<semaphore_mem>>
        %dma_start3A_118 = tpu.memref_slice %arg4[%add3A_114] : memref<320000xi32, #tpu.memory_space<hbm>> -> memref<80xi32, #tpu.memory_space<hbm>>
        %dma_start3A_119 = tpu.memref_slice %arg4[%add3A_114] : memref<320000xi32, #tpu.memory_space<hbm>> -> memref<80xi32, #tpu.memory_space<hbm>>
        tpu.enqueue_dma source(%dma_start3A_119 : memref<80xi32, #tpu.memory_space<hbm>>) target(%arg11 : memref<80xi32, #tpu.memory_space<vmem>>) target_semaphore(%run_scoped3A : memref<!tpu.dma_semaphore, #tpu.memory_space<semaphore_mem>>)
        %dma_wait3A_120 = tpu.memref_slice %arg4[%add3A_114] : memref<320000xi32, #tpu.memory_space<hbm>> -> memref<80xi32, #tpu.memory_space<hbm>>
        %dma_wait3A_121 = tpu.memref_slice %arg4[%add3A_114] : memref<320000xi32, #tpu.memory_space<hbm>> -> memref<80xi32, #tpu.memory_space<hbm>>
        tpu.wait_dma2 semaphore(%run_scoped3A : memref<!tpu.dma_semaphore, #tpu.memory_space<semaphore_mem>>) src(%dma_wait3A_121 : memref<80xi32, #tpu.memory_space<hbm>>) dst(%arg11 : memref<80xi32, #tpu.memory_space<vmem>>)
        tpu.yield
      }) : () -> ()
      %dma_start3A_115 = arith.constant 0 : i32
      %dma_start3A_116 = arith.constant 0 : i32
      %dma_start3A_117 = tpu.memref_slice %arg2[%dma_start3A_115, %dma_start3A_116] : memref<10000x128xf32, #tpu.memory_space<hbm>> -> memref<10000x128xf32, #tpu.memory_space<hbm>>
      tpu.enqueue_indirect_dma source(%dma_start3A_117 : memref<10000x128xf32, #tpu.memory_space<hbm>>) target(%arg14 : memref<80x128xf32, #tpu.memory_space<vmem>>) offsets(%arg10 : memref<80xi32, #tpu.memory_space<vmem>>) semaphore(%arg18 : memref<!tpu.dma_semaphore, #tpu.memory_space<semaphore_mem>>)
    }
    %scan3A_34 = arith.constant 40 : i32
    %dma_wait3A = arith.constant 0 : i32
    %dma_wait3A_35 = arith.constant 0 : i32
    %dma_wait3A_36 = tpu.memref_slice %arg2[%dma_wait3A, %dma_wait3A_35] : memref<10000x128xf32, #tpu.memory_space<hbm>> -> memref<10000x128xf32, #tpu.memory_space<hbm>>
    tpu.wait_indirect_dma semaphore(%arg16 : memref<!tpu.dma_semaphore, #tpu.memory_space<semaphore_mem>>) src(%dma_wait3A_36 : memref<10000x128xf32, #tpu.memory_space<hbm>>) dst(%arg12 : memref<80x128xf32, #tpu.memory_space<vmem>>)
    "tpu.region"() ({
      %run_scoped3A = tpu.sem_alloc : memref<!tpu.dma_semaphore, #tpu.memory_space<semaphore_mem>>
      %dma_start3A_68 = arith.constant 0 : i32
      %dma_start3A_69 = arith.constant 0 : i32
      %dma_start3A_70 = tpu.memref_slice %arg15[%dma_start3A_68, %dma_start3A_69] : memref<10240x128xf32, #tpu.memory_space<vmem_shared>> -> memref<10240x128xf32, #tpu.memory_space<vmem_shared>>
      tpu.enqueue_indirect_dma source(%arg12 : memref<80x128xf32, #tpu.memory_space<vmem>>) target(%dma_start3A_70 : memref<10240x128xf32, #tpu.memory_space<vmem_shared>>) offsets(%arg7 : memref<80xi32, #tpu.memory_space<vmem>>) semaphore(%run_scoped3A : memref<!tpu.dma_semaphore, #tpu.memory_space<semaphore_mem>>) {add = true}
      %dma_wait3A_71 = arith.constant 0 : i32
      %dma_wait3A_72 = arith.constant 0 : i32
      %dma_wait3A_73 = tpu.memref_slice %arg15[%dma_wait3A_71, %dma_wait3A_72] : memref<10240x128xf32, #tpu.memory_space<vmem_shared>> -> memref<10240x128xf32, #tpu.memory_space<vmem_shared>>
      tpu.wait_indirect_dma semaphore(%run_scoped3A : memref<!tpu.dma_semaphore, #tpu.memory_space<semaphore_mem>>) src(%arg12 : memref<80x128xf32, #tpu.memory_space<vmem>>) dst(%dma_wait3A_73 : memref<10240x128xf32, #tpu.memory_space<vmem_shared>>)
      tpu.yield
    }) : () -> ()
    %mul3A_37 = arith.constant 10000 : i32
    %mul3A_38 = arith.muli %add3A, %mul3A_37 : i32
    %add3A_39 = arith.constant 9840 : i32
    %add3A_40 = arith.addi %mul3A_38, %add3A_39 : i32
    "tpu.region"() ({
      %run_scoped3A = tpu.sem_alloc : memref<!tpu.dma_semaphore, #tpu.memory_space<semaphore_mem>>
      %dma_start3A_68 = tpu.memref_slice %arg3[%add3A_40] : memref<320000xi32, #tpu.memory_space<hbm>> -> memref<80xi32, #tpu.memory_space<hbm>>
      %dma_start3A_69 = tpu.memref_slice %arg3[%add3A_40] : memref<320000xi32, #tpu.memory_space<hbm>> -> memref<80xi32, #tpu.memory_space<hbm>>
      tpu.enqueue_dma source(%dma_start3A_69 : memref<80xi32, #tpu.memory_space<hbm>>) target(%arg6 : memref<80xi32, #tpu.memory_space<vmem>>) target_semaphore(%run_scoped3A : memref<!tpu.dma_semaphore, #tpu.memory_space<semaphore_mem>>)
      %dma_wait3A_70 = tpu.memref_slice %arg3[%add3A_40] : memref<320000xi32, #tpu.memory_space<hbm>> -> memref<80xi32, #tpu.memory_space<hbm>>
      %dma_wait3A_71 = tpu.memref_slice %arg3[%add3A_40] : memref<320000xi32, #tpu.memory_space<hbm>> -> memref<80xi32, #tpu.memory_space<hbm>>
      tpu.wait_dma2 semaphore(%run_scoped3A : memref<!tpu.dma_semaphore, #tpu.memory_space<semaphore_mem>>) src(%dma_wait3A_71 : memref<80xi32, #tpu.memory_space<hbm>>) dst(%arg6 : memref<80xi32, #tpu.memory_space<vmem>>)
      tpu.yield
    }) : () -> ()
    "tpu.region"() ({
      %run_scoped3A = tpu.sem_alloc : memref<!tpu.dma_semaphore, #tpu.memory_space<semaphore_mem>>
      %dma_start3A_68 = tpu.memref_slice %arg4[%add3A_40] : memref<320000xi32, #tpu.memory_space<hbm>> -> memref<80xi32, #tpu.memory_space<hbm>>
      %dma_start3A_69 = tpu.memref_slice %arg4[%add3A_40] : memref<320000xi32, #tpu.memory_space<hbm>> -> memref<80xi32, #tpu.memory_space<hbm>>
      tpu.enqueue_dma source(%dma_start3A_69 : memref<80xi32, #tpu.memory_space<hbm>>) target(%arg7 : memref<80xi32, #tpu.memory_space<vmem>>) target_semaphore(%run_scoped3A : memref<!tpu.dma_semaphore, #tpu.memory_space<semaphore_mem>>)
      %dma_wait3A_70 = tpu.memref_slice %arg4[%add3A_40] : memref<320000xi32, #tpu.memory_space<hbm>> -> memref<80xi32, #tpu.memory_space<hbm>>
      %dma_wait3A_71 = tpu.memref_slice %arg4[%add3A_40] : memref<320000xi32, #tpu.memory_space<hbm>> -> memref<80xi32, #tpu.memory_space<hbm>>
      tpu.wait_dma2 semaphore(%run_scoped3A : memref<!tpu.dma_semaphore, #tpu.memory_space<semaphore_mem>>) src(%dma_wait3A_71 : memref<80xi32, #tpu.memory_space<hbm>>) dst(%arg7 : memref<80xi32, #tpu.memory_space<vmem>>)
      tpu.yield
    }) : () -> ()
    %dma_start3A_41 = arith.constant 0 : i32
    %dma_start3A_42 = arith.constant 0 : i32
    %dma_start3A_43 = tpu.memref_slice %arg2[%dma_start3A_41, %dma_start3A_42] : memref<10000x128xf32, #tpu.memory_space<hbm>> -> memref<10000x128xf32, #tpu.memory_space<hbm>>
    tpu.enqueue_indirect_dma source(%dma_start3A_43 : memref<10000x128xf32, #tpu.memory_space<hbm>>) target(%arg12 : memref<80x128xf32, #tpu.memory_space<vmem>>) offsets(%arg6 : memref<80xi32, #tpu.memory_space<vmem>>) semaphore(%arg16 : memref<!tpu.dma_semaphore, #tpu.memory_space<semaphore_mem>>)
    %dma_wait3A_44 = arith.constant 0 : i32
    %dma_wait3A_45 = arith.constant 0 : i32
    %dma_wait3A_46 = tpu.memref_slice %arg2[%dma_wait3A_44, %dma_wait3A_45] : memref<10000x128xf32, #tpu.memory_space<hbm>> -> memref<10000x128xf32, #tpu.memory_space<hbm>>
    tpu.wait_indirect_dma semaphore(%arg17 : memref<!tpu.dma_semaphore, #tpu.memory_space<semaphore_mem>>) src(%dma_wait3A_46 : memref<10000x128xf32, #tpu.memory_space<hbm>>) dst(%arg13 : memref<80x128xf32, #tpu.memory_space<vmem>>)
    "tpu.region"() ({
      %run_scoped3A = tpu.sem_alloc : memref<!tpu.dma_semaphore, #tpu.memory_space<semaphore_mem>>
      %dma_start3A_68 = arith.constant 0 : i32
      %dma_start3A_69 = arith.constant 0 : i32
      %dma_start3A_70 = tpu.memref_slice %arg15[%dma_start3A_68, %dma_start3A_69] : memref<10240x128xf32, #tpu.memory_space<vmem_shared>> -> memref<10240x128xf32, #tpu.memory_space<vmem_shared>>
      tpu.enqueue_indirect_dma source(%arg13 : memref<80x128xf32, #tpu.memory_space<vmem>>) target(%dma_start3A_70 : memref<10240x128xf32, #tpu.memory_space<vmem_shared>>) offsets(%arg9 : memref<80xi32, #tpu.memory_space<vmem>>) semaphore(%run_scoped3A : memref<!tpu.dma_semaphore, #tpu.memory_space<semaphore_mem>>) {add = true}
      %dma_wait3A_71 = arith.constant 0 : i32
      %dma_wait3A_72 = arith.constant 0 : i32
      %dma_wait3A_73 = tpu.memref_slice %arg15[%dma_wait3A_71, %dma_wait3A_72] : memref<10240x128xf32, #tpu.memory_space<vmem_shared>> -> memref<10240x128xf32, #tpu.memory_space<vmem_shared>>
      tpu.wait_indirect_dma semaphore(%run_scoped3A : memref<!tpu.dma_semaphore, #tpu.memory_space<semaphore_mem>>) src(%arg13 : memref<80x128xf32, #tpu.memory_space<vmem>>) dst(%dma_wait3A_73 : memref<10240x128xf32, #tpu.memory_space<vmem_shared>>)
      tpu.yield
    }) : () -> ()
    %mul3A_47 = arith.constant 10000 : i32
    %mul3A_48 = arith.muli %add3A, %mul3A_47 : i32
    %add3A_49 = arith.constant 9920 : i32
    %add3A_50 = arith.addi %mul3A_48, %add3A_49 : i32
    "tpu.region"() ({
      %run_scoped3A = tpu.sem_alloc : memref<!tpu.dma_semaphore, #tpu.memory_space<semaphore_mem>>
      %dma_start3A_68 = tpu.memref_slice %arg3[%add3A_50] : memref<320000xi32, #tpu.memory_space<hbm>> -> memref<80xi32, #tpu.memory_space<hbm>>
      %dma_start3A_69 = tpu.memref_slice %arg3[%add3A_50] : memref<320000xi32, #tpu.memory_space<hbm>> -> memref<80xi32, #tpu.memory_space<hbm>>
      tpu.enqueue_dma source(%dma_start3A_69 : memref<80xi32, #tpu.memory_space<hbm>>) target(%arg8 : memref<80xi32, #tpu.memory_space<vmem>>) target_semaphore(%run_scoped3A : memref<!tpu.dma_semaphore, #tpu.memory_space<semaphore_mem>>)
      %dma_wait3A_70 = tpu.memref_slice %arg3[%add3A_50] : memref<320000xi32, #tpu.memory_space<hbm>> -> memref<80xi32, #tpu.memory_space<hbm>>
      %dma_wait3A_71 = tpu.memref_slice %arg3[%add3A_50] : memref<320000xi32, #tpu.memory_space<hbm>> -> memref<80xi32, #tpu.memory_space<hbm>>
      tpu.wait_dma2 semaphore(%run_scoped3A : memref<!tpu.dma_semaphore, #tpu.memory_space<semaphore_mem>>) src(%dma_wait3A_71 : memref<80xi32, #tpu.memory_space<hbm>>) dst(%arg8 : memref<80xi32, #tpu.memory_space<vmem>>)
      tpu.yield
    }) : () -> ()
    "tpu.region"() ({
      %run_scoped3A = tpu.sem_alloc : memref<!tpu.dma_semaphore, #tpu.memory_space<semaphore_mem>>
      %dma_start3A_68 = tpu.memref_slice %arg4[%add3A_50] : memref<320000xi32, #tpu.memory_space<hbm>> -> memref<80xi32, #tpu.memory_space<hbm>>
      %dma_start3A_69 = tpu.memref_slice %arg4[%add3A_50] : memref<320000xi32, #tpu.memory_space<hbm>> -> memref<80xi32, #tpu.memory_space<hbm>>
      tpu.enqueue_dma source(%dma_start3A_69 : memref<80xi32, #tpu.memory_space<hbm>>) target(%arg9 : memref<80xi32, #tpu.memory_space<vmem>>) target_semaphore(%run_scoped3A : memref<!tpu.dma_semaphore, #tpu.memory_space<semaphore_mem>>)
      %dma_wait3A_70 = tpu.memref_slice %arg4[%add3A_50] : memref<320000xi32, #tpu.memory_space<hbm>> -> memref<80xi32, #tpu.memory_space<hbm>>
      %dma_wait3A_71 = tpu.memref_slice %arg4[%add3A_50] : memref<320000xi32, #tpu.memory_space<hbm>> -> memref<80xi32, #tpu.memory_space<hbm>>
      tpu.wait_dma2 semaphore(%run_scoped3A : memref<!tpu.dma_semaphore, #tpu.memory_space<semaphore_mem>>) src(%dma_wait3A_71 : memref<80xi32, #tpu.memory_space<hbm>>) dst(%arg9 : memref<80xi32, #tpu.memory_space<vmem>>)
      tpu.yield
    }) : () -> ()
    %dma_start3A_51 = arith.constant 0 : i32
    %dma_start3A_52 = arith.constant 0 : i32
    %dma_start3A_53 = tpu.memref_slice %arg2[%dma_start3A_51, %dma_start3A_52] : memref<10000x128xf32, #tpu.memory_space<hbm>> -> memref<10000x128xf32, #tpu.memory_space<hbm>>
    tpu.enqueue_indirect_dma source(%dma_start3A_53 : memref<10000x128xf32, #tpu.memory_space<hbm>>) target(%arg13 : memref<80x128xf32, #tpu.memory_space<vmem>>) offsets(%arg8 : memref<80xi32, #tpu.memory_space<vmem>>) semaphore(%arg17 : memref<!tpu.dma_semaphore, #tpu.memory_space<semaphore_mem>>)
    %dma_wait3A_54 = arith.constant 0 : i32
    %dma_wait3A_55 = arith.constant 0 : i32
    %dma_wait3A_56 = tpu.memref_slice %arg2[%dma_wait3A_54, %dma_wait3A_55] : memref<10000x128xf32, #tpu.memory_space<hbm>> -> memref<10000x128xf32, #tpu.memory_space<hbm>>
    tpu.wait_indirect_dma semaphore(%arg18 : memref<!tpu.dma_semaphore, #tpu.memory_space<semaphore_mem>>) src(%dma_wait3A_56 : memref<10000x128xf32, #tpu.memory_space<hbm>>) dst(%arg14 : memref<80x128xf32, #tpu.memory_space<vmem>>)
    "tpu.region"() ({
      %run_scoped3A = tpu.sem_alloc : memref<!tpu.dma_semaphore, #tpu.memory_space<semaphore_mem>>
      %dma_start3A_68 = arith.constant 0 : i32
      %dma_start3A_69 = arith.constant 0 : i32
      %dma_start3A_70 = tpu.memref_slice %arg15[%dma_start3A_68, %dma_start3A_69] : memref<10240x128xf32, #tpu.memory_space<vmem_shared>> -> memref<10240x128xf32, #tpu.memory_space<vmem_shared>>
      tpu.enqueue_indirect_dma source(%arg14 : memref<80x128xf32, #tpu.memory_space<vmem>>) target(%dma_start3A_70 : memref<10240x128xf32, #tpu.memory_space<vmem_shared>>) offsets(%arg11 : memref<80xi32, #tpu.memory_space<vmem>>) semaphore(%run_scoped3A : memref<!tpu.dma_semaphore, #tpu.memory_space<semaphore_mem>>) {add = true}
      %dma_wait3A_71 = arith.constant 0 : i32
      %dma_wait3A_72 = arith.constant 0 : i32
      %dma_wait3A_73 = tpu.memref_slice %arg15[%dma_wait3A_71, %dma_wait3A_72] : memref<10240x128xf32, #tpu.memory_space<vmem_shared>> -> memref<10240x128xf32, #tpu.memory_space<vmem_shared>>
      tpu.wait_indirect_dma semaphore(%run_scoped3A : memref<!tpu.dma_semaphore, #tpu.memory_space<semaphore_mem>>) src(%arg14 : memref<80x128xf32, #tpu.memory_space<vmem>>) dst(%dma_wait3A_73 : memref<10240x128xf32, #tpu.memory_space<vmem_shared>>)
      tpu.yield
    }) : () -> ()
    %dma_wait3A_57 = arith.constant 0 : i32
    %dma_wait3A_58 = arith.constant 0 : i32
    %dma_wait3A_59 = tpu.memref_slice %arg2[%dma_wait3A_57, %dma_wait3A_58] : memref<10000x128xf32, #tpu.memory_space<hbm>> -> memref<10000x128xf32, #tpu.memory_space<hbm>>
    tpu.wait_indirect_dma semaphore(%arg16 : memref<!tpu.dma_semaphore, #tpu.memory_space<semaphore_mem>>) src(%dma_wait3A_59 : memref<10000x128xf32, #tpu.memory_space<hbm>>) dst(%arg12 : memref<80x128xf32, #tpu.memory_space<vmem>>)
    "tpu.region"() ({
      %run_scoped3A = tpu.sem_alloc : memref<!tpu.dma_semaphore, #tpu.memory_space<semaphore_mem>>
      %dma_start3A_68 = arith.constant 0 : i32
      %dma_start3A_69 = arith.constant 0 : i32
      %dma_start3A_70 = tpu.memref_slice %arg15[%dma_start3A_68, %dma_start3A_69] : memref<10240x128xf32, #tpu.memory_space<vmem_shared>> -> memref<10240x128xf32, #tpu.memory_space<vmem_shared>>
      tpu.enqueue_indirect_dma source(%arg12 : memref<80x128xf32, #tpu.memory_space<vmem>>) target(%dma_start3A_70 : memref<10240x128xf32, #tpu.memory_space<vmem_shared>>) offsets(%arg7 : memref<80xi32, #tpu.memory_space<vmem>>) semaphore(%run_scoped3A : memref<!tpu.dma_semaphore, #tpu.memory_space<semaphore_mem>>) {add = true}
      %dma_wait3A_71 = arith.constant 0 : i32
      %dma_wait3A_72 = arith.constant 0 : i32
      %dma_wait3A_73 = tpu.memref_slice %arg15[%dma_wait3A_71, %dma_wait3A_72] : memref<10240x128xf32, #tpu.memory_space<vmem_shared>> -> memref<10240x128xf32, #tpu.memory_space<vmem_shared>>
      tpu.wait_indirect_dma semaphore(%run_scoped3A : memref<!tpu.dma_semaphore, #tpu.memory_space<semaphore_mem>>) src(%arg12 : memref<80x128xf32, #tpu.memory_space<vmem>>) dst(%dma_wait3A_73 : memref<10240x128xf32, #tpu.memory_space<vmem_shared>>)
      tpu.yield
    }) : () -> ()
    %dma_wait3A_60 = arith.constant 0 : i32
    %dma_wait3A_61 = arith.constant 0 : i32
    %dma_wait3A_62 = tpu.memref_slice %arg2[%dma_wait3A_60, %dma_wait3A_61] : memref<10000x128xf32, #tpu.memory_space<hbm>> -> memref<10000x128xf32, #tpu.memory_space<hbm>>
    tpu.wait_indirect_dma semaphore(%arg17 : memref<!tpu.dma_semaphore, #tpu.memory_space<semaphore_mem>>) src(%dma_wait3A_62 : memref<10000x128xf32, #tpu.memory_space<hbm>>) dst(%arg13 : memref<80x128xf32, #tpu.memory_space<vmem>>)
    "tpu.region"() ({
      %run_scoped3A = tpu.sem_alloc : memref<!tpu.dma_semaphore, #tpu.memory_space<semaphore_mem>>
      %dma_start3A_68 = arith.constant 0 : i32
      %dma_start3A_69 = arith.constant 0 : i32
      %dma_start3A_70 = tpu.memref_slice %arg15[%dma_start3A_68, %dma_start3A_69] : memref<10240x128xf32, #tpu.memory_space<vmem_shared>> -> memref<10240x128xf32, #tpu.memory_space<vmem_shared>>
      tpu.enqueue_indirect_dma source(%arg13 : memref<80x128xf32, #tpu.memory_space<vmem>>) target(%dma_start3A_70 : memref<10240x128xf32, #tpu.memory_space<vmem_shared>>) offsets(%arg9 : memref<80xi32, #tpu.memory_space<vmem>>) semaphore(%run_scoped3A : memref<!tpu.dma_semaphore, #tpu.memory_space<semaphore_mem>>) {add = true}
      %dma_wait3A_71 = arith.constant 0 : i32
      %dma_wait3A_72 = arith.constant 0 : i32
      %dma_wait3A_73 = tpu.memref_slice %arg15[%dma_wait3A_71, %dma_wait3A_72] : memref<10240x128xf32, #tpu.memory_space<vmem_shared>> -> memref<10240x128xf32, #tpu.memory_space<vmem_shared>>
      tpu.wait_indirect_dma semaphore(%run_scoped3A : memref<!tpu.dma_semaphore, #tpu.memory_space<semaphore_mem>>) src(%arg13 : memref<80x128xf32, #tpu.memory_space<vmem>>) dst(%dma_wait3A_73 : memref<10240x128xf32, #tpu.memory_space<vmem_shared>>)
      tpu.yield
    }) : () -> ()
    %barrier3A_63 = arith.constant 0 : index
    tpu.barrier barrier_id(%barrier3A_63)
    %mul3A_64 = arith.constant 640 : i32
    %mul3A_65 = arith.muli %arg1, %mul3A_64 : i32
    %mul3A_66 = arith.constant 640 : i32
    %mul3A_67 = arith.muli %arg1, %mul3A_66 : i32
    "tpu.region"() ({
      %run_scoped3A = tpu.sem_alloc : memref<!tpu.dma_semaphore, #tpu.memory_space<semaphore_mem>>
      %dma_start3A_68 = arith.constant 0 : i32
      %dma_start3A_69 = tpu.memref_slice %arg5[%arg0, %mul3A_67, %dma_start3A_68] : memref<2x10240x128xf32, #tpu.memory_space<hbm>> -> memref<1x640x128xf32, #tpu.memory_space<hbm>>
      %dma_start3A_70 = tpu.memref_squeeze %dma_start3A_69 : memref<1x640x128xf32, #tpu.memory_space<hbm>> -> memref<640x128xf32, #tpu.memory_space<hbm>>
      %dma_start3A_71 = arith.constant 0 : i32
      %dma_start3A_72 = tpu.memref_slice %arg15[%mul3A_65, %dma_start3A_71] : memref<10240x128xf32, #tpu.memory_space<vmem_shared>> -> memref<640x128xf32, #tpu.memory_space<vmem_shared>>
      tpu.enqueue_dma source(%dma_start3A_72 : memref<640x128xf32, #tpu.memory_space<vmem_shared>>) target(%dma_start3A_70 : memref<640x128xf32, #tpu.memory_space<hbm>>) target_semaphore(%run_scoped3A : memref<!tpu.dma_semaphore, #tpu.memory_space<semaphore_mem>>)
      %dma_wait3A_73 = arith.constant 0 : i32
      %dma_wait3A_74 = tpu.memref_slice %arg5[%arg0, %mul3A_67, %dma_wait3A_73] : memref<2x10240x128xf32, #tpu.memory_space<hbm>> -> memref<1x640x128xf32, #tpu.memory_space<hbm>>
      %dma_wait3A_75 = tpu.memref_squeeze %dma_wait3A_74 : memref<1x640x128xf32, #tpu.memory_space<hbm>> -> memref<640x128xf32, #tpu.memory_space<hbm>>
      %dma_wait3A_76 = arith.constant 0 : i32
      %dma_wait3A_77 = tpu.memref_slice %arg15[%mul3A_65, %dma_wait3A_76] : memref<10240x128xf32, #tpu.memory_space<vmem_shared>> -> memref<640x128xf32, #tpu.memory_space<vmem_shared>>
      tpu.wait_dma2 semaphore(%run_scoped3A : memref<!tpu.dma_semaphore, #tpu.memory_space<semaphore_mem>>) src(%dma_wait3A_77 : memref<640x128xf32, #tpu.memory_space<vmem_shared>>) dst(%dma_wait3A_75 : memref<640x128xf32, #tpu.memory_space<hbm>>)
      tpu.yield
    }) : () -> ()
    return
  }
}

module attributes {stable_mosaic.version = 14 : i64} {
  func.func @_acc_body(%arg0: i32, %arg1: memref<2x1000x128xf32, #tpu.memory_space<vmem>>, %arg2: memref<1000x128xf32, #tpu.memory_space<vmem>>, %arg3: memref<1000x1xf32, #tpu.memory_space<vmem>>, %arg4: memref<1x128xf32, #tpu.memory_space<vmem>>, %arg5: memref<1000x128xf32, #tpu.memory_space<vmem>>, %arg6: memref<2x128xf32, #tpu.memory_space<vmem>>, %arg7: memref<2x128xf32, #tpu.memory_space<vmem>>) attributes {dimension_semantics = [#tpu.dimension_semantics<arbitrary>], iteration_bounds = array<i64: 10>, scalar_prefetch = 0 : i64, scratch_operands = 1 : i64, tpu.core_type = #tpu.core_type<tc>, window_params = [{transform_indices = @transform_0, window_bounds = array<i64: 2, 1000, 128>}, {transform_indices = @transform_1, window_bounds = array<i64: 1000, 128>}, {transform_indices = @transform_2, window_bounds = array<i64: 1000, 1>}, {pipeline_mode = #tpu.pipeline_mode<synchronous>, transform_indices = @transform_3, window_bounds = array<i64: 1, 128>}, {transform_indices = @transform_4, window_bounds = array<i64: 1000, 128>}, {pipeline_mode = #tpu.pipeline_mode<synchronous>, transform_indices = @transform_5, window_bounds = array<i64: 2, 128>}]} {
    %eq3A = arith.constant 0 : i32
    %eq3A_0 = arith.cmpi eq, %arg0, %eq3A : i32
    %convert_element_type3A = arith.extui %eq3A_0 : i1 to i32
    %cond3A = arith.constant 0 : i32
    %cond3A_1 = arith.cmpi ne, %convert_element_type3A, %cond3A : i32
    scf.if %cond3A_1 {
      %broadcast_in_dim3A_51 = arith.constant 0.000000e+00 : f32
      %broadcast_in_dim3A_52 = vector.broadcast %broadcast_in_dim3A_51 : f32 to vector<2x128xf32>
      %swap3A_53 = arith.constant 0 : index
      %swap3A_54 = arith.constant 0 : index
      %swap3A_55 = vector.load %arg7[%swap3A_53, %swap3A_54] : memref<2x128xf32, #tpu.memory_space<vmem>>, vector<2x128xf32>
      tpu.vector_store %arg7[%swap3A_53, %swap3A_54], %broadcast_in_dim3A_52 {strides = array<i32>} : memref<2x128xf32, #tpu.memory_space<vmem>>, vector<2x128xf32>,
    } else {
    }
    %get3A = arith.constant 0 : index
    %get3A_2 = arith.constant 0 : index
    %get3A_3 = vector.load %arg3[%get3A, %get3A_2] : memref<1000x1xf32, #tpu.memory_space<vmem>>, vector<1000x1xf32>
    %get3A_4 = arith.constant 0 : index
    %get3A_5 = arith.constant 0 : index
    %get3A_6 = arith.constant 0 : index
    %get3A_7 = vector.load %arg1[%get3A_4, %get3A_5, %get3A_6] : memref<2x1000x128xf32, #tpu.memory_space<vmem>>, vector<1x1000x128xf32>
    %get3A_8 = vector.shape_cast %get3A_7 : vector<1x1000x128xf32> to vector<1000x128xf32>
    %get3A_9 = arith.constant 1 : index
    %get3A_10 = arith.constant 0 : index
    %get3A_11 = arith.constant 0 : index
    %get3A_12 = vector.load %arg1[%get3A_9, %get3A_10, %get3A_11] : memref<2x1000x128xf32, #tpu.memory_space<vmem>>, vector<1x1000x128xf32>
    %get3A_13 = vector.shape_cast %get3A_12 : vector<1x1000x128xf32> to vector<1000x128xf32>
    %add3A = arith.addf %get3A_8, %get3A_13 : vector<1000x128xf32>
    %get3A_14 = arith.constant 0 : index
    %get3A_15 = arith.constant 0 : index
    %get3A_16 = vector.load %arg2[%get3A_14, %get3A_15] : memref<1000x128xf32, #tpu.memory_space<vmem>>, vector<1000x128xf32>
    %add3A_17 = arith.addf %add3A, %get3A_16 : vector<1000x128xf32>
    %mul3A = vector.broadcast %get3A_3 : vector<1000x1xf32> to vector<1000x128xf32>
    %mul3A_18 = arith.mulf %mul3A, %add3A_17 : vector<1000x128xf32>
    %get3A_19 = arith.constant 0 : index
    %get3A_20 = arith.constant 0 : index
    %get3A_21 = vector.load %arg4[%get3A_19, %get3A_20] : memref<1x128xf32, #tpu.memory_space<vmem>>, vector<1x128xf32>
    %add3A_22 = vector.broadcast %get3A_21 : vector<1x128xf32> to vector<1000x128xf32>
    %add3A_23 = arith.addf %mul3A_18, %add3A_22 : vector<1000x128xf32>
    %swap3A = arith.constant 0 : index
    %swap3A_24 = arith.constant 0 : index
    %swap3A_25 = vector.load %arg5[%swap3A, %swap3A_24] : memref<1000x128xf32, #tpu.memory_space<vmem>>, vector<1000x128xf32>
    tpu.vector_store %arg5[%swap3A, %swap3A_24], %add3A_23 {strides = array<i32>} : memref<1000x128xf32, #tpu.memory_space<vmem>>, vector<1000x128xf32>,
    %get3A_26 = arith.constant 0 : index
    %get3A_27 = arith.constant 0 : index
    %get3A_28 = vector.load %arg7[%get3A_26, %get3A_27] : memref<2x128xf32, #tpu.memory_space<vmem>>, vector<1x128xf32>
    %reduce_sum3A = arith.constant dense<0.000000e+00> : vector<128xf32>
    %reduce_sum3A_29 = vector.multi_reduction <add>, %add3A_23, %reduce_sum3A [0] : vector<1000x128xf32> to vector<128xf32>
    %broadcast_in_dim3A = vector.shape_cast %reduce_sum3A_29 : vector<128xf32> to vector<1x128xf32>
    %add3A_30 = arith.addf %get3A_28, %broadcast_in_dim3A : vector<1x128xf32>
    %swap3A_31 = arith.constant 0 : index
    %swap3A_32 = arith.constant 0 : index
    %swap3A_33 = vector.load %arg7[%swap3A_31, %swap3A_32] : memref<2x128xf32, #tpu.memory_space<vmem>>, vector<1x128xf32>
    tpu.vector_store %arg7[%swap3A_31, %swap3A_32], %add3A_30 {strides = array<i32>} : memref<2x128xf32, #tpu.memory_space<vmem>>, vector<1x128xf32>,
    %get3A_34 = arith.constant 1 : index
    %get3A_35 = arith.constant 0 : index
    %get3A_36 = vector.load %arg7[%get3A_34, %get3A_35] : memref<2x128xf32, #tpu.memory_space<vmem>>, vector<1x128xf32>
    %mul3A_37 = arith.mulf %add3A_23, %add3A_23 : vector<1000x128xf32>
    %reduce_sum3A_38 = arith.constant dense<0.000000e+00> : vector<128xf32>
    %reduce_sum3A_39 = vector.multi_reduction <add>, %mul3A_37, %reduce_sum3A_38 [0] : vector<1000x128xf32> to vector<128xf32>
    %broadcast_in_dim3A_40 = vector.shape_cast %reduce_sum3A_39 : vector<128xf32> to vector<1x128xf32>
    %add3A_41 = arith.addf %get3A_36, %broadcast_in_dim3A_40 : vector<1x128xf32>
    %swap3A_42 = arith.constant 1 : index
    %swap3A_43 = arith.constant 0 : index
    %swap3A_44 = vector.load %arg7[%swap3A_42, %swap3A_43] : memref<2x128xf32, #tpu.memory_space<vmem>>, vector<1x128xf32>
    tpu.vector_store %arg7[%swap3A_42, %swap3A_43], %add3A_41 {strides = array<i32>} : memref<2x128xf32, #tpu.memory_space<vmem>>, vector<1x128xf32>,
    %get3A_45 = arith.constant 0 : index
    %get3A_46 = arith.constant 0 : index
    %get3A_47 = vector.load %arg7[%get3A_45, %get3A_46] : memref<2x128xf32, #tpu.memory_space<vmem>>, vector<2x128xf32>
    %swap3A_48 = arith.constant 0 : index
    %swap3A_49 = arith.constant 0 : index
    %swap3A_50 = vector.load %arg6[%swap3A_48, %swap3A_49] : memref<2x128xf32, #tpu.memory_space<vmem>>, vector<2x128xf32>
    tpu.vector_store %arg6[%swap3A_48, %swap3A_49], %get3A_47 {strides = array<i32>} : memref<2x128xf32, #tpu.memory_space<vmem>>, vector<2x128xf32>,
    return
  }
  func.func @transform_0(%arg0: i32) -> (i32, i32, i32) {
    %c0_i32 = arith.constant 0 : i32
    %c0_i32_0 = arith.constant 0 : i32
    %c0_i32_1 = arith.constant 0 : i32
    return %c0_i32, %arg0, %c0_i32_0 : i32, i32, i32
  }
  func.func @transform_1(%arg0: i32) -> (i32, i32) {
    %c0_i32 = arith.constant 0 : i32
    %c0_i32_0 = arith.constant 0 : i32
    return %arg0, %c0_i32 : i32, i32
  }
  func.func @transform_2(%arg0: i32) -> (i32, i32) {
    %c0_i32 = arith.constant 0 : i32
    %c0_i32_0 = arith.constant 0 : i32
    return %arg0, %c0_i32 : i32, i32
  }
  func.func @transform_3(%arg0: i32) -> (i32, i32) {
    %c0_i32 = arith.constant 0 : i32
    %c0_i32_0 = arith.constant 0 : i32
    %c0_i32_1 = arith.constant 0 : i32
    return %c0_i32, %c0_i32_0 : i32, i32
  }
  func.func @transform_4(%arg0: i32) -> (i32, i32) {
    %c0_i32 = arith.constant 0 : i32
    %c0_i32_0 = arith.constant 0 : i32
    return %arg0, %c0_i32 : i32, i32
  }
  func.func @transform_5(%arg0: i32) -> (i32, i32) {
    %c0_i32 = arith.constant 0 : i32
    %c0_i32_0 = arith.constant 0 : i32
    %c0_i32_1 = arith.constant 0 : i32
    return %c0_i32, %c0_i32_0 : i32, i32
  }
}

module attributes {stable_mosaic.version = 14 : i64} {
  func.func @_mid_body(%arg0: i32, %arg1: memref<1000x128xf32, #tpu.memory_space<vmem>>, %arg2: memref<2x128xf32, #tpu.memory_space<vmem>>, %arg3: memref<1x128xf32, #tpu.memory_space<vmem>>, %arg4: memref<1x128xf32, #tpu.memory_space<vmem>>, %arg5: memref<1x1xf32, #tpu.memory_space<vmem>>, %arg6: memref<1000x1xf32, #tpu.memory_space<vmem>>, %arg7: memref<128x128xf32, #tpu.memory_space<vmem>>, %arg8: memref<1000x128xf32, #tpu.memory_space<vmem>>) attributes {dimension_semantics = [#tpu.dimension_semantics<arbitrary>], iteration_bounds = array<i64: 10>, scalar_prefetch = 0 : i64, scratch_operands = 0 : i64, tpu.core_type = #tpu.core_type<tc>, window_params = [{transform_indices = @transform_0, window_bounds = array<i64: 1000, 128>}, {pipeline_mode = #tpu.pipeline_mode<synchronous>, transform_indices = @transform_1, window_bounds = array<i64: 2, 128>}, {pipeline_mode = #tpu.pipeline_mode<synchronous>, transform_indices = @transform_2, window_bounds = array<i64: 1, 128>}, {pipeline_mode = #tpu.pipeline_mode<synchronous>, transform_indices = @transform_3, window_bounds = array<i64: 1, 128>}, {pipeline_mode = #tpu.pipeline_mode<synchronous>, transform_indices = @transform_4, window_bounds = array<i64: 1, 1>}, {transform_indices = @transform_5, window_bounds = array<i64: 1000, 1>}, {pipeline_mode = #tpu.pipeline_mode<synchronous>, transform_indices = @transform_6, window_bounds = array<i64: 128, 128>}, {transform_indices = @transform_7, window_bounds = array<i64: 1000, 128>}]} {
    %get3A = arith.constant 0 : index
    %get3A_0 = arith.constant 0 : index
    %get3A_1 = vector.load %arg1[%get3A, %get3A_0] : memref<1000x128xf32, #tpu.memory_space<vmem>>, vector<1000x128xf32>
    %get3A_2 = arith.constant 0 : index
    %get3A_3 = arith.constant 0 : index
    %get3A_4 = vector.load %arg2[%get3A_2, %get3A_3] : memref<2x128xf32, #tpu.memory_space<vmem>>, vector<2x128xf32>
    %slice3A = vector.extract_strided_slice %get3A_4 {offsets = [0, 0], sizes = [1, 128], strides = [1, 1]} : vector<2x128xf32> to vector<1x128xf32>
    %mul3A = arith.constant 9.99999974E-5 : f32
    %mul3A_5 = vector.broadcast %mul3A : f32 to vector<1x128xf32>
    %mul3A_6 = arith.mulf %slice3A, %mul3A_5 : vector<1x128xf32>
    %slice3A_7 = vector.extract_strided_slice %get3A_4 {offsets = [1, 0], sizes = [1, 128], strides = [1, 1]} : vector<2x128xf32> to vector<1x128xf32>
    %mul3A_8 = arith.constant 9.99999974E-5 : f32
    %mul3A_9 = vector.broadcast %mul3A_8 : f32 to vector<1x128xf32>
    %mul3A_10 = arith.mulf %slice3A_7, %mul3A_9 : vector<1x128xf32>
    %mul3A_11 = arith.mulf %mul3A_6, %mul3A_6 : vector<1x128xf32>
    %sub3A = arith.subf %mul3A_10, %mul3A_11 : vector<1x128xf32>
    %sub3A_12 = vector.broadcast %mul3A_6 : vector<1x128xf32> to vector<1000x128xf32>
    %sub3A_13 = arith.subf %get3A_1, %sub3A_12 : vector<1000x128xf32>
    %add3A = arith.constant 9.99999974E-6 : f32
    %add3A_14 = vector.broadcast %add3A : f32 to vector<1x128xf32>
    %add3A_15 = arith.addf %sub3A, %add3A_14 : vector<1x128xf32>
    %rsqrt3A = math.rsqrt %add3A_15 : vector<1x128xf32>
    %mul3A_16 = vector.broadcast %rsqrt3A : vector<1x128xf32> to vector<1000x128xf32>
    %mul3A_17 = arith.mulf %sub3A_13, %mul3A_16 : vector<1000x128xf32>
    %get3A_18 = arith.constant 0 : index
    %get3A_19 = arith.constant 0 : index
    %get3A_20 = vector.load %arg3[%get3A_18, %get3A_19] : memref<1x128xf32, #tpu.memory_space<vmem>>, vector<1x128xf32>
    %mul3A_21 = vector.broadcast %get3A_20 : vector<1x128xf32> to vector<1000x128xf32>
    %mul3A_22 = arith.mulf %mul3A_17, %mul3A_21 : vector<1000x128xf32>
    %get3A_23 = arith.constant 0 : index
    %get3A_24 = arith.constant 0 : index
    %get3A_25 = vector.load %arg4[%get3A_23, %get3A_24] : memref<1x128xf32, #tpu.memory_space<vmem>>, vector<1x128xf32>
    %add3A_26 = vector.broadcast %get3A_25 : vector<1x128xf32> to vector<1000x128xf32>
    %add3A_27 = arith.addf %mul3A_22, %add3A_26 : vector<1000x128xf32>
    %gt3A = arith.constant 0.000000e+00 : f32
    %gt3A_28 = vector.broadcast %gt3A : f32 to vector<1000x128xf32>
    %gt3A_29 = arith.cmpf ogt, %add3A_27, %gt3A_28 : vector<1000x128xf32>
    %get3A_30 = arith.constant 0 : index
    %get3A_31 = arith.constant 0 : index
    %get3A_32 = vector.load %arg5[%get3A_30, %get3A_31] : memref<1x1xf32, #tpu.memory_space<vmem>>, vector<1x1xf32>
    %get3A_33 = vector.extract %get3A_32[0, 0] : f32 from vector<1x1xf32>
    %mul3A_34 = vector.broadcast %get3A_33 : f32 to vector<1000x128xf32>
    %mul3A_35 = arith.mulf %mul3A_34, %add3A_27 : vector<1000x128xf32>
    %select_n3A = arith.select %gt3A_29, %add3A_27, %mul3A_35 : vector<1000x128xi1>, vector<1000x128xf32>
    %get3A_36 = arith.constant 0 : index
    %get3A_37 = arith.constant 0 : index
    %get3A_38 = vector.load %arg7[%get3A_36, %get3A_37] : memref<128x128xf32, #tpu.memory_space<vmem>>, vector<128x128xf32>
    %dot_general3A = arith.constant dense<0.000000e+00> : vector<1000x128xf32>
    %dot_general3A_39 = tpu.matmul %select_n3A, %get3A_38, %dot_general3A {dimension_numbers = #tpu.dot_dimension_numbers<[1], [0], [0], [1], [0, 0, 1, 1], [], []>, transpose_lhs_hint = false} : vector<1000x128xf32>, vector<128x128xf32>, vector<1000x128xf32> -> vector<1000x128xf32>
    %get3A_40 = arith.constant 0 : index
    %get3A_41 = arith.constant 0 : index
    %get3A_42 = vector.load %arg6[%get3A_40, %get3A_41] : memref<1000x1xf32, #tpu.memory_space<vmem>>, vector<1000x1xf32>
    %mul3A_43 = vector.broadcast %get3A_42 : vector<1000x1xf32> to vector<1000x128xf32>
    %mul3A_44 = arith.mulf %dot_general3A_39, %mul3A_43 : vector<1000x128xf32>
    %swap3A = arith.constant 0 : index
    %swap3A_45 = arith.constant 0 : index
    %swap3A_46 = vector.load %arg8[%swap3A, %swap3A_45] : memref<1000x128xf32, #tpu.memory_space<vmem>>, vector<1000x128xf32>
    tpu.vector_store %arg8[%swap3A, %swap3A_45], %mul3A_44 {strides = array<i32>} : memref<1000x128xf32, #tpu.memory_space<vmem>>, vector<1000x128xf32>,
    return
  }
  func.func @transform_0(%arg0: i32) -> (i32, i32) {
    %c0_i32 = arith.constant 0 : i32
    %c0_i32_0 = arith.constant 0 : i32
    return %arg0, %c0_i32 : i32, i32
  }
  func.func @transform_1(%arg0: i32) -> (i32, i32) {
    %c0_i32 = arith.constant 0 : i32
    %c0_i32_0 = arith.constant 0 : i32
    %c0_i32_1 = arith.constant 0 : i32
    return %c0_i32, %c0_i32_0 : i32, i32
  }
  func.func @transform_2(%arg0: i32) -> (i32, i32) {
    %c0_i32 = arith.constant 0 : i32
    %c0_i32_0 = arith.constant 0 : i32
    %c0_i32_1 = arith.constant 0 : i32
    return %c0_i32, %c0_i32_0 : i32, i32
  }
  func.func @transform_3(%arg0: i32) -> (i32, i32) {
    %c0_i32 = arith.constant 0 : i32
    %c0_i32_0 = arith.constant 0 : i32
    %c0_i32_1 = arith.constant 0 : i32
    return %c0_i32, %c0_i32_0 : i32, i32
  }
  func.func @transform_4(%arg0: i32) -> (i32, i32) {
    %c0_i32 = arith.constant 0 : i32
    %c0_i32_0 = arith.constant 0 : i32
    %c0_i32_1 = arith.constant 0 : i32
    return %c0_i32, %c0_i32_0 : i32, i32
  }
  func.func @transform_5(%arg0: i32) -> (i32, i32) {
    %c0_i32 = arith.constant 0 : i32
    %c0_i32_0 = arith.constant 0 : i32
    return %arg0, %c0_i32 : i32, i32
  }
  func.func @transform_6(%arg0: i32) -> (i32, i32) {
    %c0_i32 = arith.constant 0 : i32
    %c0_i32_0 = arith.constant 0 : i32
    %c0_i32_1 = arith.constant 0 : i32
    return %c0_i32, %c0_i32_0 : i32, i32
  }
  func.func @transform_7(%arg0: i32) -> (i32, i32) {
    %c0_i32 = arith.constant 0 : i32
    %c0_i32_0 = arith.constant 0 : i32
    return %arg0, %c0_i32 : i32, i32
  }
}

module attributes {stable_mosaic.version = 14 : i64} {
  func.func @_k1_body(%arg0: i32, %arg1: memref<2x1000x16xf32, #tpu.memory_space<vmem>>, %arg2: memref<1000x128xf32, #tpu.memory_space<vmem>>, %arg3: memref<128x128xf32, #tpu.memory_space<vmem>>, %arg4: memref<1000x128xf32, #tpu.memory_space<vmem>>, %arg5: memref<1000x1xf32, #tpu.memory_space<vmem>>) attributes {dimension_semantics = [#tpu.dimension_semantics<arbitrary>], iteration_bounds = array<i64: 10>, scalar_prefetch = 0 : i64, scratch_operands = 0 : i64, tpu.core_type = #tpu.core_type<tc>, window_params = [{transform_indices = @transform_0, window_bounds = array<i64: 2, 1000, 16>}, {transform_indices = @transform_1, window_bounds = array<i64: 1000, 128>}, {pipeline_mode = #tpu.pipeline_mode<synchronous>, transform_indices = @transform_2, window_bounds = array<i64: 128, 128>}, {transform_indices = @transform_3, window_bounds = array<i64: 1000, 128>}, {transform_indices = @transform_4, window_bounds = array<i64: 1000, 1>}]} {
    %get3A = arith.constant 0 : index
    %get3A_0 = arith.constant 0 : index
    %get3A_1 = arith.constant 0 : index
    %get3A_2 = vector.load %arg1[%get3A, %get3A_0, %get3A_1] : memref<2x1000x16xf32, #tpu.memory_space<vmem>>, vector<1x1000x1xf32>
    %get3A_3 = vector.shape_cast %get3A_2 : vector<1x1000x1xf32> to vector<1000x1xf32>
    %add3A = arith.constant 1.000000e+00 : f32
    %add3A_4 = vector.broadcast %add3A : f32 to vector<1000x1xf32>
    %add3A_5 = arith.addf %add3A_4, %get3A_3 : vector<1000x1xf32>
    %get3A_6 = arith.constant 1 : index
    %get3A_7 = arith.constant 0 : index
    %get3A_8 = arith.constant 0 : index
    %get3A_9 = vector.load %arg1[%get3A_6, %get3A_7, %get3A_8] : memref<2x1000x16xf32, #tpu.memory_space<vmem>>, vector<1x1000x1xf32>
    %get3A_10 = vector.shape_cast %get3A_9 : vector<1x1000x1xf32> to vector<1000x1xf32>
    %add3A_11 = arith.addf %add3A_5, %get3A_10 : vector<1000x1xf32>
    %rsqrt3A = math.rsqrt %add3A_11 : vector<1000x1xf32>
    %get3A_12 = arith.constant 0 : index
    %get3A_13 = arith.constant 0 : index
    %get3A_14 = vector.load %arg2[%get3A_12, %get3A_13] : memref<1000x128xf32, #tpu.memory_space<vmem>>, vector<1000x128xf32>
    %get3A_15 = arith.constant 0 : index
    %get3A_16 = arith.constant 0 : index
    %get3A_17 = vector.load %arg3[%get3A_15, %get3A_16] : memref<128x128xf32, #tpu.memory_space<vmem>>, vector<128x128xf32>
    %dot_general3A = arith.constant dense<0.000000e+00> : vector<1000x128xf32>
    %dot_general3A_18 = tpu.matmul %get3A_14, %get3A_17, %dot_general3A {dimension_numbers = #tpu.dot_dimension_numbers<[1], [0], [0], [1], [0, 0, 1, 1], [], []>, transpose_lhs_hint = false} : vector<1000x128xf32>, vector<128x128xf32>, vector<1000x128xf32> -> vector<1000x128xf32>
    %mul3A = vector.broadcast %rsqrt3A : vector<1000x1xf32> to vector<1000x128xf32>
    %mul3A_19 = arith.mulf %dot_general3A_18, %mul3A : vector<1000x128xf32>
    %swap3A = arith.constant 0 : index
    %swap3A_20 = arith.constant 0 : index
    %swap3A_21 = vector.load %arg4[%swap3A, %swap3A_20] : memref<1000x128xf32, #tpu.memory_space<vmem>>, vector<1000x128xf32>
    tpu.vector_store %arg4[%swap3A, %swap3A_20], %mul3A_19 {strides = array<i32>} : memref<1000x128xf32, #tpu.memory_space<vmem>>, vector<1000x128xf32>,
    %swap3A_22 = arith.constant 0 : index
    %swap3A_23 = arith.constant 0 : index
    %swap3A_24 = vector.load %arg5[%swap3A_22, %swap3A_23] : memref<1000x1xf32, #tpu.memory_space<vmem>>, vector<1000x1xf32>
    tpu.vector_store %arg5[%swap3A_22, %swap3A_23], %rsqrt3A {strides = array<i32>} : memref<1000x1xf32, #tpu.memory_space<vmem>>, vector<1000x1xf32>,
    return
  }
  func.func @transform_0(%arg0: i32) -> (i32, i32, i32) {
    %c0_i32 = arith.constant 0 : i32
    %c0_i32_0 = arith.constant 0 : i32
    %c0_i32_1 = arith.constant 0 : i32
    return %c0_i32, %arg0, %c0_i32_0 : i32, i32, i32
  }
  func.func @transform_1(%arg0: i32) -> (i32, i32) {
    %c0_i32 = arith.constant 0 : i32
    %c0_i32_0 = arith.constant 0 : i32
    return %arg0, %c0_i32 : i32, i32
  }
  func.func @transform_2(%arg0: i32) -> (i32, i32) {
    %c0_i32 = arith.constant 0 : i32
    %c0_i32_0 = arith.constant 0 : i32
    %c0_i32_1 = arith.constant 0 : i32
    return %c0_i32, %c0_i32_0 : i32, i32
  }
  func.func @transform_3(%arg0: i32) -> (i32, i32) {
    %c0_i32 = arith.constant 0 : i32
    %c0_i32_0 = arith.constant 0 : i32
    return %arg0, %c0_i32 : i32, i32
  }
  func.func @transform_4(%arg0: i32) -> (i32, i32) {
    %c0_i32 = arith.constant 0 : i32
    %c0_i32_0 = arith.constant 0 : i32
    return %arg0, %c0_i32 : i32, i32
  }
}

module attributes {stable_mosaic.version = 14 : i64} {
  func.func @_fin_body(%arg0: i32, %arg1: memref<1000x128xf32, #tpu.memory_space<vmem>>, %arg2: memref<2x128xf32, #tpu.memory_space<vmem>>, %arg3: memref<1x128xf32, #tpu.memory_space<vmem>>, %arg4: memref<1x128xf32, #tpu.memory_space<vmem>>, %arg5: memref<1x1xf32, #tpu.memory_space<vmem>>, %arg6: memref<1000x128xf32, #tpu.memory_space<vmem>>) attributes {dimension_semantics = [#tpu.dimension_semantics<arbitrary>], iteration_bounds = array<i64: 10>, scalar_prefetch = 0 : i64, scratch_operands = 0 : i64, tpu.core_type = #tpu.core_type<tc>, window_params = [{transform_indices = @transform_0, window_bounds = array<i64: 1000, 128>}, {pipeline_mode = #tpu.pipeline_mode<synchronous>, transform_indices = @transform_1, window_bounds = array<i64: 2, 128>}, {pipeline_mode = #tpu.pipeline_mode<synchronous>, transform_indices = @transform_2, window_bounds = array<i64: 1, 128>}, {pipeline_mode = #tpu.pipeline_mode<synchronous>, transform_indices = @transform_3, window_bounds = array<i64: 1, 128>}, {pipeline_mode = #tpu.pipeline_mode<synchronous>, transform_indices = @transform_4, window_bounds = array<i64: 1, 1>}, {transform_indices = @transform_5, window_bounds = array<i64: 1000, 128>}]} {
    %get3A = arith.constant 0 : index
    %get3A_0 = arith.constant 0 : index
    %get3A_1 = vector.load %arg1[%get3A, %get3A_0] : memref<1000x128xf32, #tpu.memory_space<vmem>>, vector<1000x128xf32>
    %get3A_2 = arith.constant 0 : index
    %get3A_3 = arith.constant 0 : index
    %get3A_4 = vector.load %arg2[%get3A_2, %get3A_3] : memref<2x128xf32, #tpu.memory_space<vmem>>, vector<2x128xf32>
    %slice3A = vector.extract_strided_slice %get3A_4 {offsets = [0, 0], sizes = [1, 128], strides = [1, 1]} : vector<2x128xf32> to vector<1x128xf32>
    %mul3A = arith.constant 9.99999974E-5 : f32
    %mul3A_5 = vector.broadcast %mul3A : f32 to vector<1x128xf32>
    %mul3A_6 = arith.mulf %slice3A, %mul3A_5 : vector<1x128xf32>
    %slice3A_7 = vector.extract_strided_slice %get3A_4 {offsets = [1, 0], sizes = [1, 128], strides = [1, 1]} : vector<2x128xf32> to vector<1x128xf32>
    %mul3A_8 = arith.constant 9.99999974E-5 : f32
    %mul3A_9 = vector.broadcast %mul3A_8 : f32 to vector<1x128xf32>
    %mul3A_10 = arith.mulf %slice3A_7, %mul3A_9 : vector<1x128xf32>
    %mul3A_11 = arith.mulf %mul3A_6, %mul3A_6 : vector<1x128xf32>
    %sub3A = arith.subf %mul3A_10, %mul3A_11 : vector<1x128xf32>
    %sub3A_12 = vector.broadcast %mul3A_6 : vector<1x128xf32> to vector<1000x128xf32>
    %sub3A_13 = arith.subf %get3A_1, %sub3A_12 : vector<1000x128xf32>
    %add3A = arith.constant 9.99999974E-6 : f32
    %add3A_14 = vector.broadcast %add3A : f32 to vector<1x128xf32>
    %add3A_15 = arith.addf %sub3A, %add3A_14 : vector<1x128xf32>
    %rsqrt3A = math.rsqrt %add3A_15 : vector<1x128xf32>
    %mul3A_16 = vector.broadcast %rsqrt3A : vector<1x128xf32> to vector<1000x128xf32>
    %mul3A_17 = arith.mulf %sub3A_13, %mul3A_16 : vector<1000x128xf32>
    %get3A_18 = arith.constant 0 : index
    %get3A_19 = arith.constant 0 : index
    %get3A_20 = vector.load %arg3[%get3A_18, %get3A_19] : memref<1x128xf32, #tpu.memory_space<vmem>>, vector<1x128xf32>
    %mul3A_21 = vector.broadcast %get3A_20 : vector<1x128xf32> to vector<1000x128xf32>
    %mul3A_22 = arith.mulf %mul3A_17, %mul3A_21 : vector<1000x128xf32>
    %get3A_23 = arith.constant 0 : index
    %get3A_24 = arith.constant 0 : index
    %get3A_25 = vector.load %arg4[%get3A_23, %get3A_24] : memref<1x128xf32, #tpu.memory_space<vmem>>, vector<1x128xf32>
    %add3A_26 = vector.broadcast %get3A_25 : vector<1x128xf32> to vector<1000x128xf32>
    %add3A_27 = arith.addf %mul3A_22, %add3A_26 : vector<1000x128xf32>
    %gt3A = arith.constant 0.000000e+00 : f32
    %gt3A_28 = vector.broadcast %gt3A : f32 to vector<1000x128xf32>
    %gt3A_29 = arith.cmpf ogt, %add3A_27, %gt3A_28 : vector<1000x128xf32>
    %get3A_30 = arith.constant 0 : index
    %get3A_31 = arith.constant 0 : index
    %get3A_32 = vector.load %arg5[%get3A_30, %get3A_31] : memref<1x1xf32, #tpu.memory_space<vmem>>, vector<1x1xf32>
    %get3A_33 = vector.extract %get3A_32[0, 0] : f32 from vector<1x1xf32>
    %mul3A_34 = vector.broadcast %get3A_33 : f32 to vector<1000x128xf32>
    %mul3A_35 = arith.mulf %mul3A_34, %add3A_27 : vector<1000x128xf32>
    %select_n3A = arith.select %gt3A_29, %add3A_27, %mul3A_35 : vector<1000x128xi1>, vector<1000x128xf32>
    %swap3A = arith.constant 0 : index
    %swap3A_36 = arith.constant 0 : index
    %swap3A_37 = vector.load %arg6[%swap3A, %swap3A_36] : memref<1000x128xf32, #tpu.memory_space<vmem>>, vector<1000x128xf32>
    tpu.vector_store %arg6[%swap3A, %swap3A_36], %select_n3A {strides = array<i32>} : memref<1000x128xf32, #tpu.memory_space<vmem>>, vector<1000x128xf32>,
    return
  }
  func.func @transform_0(%arg0: i32) -> (i32, i32) {
    %c0_i32 = arith.constant 0 : i32
    %c0_i32_0 = arith.constant 0 : i32
    return %arg0, %c0_i32 : i32, i32
  }
  func.func @transform_1(%arg0: i32) -> (i32, i32) {
    %c0_i32 = arith.constant 0 : i32
    %c0_i32_0 = arith.constant 0 : i32
    %c0_i32_1 = arith.constant 0 : i32
    return %c0_i32, %c0_i32_0 : i32, i32
  }
  func.func @transform_2(%arg0: i32) -> (i32, i32) {
    %c0_i32 = arith.constant 0 : i32
    %c0_i32_0 = arith.constant 0 : i32
    %c0_i32_1 = arith.constant 0 : i32
    return %c0_i32, %c0_i32_0 : i32, i32
  }
  func.func @transform_3(%arg0: i32) -> (i32, i32) {
    %c0_i32 = arith.constant 0 : i32
    %c0_i32_0 = arith.constant 0 : i32
    %c0_i32_1 = arith.constant 0 : i32
    return %c0_i32, %c0_i32_0 : i32, i32
  }
  func.func @transform_4(%arg0: i32) -> (i32, i32) {
    %c0_i32 = arith.constant 0 : i32
    %c0_i32_0 = arith.constant 0 : i32
    %c0_i32_1 = arith.constant 0 : i32
    return %c0_i32, %c0_i32_0 : i32, i32
  }
  func.func @transform_5(%arg0: i32) -> (i32, i32) {
    %c0_i32 = arith.constant 0 : i32
    %c0_i32_0 = arith.constant 0 : i32
    return %arg0, %c0_i32 : i32, i32
  }
}

</mosaic_0001>

<sc_bundles>
// kernel: kernel.10.cloned.1.call-start
scs
__scs_entry_jumppad:
0x0: {  	(pc) =	sbr.rel $0x88, $3  }
0x1: {  	(tag) =	ssettag $0x0;
	lr =	simm.s32 $0x1  }
0x2: {  	[smem:$0x3F95] =	sst lr;
	_ =	strace $0xD0000000  }
0x3: {  	_ = 	snop  }
0x4: {  	_ = 	snop  }
0x5: {  	_ = 	snop  }
0x6: {  	_ = 	snop  }
0x7: {  	_ = 	snop  }
__scs_overlays_trampoline_lowered:
0x8: {  	[smem:$0x3FA4] =	sst s0  }
0x9: {  	[smem:$0x3FA5] =	sst s1  }
0xa: {  	[smem:$0x3FA6] =	sst s2  }
0xb: {  	[smem:$0x3FA7] =	sst s3  }
0xc: {  	[smem:$0x3FA8] =	sst s4  }
0xd: {  	[smem:$0x3FA9] =	sst s5  }
0xe: {  	[smem:$0x3FAA] =	sst s6  }
0xf: {  	[smem:$0x3FAB] =	sst s7  }
0x10: {  	[smem:$0x3FAC] =	sst s8  }
0x11: {  	[smem:$0x3FAD] =	sst s9;
	s0 =	simm.s32 @!p0 $0x0  }
0x12: {  	s1 =	sld [smem:$0x3F93];
	s0 =	simm.s32 @p0 $0x1  }
0x13: {  	[smem:$0x3FAE] =	sst s0;
	s0 =	simm.s32 @!p1 $0x0  }
0x14: {  	s2 =	sld [smem:$0x3F92];
	s0 =	simm.s32 @p1 $0x1  }
0x15: {  	[smem:$0x3FAF] =	sst s0;
	s0 =	simm.s32 @!p2 $0x0  }
0x16: {  	s3 =	sld [smem:$0x3FDB];
	s0 =	simm.s32 @p2 $0x1  }
0x17: {  	s4 =	simm.s32 $0x1BF5;
	[smem:$0x3FB1] =	sst s0  }
0x18: {  	s0 =	sld [smem:$0x3F94];
	_ =	swait.ge [sflag:s4], $0x0  }
0x19: {  	s7 =	sld [smem:$0x3F95]  }
0x1a: {  	s8 =	sadd.s32 $0xFFFFE003, lr  }
0x1b: {  	s9 =	sadd.s32 $0xFFFFFEF7, lr;
	s5 =	simm.s32 $0xFFFFFFFF;
	p2 =	slt.u32 s8, $0xFFFFF086  }
0x1c: {  	p1 =	slt.u32 s9, $0xF7A;
	s5 =	simm.s32 @!p2 $0x0  }
0x1d: {  	s5 =	simm.s32 @p1 $0x1;
	p0 =	seq.s32 s7, s2  }
0x1e: {  	s7 =	smul.u32 @!p0 $0xF7A, s2;
	p2 =	seq.s32 @!p0 s5, $0x0  }
0x1f: {  	s9 =	smul.u32 $0xF7A, s1;
	s8 =	simm.s32 @!p0 $0x1BF5;
	p2 =	por !p2, p0  }
0x20: {  	[sflag:s8] =	ssyncset.s32 @!p0 $0xFFFFF086;
	s6 =	sadd.s32 @!p0 s3, s7;
	s7 =	simm.s32 @!p0 $0x108  }
0x21: {  	s3 =	sadd.s32 s3, s9;
	s6 =	sadd.s32 @!p0 $0x88, s6;
	s7 =	simm.s32 @p2 $0x1082  }
0x22: {  	[simem:s7], [sflag:s8] =	dma.local @!p0 [hbm:s6], $0xF7A  }
0x23: {  	s9 =	sor.u32 $0xD0000000, s2;
	s6 =	simm.s32 $0x108;
	_ =	swait.ge @!p0 [sflag:s8], $0x0  }
0x24: {  	s3 =	sadd.s32 $0x88, s3;
	s6 =	simm.s32 @!p1 $0x1082;
	[sflag:s4] =	ssyncset.s32 $0xFFFFF086  }
0x25: {  	[simem:s6], [sflag:s4] =	dma.local [hbm:s3], $0xF7A  }
0x26: {  	[smem:$0x3F95] =	sst s1;
	(tag) =	ssettag s2;
	_ =	strace s9  }
0x27: {  	s1 =	sld [smem:$0x3FA5]  }
0x28: {  	s2 =	sld [smem:$0x3FA6]  }
0x29: {  	s4 =	sld [smem:$0x3FA8]  }
0x2a: {  	p0 =	seq.s32 s5, $0x0;
	s5 =	sld [smem:$0x3FA9]  }
0x2b: {  	s6 =	sld [smem:$0x3FAA]  }
0x2c: {  	s7 =	sld [smem:$0x3FAB]  }
0x2d: {  	s3 =	simm.s32 $0x108;
	s8 =	sld [smem:$0x3FAC]  }
0x2e: {  	s3 =	simm.s32 @!p0 $0x1082;
	s9 =	sld [smem:$0x3FAD]  }
0x2f: {  	lr =	sadd.s32 s0, s3;
	s0 =	sld [smem:$0x3FA4]  }
0x30: {  	s3 =	sld [smem:$0x3FA7]  }
0x31: {  	[smem:$0x3FB0] =	sst s10  }
0x32: {  	s10 =	sld [smem:$0x3FAE];
	_ =	sdelay $0x3  }
0x33: {  	p0 =	seq.s32 s10, $0x1;
	s10 =	sld [smem:$0x3FB0];
	_ =	sdelay $0x3  }
0x34: {  	[smem:$0x3FB0] =	sst s10  }
0x35: {  	s10 =	sld [smem:$0x3FAF];
	_ =	sdelay $0x3  }
0x36: {  	p1 =	seq.s32 s10, $0x1;
	s10 =	sld [smem:$0x3FB0];
	_ =	sdelay $0x3  }
0x37: {  	[smem:$0x3FB0] =	sst s10  }
0x38: {  	s10 =	sld [smem:$0x3FB1]  }
0x39: {  	_ = 	snop;
	(pc) =	sbr.ind lr, $3  }
0x3a: {  	_ = 	snop  }
0x3b: {  	_ = 	snop  }
0x3c: {  	p2 =	seq.s32 s10, $0x1;
	s10 =	sld [smem:$0x3FB0]  }
0x3d: {  	_ =	shalt  }
0x3e: {  	_ =	shalt  }
0x3f: {  	_ =	shalt  }
0x40: {  	_ =	shalt  }
0x41: {  	_ =	shalt  }
0x42: {  	_ =	shalt  }
0x43: {  	_ =	shalt  }
0x44: {  	_ =	shalt  }
0x45: {  	_ =	shalt  }
0x46: {  	_ =	shalt  }
0x47: {  	_ =	shalt  }
0x48: {  	_ =	shalt  }
0x49: {  	_ =	shalt  }
0x4a: {  	_ =	shalt  }
0x4b: {  	_ =	shalt  }
0x4c: {  	_ =	shalt  }
0x4d: {  	_ =	shalt  }
0x4e: {  	_ =	shalt  }
0x4f: {  	_ =	shalt  }
0x50: {  	_ =	shalt  }
0x51: {  	_ =	shalt  }
0x52: {  	_ =	shalt  }
0x53: {  	_ =	shalt  }
0x54: {  	_ =	shalt  }
0x55: {  	_ =	shalt  }
0x56: {  	_ =	shalt  }
0x57: {  	_ =	shalt  }
0x58: {  	_ =	shalt  }
0x59: {  	_ =	shalt  }
0x5a: {  	_ =	shalt  }
0x5b: {  	_ =	shalt  }
0x5c: {  	_ =	shalt  }
0x5d: {  	_ =	shalt  }
0x5e: {  	_ =	shalt  }
0x5f: {  	_ =	shalt  }
0x60: {  	_ =	shalt  }
0x61: {  	_ =	shalt  }
0x62: {  	_ =	shalt  }
0x63: {  	_ =	shalt  }
0x64: {  	_ =	shalt  }
0x65: {  	_ =	shalt  }
0x66: {  	_ =	shalt  }
0x67: {  	_ =	shalt  }
0x68: {  	_ =	shalt  }
0x69: {  	_ =	shalt  }
0x6a: {  	_ =	shalt  }
0x6b: {  	_ =	shalt  }
0x6c: {  	_ =	shalt  }
0x6d: {  	_ =	shalt  }
0x6e: {  	_ =	shalt  }
0x6f: {  	_ =	shalt  }
0x70: {  	_ =	shalt  }
0x71: {  	_ =	shalt  }
0x72: {  	_ =	shalt  }
0x73: {  	_ =	shalt  }
0x74: {  	_ =	shalt  }
0x75: {  	_ =	shalt  }
0x76: {  	_ =	shalt  }
0x77: {  	_ =	shalt  }
0x78: {  	_ =	shalt  }
0x79: {  	_ =	shalt  }
0x7a: {  	_ =	shalt  }
0x7b: {  	_ =	shalt  }
0x7c: {  	_ =	shalt  }
0x7d: {  	_ =	shalt  }
0x7e: {  	_ =	shalt  }
0x7f: {  	_ =	shalt  }
0x80: {  	_ =	shalt  }
0x81: {  	_ =	shalt  }
0x82: {  	_ =	shalt  }
0x83: {  	_ =	shalt  }
0x84: {  	_ =	shalt  }
0x85: {  	_ =	shalt  }
0x86: {  	_ =	shalt  }
0x87: {  	_ =	shalt  }
.Lfunc_end0:
.L_simem_size_0:
called_computation_lowered:
.L_overlay_start_0:
0x88: {  	s2 =	sld [smem:$0x3FD9]  }
0x89: {  	s3 =	sld [smem:$0x3FFE];
	_ =	sdelay $0x1  }
0x8a: {  	s1 =	srdreg.scid  }
0x8b: {  	s0 =	sand.u32 $0x1, s1  }
0x8c: {  	s16 =	sshll.u32 s0, $0xA;
	s2 =	sadd.s32 s3, s2  }
0x8d: {  	s2 =	sadd.s32 s2, s16  }
0x8e: {  	[smem:$0x3FBC] =	sst s2  }
0x8f: {  	_ = 	snop  }
0x90: {  	(tm) =	ssettm $0x1  }
0x91: {  	s17 =	sld [smem:$0x3FFB];
	_ =	sdelay $0x3  }
0x92: {  	_ =	strace s17  }
0x93: {  	s2 =	sld [smem:$0x3FFC];
	_ =	sdelay $0x3  }
0x94: {  	_ =	strace s2  }
0x95: {  	s2 =	sld [smem:$0x3FFD];
	_ =	sdelay $0x3  }
0x96: {  	_ =	strace s2  }
0x97: {  	_ =	strace $0x8FFFFFFF  }
0x98: {  	s18 =	sld [smem:$0x3FDB];
	_ =	sdelay $0x1  }
0x99: {  	s19 =	simm.s32 $_scs_section_size  }
0x9a: {  	s4 =	simm.s32 $_size__tile_overlayer_lowered;
	s5 =	simm.s32 $_tile_overlayer_lowered  }
0x9b: {  	s22 =	simm.s32 $0x1BFF;
	s21 =	sshll.u32 s5, $0x1;
	s2 =	sadd.s32 s19, s18  }
0x9c: {  	s6 =	simm.s32 $0x0;
	s20 =	sshll.u32 s4, $0x1;
	s4 =	sadd.s32 s21, s2  }
0x9d: {  	[timem:s6], [sflag:s22] =	dma.local [hbm:s4], s20  }
0x9e: {  	_ =	swait.ge [sflag:s22], s20  }
0x9f: {  	s3 =	ssub.s32 $0x0, s20;
	[sflag:s22] =	ssyncset.done $0x0  }
0xa0: {  	[sflag:s22] =	ssyncadd.s32 s3;
	_ =	sdelay $0x1  }
0xa1: {  	s23 =	simm.s32 $0x1B8B  }
0xa2: {  	_ =	swait.ge [sflag:s23], $0x1  }
0xa3: {  	[sflag:s23] =	ssyncset.done $0x0  }
0xa4: {  	s25 =	simm.s32 $0x1B8E;
	s24 =	sld [smem:$0x3FFE];
	[sflag:s23] =	ssyncadd.s32 $0xFFFFFFFF  }
0xa5: {  	s26 =	simm.s32 $execute0_lowered;
	[smem:$0x3FD2] =	sst s25  }
0xa6: {  	s4 =	sshll.u32 s26, $0x1;
	_ =	strace $0x80000046;
	[dreg:$0x1] =	wrdreg $0xFFFFFFFF  }
0xa7: {  	s28 =	simm.s32 $_size_execute0_lowered;
	s2 =	sadd.s32 s2, s4;
	[dreg:$0x0] =	wrdreg $0x0  }
0xa8: {  	s4 =	sshll.u32 s28, $0x1;
	[dreg:$0x2] =	wrdreg s2  }
0xa9: {  	[dreg:$0x3] =	wrdreg s4  }
0xaa: {  	[dreg:$0x4] =	wrdreg $0xC0  }
0xab: {  	_ =	task [dreg:s6], $0x5FFFF  }
0xac: {  	[dreg:$0x1] =	wrdreg $0xFFFFFFFF  }
0xad: {  	[dreg:$0x0] =	wrdreg $0x60  }
0xae: {  	[dreg:$0x2] =	wrdreg s24  }
0xaf: {  	[dreg:$0x3] =	wrdreg $0x19A800  }
0xb0: {  	[dreg:$0x4] =	wrdreg $0x9  }
0xb1: {  	_ =	task.clear_ibuf [dreg:s6], $0x5FFFF;
	_ =	strace $0x90000046  }
0xb2: {  	s29 =	simm.s32 $0x9;
	_ =	strace $0x80000048  }
0xb3: {  	_ =	swait.ge [sflag:s29], $0x1  }
0xb4: {  	[sflag:s29] =	ssyncadd.s32 $0xFFFFFFFF  }
0xb5: {  	_ =	strace $0x90000048  }
0xb6: {  	_ =	sfence  }
0xb7: {  	s30 =	sld [smem:$0x0];
	_ =	sdelay $0x2  }
0xb8: {  	s31 =	sshll.u32 s1, $0xD;
	s1 =	sshrl.u32 s1, $0x2  }
0xb9: {  	s3 =	sand.u32 $0x4000, s31;
	s1 =	sadd.s32 s1, s30  }
0xba: {  	s0 =	sor.u32 s3, s0;
	s1 =	sshll.u32 s1, $0x11  }
0xbb: {  	s0 =	sor.u32 s1, s0  }
0xbc: {  	s0 =	sadd.s32 $0x8F2B, s0  }
0xbd: {  	[sflag:s0] =	ssyncadd.remote.s32 $0x1  }
0xbe: {  	_ =	sfence.sel $0xFFFF  }
0xbf: {  	[dreg:$0x0] =	wrdreg $0xFFFFFFFF;
	(pc) =	sbr.abs _section_cstart, $3  }
0xc0: {  	[dreg:$0x1] =	wrdreg $0xFFFFFFFF  }
0xc1: {  	_ =	task.clear_ibuf [dreg:s6], $0x2FFFF;
	_ =	strace $0x9FFFFFFF  }
0xc2: {  	(tm) =	ssettm $0x7FFFFFFF  }
0xc3: {  	_ =	shalt  }
tec
execute0_lowered:
.L_overlay_start_1:
0x0: {  	(tag) =	ssettag $0x1  }
0x1: {  	s4 =	rddreg [dreg:$0x0]  }
0x2: {  	s0 =	srdreg.scid;
	s9 =	rddreg [dreg:$0x1];
	s2 =	simm.s32 $0x0  }
0x3: {  	s14 =	simm.s32 $0x80;
	s15 =	simm.s32 $0x400;
	s16 =	simm.s32 $0x1400  }
0x4: {  	s17 =	simm.s32 $0x14000;
	s18 =	simm.s32 $0x3000;
	s19 =	simm.s32 $0x5800  }
0x5: {  	s20 =	simm.s32 $0x5A80;
	s3 =	sand.u32 $0x1, s0;
	s0 =	stileid.u32  }
0x6: {  	s21 =	simm.s32 $0x0;
	[smem:$0x7FF] =	sst s2;
	s6 =	smul.u32 $0x140000, s3  }
0x7: {  	s1 =	sshll.u32 s3, $0x4;
	s7 =	smul.u32 $0x14000, s0;
	s3 =	ssub.s32 $0x2, s3  }
0x8: {  	s31 =	sshrl.u32 s0, $0x3;
	s12 =	smul.u32 $0x5000, s0;
	s13 =	sshll.u32 s0, $0x7  }
0x9: {  	s1 =	sor.u32 s0, s1;
	s30 =	sshrl.u32 s3, $0x1;
	s8 =	smul.u32 $0x50000, s31  }
0xa: {  	s13 =	sand.u32 $0x380, s13;
	s5 =	smul.u32 $0x2710, s1;
	s1 =	rddreg [dreg:$0x2]  }
0xb: {  	_ =	strace $0x80000047;
	s6 =	sadd.s32 s7, s6;
	s11 =	ssub.s32 s3, s30  }
0xc: {  	s12 =	sshrl.u32 s12, $0x2;
	s29 =	sshrl.u32 s6, $0x3;
	s8 =	sshrl.u32 s8, $0x2  }
0xd: {  	s11 =	smax.u32 s11, $0x1;
	s5 =	sshrl.u32 s5, $0x3;
	s10 =	sadd.s32 s29, s4  }
0xe: {  	s8 =	sadd.s32 s8, s9;
	s9 =	sadd.s32 s12, s9;
	s12 =	simm.s32 $0x1  }
0xf: {  	s28 =	sadd.s32 s5, s4;
	s8 =	sadd.s32 s13, s8;
	s10 =	sadd.s32 $0x16600, s10  }
0x10: {  	s13 =	simm.s32 $0x800;
	s3 =	sadd.s32 $0xC800, s28;
	s4 =	sadd.s32 $0xC8FA, s28  }
0x11: {  	v0 =	vimm.f32 $0.0e+00;
	v1 =	vimm.f32 $1.000000000e+00;
	s5 =	sadd.s32 $0xC9F4, s28;
	s6 =	sadd.s32 $0xCAEE, s28;
	s7 =	sadd.s32 $0xCBE8, s28  }
.LBB2_1:
0x12: {  	s22 =	simm.s32 $0x40;
	s23 =	simm.s32 $0x0  }
.LBB2_2:
0x13: {  	p0 =	sne.s32 s22, $0x9FC0;
	[tilespmem:s23+$0x800] =	vst v0;
	s23 =	smov.u32 s22;
	s22 =	sadd.s32 $0x40, s22  }
.Ltmp0:
0x14: {  	(pc) =	sbr.rel @p0 .LBB2_2-.Ltmp0, $2  }
0x15: {  	_ =	sdelay $0x2  }
0x16: {  	s23 =	sshra.s32 s23, $0x2  }
0x17: {  	[tilespmem:s23+$0x800] =	vst v0;
	s22 =	simm.s32 $0x0  }
0x18: {  	[tilespmem:s22], [sflag:$0x1] =	stream.linear.gather [hbm4b:s3+s22], $0x7D0, $0x38;
	[tilespmem:$0x1C280] =	vst v63  }
0x19: {  	_ =	swait.ge [sflag:s12], $0x7D0  }
0x1a: {  	[sflag:s12] =	ssyncset.done $0x0  }
0x1b: {  	[sflag:s12] =	ssyncadd.s32 $0xFFFFF830  }
.LBB2_4:
0x1c: {  	s23 =	sshra.s32 s22, $0x2  }
0x1d: {  	v2 =	vld [tilespmem:s23+$0x0];
	_ =	sdelay $0x7  }
0x1e: {  	[tilespmem:v2+s13+$0x0] =	vst.idx.add.f32.msk $0xffff, v1  }
0x1f: {  	v2 =	vld [tilespmem:s23+$0x10];
	_ =	sdelay $0x7  }
0x20: {  	[tilespmem:v2+s13+$0x0] =	vst.idx.add.f32.msk $0xffff, v1  }
0x21: {  	v2 =	vld [tilespmem:s23+$0x20];
	_ =	sdelay $0x7  }
0x22: {  	[tilespmem:v2+s13+$0x0] =	vst.idx.add.f32.msk $0xffff, v1  }
0x23: {  	v2 =	vld [tilespmem:s23+$0x30];
	_ =	sdelay $0x7  }
0x24: {  	[tilespmem:v2+s13+$0x0] =	vst.idx.add.f32.msk $0xffff, v1  }
0x25: {  	v2 =	vld [tilespmem:s23+$0x40];
	_ =	sdelay $0x2  }
0x26: {  	p0 =	sne.s32 s22, $0x1E00  }
.Ltmp1:
0x27: {  	_ = 	snop;
	(pc) =	sbr.rel @p0 .LBB2_4-.Ltmp1, $2  }
0x28: {  	_ =	sdelay $0x2  }
0x29: {  	s22 =	sadd.s32 $0x140, s22;
	[tilespmem:v2+s13+$0x0] =	vst.idx.add.f32.msk $0xffff, v1  }
0x2a: {  	s22 =	simm.s32 $0x0  }
0x2b: {  	[tilespmem:s22], [sflag:$0x1] =	stream.linear.gather [hbm4b:s4+s22], $0x7D0, $0x38;
	[tilespmem:$0x1C280] =	vst v63  }
0x2c: {  	_ =	swait.ge [sflag:s12], $0x7D0  }
0x2d: {  	[sflag:s12] =	ssyncset.done $0x0  }
0x2e: {  	[sflag:s12] =	ssyncadd.s32 $0xFFFFF830  }
.LBB2_6:
0x2f: {  	s23 =	sshra.s32 s22, $0x2  }
0x30: {  	v2 =	vld [tilespmem:s23+$0x0];
	_ =	sdelay $0x7  }
0x31: {  	[tilespmem:v2+s13+$0x0] =	vst.idx.add.f32.msk $0xffff, v1  }
0x32: {  	v2 =	vld [tilespmem:s23+$0x10];
	_ =	sdelay $0x7  }
0x33: {  	[tilespmem:v2+s13+$0x0] =	vst.idx.add.f32.msk $0xffff, v1  }
0x34: {  	v2 =	vld [tilespmem:s23+$0x20];
	_ =	sdelay $0x7  }
0x35: {  	[tilespmem:v2+s13+$0x0] =	vst.idx.add.f32.msk $0xffff, v1  }
0x36: {  	v2 =	vld [tilespmem:s23+$0x30];
	_ =	sdelay $0x7  }
0x37: {  	[tilespmem:v2+s13+$0x0] =	vst.idx.add.f32.msk $0xffff, v1  }
0x38: {  	v2 =	vld [tilespmem:s23+$0x40];
	_ =	sdelay $0x2  }
0x39: {  	p0 =	sne.s32 s22, $0x1E00  }
.Ltmp2:
0x3a: {  	_ = 	snop;
	(pc) =	sbr.rel @p0 .LBB2_6-.Ltmp2, $2  }
0x3b: {  	_ =	sdelay $0x2  }
0x3c: {  	s22 =	sadd.s32 $0x140, s22;
	[tilespmem:v2+s13+$0x0] =	vst.idx.add.f32.msk $0xffff, v1  }
0x3d: {  	s22 =	simm.s32 $0x0  }
0x3e: {  	[tilespmem:s22], [sflag:$0x1] =	stream.linear.gather [hbm4b:s5+s22], $0x7D0, $0x38;
	[tilespmem:$0x1C280] =	vst v63  }
0x3f: {  	_ =	swait.ge [sflag:s12], $0x7D0  }
0x40: {  	[sflag:s12] =	ssyncset.done $0x0  }
0x41: {  	[sflag:s12] =	ssyncadd.s32 $0xFFFFF830  }
.LBB2_8:
0x42: {  	s23 =	sshra.s32 s22, $0x2  }
0x43: {  	v2 =	vld [tilespmem:s23+$0x0];
	_ =	sdelay $0x7  }
0x44: {  	[tilespmem:v2+s13+$0x0] =	vst.idx.add.f32.msk $0xffff, v1  }
0x45: {  	v2 =	vld [tilespmem:s23+$0x10];
	_ =	sdelay $0x7  }
0x46: {  	[tilespmem:v2+s13+$0x0] =	vst.idx.add.f32.msk $0xffff, v1  }
0x47: {  	v2 =	vld [tilespmem:s23+$0x20];
	_ =	sdelay $0x7  }
0x48: {  	[tilespmem:v2+s13+$0x0] =	vst.idx.add.f32.msk $0xffff, v1  }
0x49: {  	v2 =	vld [tilespmem:s23+$0x30];
	_ =	sdelay $0x7  }
0x4a: {  	[tilespmem:v2+s13+$0x0] =	vst.idx.add.f32.msk $0xffff, v1  }
0x4b: {  	v2 =	vld [tilespmem:s23+$0x40];
	_ =	sdelay $0x2  }
0x4c: {  	p0 =	sne.s32 s22, $0x1E00  }
.Ltmp3:
0x4d: {  	_ = 	snop;
	(pc) =	sbr.rel @p0 .LBB2_8-.Ltmp3, $2  }
0x4e: {  	_ =	sdelay $0x2  }
0x4f: {  	s22 =	sadd.s32 $0x140, s22;
	[tilespmem:v2+s13+$0x0] =	vst.idx.add.f32.msk $0xffff, v1  }
0x50: {  	s22 =	simm.s32 $0x0  }
0x51: {  	[tilespmem:s22], [sflag:$0x1] =	stream.linear.gather [hbm4b:s6+s22], $0x7D0, $0x38;
	[tilespmem:$0x1C280] =	vst v63  }
0x52: {  	_ =	swait.ge [sflag:s12], $0x7D0  }
0x53: {  	[sflag:s12] =	ssyncset.done $0x0  }
0x54: {  	[sflag:s12] =	ssyncadd.s32 $0xFFFFF830  }
.LBB2_10:
0x55: {  	s23 =	sshra.s32 s22, $0x2  }
0x56: {  	v2 =	vld [tilespmem:s23+$0x0];
	_ =	sdelay $0x7  }
0x57: {  	[tilespmem:v2+s13+$0x0] =	vst.idx.add.f32.msk $0xffff, v1  }
0x58: {  	v2 =	vld [tilespmem:s23+$0x10];
	_ =	sdelay $0x7  }
0x59: {  	[tilespmem:v2+s13+$0x0] =	vst.idx.add.f32.msk $0xffff, v1  }
0x5a: {  	v2 =	vld [tilespmem:s23+$0x20];
	_ =	sdelay $0x7  }
0x5b: {  	[tilespmem:v2+s13+$0x0] =	vst.idx.add.f32.msk $0xffff, v1  }
0x5c: {  	v2 =	vld [tilespmem:s23+$0x30];
	_ =	sdelay $0x7  }
0x5d: {  	[tilespmem:v2+s13+$0x0] =	vst.idx.add.f32.msk $0xffff, v1  }
0x5e: {  	v2 =	vld [tilespmem:s23+$0x40];
	_ =	sdelay $0x2  }
0x5f: {  	p0 =	sne.s32 s22, $0x1E00  }
.Ltmp4:
0x60: {  	_ = 	snop;
	(pc) =	sbr.rel @p0 .LBB2_10-.Ltmp4, $2  }
0x61: {  	_ =	sdelay $0x2  }
0x62: {  	s22 =	sadd.s32 $0x140, s22;
	[tilespmem:v2+s13+$0x0] =	vst.idx.add.f32.msk $0xffff, v1  }
0x63: {  	s22 =	simm.s32 $0x0  }
0x64: {  	[tilespmem:s22], [sflag:$0x1] =	stream.linear.gather [hbm4b:s7+s22], $0x7D0, $0x38;
	[tilespmem:$0x1C280] =	vst v63  }
0x65: {  	_ =	swait.ge [sflag:s12], $0x7D0  }
0x66: {  	[sflag:s12] =	ssyncset.done $0x0  }
0x67: {  	[sflag:s12] =	ssyncadd.s32 $0xFFFFF830  }
.LBB2_12:
0x68: {  	s23 =	sshra.s32 s22, $0x2  }
0x69: {  	v2 =	vld [tilespmem:s23+$0x0];
	_ =	sdelay $0x7  }
0x6a: {  	[tilespmem:v2+s13+$0x0] =	vst.idx.add.f32.msk $0xffff, v1  }
0x6b: {  	v2 =	vld [tilespmem:s23+$0x10];
	_ =	sdelay $0x7  }
0x6c: {  	[tilespmem:v2+s13+$0x0] =	vst.idx.add.f32.msk $0xffff, v1  }
0x6d: {  	v2 =	vld [tilespmem:s23+$0x20];
	_ =	sdelay $0x7  }
0x6e: {  	[tilespmem:v2+s13+$0x0] =	vst.idx.add.f32.msk $0xffff, v1  }
0x6f: {  	v2 =	vld [tilespmem:s23+$0x30];
	_ =	sdelay $0x7  }
0x70: {  	[tilespmem:v2+s13+$0x0] =	vst.idx.add.f32.msk $0xffff, v1  }
0x71: {  	v2 =	vld [tilespmem:s23+$0x40];
	_ =	sdelay $0x2  }
0x72: {  	p0 =	sne.s32 s22, $0x1E00  }
.Ltmp5:
0x73: {  	_ = 	snop;
	(pc) =	sbr.rel @p0 .LBB2_12-.Ltmp5, $2  }
0x74: {  	_ =	sdelay $0x2  }
0x75: {  	s22 =	sadd.s32 $0x140, s22;
	[tilespmem:v2+s13+$0x0] =	vst.idx.add.f32.msk $0xffff, v1  }
0x76: {  	[spmem:s8] =	stream.strided.scatter [tilespmem:s13], [sflag:$0x1], $0x2800, s15, s14, $0x38;
	[tilespmem:$0x1C280] =	vst v63  }
0x77: {  	_ =	swait.ge [sflag:s12], $0x2800  }
0x78: {  	[sflag:s12] =	ssyncset.done $0x0  }
0x79: {  	[sflag:s12] =	ssyncadd.s32 $0xFFFFD800  }
0x7a: {  	[bflag:$0x0] =	sbarrier.arrive $0xFFFF  }
0x7b: {  	[tilespmem:s18], [sflag:$0x1] =	stream.strided.gather [spmem:s9], $0x2800, s17, s16, $0x38;
	[tilespmem:$0x1C280] =	vst v63  }
0x7c: {  	s22 =	simm.s32 $0x0;
	_ =	swait.ge [sflag:s12], $0x2800  }
0x7d: {  	s23 =	sand.u32 $0x70, s22;
	s22 =	sand.u32 $0x1C00, s22;
	[sflag:s12] =	ssyncset.done $0x0  }
0x7e: {  	s22 =	sor.u32 s23, s22;
	[sflag:s12] =	ssyncadd.s32 $0xFFFFD800  }
0x7f: {  	v2 =	vld [tilespmem:s22+$0x3080]  }
0x80: {  	v3 =	vld [tilespmem:s22+$0x3000];
	_ =	sdelay $0x1  }
0x81: {  	v4 =	vld [tilespmem:s22+$0x3100];
	_ =	sdelay $0x1  }
0x82: {  	v5 =	vld [tilespmem:s22+$0x3180]  }
0x83: {  	v2 =	vadd.f32 v2, v3  }
0x84: {  	v3 =	vld [tilespmem:s22+$0x3200]  }
0x85: {  	v2 =	vadd.f32 v4, v2  }
0x86: {  	v56 =	vld [tilespmem:s22+$0x3280]  }
0x87: {  	v2 =	vadd.f32 v5, v2  }
0x88: {  	v57 =	vld [tilespmem:s22+$0x3300]  }
0x89: {  	v2 =	vadd.f32 v3, v2  }
0x8a: {  	v3 =	vld [tilespmem:s22+$0x3380]  }
0x8b: {  	v2 =	vadd.f32 v56, v2  }
0x8c: {  	v58 =	vld [tilespmem:s22+$0x4400]  }
0x8d: {  	v2 =	vadd.f32 v57, v2  }
0x8e: {  	v59 =	vld [tilespmem:s22+$0x4480]  }
0x8f: {  	v2 =	vadd.f32 v3, v2  }
0x90: {  	v3 =	vld [tilespmem:s22+$0x4500]  }
0x91: {  	v2 =	vadd.f32 v58, v2  }
0x92: {  	v60 =	vld [tilespmem:s22+$0x4580]  }
0x93: {  	v2 =	vadd.f32 v59, v2  }
0x94: {  	v61 =	vld [tilespmem:s22+$0x4600]  }
0x95: {  	v2 =	vadd.f32 v3, v2  }
0x96: {  	v3 =	vld [tilespmem:s22+$0x4680]  }
0x97: {  	v2 =	vadd.f32 v60, v2  }
0x98: {  	v62 =	vld [tilespmem:s22+$0x4700]  }
0x99: {  	v2 =	vadd.f32 v61, v2  }
0x9a: {  	v63 =	vld [tilespmem:s22+$0x4780]  }
0x9b: {  	v2 =	vadd.f32 v3, v2;
	_ =	sdelay $0x1  }
0x9c: {  	v2 =	vadd.f32 v62, v2;
	_ =	sdelay $0x1  }
0x9d: {  	s31 =	simm.s32 $0x10;
	s24 =	simm.s32 $0x80;
	v2 =	vadd.f32 v63, v2  }
0x9e: {  	s25 =	sand.u32 $0x1C00, s24;
	s23 =	sand.u32 $0x70, s31;
	s22 =	simm.s32 $0x5800  }
0x9f: {  	s23 =	sor.u32 s23, s25;
	s25 =	simm.s32 $0x20;
	[tilespmem:s22+$0x0] =	vst v2  }
.LBB2_14:
0xa0: {  	p0 =	sne.s32 s25, $0x270;
	v2 =	vld [tilespmem:s23+$0x3080]  }
0xa1: {  	v3 =	vld [tilespmem:s23+$0x3000];
	_ =	sdelay $0x1  }
0xa2: {  	v4 =	vld [tilespmem:s23+$0x3100];
	_ =	sdelay $0x1  }
0xa3: {  	v5 =	vld [tilespmem:s23+$0x3180]  }
0xa4: {  	v2 =	vadd.f32 v2, v3  }
0xa5: {  	v3 =	vld [tilespmem:s23+$0x3200]  }
0xa6: {  	v2 =	vadd.f32 v4, v2  }
0xa7: {  	v4 =	vld [tilespmem:s23+$0x3280]  }
0xa8: {  	v2 =	vadd.f32 v5, v2  }
0xa9: {  	v5 =	vld [tilespmem:s23+$0x3300]  }
0xaa: {  	v2 =	vadd.f32 v3, v2  }
0xab: {  	v3 =	vld [tilespmem:s23+$0x3380]  }
0xac: {  	v2 =	vadd.f32 v4, v2  }
0xad: {  	v4 =	vld [tilespmem:s23+$0x4400]  }
0xae: {  	v2 =	vadd.f32 v5, v2  }
0xaf: {  	v5 =	vld [tilespmem:s23+$0x4480]  }
0xb0: {  	v2 =	vadd.f32 v3, v2  }
0xb1: {  	v3 =	vld [tilespmem:s23+$0x4500]  }
0xb2: {  	v2 =	vadd.f32 v4, v2  }
0xb3: {  	v4 =	vld [tilespmem:s23+$0x4580]  }
0xb4: {  	v2 =	vadd.f32 v5, v2  }
0xb5: {  	v5 =	vld [tilespmem:s23+$0x4600]  }
0xb6: {  	v2 =	vadd.f32 v3, v2  }
0xb7: {  	v3 =	vld [tilespmem:s23+$0x4680]  }
0xb8: {  	v2 =	vadd.f32 v4, v2  }
0xb9: {  	v4 =	vld [tilespmem:s23+$0x4700]  }
0xba: {  	v2 =	vadd.f32 v5, v2  }
0xbb: {  	v5 =	vld [tilespmem:s23+$0x4780]  }
0xbc: {  	v2 =	vadd.f32 v3, v2;
	_ =	sdelay $0x1  }
.Ltmp6:
0xbd: {  	v2 =	vadd.f32 v4, v2;
	(pc) =	sbr.rel @p0 .LBB2_14-.Ltmp6, $4  }
0xbe: {  	_ = 	snop  }
0xbf: {  	s24 =	sadd.s32 $0x80, s24;
	v2 =	vadd.f32 v5, v2  }
0xc0: {  	s22 =	sadd.s32 $0x10, s22;
	s26 =	sand.u32 $0x1C00, s24;
	s23 =	sand.u32 $0x70, s25  }
0xc1: {  	s25 =	sadd.s32 $0x10, s25;
	s23 =	sor.u32 s23, s26;
	[tilespmem:s22+$0x0] =	vst v2  }
0xc2: {  	v2 =	vld [tilespmem:s23+$0x3080]  }
0xc3: {  	v3 =	vld [tilespmem:s23+$0x3000];
	_ =	sdelay $0x1  }
0xc4: {  	v4 =	vld [tilespmem:s23+$0x3100];
	_ =	sdelay $0x1  }
0xc5: {  	v5 =	vld [tilespmem:s23+$0x3180]  }
0xc6: {  	v2 =	vadd.f32 v2, v3  }
0xc7: {  	v3 =	vld [tilespmem:s23+$0x3200]  }
0xc8: {  	v2 =	vadd.f32 v4, v2  }
0xc9: {  	v4 =	vld [tilespmem:s23+$0x3280]  }
0xca: {  	v2 =	vadd.f32 v5, v2  }
0xcb: {  	v5 =	vld [tilespmem:s23+$0x3300]  }
0xcc: {  	v2 =	vadd.f32 v3, v2  }
0xcd: {  	v3 =	vld [tilespmem:s23+$0x3380]  }
0xce: {  	v2 =	vadd.f32 v4, v2  }
0xcf: {  	v4 =	vld [tilespmem:s23+$0x4400]  }
0xd0: {  	v2 =	vadd.f32 v5, v2  }
0xd1: {  	v5 =	vld [tilespmem:s23+$0x4480]  }
0xd2: {  	v2 =	vadd.f32 v3, v2  }
0xd3: {  	v3 =	vld [tilespmem:s23+$0x4500]  }
0xd4: {  	v2 =	vadd.f32 v4, v2  }
0xd5: {  	v4 =	vld [tilespmem:s23+$0x4580]  }
0xd6: {  	v2 =	vadd.f32 v5, v2  }
0xd7: {  	v5 =	vld [tilespmem:s23+$0x4600]  }
0xd8: {  	v2 =	vadd.f32 v3, v2  }
0xd9: {  	v3 =	vld [tilespmem:s23+$0x4680]  }
0xda: {  	v2 =	vadd.f32 v4, v2  }
0xdb: {  	v4 =	vld [tilespmem:s23+$0x4700]  }
0xdc: {  	s24 =	simm.s32 $0x0;
	v2 =	vadd.f32 v5, v2  }
0xdd: {  	v6 =	vmov s24;
	v5 =	vld [tilespmem:s23+$0x4780]  }
0xde: {  	v2 =	vadd.f32 v3, v2;
	v3 =	vand.u32 $0xFFFFFFF0, v6  }
0xdf: {  	v3 =	vbroadcast v3, $0x0  }
0xe0: {  	v2 =	vadd.f32 v4, v2;
	_ =	sdelay $0x1  }
0xe1: {  	s31 =	simm.s32 $0x1;
	v2 =	vadd.f32 v5, v2  }
0xe2: {  	s22 =	sadd.s32 $0x10, s22;
	v4 =	vmov s31  }
0xe3: {  	[tilespmem:s22+$0x0] =	vst v2;
	v2 =	vand.u32 $0xFFFFFFF1, v4  }
0xe4: {  	v3 =	vld.idx.msk [tilespmem:v3+s19+$0x0], $0xffff;
	v2 =	vbroadcast v2, $0x0;
	_ =	sdelay $0x2  }
0xe5: {  	s24 =	simm.s32 $0x2  }
0xe6: {  	s22 =	simm.s32 $0x5E80;
	v4 =	vmov s24  }
0xe7: {  	[tilespmem:s22+$0xFFFFFC00] =	vst v3;
	v3 =	vand.u32 $0xFFFFFFF2, v4  }
0xe8: {  	v2 =	vld.idx.msk [tilespmem:v2+s19+$0x0], $0xffff;
	v3 =	vbroadcast v3, $0x0;
	_ =	sdelay $0x2  }
0xe9: {  	s25 =	simm.s32 $0x3  }
0xea: {  	v4 =	vmov s25  }
0xeb: {  	[tilespmem:s22+$0xFFFFFC80] =	vst v2;
	v2 =	vand.u32 $0xFFFFFFF3, v4  }
0xec: {  	v3 =	vld.idx.msk [tilespmem:v3+s19+$0x0], $0xffff;
	v2 =	vbroadcast v2, $0x0;
	_ =	sdelay $0x2  }
0xed: {  	s26 =	simm.s32 $0x4  }
0xee: {  	v4 =	vmov s26  }
0xef: {  	[tilespmem:s22+$0xFFFFFD00] =	vst v3;
	v3 =	vand.u32 $0xFFFFFFF4, v4  }
0xf0: {  	v2 =	vld.idx.msk [tilespmem:v2+s19+$0x0], $0xffff;
	v3 =	vbroadcast v3, $0x0;
	_ =	sdelay $0x2  }
0xf1: {  	s28 =	simm.s32 $0x5  }
0xf2: {  	v4 =	vmov s28  }
0xf3: {  	[tilespmem:s22+$0xFFFFFD80] =	vst v2;
	v2 =	vand.u32 $0xFFFFFFF5, v4  }
0xf4: {  	v3 =	vld.idx.msk [tilespmem:v3+s19+$0x0], $0xffff;
	v2 =	vbroadcast v2, $0x0;
	_ =	sdelay $0x2  }
0xf5: {  	s29 =	simm.s32 $0x6  }
0xf6: {  	v4 =	vmov s29  }
0xf7: {  	[tilespmem:s22+$0xFFFFFE00] =	vst v3;
	v3 =	vand.u32 $0xFFFFFFF6, v4  }
0xf8: {  	v2 =	vld.idx.msk [tilespmem:v2+s19+$0x0], $0xffff;
	v3 =	vbroadcast v3, $0x0;
	_ =	sdelay $0x2  }
0xf9: {  	s30 =	simm.s32 $0x7  }
0xfa: {  	v4 =	vmov s30  }
0xfb: {  	[tilespmem:s22+$0xFFFFFE80] =	vst v2;
	v2 =	vand.u32 $0xFFFFFFF7, v4  }
0xfc: {  	v3 =	vld.idx.msk [tilespmem:v3+s19+$0x0], $0xffff;
	v2 =	vbroadcast v2, $0x0;
	_ =	sdelay $0x2  }
0xfd: {  	s31 =	simm.s32 $0x8  }
0xfe: {  	v4 =	vmov s31  }
0xff: {  	[tilespmem:s22+$0xFFFFFF00] =	vst v3;
	v3 =	vand.u32 $0xFFFFFFF8, v4  }
0x100: {  	v2 =	vld.idx.msk [tilespmem:v2+s19+$0x0], $0xffff;
	v3 =	vbroadcast v3, $0x0;
	_ =	sdelay $0x2  }
0x101: {  	s24 =	simm.s32 $0x9  }
0x102: {  	v4 =	vmov s24  }
0x103: {  	[tilespmem:s22+$0xFFFFFF80] =	vst v2;
	v2 =	vand.u32 $0xFFFFFFF9, v4  }
0x104: {  	v3 =	vld.idx.msk [tilespmem:v3+s19+$0x0], $0xffff;
	v2 =	vbroadcast v2, $0x0;
	_ =	sdelay $0x2  }
0x105: {  	s25 =	simm.s32 $0xA  }
0x106: {  	v4 =	vmov s25  }
0x107: {  	[tilespmem:s22+$0x0] =	vst v3;
	v3 =	vand.u32 $0xFFFFFFFA, v4  }
0x108: {  	v2 =	vld.idx.msk [tilespmem:v2+s19+$0x0], $0xffff;
	v3 =	vbroadcast v3, $0x0;
	_ =	sdelay $0x2  }
0x109: {  	s26 =	simm.s32 $0xB  }
0x10a: {  	v4 =	vmov s26  }
0x10b: {  	[tilespmem:s22+$0x80] =	vst v2;
	v2 =	vand.u32 $0xFFFFFFFB, v4  }
0x10c: {  	v3 =	vld.idx.msk [tilespmem:v3+s19+$0x0], $0xffff;
	v2 =	vbroadcast v2, $0x0;
	_ =	sdelay $0x2  }
0x10d: {  	s28 =	simm.s32 $0xC  }
0x10e: {  	v4 =	vmov s28  }
0x10f: {  	[tilespmem:s22+$0x100] =	vst v3;
	v3 =	vand.u32 $0xFFFFFFFC, v4  }
0x110: {  	v2 =	vld.idx.msk [tilespmem:v2+s19+$0x0], $0xffff;
	v3 =	vbroadcast v3, $0x0;
	_ =	sdelay $0x2  }
0x111: {  	s29 =	simm.s32 $0xD  }
0x112: {  	v4 =	vmov s29  }
0x113: {  	[tilespmem:s22+$0x180] =	vst v2;
	v2 =	vand.u32 $0xFFFFFFFD, v4  }
0x114: {  	v3 =	vld.idx.msk [tilespmem:v3+s19+$0x0], $0xffff;
	v2 =	vbroadcast v2, $0x0;
	_ =	sdelay $0x2  }
0x115: {  	s30 =	simm.s32 $0xE  }
0x116: {  	v4 =	vmov s30  }
0x117: {  	[tilespmem:s22+$0x200] =	vst v3;
	v3 =	vand.u32 $0xFFFFFFFE, v4  }
0x118: {  	v2 =	vld.idx.msk [tilespmem:v2+s19+$0x0], $0xffff;
	v3 =	vbroadcast v3, $0x0;
	_ =	sdelay $0x4  }
0x119: {  	[tilespmem:s22+$0x280] =	vst v2  }
0x11a: {  	s31 =	simm.s32 $0xF;
	v3 =	vld.idx.msk [tilespmem:v3+s19+$0x0], $0xffff  }
0x11b: {  	v2 =	vmov s31;
	_ =	sdelay $0x2  }
0x11c: {  	s23 =	simm.s32 $0x1F;
	s24 =	simm.s32 $0x2F;
	s25 =	simm.s32 $0x10  }
.LBB2_16:
0x11d: {  	p0 =	sne.s32 s24, $0x27F;
	v4 =	vmov s25;
	[tilespmem:s22+$0x300] =	vst v3  }
0x11e: {  	v3 =	vand.u32 $0xFFFFFFF0, v4;
	v2 =	vld.idx.msk [tilespmem:v2+s19+$0x0], $0xffff  }
0x11f: {  	v3 =	vbroadcast v3, $0x0;
	_ =	sdelay $0x3  }
0x120: {  	s25 =	sadd.s32 $0xFFFFFFF2, s23  }
0x121: {  	v4 =	vmov s25;
	[tilespmem:s22+$0x380] =	vst v2  }
0x122: {  	v2 =	vld.idx.msk [tilespmem:v3+s19+$0x0], $0xffff;
	v3 =	vand.u32 $0xFFFFFFF1, v4  }
0x123: {  	v3 =	vbroadcast v3, $0x0;
	_ =	sdelay $0x3  }
0x124: {  	s25 =	sadd.s32 $0xFFFFFFF3, s23;
	s22 =	sadd.s32 $0x800, s22  }
0x125: {  	[tilespmem:s22+$0xFFFFFC00] =	vst v2;
	v2 =	vmov s25  }
0x126: {  	v3 =	vld.idx.msk [tilespmem:v3+s19+$0x0], $0xffff;
	v2 =	vand.u32 $0xFFFFFFF2, v2  }
0x127: {  	v2 =	vbroadcast v2, $0x0;
	_ =	sdelay $0x3  }
0x128: {  	s25 =	sadd.s32 $0xFFFFFFF4, s23  }
0x129: {  	[tilespmem:s22+$0xFFFFFC80] =	vst v3;
	v3 =	vmov s25  }
0x12a: {  	v2 =	vld.idx.msk [tilespmem:v2+s19+$0x0], $0xffff;
	v3 =	vand.u32 $0xFFFFFFF3, v3  }
0x12b: {  	v3 =	vbroadcast v3, $0x0;
	_ =	sdelay $0x3  }
0x12c: {  	s25 =	sadd.s32 $0xFFFFFFF5, s23  }
0x12d: {  	[tilespmem:s22+$0xFFFFFD00] =	vst v2;
	v2 =	vmov s25  }
0x12e: {  	v3 =	vld.idx.msk [tilespmem:v3+s19+$0x0], $0xffff;
	v2 =	vand.u32 $0xFFFFFFF4, v2  }
0x12f: {  	v2 =	vbroadcast v2, $0x0;
	_ =	sdelay $0x3  }
0x130: {  	s25 =	sadd.s32 $0xFFFFFFF6, s23  }
0x131: {  	[tilespmem:s22+$0xFFFFFD80] =	vst v3;
	v3 =	vmov s25  }
0x132: {  	v2 =	vld.idx.msk [tilespmem:v2+s19+$0x0], $0xffff;
	v3 =	vand.u32 $0xFFFFFFF5, v3  }
0x133: {  	v3 =	vbroadcast v3, $0x0;
	_ =	sdelay $0x3  }
0x134: {  	s25 =	sadd.s32 $0xFFFFFFF7, s23  }
0x135: {  	[tilespmem:s22+$0xFFFFFE00] =	vst v2;
	v2 =	vmov s25  }
0x136: {  	v3 =	vld.idx.msk [tilespmem:v3+s19+$0x0], $0xffff;
	v2 =	vand.u32 $0xFFFFFFF6, v2  }
0x137: {  	v2 =	vbroadcast v2, $0x0;
	_ =	sdelay $0x3  }
0x138: {  	s25 =	sadd.s32 $0xFFFFFFF8, s23  }
0x139: {  	[tilespmem:s22+$0xFFFFFE80] =	vst v3;
	v3 =	vmov s25  }
0x13a: {  	v2 =	vld.idx.msk [tilespmem:v2+s19+$0x0], $0xffff;
	v3 =	vand.u32 $0xFFFFFFF7, v3  }
0x13b: {  	v3 =	vbroadcast v3, $0x0;
	_ =	sdelay $0x3  }
0x13c: {  	s25 =	sadd.s32 $0xFFFFFFF9, s23  }
0x13d: {  	[tilespmem:s22+$0xFFFFFF00] =	vst v2;
	v2 =	vmov s25  }
0x13e: {  	v3 =	vld.idx.msk [tilespmem:v3+s19+$0x0], $0xffff;
	v2 =	vand.u32 $0xFFFFFFF8, v2  }
0x13f: {  	v2 =	vbroadcast v2, $0x0;
	_ =	sdelay $0x3  }
0x140: {  	s25 =	sadd.s32 $0xFFFFFFFA, s23  }
0x141: {  	[tilespmem:s22+$0xFFFFFF80] =	vst v3;
	v3 =	vmov s25  }
0x142: {  	v2 =	vld.idx.msk [tilespmem:v2+s19+$0x0], $0xffff;
	v3 =	vand.u32 $0xFFFFFFF9, v3  }
0x143: {  	v3 =	vbroadcast v3, $0x0;
	_ =	sdelay $0x3  }
0x144: {  	s25 =	sadd.s32 $0xFFFFFFFB, s23  }
0x145: {  	[tilespmem:s22+$0x0] =	vst v2;
	v2 =	vmov s25  }
0x146: {  	v3 =	vld.idx.msk [tilespmem:v3+s19+$0x0], $0xffff;
	v2 =	vand.u32 $0xFFFFFFFA, v2  }
0x147: {  	v2 =	vbroadcast v2, $0x0;
	_ =	sdelay $0x3  }
0x148: {  	s25 =	sadd.s32 $0xFFFFFFFC, s23  }
0x149: {  	[tilespmem:s22+$0x80] =	vst v3;
	v3 =	vmov s25  }
0x14a: {  	v2 =	vld.idx.msk [tilespmem:v2+s19+$0x0], $0xffff;
	v3 =	vand.u32 $0xFFFFFFFB, v3  }
0x14b: {  	v3 =	vbroadcast v3, $0x0;
	_ =	sdelay $0x3  }
0x14c: {  	s25 =	sadd.s32 $0xFFFFFFFD, s23  }
0x14d: {  	[tilespmem:s22+$0x100] =	vst v2;
	v2 =	vmov s25  }
0x14e: {  	v3 =	vld.idx.msk [tilespmem:v3+s19+$0x0], $0xffff;
	v2 =	vand.u32 $0xFFFFFFFC, v2  }
0x14f: {  	v2 =	vbroadcast v2, $0x0;
	_ =	sdelay $0x3  }
0x150: {  	s25 =	sadd.s32 $0xFFFFFFFE, s23  }
0x151: {  	[tilespmem:s22+$0x180] =	vst v3;
	v3 =	vmov s25  }
0x152: {  	v2 =	vld.idx.msk [tilespmem:v2+s19+$0x0], $0xffff;
	v3 =	vand.u32 $0xFFFFFFFD, v3  }
0x153: {  	v3 =	vbroadcast v3, $0x0;
	_ =	sdelay $0x3  }
0x154: {  	s25 =	sadd.s32 $0xFFFFFFFF, s23  }
0x155: {  	[tilespmem:s22+$0x200] =	vst v2;
	v2 =	vmov s25  }
0x156: {  	v3 =	vld.idx.msk [tilespmem:v3+s19+$0x0], $0xffff;
	v2 =	vand.u32 $0xFFFFFFFE, v2  }
0x157: {  	v2 =	vbroadcast v2, $0x0;
	_ =	sdelay $0x4  }
0x158: {  	[tilespmem:s22+$0x280] =	vst v3  }
0x159: {  	v3 =	vld.idx.msk [tilespmem:v2+s19+$0x0], $0xffff  }
.Ltmp7:
0x15a: {  	(pc) =	sbr.rel @p0 .LBB2_16-.Ltmp7, $2  }
0x15b: {  	v2 =	vmov s23;
	s23 =	smov.u32 s24;
	_ =	sdelay $0x2  }
0x15c: {  	s24 =	sadd.s32 $0x10, s24;
	s25 =	sadd.s32 $0xFFFFFFF1, s23  }
0x15d: {  	_ =	sdelay $0x1  }
0x15e: {  	v4 =	vmov s25  }
0x15f: {  	[tilespmem:s22+$0x300] =	vst v3;
	v3 =	vand.u32 $0xFFFFFFF0, v4  }
0x160: {  	v2 =	vld.idx.msk [tilespmem:v2+s19+$0x0], $0xffff;
	v3 =	vbroadcast v3, $0x0;
	_ =	sdelay $0x2  }
0x161: {  	s24 =	sadd.s32 $0xFFFFFFF2, s23  }
0x162: {  	v50 =	vmov s24  }
0x163: {  	[tilespmem:s22+$0x380] =	vst v2;
	v2 =	vand.u32 $0xFFFFFFF1, v50  }
0x164: {  	v2 =	vbroadcast v2, $0x0;
	v3 =	vld.idx.msk [tilespmem:v3+s19+$0x0], $0xffff;
	_ =	sdelay $0x2  }
0x165: {  	s31 =	sadd.s32 $0xFFFFFFF3, s23  }
0x166: {  	v51 =	vmov s31;
	s22 =	sadd.s32 $0x800, s22  }
0x167: {  	[tilespmem:s22+$0xFFFFFC00] =	vst v3;
	v3 =	vand.u32 $0xFFFFFFF2, v51  }
0x168: {  	v2 =	vld.idx.msk [tilespmem:v2+s19+$0x0], $0xffff;
	v3 =	vbroadcast v3, $0x0;
	_ =	sdelay $0x2  }
0x169: {  	s25 =	sadd.s32 $0xFFFFFFF4, s23  }
0x16a: {  	v52 =	vmov s25  }
0x16b: {  	[tilespmem:s22+$0xFFFFFC80] =	vst v2;
	v2 =	vand.u32 $0xFFFFFFF3, v52  }
0x16c: {  	v3 =	vld.idx.msk [tilespmem:v3+s19+$0x0], $0xffff;
	v2 =	vbroadcast v2, $0x0;
	_ =	sdelay $0x2  }
0x16d: {  	s26 =	sadd.s32 $0xFFFFFFF5, s23  }
0x16e: {  	v53 =	vmov s26  }
0x16f: {  	[tilespmem:s22+$0xFFFFFD00] =	vst v3;
	v3 =	vand.u32 $0xFFFFFFF4, v53  }
0x170: {  	v2 =	vld.idx.msk [tilespmem:v2+s19+$0x0], $0xffff;
	v3 =	vbroadcast v3, $0x0;
	_ =	sdelay $0x2  }
0x171: {  	s28 =	sadd.s32 $0xFFFFFFF6, s23  }
0x172: {  	v54 =	vmov s28  }
0x173: {  	[tilespmem:s22+$0xFFFFFD80] =	vst v2;
	v2 =	vand.u32 $0xFFFFFFF5, v54  }
0x174: {  	v3 =	vld.idx.msk [tilespmem:v3+s19+$0x0], $0xffff;
	v2 =	vbroadcast v2, $0x0;
	_ =	sdelay $0x2  }
0x175: {  	s29 =	sadd.s32 $0xFFFFFFF7, s23  }
0x176: {  	v55 =	vmov s29  }
0x177: {  	[tilespmem:s22+$0xFFFFFE00] =	vst v3;
	v3 =	vand.u32 $0xFFFFFFF6, v55  }
0x178: {  	v2 =	vld.idx.msk [tilespmem:v2+s19+$0x0], $0xffff;
	v3 =	vbroadcast v3, $0x0;
	_ =	sdelay $0x2  }
0x179: {  	s30 =	sadd.s32 $0xFFFFFFF8, s23  }
0x17a: {  	v56 =	vmov s30  }
0x17b: {  	[tilespmem:s22+$0xFFFFFE80] =	vst v2;
	v2 =	vand.u32 $0xFFFFFFF7, v56  }
0x17c: {  	v3 =	vld.idx.msk [tilespmem:v3+s19+$0x0], $0xffff;
	v2 =	vbroadcast v2, $0x0;
	_ =	sdelay $0x2  }
0x17d: {  	s31 =	sadd.s32 $0xFFFFFFF9, s23  }
0x17e: {  	v57 =	vmov s31  }
0x17f: {  	[tilespmem:s22+$0xFFFFFF00] =	vst v3;
	v3 =	vand.u32 $0xFFFFFFF8, v57  }
0x180: {  	v2 =	vld.idx.msk [tilespmem:v2+s19+$0x0], $0xffff;
	v3 =	vbroadcast v3, $0x0;
	_ =	sdelay $0x2  }
0x181: {  	s25 =	sadd.s32 $0xFFFFFFFA, s23  }
0x182: {  	v58 =	vmov s25  }
0x183: {  	[tilespmem:s22+$0xFFFFFF80] =	vst v2;
	v2 =	vand.u32 $0xFFFFFFF9, v58  }
0x184: {  	v3 =	vld.idx.msk [tilespmem:v3+s19+$0x0], $0xffff;
	v2 =	vbroadcast v2, $0x0;
	_ =	sdelay $0x2  }
0x185: {  	s26 =	sadd.s32 $0xFFFFFFFB, s23  }
0x186: {  	v59 =	vmov s26  }
0x187: {  	[tilespmem:s22+$0x0] =	vst v3;
	v3 =	vand.u32 $0xFFFFFFFA, v59  }
0x188: {  	v2 =	vld.idx.msk [tilespmem:v2+s19+$0x0], $0xffff;
	v3 =	vbroadcast v3, $0x0;
	_ =	sdelay $0x2  }
0x189: {  	s28 =	sadd.s32 $0xFFFFFFFC, s23  }
0x18a: {  	v60 =	vmov s28  }
0x18b: {  	[tilespmem:s22+$0x80] =	vst v2;
	v2 =	vand.u32 $0xFFFFFFFB, v60  }
0x18c: {  	v3 =	vld.idx.msk [tilespmem:v3+s19+$0x0], $0xffff;
	v2 =	vbroadcast v2, $0x0;
	_ =	sdelay $0x2  }
0x18d: {  	s29 =	sadd.s32 $0xFFFFFFFD, s23  }
0x18e: {  	v61 =	vmov s29  }
0x18f: {  	[tilespmem:s22+$0x100] =	vst v3;
	v3 =	vand.u32 $0xFFFFFFFC, v61  }
0x190: {  	v2 =	vld.idx.msk [tilespmem:v2+s19+$0x0], $0xffff;
	v3 =	vbroadcast v3, $0x0;
	_ =	sdelay $0x2  }
0x191: {  	s30 =	sadd.s32 $0xFFFFFFFE, s23  }
0x192: {  	v62 =	vmov s30  }
0x193: {  	[tilespmem:s22+$0x180] =	vst v2;
	v2 =	vand.u32 $0xFFFFFFFD, v62  }
0x194: {  	v3 =	vld.idx.msk [tilespmem:v3+s19+$0x0], $0xffff;
	v2 =	vbroadcast v2, $0x0;
	_ =	sdelay $0x2  }
0x195: {  	s31 =	sadd.s32 $0xFFFFFFFF, s23  }
0x196: {  	v63 =	vmov s31  }
0x197: {  	[tilespmem:s22+$0x200] =	vst v3;
	v3 =	vand.u32 $0xFFFFFFFE, v63  }
0x198: {  	v2 =	vld.idx.msk [tilespmem:v2+s19+$0x0], $0xffff;
	v3 =	vbroadcast v3, $0x0;
	_ =	sdelay $0x4  }
0x199: {  	[tilespmem:s22+$0x280] =	vst v2  }
0x19a: {  	v2 =	vld.idx.msk [tilespmem:v3+s19+$0x0], $0xffff  }
0x19b: {  	v3 =	vmov s23;
	_ =	sdelay $0x3  }
0x19c: {  	[tilespmem:s22+$0x300] =	vst v2  }
0x19d: {  	v2 =	vld.idx.msk [tilespmem:v3+s19+$0x0], $0xffff;
	_ =	sdelay $0x2  }
0x19e: {  	s21 =	sadd.s32 $0x1, s21  }
0x19f: {  	p0 =	sne.s32 s21, s11  }
.Ltmp8:
0x1a0: {  	[tilespmem:s22+$0x380] =	vst v2;
	(pc) =	sbr.rel @p0 .LBB2_1-.Ltmp8, $4  }
0x1a1: {  	[hbm4b:s10+s2] =	stream.linear.scatter [tilespmem:s20], [sflag:$0x1], $0x14000, $0x38;
	[tilespmem:$0x1C280] =	vst v63  }
0x1a2: {  	_ =	swait.ge [sflag:s12], $0x14000  }
0x1a3: {  	[sflag:s12] =	ssyncset.done $0x0  }
0x1a4: {  	[sflag:s12] =	ssyncadd.s32 $0xFFFEC000  }
0x1a5: {  	_ =	sfence.sel $0x180000  }
0x1a6: {  	[bflag:$0x0] =	sbarrier.arrive $0xFFFF  }
0x1a7: {  	p0 =	sne.s32 s0, $0x0;
	_ =	strace $0x90000047  }
0x1a8: {  	s0 =	sadd.s32 @!p0 $0x100000, s1;
	[bflag:$0x2] =	sbarrier.arrive $0xFFFF  }
0x1a9: {  	[sflag:s0] =	ssyncadd.tile.s32 @!p0 $0x1;
	_ =	shalt  }
.Lfunc_end2:
_tile_overlayer_lowered:
.L_overlay_start_2:
0x1aa: {  	(tag) =	ssettag $0x2  }
0x1ab: {  	s0 =	rddreg [dreg:$0x0];
	s2 =	stileid.u32  }
0x1ac: {  	s1 =	rddreg [dreg:$0x1];
	p0 =	sne.s32 s2, $0x0  }
0x1ad: {  	s3 =	rddreg [dreg:$0x2];
	[bflag:$0x3] =	sbarrier.arrive $0xFFFF;
	s2 =	simm.s32 @!p0 $0x1C01  }
0x1ae: {  	[timem:s3], [sflag:s2] =	dma.local @!p0 [hbm:s0], s1  }
0x1af: {  	s0 =	simm.s32 @!p0 $0x1  }
0x1b0: {  	_ =	swait.ge @!p0 [sflag:s0], s1  }
0x1b1: {  	s1 =	ssub.s32 @!p0 $0x0, s1;
	[sflag:s0] =	ssyncset.done @!p0 $0x0  }
0x1b2: {  	[sflag:s0] =	ssyncadd.s32 @!p0 s1  }
0x1b3: {  	[bflag:$0x3] =	sbarrier.arrive $0xFFFF  }
0x1b4: {  	_ =	shalt  }

// kernel: kernel.13.cloned.1.call-start
scs
__scs_entry_jumppad:
0x0: {  	(pc) =	sbr.rel $0x88, $3  }
0x1: {  	(tag) =	ssettag $0x0;
	lr =	simm.s32 $0x1  }
0x2: {  	[smem:$0x3F95] =	sst lr;
	_ =	strace $0xD0000000  }
0x3: {  	_ = 	snop  }
0x4: {  	_ = 	snop  }
0x5: {  	_ = 	snop  }
0x6: {  	_ = 	snop  }
0x7: {  	_ = 	snop  }
__scs_overlays_trampoline_lowered:
0x8: {  	[smem:$0x3FA4] =	sst s0  }
0x9: {  	[smem:$0x3FA5] =	sst s1  }
0xa: {  	[smem:$0x3FA6] =	sst s2  }
0xb: {  	[smem:$0x3FA7] =	sst s3  }
0xc: {  	[smem:$0x3FA8] =	sst s4  }
0xd: {  	[smem:$0x3FA9] =	sst s5  }
0xe: {  	[smem:$0x3FAA] =	sst s6  }
0xf: {  	[smem:$0x3FAB] =	sst s7  }
0x10: {  	[smem:$0x3FAC] =	sst s8  }
0x11: {  	[smem:$0x3FAD] =	sst s9;
	s0 =	simm.s32 @!p0 $0x0  }
0x12: {  	s1 =	sld [smem:$0x3F93];
	s0 =	simm.s32 @p0 $0x1  }
0x13: {  	[smem:$0x3FAE] =	sst s0;
	s0 =	simm.s32 @!p1 $0x0  }
0x14: {  	s2 =	sld [smem:$0x3F92];
	s0 =	simm.s32 @p1 $0x1  }
0x15: {  	[smem:$0x3FAF] =	sst s0;
	s0 =	simm.s32 @!p2 $0x0  }
0x16: {  	s3 =	sld [smem:$0x3FDB];
	s0 =	simm.s32 @p2 $0x1  }
0x17: {  	s4 =	simm.s32 $0x1BF5;
	[smem:$0x3FB1] =	sst s0  }
0x18: {  	s0 =	sld [smem:$0x3F94];
	_ =	swait.ge [sflag:s4], $0x0  }
0x19: {  	s7 =	sld [smem:$0x3F95]  }
0x1a: {  	s8 =	sadd.s32 $0xFFFFE003, lr  }
0x1b: {  	s9 =	sadd.s32 $0xFFFFFEF7, lr;
	s5 =	simm.s32 $0xFFFFFFFF;
	p2 =	slt.u32 s8, $0xFFFFF086  }
0x1c: {  	p1 =	slt.u32 s9, $0xF7A;
	s5 =	simm.s32 @!p2 $0x0  }
0x1d: {  	s5 =	simm.s32 @p1 $0x1;
	p0 =	seq.s32 s7, s2  }
0x1e: {  	s7 =	smul.u32 @!p0 $0xF7A, s2;
	p2 =	seq.s32 @!p0 s5, $0x0  }
0x1f: {  	s9 =	smul.u32 $0xF7A, s1;
	s8 =	simm.s32 @!p0 $0x1BF5;
	p2 =	por !p2, p0  }
0x20: {  	[sflag:s8] =	ssyncset.s32 @!p0 $0xFFFFF086;
	s6 =	sadd.s32 @!p0 s3, s7;
	s7 =	simm.s32 @!p0 $0x108  }
0x21: {  	s3 =	sadd.s32 s3, s9;
	s6 =	sadd.s32 @!p0 $0x88, s6;
	s7 =	simm.s32 @p2 $0x1082  }
0x22: {  	[simem:s7], [sflag:s8] =	dma.local @!p0 [hbm:s6], $0xF7A  }
0x23: {  	s9 =	sor.u32 $0xD0000000, s2;
	s6 =	simm.s32 $0x108;
	_ =	swait.ge @!p0 [sflag:s8], $0x0  }
0x24: {  	s3 =	sadd.s32 $0x88, s3;
	s6 =	simm.s32 @!p1 $0x1082;
	[sflag:s4] =	ssyncset.s32 $0xFFFFF086  }
0x25: {  	[simem:s6], [sflag:s4] =	dma.local [hbm:s3], $0xF7A  }
0x26: {  	[smem:$0x3F95] =	sst s1;
	(tag) =	ssettag s2;
	_ =	strace s9  }
0x27: {  	s1 =	sld [smem:$0x3FA5]  }
0x28: {  	s2 =	sld [smem:$0x3FA6]  }
0x29: {  	s4 =	sld [smem:$0x3FA8]  }
0x2a: {  	p0 =	seq.s32 s5, $0x0;
	s5 =	sld [smem:$0x3FA9]  }
0x2b: {  	s6 =	sld [smem:$0x3FAA]  }
0x2c: {  	s7 =	sld [smem:$0x3FAB]  }
0x2d: {  	s3 =	simm.s32 $0x108;
	s8 =	sld [smem:$0x3FAC]  }
0x2e: {  	s3 =	simm.s32 @!p0 $0x1082;
	s9 =	sld [smem:$0x3FAD]  }
0x2f: {  	lr =	sadd.s32 s0, s3;
	s0 =	sld [smem:$0x3FA4]  }
0x30: {  	s3 =	sld [smem:$0x3FA7]  }
0x31: {  	[smem:$0x3FB0] =	sst s10  }
0x32: {  	s10 =	sld [smem:$0x3FAE];
	_ =	sdelay $0x3  }
0x33: {  	p0 =	seq.s32 s10, $0x1;
	s10 =	sld [smem:$0x3FB0];
	_ =	sdelay $0x3  }
0x34: {  	[smem:$0x3FB0] =	sst s10  }
0x35: {  	s10 =	sld [smem:$0x3FAF];
	_ =	sdelay $0x3  }
0x36: {  	p1 =	seq.s32 s10, $0x1;
	s10 =	sld [smem:$0x3FB0];
	_ =	sdelay $0x3  }
0x37: {  	[smem:$0x3FB0] =	sst s10  }
0x38: {  	s10 =	sld [smem:$0x3FB1]  }
0x39: {  	_ = 	snop;
	(pc) =	sbr.ind lr, $3  }
0x3a: {  	_ = 	snop  }
0x3b: {  	_ = 	snop  }
0x3c: {  	p2 =	seq.s32 s10, $0x1;
	s10 =	sld [smem:$0x3FB0]  }
0x3d: {  	_ =	shalt  }
0x3e: {  	_ =	shalt  }
0x3f: {  	_ =	shalt  }
0x40: {  	_ =	shalt  }
0x41: {  	_ =	shalt  }
0x42: {  	_ =	shalt  }
0x43: {  	_ =	shalt  }
0x44: {  	_ =	shalt  }
0x45: {  	_ =	shalt  }
0x46: {  	_ =	shalt  }
0x47: {  	_ =	shalt  }
0x48: {  	_ =	shalt  }
0x49: {  	_ =	shalt  }
0x4a: {  	_ =	shalt  }
0x4b: {  	_ =	shalt  }
0x4c: {  	_ =	shalt  }
0x4d: {  	_ =	shalt  }
0x4e: {  	_ =	shalt  }
0x4f: {  	_ =	shalt  }
0x50: {  	_ =	shalt  }
0x51: {  	_ =	shalt  }
0x52: {  	_ =	shalt  }
0x53: {  	_ =	shalt  }
0x54: {  	_ =	shalt  }
0x55: {  	_ =	shalt  }
0x56: {  	_ =	shalt  }
0x57: {  	_ =	shalt  }
0x58: {  	_ =	shalt  }
0x59: {  	_ =	shalt  }
0x5a: {  	_ =	shalt  }
0x5b: {  	_ =	shalt  }
0x5c: {  	_ =	shalt  }
0x5d: {  	_ =	shalt  }
0x5e: {  	_ =	shalt  }
0x5f: {  	_ =	shalt  }
0x60: {  	_ =	shalt  }
0x61: {  	_ =	shalt  }
0x62: {  	_ =	shalt  }
0x63: {  	_ =	shalt  }
0x64: {  	_ =	shalt  }
0x65: {  	_ =	shalt  }
0x66: {  	_ =	shalt  }
0x67: {  	_ =	shalt  }
0x68: {  	_ =	shalt  }
0x69: {  	_ =	shalt  }
0x6a: {  	_ =	shalt  }
0x6b: {  	_ =	shalt  }
0x6c: {  	_ =	shalt  }
0x6d: {  	_ =	shalt  }
0x6e: {  	_ =	shalt  }
0x6f: {  	_ =	shalt  }
0x70: {  	_ =	shalt  }
0x71: {  	_ =	shalt  }
0x72: {  	_ =	shalt  }
0x73: {  	_ =	shalt  }
0x74: {  	_ =	shalt  }
0x75: {  	_ =	shalt  }
0x76: {  	_ =	shalt  }
0x77: {  	_ =	shalt  }
0x78: {  	_ =	shalt  }
0x79: {  	_ =	shalt  }
0x7a: {  	_ =	shalt  }
0x7b: {  	_ =	shalt  }
0x7c: {  	_ =	shalt  }
0x7d: {  	_ =	shalt  }
0x7e: {  	_ =	shalt  }
0x7f: {  	_ =	shalt  }
0x80: {  	_ =	shalt  }
0x81: {  	_ =	shalt  }
0x82: {  	_ =	shalt  }
0x83: {  	_ =	shalt  }
0x84: {  	_ =	shalt  }
0x85: {  	_ =	shalt  }
0x86: {  	_ =	shalt  }
0x87: {  	_ =	shalt  }
.Lfunc_end0:
.L_simem_size_0:
called_computation.1_lowered:
.L_overlay_start_0:
0x88: {  	s2 =	sld [smem:$0x3FD9]  }
0x89: {  	s3 =	sld [smem:$0x3FFE];
	_ =	sdelay $0x1  }
0x8a: {  	s1 =	srdreg.scid  }
0x8b: {  	s0 =	sand.u32 $0x1, s1  }
0x8c: {  	s17 =	sshll.u32 s0, $0xA;
	s2 =	sadd.s32 s3, s2  }
0x8d: {  	s2 =	sadd.s32 s2, s17  }
0x8e: {  	[smem:$0x3FBC] =	sst s2  }
0x8f: {  	_ = 	snop  }
0x90: {  	s2 =	sld [smem:$0x3FD0];
	(tm) =	ssettm $0x1  }
0x91: {  	s18 =	sld [smem:$0x3FFB];
	_ =	sdelay $0x3  }
0x92: {  	_ =	strace s18  }
0x93: {  	s3 =	sld [smem:$0x3FFC];
	_ =	sdelay $0x3  }
0x94: {  	_ =	strace s3  }
0x95: {  	s3 =	sld [smem:$0x3FFD];
	_ =	sdelay $0x3  }
0x96: {  	_ =	strace s3  }
0x97: {  	_ =	strace $0x8FFFFFFF  }
0x98: {  	s19 =	sld [smem:$0x3FDB];
	_ =	sdelay $0x1  }
0x99: {  	s4 =	simm.s32 $_scs_section_size  }
0x9a: {  	s5 =	simm.s32 $_size__tile_overlayer_lowered;
	s6 =	simm.s32 $_tile_overlayer_lowered  }
0x9b: {  	s22 =	simm.s32 $0x1BFF;
	s21 =	sshll.u32 s6, $0x1;
	s3 =	sadd.s32 s4, s19  }
0x9c: {  	s7 =	simm.s32 $0x0;
	s20 =	sshll.u32 s5, $0x1;
	s5 =	sadd.s32 s21, s3  }
0x9d: {  	[timem:s7], [sflag:s22] =	dma.local [hbm:s5], s20  }
0x9e: {  	_ =	swait.ge [sflag:s22], s20  }
0x9f: {  	s4 =	ssub.s32 $0x0, s20;
	[sflag:s22] =	ssyncset.done $0x0  }
0xa0: {  	[sflag:s22] =	ssyncadd.s32 s4;
	_ =	sdelay $0x1  }
0xa1: {  	s23 =	simm.s32 $0x1B8B  }
0xa2: {  	_ =	swait.ge [sflag:s23], $0x1  }
0xa3: {  	[sflag:s23] =	ssyncset.done $0x0  }
0xa4: {  	s25 =	simm.s32 $0x1B8E;
	s24 =	sld [smem:$0x3FFE];
	[sflag:s23] =	ssyncadd.s32 $0xFFFFFFFF  }
0xa5: {  	s26 =	simm.s32 $execute0_lowered;
	[smem:$0x3FD2] =	sst s25  }
0xa6: {  	s5 =	sshll.u32 s26, $0x1;
	_ =	strace $0x80000049;
	[dreg:$0x1] =	wrdreg $0xFFFFFFFF  }
0xa7: {  	s28 =	simm.s32 $_size_execute0_lowered;
	s3 =	sadd.s32 s3, s5;
	[dreg:$0x0] =	wrdreg $0x0  }
0xa8: {  	s5 =	sshll.u32 s28, $0x1;
	[dreg:$0x2] =	wrdreg s3  }
0xa9: {  	[dreg:$0x3] =	wrdreg s5  }
0xaa: {  	[dreg:$0x4] =	wrdreg $0xC0  }
0xab: {  	_ =	task [dreg:s7], $0x5FFFF  }
0xac: {  	[dreg:$0x1] =	wrdreg $0xFFFFFFFF  }
0xad: {  	[dreg:$0x0] =	wrdreg $0x60  }
0xae: {  	[dreg:$0x2] =	wrdreg s2  }
0xaf: {  	[dreg:$0x3] =	wrdreg s24  }
0xb0: {  	[dreg:$0x4] =	wrdreg $0x7B000  }
0xb1: {  	[dreg:$0x5] =	wrdreg $0x9  }
0xb2: {  	_ =	task.clear_ibuf [dreg:s7], $0x6FFFF;
	_ =	strace $0x90000049  }
0xb3: {  	s29 =	simm.s32 $0x9;
	_ =	strace $0x8000004B  }
0xb4: {  	_ =	swait.ge [sflag:s29], $0x1  }
0xb5: {  	[sflag:s29] =	ssyncadd.s32 $0xFFFFFFFF  }
0xb6: {  	_ =	strace $0x9000004B  }
0xb7: {  	_ =	sfence  }
0xb8: {  	s30 =	sld [smem:$0x0];
	_ =	sdelay $0x2  }
0xb9: {  	s31 =	sshll.u32 s1, $0xD;
	s1 =	sshrl.u32 s1, $0x2  }
0xba: {  	s3 =	sand.u32 $0x4000, s31;
	s1 =	sadd.s32 s1, s30  }
0xbb: {  	s0 =	sor.u32 s3, s0;
	s1 =	sshll.u32 s1, $0x11  }
0xbc: {  	s0 =	sor.u32 s1, s0  }
0xbd: {  	s0 =	sadd.s32 $0x8F2B, s0  }
0xbe: {  	[sflag:s0] =	ssyncadd.remote.s32 $0x1  }
0xbf: {  	_ =	sfence.sel $0xFFFF  }
0xc0: {  	[dreg:$0x0] =	wrdreg $0xFFFFFFFF;
	(pc) =	sbr.abs _section_cstart, $3  }
0xc1: {  	[dreg:$0x1] =	wrdreg $0xFFFFFFFF  }
0xc2: {  	_ =	task.clear_ibuf [dreg:s7], $0x2FFFF;
	_ =	strace $0x9FFFFFFF  }
0xc3: {  	(tm) =	ssettm $0x7FFFFFFF  }
tec
execute0_lowered:
.L_overlay_start_1:
0x0: {  	(tag) =	ssettag $0x1  }
0x1: {  	s1 =	rddreg [dreg:$0x0]  }
0x2: {  	s0 =	rddreg [dreg:$0x1]  }
0x3: {  	s2 =	rddreg [dreg:$0x2];
	s11 =	stileid.u32  }
0x4: {  	s3 =	srdreg.scid;
	s7 =	smul.u32 $0x14000, s11  }
0x5: {  	s4 =	simm.s32 $0x0;
	s3 =	sand.u32 $0x1, s3;
	s16 =	smul.u32 $0x50000, s11  }
0x6: {  	[smem:$0x7FF] =	sst s4;
	s6 =	smul.u32 $0x140000, s3;
	s5 =	sshll.u32 s3, $0x4  }
0x7: {  	_ =	strace $0x8000004A;
	s9 =	ssub.s32 $0x2, s3;
	s3 =	smul.u32 $0x27100, s3  }
0x8: {  	s8 =	sor.u32 s11, s5;
	s5 =	sadd.s32 $0x2A00, s0;
	s29 =	sshrl.u32 s9, $0x1  }
0x9: {  	s11 =	smul.u32 $0x2710, s11;
	s19 =	sshrl.u32 s16, $0x2;
	s16 =	simm.s32 $0x2  }
0xa: {  	s7 =	sadd.s32 s7, s6;
	s8 =	smul.u32 $0x2710, s8;
	s6 =	sadd.s32 $0xC800, s0  }
0xb: {  	s7 =	sshrl.u32 s7, $0x3;
	s3 =	sadd.s32 s11, s3;
	s11 =	simm.s32 $0x2B00  }
0xc: {  	s0 =	sadd.s32 s7, s0;
	s8 =	sshrl.u32 s8, $0x3;
	s7 =	ssub.s32 s9, s29  }
0xd: {  	s21 =	sadd.s32 $0x190, s3;
	s23 =	sadd.s32 $0x140, s3;
	s10 =	sadd.s32 s5, s8  }
0xe: {  	s12 =	sadd.s32 $0xA, s8;
	s0 =	sadd.s32 $0x16600, s0;
	[dreg:$0x5] =	wrdreg s10  }
0xf: {  	s14 =	sadd.s32 $0x14, s8;
	s20 =	smax.u32 s7, $0x1;
	[dreg:$0xf] =	wrdreg s0  }
0x10: {  	s17 =	sadd.s32 $0x4CE, s8;
	s10 =	sadd.s32 s6, s8;
	[dreg:$0x10] =	wrdreg s20  }
0x11: {  	s7 =	sshrl.u32 s23, $0x3;
	s13 =	sadd.s32 s5, s12;
	[dreg:$0x6] =	wrdreg s10  }
0x12: {  	s9 =	sadd.s32 s6, s12;
	s15 =	sadd.s32 s5, s14;
	[dreg:$0x7] =	wrdreg s13  }
0x13: {  	s12 =	sadd.s32 s5, s17;
	s8 =	sadd.s32 $0x4D8, s8;
	[dreg:$0x8] =	wrdreg s9  }
0x14: {  	s0 =	sshrl.u32 s21, $0x3;
	s23 =	sadd.s32 s7, s6;
	[dreg:$0x9] =	wrdreg s15  }
0x15: {  	s10 =	sadd.s32 s6, s14;
	[dreg:$0xb] =	wrdreg s12;
	s18 =	sadd.s32 s5, s8  }
0x16: {  	s8 =	sadd.s32 s6, s8;
	s25 =	sadd.s32 s0, s6;
	s9 =	simm.s32 $0x100  }
0x17: {  	s12 =	simm.s32 $0x200;
	s13 =	simm.s32 $0x280;
	[dreg:$0xa] =	wrdreg s10  }
0x18: {  	s14 =	simm.s32 $0x5300;
	s15 =	simm.s32 $0x1;
	[dreg:$0xd] =	wrdreg s18  }
0x19: {  	s10 =	sadd.s32 s6, s17;
	[dreg:$0xe] =	wrdreg s8;
	s18 =	sadd.s32 s19, s2  }
0x1a: {  	[dreg:$0x4] =	wrdreg s25;
	s25 =	sadd.s32 $0xF0, s3;
	s3 =	simm.s32 $0x4  }
0x1b: {  	s8 =	simm.s32 $0x50;
	s17 =	simm.s32 $0x3;
	s19 =	simm.s32 $0x0  }
0x1c: {  	[dreg:$0xc] =	wrdreg s10;
	s22 =	sadd.s32 $0x2800, s18;
	s24 =	sadd.s32 $0x5000, s18  }
0x1d: {  	s26 =	sadd.s32 $0x7800, s18;
	s28 =	sadd.s32 $0xA000, s18;
	[dreg:$0x11] =	wrdreg s22  }
0x1e: {  	s29 =	sadd.s32 $0xC800, s18;
	s30 =	sadd.s32 $0xF000, s18;
	[dreg:$0x12] =	wrdreg s24  }
0x1f: {  	s31 =	sadd.s32 $0x11800, s18;
	s10 =	simm.s32 $0x180;
	[dreg:$0x13] =	wrdreg s26  }
0x20: {  	s22 =	sadd.s32 s0, s5;
	s24 =	sadd.s32 s7, s5;
	[dreg:$0x14] =	wrdreg s28  }
0x21: {  	v0 =	vimm.f32 $0.0e+00;
	[dreg:$0x15] =	wrdreg s29;
	s0 =	simm.s32 $0x300;
	s7 =	simm.s32 $0x80  }
.LBB2_1:
0x22: {  	s20 =	simm.s32 $0x0;
	s21 =	simm.s32 $0x200  }
.LBB2_2:
0x23: {  	p0 =	sne.s32 s21, $0x9E00;
	[tilespmem:s20+$0x370] =	vst v0  }
0x24: {  	[tilespmem:s20+$0x300] =	vst v0  }
0x25: {  	[tilespmem:s20+$0x310] =	vst v0  }
.Ltmp0:
0x26: {  	[tilespmem:s20+$0x320] =	vst v0;
	(pc) =	sbr.rel @p0 .LBB2_2-.Ltmp0, $4  }
0x27: {  	[tilespmem:s20+$0x330] =	vst v0  }
0x28: {  	[tilespmem:s20+$0x340] =	vst v0  }
0x29: {  	[tilespmem:s20+$0x350] =	vst v0  }
0x2a: {  	[tilespmem:s20+$0x360] =	vst v0;
	s20 =	sshra.s32 s21, $0x2;
	s21 =	sadd.s32 $0x200, s21  }
0x2b: {  	[tilespmem:s20+$0x370] =	vst v0  }
0x2c: {  	[tilespmem:s20+$0x300] =	vst v0  }
0x2d: {  	[tilespmem:s20+$0x310] =	vst v0  }
0x2e: {  	[tilespmem:s20+$0x320] =	vst v0  }
0x2f: {  	[tilespmem:s20+$0x330] =	vst v0  }
0x30: {  	[tilespmem:s20+$0x340] =	vst v0  }
0x31: {  	[tilespmem:s20+$0x350] =	vst v0  }
0x32: {  	[tilespmem:s20+$0x360] =	vst v0  }
0x33: {  	[spmem:s18] =	stream.linear.scatter [tilespmem:s0], [sflag:$0x4], $0x2800, $0x38;
	[tilespmem:$0x1BB00] =	vst v63  }
0x34: {  	_ =	swait.ge [sflag:s3], $0x2800  }
0x35: {  	[sflag:s3] =	ssyncset.done $0x0  }
0x36: {  	s28 =	rddreg [dreg:$0x11];
	[sflag:s3] =	ssyncadd.s32 $0xFFFFD800  }
0x37: {  	[spmem:s28] =	stream.linear.scatter [tilespmem:s0], [sflag:$0x4], $0x2800, $0x38;
	[tilespmem:$0x1BB00] =	vst v63  }
0x38: {  	_ =	swait.ge [sflag:s3], $0x2800  }
0x39: {  	[sflag:s3] =	ssyncset.done $0x0  }
0x3a: {  	s29 =	rddreg [dreg:$0x12];
	[sflag:s3] =	ssyncadd.s32 $0xFFFFD800  }
0x3b: {  	[spmem:s29] =	stream.linear.scatter [tilespmem:s0], [sflag:$0x4], $0x2800, $0x38;
	[tilespmem:$0x1BB00] =	vst v63  }
0x3c: {  	_ =	swait.ge [sflag:s3], $0x2800  }
0x3d: {  	[sflag:s3] =	ssyncset.done $0x0  }
0x3e: {  	s21 =	rddreg [dreg:$0x13];
	[sflag:s3] =	ssyncadd.s32 $0xFFFFD800  }
0x3f: {  	[spmem:s21] =	stream.linear.scatter [tilespmem:s0], [sflag:$0x4], $0x2800, $0x38;
	[tilespmem:$0x1BB00] =	vst v63  }
0x40: {  	_ =	swait.ge [sflag:s3], $0x2800  }
0x41: {  	[sflag:s3] =	ssyncset.done $0x0  }
0x42: {  	s26 =	rddreg [dreg:$0x14];
	[sflag:s3] =	ssyncadd.s32 $0xFFFFD800  }
0x43: {  	[spmem:s26] =	stream.linear.scatter [tilespmem:s0], [sflag:$0x4], $0x2800, $0x38;
	[tilespmem:$0x1BB00] =	vst v63  }
0x44: {  	_ =	swait.ge [sflag:s3], $0x2800  }
0x45: {  	[sflag:s3] =	ssyncset.done $0x0  }
0x46: {  	s28 =	rddreg [dreg:$0x15];
	[sflag:s3] =	ssyncadd.s32 $0xFFFFD800  }
0x47: {  	[spmem:s28] =	stream.linear.scatter [tilespmem:s0], [sflag:$0x4], $0x2800, $0x38;
	[tilespmem:$0x1BB00] =	vst v63  }
0x48: {  	_ =	swait.ge [sflag:s3], $0x2800  }
0x49: {  	[sflag:s3] =	ssyncset.done $0x0  }
0x4a: {  	[sflag:s3] =	ssyncadd.s32 $0xFFFFD800  }
0x4b: {  	[spmem:s30] =	stream.linear.scatter [tilespmem:s0], [sflag:$0x4], $0x2800, $0x38;
	[tilespmem:$0x1BB00] =	vst v63  }
0x4c: {  	_ =	swait.ge [sflag:s3], $0x2800  }
0x4d: {  	[sflag:s3] =	ssyncset.done $0x0  }
0x4e: {  	[sflag:s3] =	ssyncadd.s32 $0xFFFFD800  }
0x4f: {  	[spmem:s31] =	stream.linear.scatter [tilespmem:s0], [sflag:$0x4], $0x2800, $0x38;
	[tilespmem:$0x1BB00] =	vst v63  }
0x50: {  	_ =	swait.ge [sflag:s3], $0x2800  }
0x51: {  	[sflag:s3] =	ssyncset.done $0x0  }
0x52: {  	[sflag:s3] =	ssyncadd.s32 $0xFFFFD800  }
0x53: {  	[bflag:$0x0] =	sbarrier.arrive $0xFFFF  }
0x54: {  	s20 =	simm.s32 $0x0;
	s21 =	rddreg [dreg:$0x5]  }
0x55: {  	[tilespmem:s20], [sflag:$0x4] =	stream.linear.gather [hbm4b:s21+s20], $0x50, $0x38;
	[tilespmem:$0x1BB00] =	vst v63  }
0x56: {  	_ =	swait.ge [sflag:s3], $0x50  }
0x57: {  	[sflag:s3] =	ssyncset.done $0x0  }
0x58: {  	s29 =	rddreg [dreg:$0x6];
	[sflag:s3] =	ssyncadd.s32 $0xFFFFFFB0  }
0x59: {  	[tilespmem:s7], [sflag:$0x4] =	stream.linear.gather [hbm4b:s29+s20], $0x50, $0x38;
	[tilespmem:$0x1BB00] =	vst v63  }
0x5a: {  	_ =	swait.ge [sflag:s3], $0x50  }
0x5b: {  	[sflag:s3] =	ssyncset.done $0x0  }
0x5c: {  	[sflag:s3] =	ssyncadd.s32 $0xFFFFFFB0  }
0x5d: {  	[tilespmem:s0], [sflag:$0x1] =	stream.indirect.gather [hbm4b:s1+s8], $0x80, s20, s8, $0xb8;
	[tilespmem:$0x1BB00] =	vst v63  }
0x5e: {  	s26 =	rddreg [dreg:$0x7]  }
0x5f: {  	[tilespmem:s9], [sflag:$0x4] =	stream.linear.gather [hbm4b:s26+s20], $0x50, $0x38;
	[tilespmem:$0x1BB00] =	vst v63  }
0x60: {  	_ =	swait.ge [sflag:s3], $0x50  }
0x61: {  	[sflag:s3] =	ssyncset.done $0x0  }
0x62: {  	s28 =	rddreg [dreg:$0x8];
	[sflag:s3] =	ssyncadd.s32 $0xFFFFFFB0  }
0x63: {  	[tilespmem:s10], [sflag:$0x4] =	stream.linear.gather [hbm4b:s28+s20], $0x50, $0x38;
	[tilespmem:$0x1BB00] =	vst v63  }
0x64: {  	_ =	swait.ge [sflag:s3], $0x50  }
0x65: {  	[sflag:s3] =	ssyncset.done $0x0  }
0x66: {  	[sflag:s3] =	ssyncadd.s32 $0xFFFFFFB0  }
0x67: {  	[tilespmem:s11], [sflag:$0x2] =	stream.indirect.gather [hbm4b:s1+s8], $0x80, s9, s8, $0xb8;
	[tilespmem:$0x1BB00] =	vst v63  }
0x68: {  	s29 =	rddreg [dreg:$0x9]  }
0x69: {  	[tilespmem:s12], [sflag:$0x4] =	stream.linear.gather [hbm4b:s29+s20], $0x50, $0x38;
	[tilespmem:$0x1BB00] =	vst v63  }
0x6a: {  	_ =	swait.ge [sflag:s3], $0x50  }
0x6b: {  	[sflag:s3] =	ssyncset.done $0x0  }
0x6c: {  	s26 =	rddreg [dreg:$0xa];
	[sflag:s3] =	ssyncadd.s32 $0xFFFFFFB0  }
0x6d: {  	[tilespmem:s13], [sflag:$0x4] =	stream.linear.gather [hbm4b:s26+s20], $0x50, $0x38;
	[tilespmem:$0x1BB00] =	vst v63  }
0x6e: {  	_ =	swait.ge [sflag:s3], $0x50  }
0x6f: {  	[sflag:s3] =	ssyncset.done $0x0  }
0x70: {  	[sflag:s3] =	ssyncadd.s32 $0xFFFFFFB0  }
0x71: {  	[tilespmem:s14], [sflag:$0x3] =	stream.indirect.gather [hbm4b:s1+s8], $0x80, s12, s8, $0xb8;
	[tilespmem:$0x1BB00] =	vst v63  }
0x72: {  	_ =	swait.ge [sflag:s15], $0x2800  }
0x73: {  	[sflag:s15] =	ssyncset.done $0x0  }
0x74: {  	[sflag:s15] =	ssyncadd.s32 $0xFFFFD800  }
0x75: {  	[spmem:s2] =	stream.indirect.scatter.add.f32 [tilespmem:s0], [sflag:$0x4], $0x80, s7, s8, $0xb8;
	[tilespmem:$0x1BB00] =	vst v63  }
0x76: {  	_ =	swait.ge [sflag:s3], $0x2800  }
0x77: {  	s28 =	sshrl.u32 s25, $0x3;
	[sflag:s3] =	ssyncset.done $0x0  }
0x78: {  	s29 =	sadd.s32 s5, s28;
	[sflag:s3] =	ssyncadd.s32 $0xFFFFD800  }
0x79: {  	[tilespmem:s4], [sflag:$0x4] =	stream.linear.gather [hbm4b:s29+s4], $0x50, $0x38;
	[tilespmem:$0x1BB00] =	vst v63  }
0x7a: {  	_ =	swait.ge [sflag:s3], $0x50  }
0x7b: {  	[sflag:s3] =	ssyncset.done $0x0  }
0x7c: {  	s20 =	sadd.s32 s6, s28;
	[sflag:s3] =	ssyncadd.s32 $0xFFFFFFB0  }
0x7d: {  	[tilespmem:s7], [sflag:$0x4] =	stream.linear.gather [hbm4b:s20+s4], $0x50, $0x38;
	[tilespmem:$0x1BB00] =	vst v63  }
0x7e: {  	_ =	swait.ge [sflag:s3], $0x50  }
0x7f: {  	[sflag:s3] =	ssyncset.done $0x0  }
0x80: {  	[sflag:s3] =	ssyncadd.s32 $0xFFFFFFB0  }
0x81: {  	[tilespmem:s0], [sflag:$0x1] =	stream.indirect.gather [hbm4b:s1+s8], $0x80, s4, s8, $0xb8;
	[tilespmem:$0x1BB00] =	vst v63  }
0x82: {  	_ =	swait.ge [sflag:s16], $0x2800  }
0x83: {  	[sflag:s16] =	ssyncset.done $0x0  }
0x84: {  	[sflag:s16] =	ssyncadd.s32 $0xFFFFD800  }
0x85: {  	[spmem:s2] =	stream.indirect.scatter.add.f32 [tilespmem:s11], [sflag:$0x4], $0x80, s10, s8, $0xb8;
	[tilespmem:$0x1BB00] =	vst v63  }
0x86: {  	_ =	swait.ge [sflag:s3], $0x2800  }
0x87: {  	[sflag:s3] =	ssyncset.done $0x0  }
0x88: {  	s21 =	sadd.s32 $0x0, s24;
	[sflag:s3] =	ssyncadd.s32 $0xFFFFD800  }
0x89: {  	[tilespmem:s9], [sflag:$0x4] =	stream.linear.gather [hbm4b:s21+s4], $0x50, $0x38;
	[tilespmem:$0x1BB00] =	vst v63  }
0x8a: {  	_ =	swait.ge [sflag:s3], $0x50  }
0x8b: {  	[sflag:s3] =	ssyncset.done $0x0  }
0x8c: {  	s26 =	sadd.s32 $0x0, s23;
	[sflag:s3] =	ssyncadd.s32 $0xFFFFFFB0  }
0x8d: {  	[tilespmem:s10], [sflag:$0x4] =	stream.linear.gather [hbm4b:s26+s4], $0x50, $0x38;
	[tilespmem:$0x1BB00] =	vst v63  }
0x8e: {  	_ =	swait.ge [sflag:s3], $0x50  }
0x8f: {  	[sflag:s3] =	ssyncset.done $0x0  }
0x90: {  	[sflag:s3] =	ssyncadd.s32 $0xFFFFFFB0  }
0x91: {  	[tilespmem:s11], [sflag:$0x2] =	stream.indirect.gather [hbm4b:s1+s8], $0x80, s9, s8, $0xb8;
	[tilespmem:$0x1BB00] =	vst v63  }
0x92: {  	_ =	swait.ge [sflag:s17], $0x2800  }
0x93: {  	[sflag:s17] =	ssyncset.done $0x0  }
0x94: {  	[sflag:s17] =	ssyncadd.s32 $0xFFFFD800  }
0x95: {  	[spmem:s2] =	stream.indirect.scatter.add.f32 [tilespmem:s14], [sflag:$0x4], $0x80, s13, s8, $0xb8;
	[tilespmem:$0x1BB00] =	vst v63  }
0x96: {  	_ =	swait.ge [sflag:s3], $0x2800  }
0x97: {  	[sflag:s3] =	ssyncset.done $0x0  }
0x98: {  	s28 =	sadd.s32 $0x0, s22;
	[sflag:s3] =	ssyncadd.s32 $0xFFFFD800  }
0x99: {  	[tilespmem:s12], [sflag:$0x4] =	stream.linear.gather [hbm4b:s28+s4], $0x50, $0x38;
	[tilespmem:$0x1BB00] =	vst v63  }
0x9a: {  	_ =	swait.ge [sflag:s3], $0x50  }
0x9b: {  	s29 =	rddreg [dreg:$0x4];
	[sflag:s3] =	ssyncset.done $0x0  }
0x9c: {  	[sflag:s3] =	ssyncadd.s32 $0xFFFFFFB0;
	s20 =	sadd.s32 $0x0, s29  }
0x9d: {  	[tilespmem:s13], [sflag:$0x4] =	stream.linear.gather [hbm4b:s20+s4], $0x50, $0x38;
	[tilespmem:$0x1BB00] =	vst v63  }
0x9e: {  	_ =	swait.ge [sflag:s3], $0x50  }
0x9f: {  	[sflag:s3] =	ssyncset.done $0x0  }
0xa0: {  	s21 =	sadd.s32 $0xF0, s25;
	s20 =	simm.s32 $0x1E;
	[sflag:s3] =	ssyncadd.s32 $0xFFFFFFB0  }
.LBB2_4:
0xa1: {  	[tilespmem:s14], [sflag:$0x3] =	stream.indirect.gather [hbm4b:s1+s8], $0x80, s12, s8, $0xb8;
	[tilespmem:$0x1BB00] =	vst v63  }
0xa2: {  	_ =	swait.ge [sflag:s15], $0x2800  }
0xa3: {  	[sflag:s15] =	ssyncset.done $0x0  }
0xa4: {  	[sflag:s15] =	ssyncadd.s32 $0xFFFFD800  }
0xa5: {  	[spmem:s2] =	stream.indirect.scatter.add.f32 [tilespmem:s0], [sflag:$0x4], $0x80, s7, s8, $0xb8;
	[tilespmem:$0x1BB00] =	vst v63  }
0xa6: {  	_ =	swait.ge [sflag:s3], $0x2800  }
0xa7: {  	s28 =	sshrl.u32 s21, $0x3;
	[sflag:s3] =	ssyncset.done $0x0  }
0xa8: {  	s29 =	sadd.s32 s5, s28;
	[sflag:s3] =	ssyncadd.s32 $0xFFFFD800  }
0xa9: {  	[tilespmem:s4], [sflag:$0x4] =	stream.linear.gather [hbm4b:s29+s4], $0x50, $0x38;
	[tilespmem:$0x1BB00] =	vst v63  }
0xaa: {  	_ =	swait.ge [sflag:s3], $0x50  }
0xab: {  	[sflag:s3] =	ssyncset.done $0x0  }
0xac: {  	s28 =	sadd.s32 s6, s28;
	[sflag:s3] =	ssyncadd.s32 $0xFFFFFFB0  }
0xad: {  	[tilespmem:s7], [sflag:$0x4] =	stream.linear.gather [hbm4b:s28+s4], $0x50, $0x38;
	[tilespmem:$0x1BB00] =	vst v63  }
0xae: {  	_ =	swait.ge [sflag:s3], $0x50  }
0xaf: {  	[sflag:s3] =	ssyncset.done $0x0  }
0xb0: {  	[sflag:s3] =	ssyncadd.s32 $0xFFFFFFB0  }
0xb1: {  	[tilespmem:s0], [sflag:$0x1] =	stream.indirect.gather [hbm4b:s1+s8], $0x80, s4, s8, $0xb8;
	[tilespmem:$0x1BB00] =	vst v63  }
0xb2: {  	_ =	swait.ge [sflag:s16], $0x2800  }
0xb3: {  	[sflag:s16] =	ssyncset.done $0x0  }
0xb4: {  	[sflag:s16] =	ssyncadd.s32 $0xFFFFD800  }
0xb5: {  	[spmem:s2] =	stream.indirect.scatter.add.f32 [tilespmem:s11], [sflag:$0x4], $0x80, s10, s8, $0xb8;
	[tilespmem:$0x1BB00] =	vst v63  }
0xb6: {  	_ =	swait.ge [sflag:s3], $0x2800  }
0xb7: {  	s26 =	smov.u32 s20;
	[sflag:s3] =	ssyncset.done $0x0  }
0xb8: {  	s29 =	sadd.s32 s26, s24;
	[sflag:s3] =	ssyncadd.s32 $0xFFFFD800  }
0xb9: {  	[tilespmem:s9], [sflag:$0x4] =	stream.linear.gather [hbm4b:s29+s4], $0x50, $0x38;
	[tilespmem:$0x1BB00] =	vst v63  }
0xba: {  	_ =	swait.ge [sflag:s3], $0x50  }
0xbb: {  	[sflag:s3] =	ssyncset.done $0x0  }
0xbc: {  	s29 =	sadd.s32 s26, s23;
	[sflag:s3] =	ssyncadd.s32 $0xFFFFFFB0  }
0xbd: {  	[tilespmem:s10], [sflag:$0x4] =	stream.linear.gather [hbm4b:s29+s4], $0x50, $0x38;
	[tilespmem:$0x1BB00] =	vst v63  }
0xbe: {  	_ =	swait.ge [sflag:s3], $0x50  }
0xbf: {  	[sflag:s3] =	ssyncset.done $0x0  }
0xc0: {  	[sflag:s3] =	ssyncadd.s32 $0xFFFFFFB0  }
0xc1: {  	[tilespmem:s11], [sflag:$0x2] =	stream.indirect.gather [hbm4b:s1+s8], $0x80, s9, s8, $0xb8;
	[tilespmem:$0x1BB00] =	vst v63  }
0xc2: {  	_ =	swait.ge [sflag:s17], $0x2800  }
0xc3: {  	[sflag:s17] =	ssyncset.done $0x0  }
0xc4: {  	[sflag:s17] =	ssyncadd.s32 $0xFFFFD800  }
0xc5: {  	[spmem:s2] =	stream.indirect.scatter.add.f32 [tilespmem:s14], [sflag:$0x4], $0x80, s13, s8, $0xb8;
	[tilespmem:$0x1BB00] =	vst v63  }
0xc6: {  	_ =	swait.ge [sflag:s3], $0x2800  }
0xc7: {  	[sflag:s3] =	ssyncset.done $0x0  }
0xc8: {  	s29 =	sadd.s32 s26, s22;
	[sflag:s3] =	ssyncadd.s32 $0xFFFFD800  }
0xc9: {  	[tilespmem:s12], [sflag:$0x4] =	stream.linear.gather [hbm4b:s29+s4], $0x50, $0x38;
	[tilespmem:$0x1BB00] =	vst v63  }
0xca: {  	_ =	swait.ge [sflag:s3], $0x50  }
0xcb: {  	p0 =	sne.s32 s20, $0x492;
	s29 =	rddreg [dreg:$0x4];
	[sflag:s3] =	ssyncset.done $0x0  }
.Ltmp1:
0xcc: {  	[sflag:s3] =	ssyncadd.s32 $0xFFFFFFB0;
	s26 =	sadd.s32 s26, s29;
	(pc) =	sbr.rel @p0 .LBB2_4-.Ltmp1, $4  }
0xcd: {  	[tilespmem:s13], [sflag:$0x4] =	stream.linear.gather [hbm4b:s26+s4], $0x50, $0x38;
	[tilespmem:$0x1BB00] =	vst v63  }
0xce: {  	_ =	swait.ge [sflag:s3], $0x50  }
0xcf: {  	[sflag:s3] =	ssyncset.done $0x0  }
0xd0: {  	s20 =	sadd.s32 $0x1E, s20;
	s21 =	sadd.s32 $0xF0, s21;
	[sflag:s3] =	ssyncadd.s32 $0xFFFFFFB0  }
0xd1: {  	[tilespmem:s14], [sflag:$0x3] =	stream.indirect.gather [hbm4b:s1+s8], $0x80, s12, s8, $0xb8;
	[tilespmem:$0x1BB00] =	vst v63  }
0xd2: {  	_ =	swait.ge [sflag:s15], $0x2800  }
0xd3: {  	[sflag:s15] =	ssyncset.done $0x0  }
0xd4: {  	[sflag:s15] =	ssyncadd.s32 $0xFFFFD800  }
0xd5: {  	[spmem:s2] =	stream.indirect.scatter.add.f32 [tilespmem:s0], [sflag:$0x4], $0x80, s7, s8, $0xb8;
	[tilespmem:$0x1BB00] =	vst v63  }
0xd6: {  	_ =	swait.ge [sflag:s3], $0x2800  }
0xd7: {  	[sflag:s3] =	ssyncset.done $0x0  }
0xd8: {  	s20 =	rddreg [dreg:$0xb];
	[sflag:s3] =	ssyncadd.s32 $0xFFFFD800  }
0xd9: {  	[tilespmem:s4], [sflag:$0x4] =	stream.linear.gather [hbm4b:s20+s4], $0x50, $0x38;
	[tilespmem:$0x1BB00] =	vst v63  }
0xda: {  	_ =	swait.ge [sflag:s3], $0x50  }
0xdb: {  	[sflag:s3] =	ssyncset.done $0x0  }
0xdc: {  	s29 =	rddreg [dreg:$0xc];
	[sflag:s3] =	ssyncadd.s32 $0xFFFFFFB0  }
0xdd: {  	[tilespmem:s7], [sflag:$0x4] =	stream.linear.gather [hbm4b:s29+s4], $0x50, $0x38;
	[tilespmem:$0x1BB00] =	vst v63  }
0xde: {  	_ =	swait.ge [sflag:s3], $0x50  }
0xdf: {  	[sflag:s3] =	ssyncset.done $0x0  }
0xe0: {  	[sflag:s3] =	ssyncadd.s32 $0xFFFFFFB0  }
0xe1: {  	[tilespmem:s0], [sflag:$0x1] =	stream.indirect.gather [hbm4b:s1+s8], $0x80, s4, s8, $0xb8;
	[tilespmem:$0x1BB00] =	vst v63  }
0xe2: {  	_ =	swait.ge [sflag:s16], $0x2800  }
0xe3: {  	[sflag:s16] =	ssyncset.done $0x0  }
0xe4: {  	[sflag:s16] =	ssyncadd.s32 $0xFFFFD800  }
0xe5: {  	[spmem:s2] =	stream.indirect.scatter.add.f32 [tilespmem:s11], [sflag:$0x4], $0x80, s10, s8, $0xb8;
	[tilespmem:$0x1BB00] =	vst v63  }
0xe6: {  	_ =	swait.ge [sflag:s3], $0x2800  }
0xe7: {  	[sflag:s3] =	ssyncset.done $0x0  }
0xe8: {  	s21 =	rddreg [dreg:$0xd];
	[sflag:s3] =	ssyncadd.s32 $0xFFFFD800  }
0xe9: {  	[tilespmem:s9], [sflag:$0x4] =	stream.linear.gather [hbm4b:s21+s4], $0x50, $0x38;
	[tilespmem:$0x1BB00] =	vst v63  }
0xea: {  	_ =	swait.ge [sflag:s3], $0x50  }
0xeb: {  	[sflag:s3] =	ssyncset.done $0x0  }
0xec: {  	s26 =	rddreg [dreg:$0xe];
	[sflag:s3] =	ssyncadd.s32 $0xFFFFFFB0  }
0xed: {  	[tilespmem:s10], [sflag:$0x4] =	stream.linear.gather [hbm4b:s26+s4], $0x50, $0x38;
	[tilespmem:$0x1BB00] =	vst v63  }
0xee: {  	_ =	swait.ge [sflag:s3], $0x50  }
0xef: {  	[sflag:s3] =	ssyncset.done $0x0  }
0xf0: {  	[sflag:s3] =	ssyncadd.s32 $0xFFFFFFB0  }
0xf1: {  	[tilespmem:s11], [sflag:$0x2] =	stream.indirect.gather [hbm4b:s1+s8], $0x80, s9, s8, $0xb8;
	[tilespmem:$0x1BB00] =	vst v63  }
0xf2: {  	_ =	swait.ge [sflag:s17], $0x2800  }
0xf3: {  	[sflag:s17] =	ssyncset.done $0x0  }
0xf4: {  	[sflag:s17] =	ssyncadd.s32 $0xFFFFD800  }
0xf5: {  	[spmem:s2] =	stream.indirect.scatter.add.f32 [tilespmem:s14], [sflag:$0x4], $0x80, s13, s8, $0xb8;
	[tilespmem:$0x1BB00] =	vst v63  }
0xf6: {  	_ =	swait.ge [sflag:s3], $0x2800  }
0xf7: {  	[sflag:s3] =	ssyncset.done $0x0  }
0xf8: {  	[sflag:s3] =	ssyncadd.s32 $0xFFFFD800  }
0xf9: {  	_ =	swait.ge [sflag:s15], $0x2800  }
0xfa: {  	[sflag:s15] =	ssyncset.done $0x0  }
0xfb: {  	[sflag:s15] =	ssyncadd.s32 $0xFFFFD800  }
0xfc: {  	[spmem:s2] =	stream.indirect.scatter.add.f32 [tilespmem:s0], [sflag:$0x4], $0x80, s7, s8, $0xb8;
	[tilespmem:$0x1BB00] =	vst v63  }
0xfd: {  	_ =	swait.ge [sflag:s3], $0x2800  }
0xfe: {  	[sflag:s3] =	ssyncset.done $0x0  }
0xff: {  	[sflag:s3] =	ssyncadd.s32 $0xFFFFD800  }
0x100: {  	_ =	swait.ge [sflag:s16], $0x2800  }
0x101: {  	[sflag:s16] =	ssyncset.done $0x0  }
0x102: {  	[sflag:s16] =	ssyncadd.s32 $0xFFFFD800  }
0x103: {  	[spmem:s2] =	stream.indirect.scatter.add.f32 [tilespmem:s11], [sflag:$0x4], $0x80, s10, s8, $0xb8;
	[tilespmem:$0x1BB00] =	vst v63  }
0x104: {  	_ =	swait.ge [sflag:s3], $0x2800  }
0x105: {  	[sflag:s3] =	ssyncset.done $0x0  }
0x106: {  	s28 =	stileid.u32;
	[sflag:s3] =	ssyncadd.s32 $0xFFFFD800  }
0x107: {  	s20 =	sshll.u32 s28, $0x6;
	[bflag:$0x0] =	sbarrier.arrive $0xFFFF  }
0x108: {  	s20 =	sor.u32 $0x1C04, s20;
	s21 =	sshrl.u32 s18, $0x3;
	s26 =	rddreg [dreg:$0xf]  }
0x109: {  	[hbm:s26], [sflag:s20] =	dma.local [spmem:s21], $0x2800  }
0x10a: {  	_ =	swait.ge [sflag:s3], $0x2800  }
0x10b: {  	s19 =	sadd.s32 $0x1, s19;
	s29 =	rddreg [dreg:$0x10]  }
0x10c: {  	p0 =	sne.s32 s19, s29  }
.Ltmp2:
0x10d: {  	_ = 	snop;
	(pc) =	sbr.rel @p0 .LBB2_1-.Ltmp2, $3  }
0x10e: {  	_ =	sdelay $0x1  }
0x10f: {  	[sflag:s3] =	ssyncset.done $0x0  }
0x110: {  	[sflag:s3] =	ssyncadd.s32 $0xFFFFD800  }
0x111: {  	_ =	sfence.sel $0x180000  }
0x112: {  	[bflag:$0x0] =	sbarrier.arrive $0xFFFF  }
0x113: {  	_ =	strace $0x9000004A  }
0x114: {  	s0 =	stileid.u32;
	[bflag:$0x2] =	sbarrier.arrive $0xFFFF  }
0x115: {  	p0 =	sne.s32 s0, $0x0;
	s0 =	rddreg [dreg:$0x3]  }
0x116: {  	s0 =	sadd.s32 @!p0 $0x100000, s0  }
0x117: {  	[sflag:s0] =	ssyncadd.tile.s32 @!p0 $0x1;
	_ =	shalt  }
.Lfunc_end2:
_tile_overlayer_lowered:
.L_overlay_start_2:
0x118: {  	(tag) =	ssettag $0x2  }
0x119: {  	s0 =	rddreg [dreg:$0x0];
	s2 =	stileid.u32  }
0x11a: {  	s1 =	rddreg [dreg:$0x1];
	p0 =	sne.s32 s2, $0x0  }
0x11b: {  	s3 =	rddreg [dreg:$0x2];
	[bflag:$0x3] =	sbarrier.arrive $0xFFFF;
	s2 =	simm.s32 @!p0 $0x1C04  }
0x11c: {  	[timem:s3], [sflag:s2] =	dma.local @!p0 [hbm:s0], s1  }
0x11d: {  	s0 =	simm.s32 @!p0 $0x4  }
0x11e: {  	_ =	swait.ge @!p0 [sflag:s0], s1  }
0x11f: {  	s1 =	ssub.s32 @!p0 $0x0, s1;
	[sflag:s0] =	ssyncset.done @!p0 $0x0  }
0x120: {  	[sflag:s0] =	ssyncadd.s32 @!p0 s1  }
0x121: {  	[bflag:$0x3] =	sbarrier.arrive $0xFFFF  }
0x122: {  	_ =	shalt  }

// kernel: kernel.16.cloned.1.call-start
scs
__scs_entry_jumppad:
0x0: {  	(pc) =	sbr.rel $0x88, $3  }
0x1: {  	(tag) =	ssettag $0x0;
	lr =	simm.s32 $0x1  }
0x2: {  	[smem:$0x3F95] =	sst lr;
	_ =	strace $0xD0000000  }
0x3: {  	_ = 	snop  }
0x4: {  	_ = 	snop  }
0x5: {  	_ = 	snop  }
0x6: {  	_ = 	snop  }
0x7: {  	_ = 	snop  }
__scs_overlays_trampoline_lowered:
0x8: {  	[smem:$0x3FA4] =	sst s0  }
0x9: {  	[smem:$0x3FA5] =	sst s1  }
0xa: {  	[smem:$0x3FA6] =	sst s2  }
0xb: {  	[smem:$0x3FA7] =	sst s3  }
0xc: {  	[smem:$0x3FA8] =	sst s4  }
0xd: {  	[smem:$0x3FA9] =	sst s5  }
0xe: {  	[smem:$0x3FAA] =	sst s6  }
0xf: {  	[smem:$0x3FAB] =	sst s7  }
0x10: {  	[smem:$0x3FAC] =	sst s8  }
0x11: {  	[smem:$0x3FAD] =	sst s9;
	s0 =	simm.s32 @!p0 $0x0  }
0x12: {  	s1 =	sld [smem:$0x3F93];
	s0 =	simm.s32 @p0 $0x1  }
0x13: {  	[smem:$0x3FAE] =	sst s0;
	s0 =	simm.s32 @!p1 $0x0  }
0x14: {  	s2 =	sld [smem:$0x3F92];
	s0 =	simm.s32 @p1 $0x1  }
0x15: {  	[smem:$0x3FAF] =	sst s0;
	s0 =	simm.s32 @!p2 $0x0  }
0x16: {  	s3 =	sld [smem:$0x3FDB];
	s0 =	simm.s32 @p2 $0x1  }
0x17: {  	s4 =	simm.s32 $0x1BF5;
	[smem:$0x3FB1] =	sst s0  }
0x18: {  	s0 =	sld [smem:$0x3F94];
	_ =	swait.ge [sflag:s4], $0x0  }
0x19: {  	s7 =	sld [smem:$0x3F95]  }
0x1a: {  	s8 =	sadd.s32 $0xFFFFE003, lr  }
0x1b: {  	s9 =	sadd.s32 $0xFFFFFEF7, lr;
	s5 =	simm.s32 $0xFFFFFFFF;
	p2 =	slt.u32 s8, $0xFFFFF086  }
0x1c: {  	p1 =	slt.u32 s9, $0xF7A;
	s5 =	simm.s32 @!p2 $0x0  }
0x1d: {  	s5 =	simm.s32 @p1 $0x1;
	p0 =	seq.s32 s7, s2  }
0x1e: {  	s7 =	smul.u32 @!p0 $0xF7A, s2;
	p2 =	seq.s32 @!p0 s5, $0x0  }
0x1f: {  	s9 =	smul.u32 $0xF7A, s1;
	s8 =	simm.s32 @!p0 $0x1BF5;
	p2 =	por !p2, p0  }
0x20: {  	[sflag:s8] =	ssyncset.s32 @!p0 $0xFFFFF086;
	s6 =	sadd.s32 @!p0 s3, s7;
	s7 =	simm.s32 @!p0 $0x108  }
0x21: {  	s3 =	sadd.s32 s3, s9;
	s6 =	sadd.s32 @!p0 $0x88, s6;
	s7 =	simm.s32 @p2 $0x1082  }
0x22: {  	[simem:s7], [sflag:s8] =	dma.local @!p0 [hbm:s6], $0xF7A  }
0x23: {  	s9 =	sor.u32 $0xD0000000, s2;
	s6 =	simm.s32 $0x108;
	_ =	swait.ge @!p0 [sflag:s8], $0x0  }
0x24: {  	s3 =	sadd.s32 $0x88, s3;
	s6 =	simm.s32 @!p1 $0x1082;
	[sflag:s4] =	ssyncset.s32 $0xFFFFF086  }
0x25: {  	[simem:s6], [sflag:s4] =	dma.local [hbm:s3], $0xF7A  }
0x26: {  	[smem:$0x3F95] =	sst s1;
	(tag) =	ssettag s2;
	_ =	strace s9  }
0x27: {  	s1 =	sld [smem:$0x3FA5]  }
0x28: {  	s2 =	sld [smem:$0x3FA6]  }
0x29: {  	s4 =	sld [smem:$0x3FA8]  }
0x2a: {  	p0 =	seq.s32 s5, $0x0;
	s5 =	sld [smem:$0x3FA9]  }
0x2b: {  	s6 =	sld [smem:$0x3FAA]  }
0x2c: {  	s7 =	sld [smem:$0x3FAB]  }
0x2d: {  	s3 =	simm.s32 $0x108;
	s8 =	sld [smem:$0x3FAC]  }
0x2e: {  	s3 =	simm.s32 @!p0 $0x1082;
	s9 =	sld [smem:$0x3FAD]  }
0x2f: {  	lr =	sadd.s32 s0, s3;
	s0 =	sld [smem:$0x3FA4]  }
0x30: {  	s3 =	sld [smem:$0x3FA7]  }
0x31: {  	[smem:$0x3FB0] =	sst s10  }
0x32: {  	s10 =	sld [smem:$0x3FAE];
	_ =	sdelay $0x3  }
0x33: {  	p0 =	seq.s32 s10, $0x1;
	s10 =	sld [smem:$0x3FB0];
	_ =	sdelay $0x3  }
0x34: {  	[smem:$0x3FB0] =	sst s10  }
0x35: {  	s10 =	sld [smem:$0x3FAF];
	_ =	sdelay $0x3  }
0x36: {  	p1 =	seq.s32 s10, $0x1;
	s10 =	sld [smem:$0x3FB0];
	_ =	sdelay $0x3  }
0x37: {  	[smem:$0x3FB0] =	sst s10  }
0x38: {  	s10 =	sld [smem:$0x3FB1]  }
0x39: {  	_ = 	snop;
	(pc) =	sbr.ind lr, $3  }
0x3a: {  	_ = 	snop  }
0x3b: {  	_ = 	snop  }
0x3c: {  	p2 =	seq.s32 s10, $0x1;
	s10 =	sld [smem:$0x3FB0]  }
0x3d: {  	_ =	shalt  }
0x3e: {  	_ =	shalt  }
0x3f: {  	_ =	shalt  }
0x40: {  	_ =	shalt  }
0x41: {  	_ =	shalt  }
0x42: {  	_ =	shalt  }
0x43: {  	_ =	shalt  }
0x44: {  	_ =	shalt  }
0x45: {  	_ =	shalt  }
0x46: {  	_ =	shalt  }
0x47: {  	_ =	shalt  }
0x48: {  	_ =	shalt  }
0x49: {  	_ =	shalt  }
0x4a: {  	_ =	shalt  }
0x4b: {  	_ =	shalt  }
0x4c: {  	_ =	shalt  }
0x4d: {  	_ =	shalt  }
0x4e: {  	_ =	shalt  }
0x4f: {  	_ =	shalt  }
0x50: {  	_ =	shalt  }
0x51: {  	_ =	shalt  }
0x52: {  	_ =	shalt  }
0x53: {  	_ =	shalt  }
0x54: {  	_ =	shalt  }
0x55: {  	_ =	shalt  }
0x56: {  	_ =	shalt  }
0x57: {  	_ =	shalt  }
0x58: {  	_ =	shalt  }
0x59: {  	_ =	shalt  }
0x5a: {  	_ =	shalt  }
0x5b: {  	_ =	shalt  }
0x5c: {  	_ =	shalt  }
0x5d: {  	_ =	shalt  }
0x5e: {  	_ =	shalt  }
0x5f: {  	_ =	shalt  }
0x60: {  	_ =	shalt  }
0x61: {  	_ =	shalt  }
0x62: {  	_ =	shalt  }
0x63: {  	_ =	shalt  }
0x64: {  	_ =	shalt  }
0x65: {  	_ =	shalt  }
0x66: {  	_ =	shalt  }
0x67: {  	_ =	shalt  }
0x68: {  	_ =	shalt  }
0x69: {  	_ =	shalt  }
0x6a: {  	_ =	shalt  }
0x6b: {  	_ =	shalt  }
0x6c: {  	_ =	shalt  }
0x6d: {  	_ =	shalt  }
0x6e: {  	_ =	shalt  }
0x6f: {  	_ =	shalt  }
0x70: {  	_ =	shalt  }
0x71: {  	_ =	shalt  }
0x72: {  	_ =	shalt  }
0x73: {  	_ =	shalt  }
0x74: {  	_ =	shalt  }
0x75: {  	_ =	shalt  }
0x76: {  	_ =	shalt  }
0x77: {  	_ =	shalt  }
0x78: {  	_ =	shalt  }
0x79: {  	_ =	shalt  }
0x7a: {  	_ =	shalt  }
0x7b: {  	_ =	shalt  }
0x7c: {  	_ =	shalt  }
0x7d: {  	_ =	shalt  }
0x7e: {  	_ =	shalt  }
0x7f: {  	_ =	shalt  }
0x80: {  	_ =	shalt  }
0x81: {  	_ =	shalt  }
0x82: {  	_ =	shalt  }
0x83: {  	_ =	shalt  }
0x84: {  	_ =	shalt  }
0x85: {  	_ =	shalt  }
0x86: {  	_ =	shalt  }
0x87: {  	_ =	shalt  }
.Lfunc_end0:
.L_simem_size_0:
called_computation.2_lowered:
.L_overlay_start_0:
0x88: {  	s2 =	sld [smem:$0x3FD9]  }
0x89: {  	s3 =	sld [smem:$0x3FFE];
	_ =	sdelay $0x1  }
0x8a: {  	s1 =	srdreg.scid  }
0x8b: {  	s0 =	sand.u32 $0x1, s1  }
0x8c: {  	s17 =	sshll.u32 s0, $0xA;
	s2 =	sadd.s32 s3, s2  }
0x8d: {  	s2 =	sadd.s32 s2, s17  }
0x8e: {  	[smem:$0x3FBC] =	sst s2  }
0x8f: {  	_ = 	snop  }
0x90: {  	s2 =	sld [smem:$0x3FD0];
	(tm) =	ssettm $0x1  }
0x91: {  	s18 =	sld [smem:$0x3FFB];
	_ =	sdelay $0x3  }
0x92: {  	_ =	strace s18  }
0x93: {  	s3 =	sld [smem:$0x3FFC];
	_ =	sdelay $0x3  }
0x94: {  	_ =	strace s3  }
0x95: {  	s3 =	sld [smem:$0x3FFD];
	_ =	sdelay $0x3  }
0x96: {  	_ =	strace s3  }
0x97: {  	_ =	strace $0x8FFFFFFF  }
0x98: {  	s19 =	sld [smem:$0x3FDB];
	_ =	sdelay $0x1  }
0x99: {  	s4 =	simm.s32 $_scs_section_size  }
0x9a: {  	s5 =	simm.s32 $_size__tile_overlayer_lowered;
	s6 =	simm.s32 $_tile_overlayer_lowered  }
0x9b: {  	s22 =	simm.s32 $0x1BFF;
	s21 =	sshll.u32 s6, $0x1;
	s3 =	sadd.s32 s4, s19  }
0x9c: {  	s7 =	simm.s32 $0x0;
	s20 =	sshll.u32 s5, $0x1;
	s5 =	sadd.s32 s21, s3  }
0x9d: {  	[timem:s7], [sflag:s22] =	dma.local [hbm:s5], s20  }
0x9e: {  	_ =	swait.ge [sflag:s22], s20  }
0x9f: {  	s4 =	ssub.s32 $0x0, s20;
	[sflag:s22] =	ssyncset.done $0x0  }
0xa0: {  	[sflag:s22] =	ssyncadd.s32 s4;
	_ =	sdelay $0x1  }
0xa1: {  	s23 =	simm.s32 $0x1B8B  }
0xa2: {  	_ =	swait.ge [sflag:s23], $0x1  }
0xa3: {  	[sflag:s23] =	ssyncset.done $0x0  }
0xa4: {  	s25 =	simm.s32 $0x1B8E;
	s24 =	sld [smem:$0x3FFE];
	[sflag:s23] =	ssyncadd.s32 $0xFFFFFFFF  }
0xa5: {  	s26 =	simm.s32 $execute0_lowered;
	[smem:$0x3FD2] =	sst s25  }
0xa6: {  	s5 =	sshll.u32 s26, $0x1;
	_ =	strace $0x8000004C;
	[dreg:$0x1] =	wrdreg $0xFFFFFFFF  }
0xa7: {  	s28 =	simm.s32 $_size_execute0_lowered;
	s3 =	sadd.s32 s3, s5;
	[dreg:$0x0] =	wrdreg $0x0  }
0xa8: {  	s5 =	sshll.u32 s28, $0x1;
	[dreg:$0x2] =	wrdreg s3  }
0xa9: {  	[dreg:$0x3] =	wrdreg s5  }
0xaa: {  	[dreg:$0x4] =	wrdreg $0xC0  }
0xab: {  	_ =	task [dreg:s7], $0x5FFFF  }
0xac: {  	[dreg:$0x1] =	wrdreg $0xFFFFFFFF  }
0xad: {  	[dreg:$0x0] =	wrdreg $0x60  }
0xae: {  	[dreg:$0x2] =	wrdreg s2  }
0xaf: {  	[dreg:$0x3] =	wrdreg s24  }
0xb0: {  	[dreg:$0x4] =	wrdreg $0x7B000  }
0xb1: {  	[dreg:$0x5] =	wrdreg $0x9  }
0xb2: {  	_ =	task.clear_ibuf [dreg:s7], $0x6FFFF;
	_ =	strace $0x9000004C  }
0xb3: {  	s29 =	simm.s32 $0x9;
	_ =	strace $0x8000004E  }
0xb4: {  	_ =	swait.ge [sflag:s29], $0x1  }
0xb5: {  	[sflag:s29] =	ssyncadd.s32 $0xFFFFFFFF  }
0xb6: {  	_ =	strace $0x9000004E  }
0xb7: {  	_ =	sfence  }
0xb8: {  	s30 =	sld [smem:$0x0];
	_ =	sdelay $0x2  }
0xb9: {  	s31 =	sshll.u32 s1, $0xD;
	s1 =	sshrl.u32 s1, $0x2  }
0xba: {  	s3 =	sand.u32 $0x4000, s31;
	s1 =	sadd.s32 s1, s30  }
0xbb: {  	s0 =	sor.u32 s3, s0;
	s1 =	sshll.u32 s1, $0x11  }
0xbc: {  	s0 =	sor.u32 s1, s0  }
0xbd: {  	s0 =	sadd.s32 $0x8F2B, s0  }
0xbe: {  	[sflag:s0] =	ssyncadd.remote.s32 $0x1  }
0xbf: {  	_ =	sfence.sel $0xFFFF  }
0xc0: {  	[dreg:$0x0] =	wrdreg $0xFFFFFFFF;
	(pc) =	sbr.abs _section_cstart, $3  }
0xc1: {  	[dreg:$0x1] =	wrdreg $0xFFFFFFFF  }
0xc2: {  	_ =	task.clear_ibuf [dreg:s7], $0x2FFFF;
	_ =	strace $0x9FFFFFFF  }
0xc3: {  	(tm) =	ssettm $0x7FFFFFFF  }
tec
execute0_lowered:
.L_overlay_start_1:
0x0: {  	(tag) =	ssettag $0x1  }
0x1: {  	s1 =	rddreg [dreg:$0x0]  }
0x2: {  	s0 =	rddreg [dreg:$0x1]  }
0x3: {  	s2 =	rddreg [dreg:$0x2];
	s11 =	stileid.u32  }
0x4: {  	s3 =	srdreg.scid;
	s7 =	smul.u32 $0x14000, s11  }
0x5: {  	s4 =	simm.s32 $0x0;
	s3 =	sand.u32 $0x1, s3;
	s16 =	smul.u32 $0x50000, s11  }
0x6: {  	[smem:$0x7FF] =	sst s4;
	s6 =	smul.u32 $0x140000, s3;
	s5 =	sshll.u32 s3, $0x4  }
0x7: {  	_ =	strace $0x8000004D;
	s9 =	ssub.s32 $0x2, s3;
	s3 =	smul.u32 $0x27100, s3  }
0x8: {  	s8 =	sor.u32 s11, s5;
	s5 =	sadd.s32 $0x2A00, s0;
	s29 =	sshrl.u32 s9, $0x1  }
0x9: {  	s11 =	smul.u32 $0x2710, s11;
	s19 =	sshrl.u32 s16, $0x2;
	s16 =	simm.s32 $0x2  }
0xa: {  	s7 =	sadd.s32 s7, s6;
	s8 =	smul.u32 $0x2710, s8;
	s6 =	sadd.s32 $0xC800, s0  }
0xb: {  	s7 =	sshrl.u32 s7, $0x3;
	s3 =	sadd.s32 s11, s3;
	s11 =	simm.s32 $0x2B00  }
0xc: {  	s0 =	sadd.s32 s7, s0;
	s8 =	sshrl.u32 s8, $0x3;
	s7 =	ssub.s32 s9, s29  }
0xd: {  	s21 =	sadd.s32 $0x190, s3;
	s23 =	sadd.s32 $0x140, s3;
	s10 =	sadd.s32 s5, s8  }
0xe: {  	s12 =	sadd.s32 $0xA, s8;
	s0 =	sadd.s32 $0x16600, s0;
	[dreg:$0x5] =	wrdreg s10  }
0xf: {  	s14 =	sadd.s32 $0x14, s8;
	s20 =	smax.u32 s7, $0x1;
	[dreg:$0xf] =	wrdreg s0  }
0x10: {  	s17 =	sadd.s32 $0x4CE, s8;
	s10 =	sadd.s32 s6, s8;
	[dreg:$0x10] =	wrdreg s20  }
0x11: {  	s7 =	sshrl.u32 s23, $0x3;
	s13 =	sadd.s32 s5, s12;
	[dreg:$0x6] =	wrdreg s10  }
0x12: {  	s9 =	sadd.s32 s6, s12;
	s15 =	sadd.s32 s5, s14;
	[dreg:$0x7] =	wrdreg s13  }
0x13: {  	s12 =	sadd.s32 s5, s17;
	s8 =	sadd.s32 $0x4D8, s8;
	[dreg:$0x8] =	wrdreg s9  }
0x14: {  	s0 =	sshrl.u32 s21, $0x3;
	s23 =	sadd.s32 s7, s6;
	[dreg:$0x9] =	wrdreg s15  }
0x15: {  	s10 =	sadd.s32 s6, s14;
	[dreg:$0xb] =	wrdreg s12;
	s18 =	sadd.s32 s5, s8  }
0x16: {  	s8 =	sadd.s32 s6, s8;
	s25 =	sadd.s32 s0, s6;
	s9 =	simm.s32 $0x100  }
0x17: {  	s12 =	simm.s32 $0x200;
	s13 =	simm.s32 $0x280;
	[dreg:$0xa] =	wrdreg s10  }
0x18: {  	s14 =	simm.s32 $0x5300;
	s15 =	simm.s32 $0x1;
	[dreg:$0xd] =	wrdreg s18  }
0x19: {  	s10 =	sadd.s32 s6, s17;
	[dreg:$0xe] =	wrdreg s8;
	s18 =	sadd.s32 s19, s2  }
0x1a: {  	[dreg:$0x4] =	wrdreg s25;
	s25 =	sadd.s32 $0xF0, s3;
	s3 =	simm.s32 $0x4  }
0x1b: {  	s8 =	simm.s32 $0x50;
	s17 =	simm.s32 $0x3;
	s19 =	simm.s32 $0x0  }
0x1c: {  	[dreg:$0xc] =	wrdreg s10;
	s22 =	sadd.s32 $0x2800, s18;
	s24 =	sadd.s32 $0x5000, s18  }
0x1d: {  	s26 =	sadd.s32 $0x7800, s18;
	s28 =	sadd.s32 $0xA000, s18;
	[dreg:$0x11] =	wrdreg s22  }
0x1e: {  	s29 =	sadd.s32 $0xC800, s18;
	s30 =	sadd.s32 $0xF000, s18;
	[dreg:$0x12] =	wrdreg s24  }
0x1f: {  	s31 =	sadd.s32 $0x11800, s18;
	s10 =	simm.s32 $0x180;
	[dreg:$0x13] =	wrdreg s26  }
0x20: {  	s22 =	sadd.s32 s0, s5;
	s24 =	sadd.s32 s7, s5;
	[dreg:$0x14] =	wrdreg s28  }
0x21: {  	v0 =	vimm.f32 $0.0e+00;
	[dreg:$0x15] =	wrdreg s29;
	s0 =	simm.s32 $0x300;
	s7 =	simm.s32 $0x80  }
.LBB2_1:
0x22: {  	s20 =	simm.s32 $0x0;
	s21 =	simm.s32 $0x200  }
.LBB2_2:
0x23: {  	p0 =	sne.s32 s21, $0x9E00;
	[tilespmem:s20+$0x370] =	vst v0  }
0x24: {  	[tilespmem:s20+$0x300] =	vst v0  }
0x25: {  	[tilespmem:s20+$0x310] =	vst v0  }
.Ltmp0:
0x26: {  	[tilespmem:s20+$0x320] =	vst v0;
	(pc) =	sbr.rel @p0 .LBB2_2-.Ltmp0, $4  }
0x27: {  	[tilespmem:s20+$0x330] =	vst v0  }
0x28: {  	[tilespmem:s20+$0x340] =	vst v0  }
0x29: {  	[tilespmem:s20+$0x350] =	vst v0  }
0x2a: {  	[tilespmem:s20+$0x360] =	vst v0;
	s20 =	sshra.s32 s21, $0x2;
	s21 =	sadd.s32 $0x200, s21  }
0x2b: {  	[tilespmem:s20+$0x370] =	vst v0  }
0x2c: {  	[tilespmem:s20+$0x300] =	vst v0  }
0x2d: {  	[tilespmem:s20+$0x310] =	vst v0  }
0x2e: {  	[tilespmem:s20+$0x320] =	vst v0  }
0x2f: {  	[tilespmem:s20+$0x330] =	vst v0  }
0x30: {  	[tilespmem:s20+$0x340] =	vst v0  }
0x31: {  	[tilespmem:s20+$0x350] =	vst v0  }
0x32: {  	[tilespmem:s20+$0x360] =	vst v0  }
0x33: {  	[spmem:s18] =	stream.linear.scatter [tilespmem:s0], [sflag:$0x4], $0x2800, $0x38;
	[tilespmem:$0x1BB00] =	vst v63  }
0x34: {  	_ =	swait.ge [sflag:s3], $0x2800  }
0x35: {  	[sflag:s3] =	ssyncset.done $0x0  }
0x36: {  	s28 =	rddreg [dreg:$0x11];
	[sflag:s3] =	ssyncadd.s32 $0xFFFFD800  }
0x37: {  	[spmem:s28] =	stream.linear.scatter [tilespmem:s0], [sflag:$0x4], $0x2800, $0x38;
	[tilespmem:$0x1BB00] =	vst v63  }
0x38: {  	_ =	swait.ge [sflag:s3], $0x2800  }
0x39: {  	[sflag:s3] =	ssyncset.done $0x0  }
0x3a: {  	s29 =	rddreg [dreg:$0x12];
	[sflag:s3] =	ssyncadd.s32 $0xFFFFD800  }
0x3b: {  	[spmem:s29] =	stream.linear.scatter [tilespmem:s0], [sflag:$0x4], $0x2800, $0x38;
	[tilespmem:$0x1BB00] =	vst v63  }
0x3c: {  	_ =	swait.ge [sflag:s3], $0x2800  }
0x3d: {  	[sflag:s3] =	ssyncset.done $0x0  }
0x3e: {  	s21 =	rddreg [dreg:$0x13];
	[sflag:s3] =	ssyncadd.s32 $0xFFFFD800  }
0x3f: {  	[spmem:s21] =	stream.linear.scatter [tilespmem:s0], [sflag:$0x4], $0x2800, $0x38;
	[tilespmem:$0x1BB00] =	vst v63  }
0x40: {  	_ =	swait.ge [sflag:s3], $0x2800  }
0x41: {  	[sflag:s3] =	ssyncset.done $0x0  }
0x42: {  	s26 =	rddreg [dreg:$0x14];
	[sflag:s3] =	ssyncadd.s32 $0xFFFFD800  }
0x43: {  	[spmem:s26] =	stream.linear.scatter [tilespmem:s0], [sflag:$0x4], $0x2800, $0x38;
	[tilespmem:$0x1BB00] =	vst v63  }
0x44: {  	_ =	swait.ge [sflag:s3], $0x2800  }
0x45: {  	[sflag:s3] =	ssyncset.done $0x0  }
0x46: {  	s28 =	rddreg [dreg:$0x15];
	[sflag:s3] =	ssyncadd.s32 $0xFFFFD800  }
0x47: {  	[spmem:s28] =	stream.linear.scatter [tilespmem:s0], [sflag:$0x4], $0x2800, $0x38;
	[tilespmem:$0x1BB00] =	vst v63  }
0x48: {  	_ =	swait.ge [sflag:s3], $0x2800  }
0x49: {  	[sflag:s3] =	ssyncset.done $0x0  }
0x4a: {  	[sflag:s3] =	ssyncadd.s32 $0xFFFFD800  }
0x4b: {  	[spmem:s30] =	stream.linear.scatter [tilespmem:s0], [sflag:$0x4], $0x2800, $0x38;
	[tilespmem:$0x1BB00] =	vst v63  }
0x4c: {  	_ =	swait.ge [sflag:s3], $0x2800  }
0x4d: {  	[sflag:s3] =	ssyncset.done $0x0  }
0x4e: {  	[sflag:s3] =	ssyncadd.s32 $0xFFFFD800  }
0x4f: {  	[spmem:s31] =	stream.linear.scatter [tilespmem:s0], [sflag:$0x4], $0x2800, $0x38;
	[tilespmem:$0x1BB00] =	vst v63  }
0x50: {  	_ =	swait.ge [sflag:s3], $0x2800  }
0x51: {  	[sflag:s3] =	ssyncset.done $0x0  }
0x52: {  	[sflag:s3] =	ssyncadd.s32 $0xFFFFD800  }
0x53: {  	[bflag:$0x0] =	sbarrier.arrive $0xFFFF  }
0x54: {  	s20 =	simm.s32 $0x0;
	s21 =	rddreg [dreg:$0x5]  }
0x55: {  	[tilespmem:s20], [sflag:$0x4] =	stream.linear.gather [hbm4b:s21+s20], $0x50, $0x38;
	[tilespmem:$0x1BB00] =	vst v63  }
0x56: {  	_ =	swait.ge [sflag:s3], $0x50  }
0x57: {  	[sflag:s3] =	ssyncset.done $0x0  }
0x58: {  	s29 =	rddreg [dreg:$0x6];
	[sflag:s3] =	ssyncadd.s32 $0xFFFFFFB0  }
0x59: {  	[tilespmem:s7], [sflag:$0x4] =	stream.linear.gather [hbm4b:s29+s20], $0x50, $0x38;
	[tilespmem:$0x1BB00] =	vst v63  }
0x5a: {  	_ =	swait.ge [sflag:s3], $0x50  }
0x5b: {  	[sflag:s3] =	ssyncset.done $0x0  }
0x5c: {  	[sflag:s3] =	ssyncadd.s32 $0xFFFFFFB0  }
0x5d: {  	[tilespmem:s0], [sflag:$0x1] =	stream.indirect.gather [hbm4b:s1+s8], $0x80, s20, s8, $0xb8;
	[tilespmem:$0x1BB00] =	vst v63  }
0x5e: {  	s26 =	rddreg [dreg:$0x7]  }
0x5f: {  	[tilespmem:s9], [sflag:$0x4] =	stream.linear.gather [hbm4b:s26+s20], $0x50, $0x38;
	[tilespmem:$0x1BB00] =	vst v63  }
0x60: {  	_ =	swait.ge [sflag:s3], $0x50  }
0x61: {  	[sflag:s3] =	ssyncset.done $0x0  }
0x62: {  	s28 =	rddreg [dreg:$0x8];
	[sflag:s3] =	ssyncadd.s32 $0xFFFFFFB0  }
0x63: {  	[tilespmem:s10], [sflag:$0x4] =	stream.linear.gather [hbm4b:s28+s20], $0x50, $0x38;
	[tilespmem:$0x1BB00] =	vst v63  }
0x64: {  	_ =	swait.ge [sflag:s3], $0x50  }
0x65: {  	[sflag:s3] =	ssyncset.done $0x0  }
0x66: {  	[sflag:s3] =	ssyncadd.s32 $0xFFFFFFB0  }
0x67: {  	[tilespmem:s11], [sflag:$0x2] =	stream.indirect.gather [hbm4b:s1+s8], $0x80, s9, s8, $0xb8;
	[tilespmem:$0x1BB00] =	vst v63  }
0x68: {  	s29 =	rddreg [dreg:$0x9]  }
0x69: {  	[tilespmem:s12], [sflag:$0x4] =	stream.linear.gather [hbm4b:s29+s20], $0x50, $0x38;
	[tilespmem:$0x1BB00] =	vst v63  }
0x6a: {  	_ =	swait.ge [sflag:s3], $0x50  }
0x6b: {  	[sflag:s3] =	ssyncset.done $0x0  }
0x6c: {  	s26 =	rddreg [dreg:$0xa];
	[sflag:s3] =	ssyncadd.s32 $0xFFFFFFB0  }
0x6d: {  	[tilespmem:s13], [sflag:$0x4] =	stream.linear.gather [hbm4b:s26+s20], $0x50, $0x38;
	[tilespmem:$0x1BB00] =	vst v63  }
0x6e: {  	_ =	swait.ge [sflag:s3], $0x50  }
0x6f: {  	[sflag:s3] =	ssyncset.done $0x0  }
0x70: {  	[sflag:s3] =	ssyncadd.s32 $0xFFFFFFB0  }
0x71: {  	[tilespmem:s14], [sflag:$0x3] =	stream.indirect.gather [hbm4b:s1+s8], $0x80, s12, s8, $0xb8;
	[tilespmem:$0x1BB00] =	vst v63  }
0x72: {  	_ =	swait.ge [sflag:s15], $0x2800  }
0x73: {  	[sflag:s15] =	ssyncset.done $0x0  }
0x74: {  	[sflag:s15] =	ssyncadd.s32 $0xFFFFD800  }
0x75: {  	[spmem:s2] =	stream.indirect.scatter.add.f32 [tilespmem:s0], [sflag:$0x4], $0x80, s7, s8, $0xb8;
	[tilespmem:$0x1BB00] =	vst v63  }
0x76: {  	_ =	swait.ge [sflag:s3], $0x2800  }
0x77: {  	s28 =	sshrl.u32 s25, $0x3;
	[sflag:s3] =	ssyncset.done $0x0  }
0x78: {  	s29 =	sadd.s32 s5, s28;
	[sflag:s3] =	ssyncadd.s32 $0xFFFFD800  }
0x79: {  	[tilespmem:s4], [sflag:$0x4] =	stream.linear.gather [hbm4b:s29+s4], $0x50, $0x38;
	[tilespmem:$0x1BB00] =	vst v63  }
0x7a: {  	_ =	swait.ge [sflag:s3], $0x50  }
0x7b: {  	[sflag:s3] =	ssyncset.done $0x0  }
0x7c: {  	s20 =	sadd.s32 s6, s28;
	[sflag:s3] =	ssyncadd.s32 $0xFFFFFFB0  }
0x7d: {  	[tilespmem:s7], [sflag:$0x4] =	stream.linear.gather [hbm4b:s20+s4], $0x50, $0x38;
	[tilespmem:$0x1BB00] =	vst v63  }
0x7e: {  	_ =	swait.ge [sflag:s3], $0x50  }
0x7f: {  	[sflag:s3] =	ssyncset.done $0x0  }
0x80: {  	[sflag:s3] =	ssyncadd.s32 $0xFFFFFFB0  }
0x81: {  	[tilespmem:s0], [sflag:$0x1] =	stream.indirect.gather [hbm4b:s1+s8], $0x80, s4, s8, $0xb8;
	[tilespmem:$0x1BB00] =	vst v63  }
0x82: {  	_ =	swait.ge [sflag:s16], $0x2800  }
0x83: {  	[sflag:s16] =	ssyncset.done $0x0  }
0x84: {  	[sflag:s16] =	ssyncadd.s32 $0xFFFFD800  }
0x85: {  	[spmem:s2] =	stream.indirect.scatter.add.f32 [tilespmem:s11], [sflag:$0x4], $0x80, s10, s8, $0xb8;
	[tilespmem:$0x1BB00] =	vst v63  }
0x86: {  	_ =	swait.ge [sflag:s3], $0x2800  }
0x87: {  	[sflag:s3] =	ssyncset.done $0x0  }
0x88: {  	s21 =	sadd.s32 $0x0, s24;
	[sflag:s3] =	ssyncadd.s32 $0xFFFFD800  }
0x89: {  	[tilespmem:s9], [sflag:$0x4] =	stream.linear.gather [hbm4b:s21+s4], $0x50, $0x38;
	[tilespmem:$0x1BB00] =	vst v63  }
0x8a: {  	_ =	swait.ge [sflag:s3], $0x50  }
0x8b: {  	[sflag:s3] =	ssyncset.done $0x0  }
0x8c: {  	s26 =	sadd.s32 $0x0, s23;
	[sflag:s3] =	ssyncadd.s32 $0xFFFFFFB0  }
0x8d: {  	[tilespmem:s10], [sflag:$0x4] =	stream.linear.gather [hbm4b:s26+s4], $0x50, $0x38;
	[tilespmem:$0x1BB00] =	vst v63  }
0x8e: {  	_ =	swait.ge [sflag:s3], $0x50  }
0x8f: {  	[sflag:s3] =	ssyncset.done $0x0  }
0x90: {  	[sflag:s3] =	ssyncadd.s32 $0xFFFFFFB0  }
0x91: {  	[tilespmem:s11], [sflag:$0x2] =	stream.indirect.gather [hbm4b:s1+s8], $0x80, s9, s8, $0xb8;
	[tilespmem:$0x1BB00] =	vst v63  }
0x92: {  	_ =	swait.ge [sflag:s17], $0x2800  }
0x93: {  	[sflag:s17] =	ssyncset.done $0x0  }
0x94: {  	[sflag:s17] =	ssyncadd.s32 $0xFFFFD800  }
0x95: {  	[spmem:s2] =	stream.indirect.scatter.add.f32 [tilespmem:s14], [sflag:$0x4], $0x80, s13, s8, $0xb8;
	[tilespmem:$0x1BB00] =	vst v63  }
0x96: {  	_ =	swait.ge [sflag:s3], $0x2800  }
0x97: {  	[sflag:s3] =	ssyncset.done $0x0  }
0x98: {  	s28 =	sadd.s32 $0x0, s22;
	[sflag:s3] =	ssyncadd.s32 $0xFFFFD800  }
0x99: {  	[tilespmem:s12], [sflag:$0x4] =	stream.linear.gather [hbm4b:s28+s4], $0x50, $0x38;
	[tilespmem:$0x1BB00] =	vst v63  }
0x9a: {  	_ =	swait.ge [sflag:s3], $0x50  }
0x9b: {  	s29 =	rddreg [dreg:$0x4];
	[sflag:s3] =	ssyncset.done $0x0  }
0x9c: {  	[sflag:s3] =	ssyncadd.s32 $0xFFFFFFB0;
	s20 =	sadd.s32 $0x0, s29  }
0x9d: {  	[tilespmem:s13], [sflag:$0x4] =	stream.linear.gather [hbm4b:s20+s4], $0x50, $0x38;
	[tilespmem:$0x1BB00] =	vst v63  }
0x9e: {  	_ =	swait.ge [sflag:s3], $0x50  }
0x9f: {  	[sflag:s3] =	ssyncset.done $0x0  }
0xa0: {  	s21 =	sadd.s32 $0xF0, s25;
	s20 =	simm.s32 $0x1E;
	[sflag:s3] =	ssyncadd.s32 $0xFFFFFFB0  }
.LBB2_4:
0xa1: {  	[tilespmem:s14], [sflag:$0x3] =	stream.indirect.gather [hbm4b:s1+s8], $0x80, s12, s8, $0xb8;
	[tilespmem:$0x1BB00] =	vst v63  }
0xa2: {  	_ =	swait.ge [sflag:s15], $0x2800  }
0xa3: {  	[sflag:s15] =	ssyncset.done $0x0  }
0xa4: {  	[sflag:s15] =	ssyncadd.s32 $0xFFFFD800  }
0xa5: {  	[spmem:s2] =	stream.indirect.scatter.add.f32 [tilespmem:s0], [sflag:$0x4], $0x80, s7, s8, $0xb8;
	[tilespmem:$0x1BB00] =	vst v63  }
0xa6: {  	_ =	swait.ge [sflag:s3], $0x2800  }
0xa7: {  	s28 =	sshrl.u32 s21, $0x3;
	[sflag:s3] =	ssyncset.done $0x0  }
0xa8: {  	s29 =	sadd.s32 s5, s28;
	[sflag:s3] =	ssyncadd.s32 $0xFFFFD800  }
0xa9: {  	[tilespmem:s4], [sflag:$0x4] =	stream.linear.gather [hbm4b:s29+s4], $0x50, $0x38;
	[tilespmem:$0x1BB00] =	vst v63  }
0xaa: {  	_ =	swait.ge [sflag:s3], $0x50  }
0xab: {  	[sflag:s3] =	ssyncset.done $0x0  }
0xac: {  	s28 =	sadd.s32 s6, s28;
	[sflag:s3] =	ssyncadd.s32 $0xFFFFFFB0  }
0xad: {  	[tilespmem:s7], [sflag:$0x4] =	stream.linear.gather [hbm4b:s28+s4], $0x50, $0x38;
	[tilespmem:$0x1BB00] =	vst v63  }
0xae: {  	_ =	swait.ge [sflag:s3], $0x50  }
0xaf: {  	[sflag:s3] =	ssyncset.done $0x0  }
0xb0: {  	[sflag:s3] =	ssyncadd.s32 $0xFFFFFFB0  }
0xb1: {  	[tilespmem:s0], [sflag:$0x1] =	stream.indirect.gather [hbm4b:s1+s8], $0x80, s4, s8, $0xb8;
	[tilespmem:$0x1BB00] =	vst v63  }
0xb2: {  	_ =	swait.ge [sflag:s16], $0x2800  }
0xb3: {  	[sflag:s16] =	ssyncset.done $0x0  }
0xb4: {  	[sflag:s16] =	ssyncadd.s32 $0xFFFFD800  }
0xb5: {  	[spmem:s2] =	stream.indirect.scatter.add.f32 [tilespmem:s11], [sflag:$0x4], $0x80, s10, s8, $0xb8;
	[tilespmem:$0x1BB00] =	vst v63  }
0xb6: {  	_ =	swait.ge [sflag:s3], $0x2800  }
0xb7: {  	s26 =	smov.u32 s20;
	[sflag:s3] =	ssyncset.done $0x0  }
0xb8: {  	s29 =	sadd.s32 s26, s24;
	[sflag:s3] =	ssyncadd.s32 $0xFFFFD800  }
0xb9: {  	[tilespmem:s9], [sflag:$0x4] =	stream.linear.gather [hbm4b:s29+s4], $0x50, $0x38;
	[tilespmem:$0x1BB00] =	vst v63  }
0xba: {  	_ =	swait.ge [sflag:s3], $0x50  }
0xbb: {  	[sflag:s3] =	ssyncset.done $0x0  }
0xbc: {  	s29 =	sadd.s32 s26, s23;
	[sflag:s3] =	ssyncadd.s32 $0xFFFFFFB0  }
0xbd: {  	[tilespmem:s10], [sflag:$0x4] =	stream.linear.gather [hbm4b:s29+s4], $0x50, $0x38;
	[tilespmem:$0x1BB00] =	vst v63  }
0xbe: {  	_ =	swait.ge [sflag:s3], $0x50  }
0xbf: {  	[sflag:s3] =	ssyncset.done $0x0  }
0xc0: {  	[sflag:s3] =	ssyncadd.s32 $0xFFFFFFB0  }
0xc1: {  	[tilespmem:s11], [sflag:$0x2] =	stream.indirect.gather [hbm4b:s1+s8], $0x80, s9, s8, $0xb8;
	[tilespmem:$0x1BB00] =	vst v63  }
0xc2: {  	_ =	swait.ge [sflag:s17], $0x2800  }
0xc3: {  	[sflag:s17] =	ssyncset.done $0x0  }
0xc4: {  	[sflag:s17] =	ssyncadd.s32 $0xFFFFD800  }
0xc5: {  	[spmem:s2] =	stream.indirect.scatter.add.f32 [tilespmem:s14], [sflag:$0x4], $0x80, s13, s8, $0xb8;
	[tilespmem:$0x1BB00] =	vst v63  }
0xc6: {  	_ =	swait.ge [sflag:s3], $0x2800  }
0xc7: {  	[sflag:s3] =	ssyncset.done $0x0  }
0xc8: {  	s29 =	sadd.s32 s26, s22;
	[sflag:s3] =	ssyncadd.s32 $0xFFFFD800  }
0xc9: {  	[tilespmem:s12], [sflag:$0x4] =	stream.linear.gather [hbm4b:s29+s4], $0x50, $0x38;
	[tilespmem:$0x1BB00] =	vst v63  }
0xca: {  	_ =	swait.ge [sflag:s3], $0x50  }
0xcb: {  	p0 =	sne.s32 s20, $0x492;
	s29 =	rddreg [dreg:$0x4];
	[sflag:s3] =	ssyncset.done $0x0  }
.Ltmp1:
0xcc: {  	[sflag:s3] =	ssyncadd.s32 $0xFFFFFFB0;
	s26 =	sadd.s32 s26, s29;
	(pc) =	sbr.rel @p0 .LBB2_4-.Ltmp1, $4  }
0xcd: {  	[tilespmem:s13], [sflag:$0x4] =	stream.linear.gather [hbm4b:s26+s4], $0x50, $0x38;
	[tilespmem:$0x1BB00] =	vst v63  }
0xce: {  	_ =	swait.ge [sflag:s3], $0x50  }
0xcf: {  	[sflag:s3] =	ssyncset.done $0x0  }
0xd0: {  	s20 =	sadd.s32 $0x1E, s20;
	s21 =	sadd.s32 $0xF0, s21;
	[sflag:s3] =	ssyncadd.s32 $0xFFFFFFB0  }
0xd1: {  	[tilespmem:s14], [sflag:$0x3] =	stream.indirect.gather [hbm4b:s1+s8], $0x80, s12, s8, $0xb8;
	[tilespmem:$0x1BB00] =	vst v63  }
0xd2: {  	_ =	swait.ge [sflag:s15], $0x2800  }
0xd3: {  	[sflag:s15] =	ssyncset.done $0x0  }
0xd4: {  	[sflag:s15] =	ssyncadd.s32 $0xFFFFD800  }
0xd5: {  	[spmem:s2] =	stream.indirect.scatter.add.f32 [tilespmem:s0], [sflag:$0x4], $0x80, s7, s8, $0xb8;
	[tilespmem:$0x1BB00] =	vst v63  }
0xd6: {  	_ =	swait.ge [sflag:s3], $0x2800  }
0xd7: {  	[sflag:s3] =	ssyncset.done $0x0  }
0xd8: {  	s20 =	rddreg [dreg:$0xb];
	[sflag:s3] =	ssyncadd.s32 $0xFFFFD800  }
0xd9: {  	[tilespmem:s4], [sflag:$0x4] =	stream.linear.gather [hbm4b:s20+s4], $0x50, $0x38;
	[tilespmem:$0x1BB00] =	vst v63  }
0xda: {  	_ =	swait.ge [sflag:s3], $0x50  }
0xdb: {  	[sflag:s3] =	ssyncset.done $0x0  }
0xdc: {  	s29 =	rddreg [dreg:$0xc];
	[sflag:s3] =	ssyncadd.s32 $0xFFFFFFB0  }
0xdd: {  	[tilespmem:s7], [sflag:$0x4] =	stream.linear.gather [hbm4b:s29+s4], $0x50, $0x38;
	[tilespmem:$0x1BB00] =	vst v63  }
0xde: {  	_ =	swait.ge [sflag:s3], $0x50  }
0xdf: {  	[sflag:s3] =	ssyncset.done $0x0  }
0xe0: {  	[sflag:s3] =	ssyncadd.s32 $0xFFFFFFB0  }
0xe1: {  	[tilespmem:s0], [sflag:$0x1] =	stream.indirect.gather [hbm4b:s1+s8], $0x80, s4, s8, $0xb8;
	[tilespmem:$0x1BB00] =	vst v63  }
0xe2: {  	_ =	swait.ge [sflag:s16], $0x2800  }
0xe3: {  	[sflag:s16] =	ssyncset.done $0x0  }
0xe4: {  	[sflag:s16] =	ssyncadd.s32 $0xFFFFD800  }
0xe5: {  	[spmem:s2] =	stream.indirect.scatter.add.f32 [tilespmem:s11], [sflag:$0x4], $0x80, s10, s8, $0xb8;
	[tilespmem:$0x1BB00] =	vst v63  }
0xe6: {  	_ =	swait.ge [sflag:s3], $0x2800  }
0xe7: {  	[sflag:s3] =	ssyncset.done $0x0  }
0xe8: {  	s21 =	rddreg [dreg:$0xd];
	[sflag:s3] =	ssyncadd.s32 $0xFFFFD800  }
0xe9: {  	[tilespmem:s9], [sflag:$0x4] =	stream.linear.gather [hbm4b:s21+s4], $0x50, $0x38;
	[tilespmem:$0x1BB00] =	vst v63  }
0xea: {  	_ =	swait.ge [sflag:s3], $0x50  }
0xeb: {  	[sflag:s3] =	ssyncset.done $0x0  }
0xec: {  	s26 =	rddreg [dreg:$0xe];
	[sflag:s3] =	ssyncadd.s32 $0xFFFFFFB0  }
0xed: {  	[tilespmem:s10], [sflag:$0x4] =	stream.linear.gather [hbm4b:s26+s4], $0x50, $0x38;
	[tilespmem:$0x1BB00] =	vst v63  }
0xee: {  	_ =	swait.ge [sflag:s3], $0x50  }
0xef: {  	[sflag:s3] =	ssyncset.done $0x0  }
0xf0: {  	[sflag:s3] =	ssyncadd.s32 $0xFFFFFFB0  }
0xf1: {  	[tilespmem:s11], [sflag:$0x2] =	stream.indirect.gather [hbm4b:s1+s8], $0x80, s9, s8, $0xb8;
	[tilespmem:$0x1BB00] =	vst v63  }
0xf2: {  	_ =	swait.ge [sflag:s17], $0x2800  }
0xf3: {  	[sflag:s17] =	ssyncset.done $0x0  }
0xf4: {  	[sflag:s17] =	ssyncadd.s32 $0xFFFFD800  }
0xf5: {  	[spmem:s2] =	stream.indirect.scatter.add.f32 [tilespmem:s14], [sflag:$0x4], $0x80, s13, s8, $0xb8;
	[tilespmem:$0x1BB00] =	vst v63  }
0xf6: {  	_ =	swait.ge [sflag:s3], $0x2800  }
0xf7: {  	[sflag:s3] =	ssyncset.done $0x0  }
0xf8: {  	[sflag:s3] =	ssyncadd.s32 $0xFFFFD800  }
0xf9: {  	_ =	swait.ge [sflag:s15], $0x2800  }
0xfa: {  	[sflag:s15] =	ssyncset.done $0x0  }
0xfb: {  	[sflag:s15] =	ssyncadd.s32 $0xFFFFD800  }
0xfc: {  	[spmem:s2] =	stream.indirect.scatter.add.f32 [tilespmem:s0], [sflag:$0x4], $0x80, s7, s8, $0xb8;
	[tilespmem:$0x1BB00] =	vst v63  }
0xfd: {  	_ =	swait.ge [sflag:s3], $0x2800  }
0xfe: {  	[sflag:s3] =	ssyncset.done $0x0  }
0xff: {  	[sflag:s3] =	ssyncadd.s32 $0xFFFFD800  }
0x100: {  	_ =	swait.ge [sflag:s16], $0x2800  }
0x101: {  	[sflag:s16] =	ssyncset.done $0x0  }
0x102: {  	[sflag:s16] =	ssyncadd.s32 $0xFFFFD800  }
0x103: {  	[spmem:s2] =	stream.indirect.scatter.add.f32 [tilespmem:s11], [sflag:$0x4], $0x80, s10, s8, $0xb8;
	[tilespmem:$0x1BB00] =	vst v63  }
0x104: {  	_ =	swait.ge [sflag:s3], $0x2800  }
0x105: {  	[sflag:s3] =	ssyncset.done $0x0  }
0x106: {  	s28 =	stileid.u32;
	[sflag:s3] =	ssyncadd.s32 $0xFFFFD800  }
0x107: {  	s20 =	sshll.u32 s28, $0x6;
	[bflag:$0x0] =	sbarrier.arrive $0xFFFF  }
0x108: {  	s20 =	sor.u32 $0x1C04, s20;
	s21 =	sshrl.u32 s18, $0x3;
	s26 =	rddreg [dreg:$0xf]  }
0x109: {  	[hbm:s26], [sflag:s20] =	dma.local [spmem:s21], $0x2800  }
0x10a: {  	_ =	swait.ge [sflag:s3], $0x2800  }
0x10b: {  	s19 =	sadd.s32 $0x1, s19;
	s29 =	rddreg [dreg:$0x10]  }
0x10c: {  	p0 =	sne.s32 s19, s29  }
.Ltmp2:
0x10d: {  	_ = 	snop;
	(pc) =	sbr.rel @p0 .LBB2_1-.Ltmp2, $3  }
0x10e: {  	_ =	sdelay $0x1  }
0x10f: {  	[sflag:s3] =	ssyncset.done $0x0  }
0x110: {  	[sflag:s3] =	ssyncadd.s32 $0xFFFFD800  }
0x111: {  	_ =	sfence.sel $0x180000  }
0x112: {  	[bflag:$0x0] =	sbarrier.arrive $0xFFFF  }
0x113: {  	_ =	strace $0x9000004D  }
0x114: {  	s0 =	stileid.u32;
	[bflag:$0x2] =	sbarrier.arrive $0xFFFF  }
0x115: {  	p0 =	sne.s32 s0, $0x0;
	s0 =	rddreg [dreg:$0x3]  }
0x116: {  	s0 =	sadd.s32 @!p0 $0x100000, s0  }
0x117: {  	[sflag:s0] =	ssyncadd.tile.s32 @!p0 $0x1;
	_ =	shalt  }
.Lfunc_end2:
_tile_overlayer_lowered:
.L_overlay_start_2:
0x118: {  	(tag) =	ssettag $0x2  }
0x119: {  	s0 =	rddreg [dreg:$0x0];
	s2 =	stileid.u32  }
0x11a: {  	s1 =	rddreg [dreg:$0x1];
	p0 =	sne.s32 s2, $0x0  }
0x11b: {  	s3 =	rddreg [dreg:$0x2];
	[bflag:$0x3] =	sbarrier.arrive $0xFFFF;
	s2 =	simm.s32 @!p0 $0x1C04  }
0x11c: {  	[timem:s3], [sflag:s2] =	dma.local @!p0 [hbm:s0], s1  }
0x11d: {  	s0 =	simm.s32 @!p0 $0x4  }
0x11e: {  	_ =	swait.ge @!p0 [sflag:s0], s1  }
0x11f: {  	s1 =	ssub.s32 @!p0 $0x0, s1;
	[sflag:s0] =	ssyncset.done @!p0 $0x0  }
0x120: {  	[sflag:s0] =	ssyncadd.s32 @!p0 s1  }
0x121: {  	[bflag:$0x3] =	sbarrier.arrive $0xFFFF  }
0x122: {  	_ =	shalt  }

</sc_bundles>
